<compile_context>
chip_gen: v7x
topology: tpu7x:2x2x1
jax: 0.10.2.dev20260603
libtpu: 0.0.44.dev20260713+nightly
codegen_flags: <defaults>
</compile_context>

<pallas_src>
import functools

import jax
import jax.numpy as jnp
from jax import lax
from jax.experimental import pallas as pl
from jax.experimental.pallas import tpu as pltpu
from jax.experimental.pallas import tpu_sc as plsc


def _ssp(x):
    return jnp.log(0.5 + 0.5 * jnp.exp(x))


def _pack_pairs(lo, hi):
    bl = jax.lax.bitcast_convert_type(lo, jnp.uint32)
    bh = jax.lax.bitcast_convert_type(hi, jnp.uint32)
    return jax.lax.bitcast_convert_type(
        (bl >> 16) | (bh & jnp.uint32(0xFFFF0000)), jnp.float32)


def _xi_body(x_ref, w_ref, b_ref, o0_ref, o1_ref):
    xi = jnp.dot(x_ref[...], w_ref[...], preferred_element_type=jnp.float32)
    xi = xi + b_ref[...]
    o0_ref[...] = xi[:, :128]
    o1_ref[...] = xi[:, 128:]


def _make_xi(N, H, F, bn):
    half = pl.BlockSpec((bn, F // 2), lambda i: (i, 0))
    return pl.pallas_call(
        _xi_body,
        grid=(N // bn,),
        in_specs=[
            pl.BlockSpec((bn, H), lambda i: (i, 0)),
            pl.BlockSpec((H, F), lambda i: (0, 0)),
            pl.BlockSpec((1, F), lambda i: (0, 0)),
        ],
        out_specs=[half, half],
        out_shape=[jax.ShapeDtypeStruct((N, F // 2), jnp.float32)] * 2,
    )


def _ew_body(ea_ref, w1_ref, b1_ref, w2_ref, b2_ref, o0_ref, o1_ref):
    h = jax.lax.dot_general(ea_ref[...], w1_ref[...],
                            (((0,), (0,)), ((), ())),
                            preferred_element_type=jnp.float32)
    h = _ssp(h + b1_ref[...])
    h = jnp.dot(h, w2_ref[...], preferred_element_type=jnp.float32)
    h = _ssp(h + b2_ref[...])
    o0_ref[...] = _pack_pairs(h[:, 0:64], h[:, 64:128])
    o1_ref[...] = _pack_pairs(h[:, 128:192], h[:, 192:256])


def _make_ew(Eh, G, F, be, off):
    half = pl.BlockSpec((be, F // 4), lambda i: (i, 0))
    return pl.pallas_call(
        _ew_body,
        grid=(Eh // be,),
        in_specs=[
            pl.BlockSpec((G, be), lambda i: (0, i + off)),
            pl.BlockSpec((G, F), lambda i: (0, 0)),
            pl.BlockSpec((1, F), lambda i: (0, 0)),
            pl.BlockSpec((F, F), lambda i: (0, 0)),
            pl.BlockSpec((1, F), lambda i: (0, 0)),
        ],
        out_specs=[half, half],
        out_shape=[jax.ShapeDtypeStruct((Eh, F // 4), jnp.float32)] * 2,
    )


def _make_conv(N, E, e_base):
    K = 80
    n_chunks = E // K
    NS = 16
    rounds = (n_chunks + NS - 1) // NS
    stripe = ((N + NS - 1) // NS + K - 1) // K * K
    NP = stripe * NS
    nfull = stripe // K
    last_full = N - (N % K)
    tail = N % K

    mesh = plsc.VectorSubcoreMesh(core_axis_name="c", subcore_axis_name="s")

    @functools.partial(
        pl.kernel,
        mesh=mesh,
        out_type=[jax.ShapeDtypeStruct((N, 128), jnp.float32)] * 2,
        scratch_types=[
            pltpu.VMEM((K,), jnp.int32),
            pltpu.VMEM((K,), jnp.int32),
            pltpu.VMEM((K, 128), jnp.float32),
            pltpu.VMEM((K, 64), jnp.float32),
            pltpu.VMEM((K,), jnp.int32),
            pltpu.VMEM((K,), jnp.int32),
            pltpu.VMEM((K, 128), jnp.float32),
            pltpu.VMEM((K, 64), jnp.float32),
            pltpu.VMEM_SHARED((NP, 128), jnp.float32),
            pltpu.SemaphoreType.DMA,
            pltpu.SemaphoreType.DMA,
            pltpu.SemaphoreType.DMA,
            pltpu.SemaphoreType.DMA,
        ],
    )
    def conv(xi0_hbm, xi1_hbm, row_hbm, col_hbm, ew0_hbm, ew1_hbm,
             o0_hbm, o1_hbm, colv0, rowv0, rows0, ewv0, colv1, rowv1,
             rows1, ewv1, acc, sg0, se0, sg1, se1):
        c = lax.axis_index("c")
        s = lax.axis_index("s")

        def zrow(r, _):
            for j in range(8):
                rows0[r, pl.ds(j * 16, 16)] = jnp.zeros((16,), jnp.float32)
            return ()
        lax.fori_loop(0, K, zrow, ())
        r0 = s * stripe
        for i in range(nfull):
            pltpu.sync_copy(rows0, acc.at[pl.ds(r0 + i * K, K)])
        plsc.subcore_barrier()

        bufs = ((colv0, rowv0, rows0, ewv0, sg0, se0),
                (colv1, rowv1, rows1, ewv1, sg1, se1))

        def edge_loop(xi_hbm, ew_hbm):
            def stage_a(r, buf):
                colv, rowv, rows_v, ew_v, sg, se = buf
                cidx = r * NS + s

                @pl.when(cidx < n_chunks)
                def _():
                    e0 = cidx * K
                    pltpu.sync_copy(col_hbm.at[pl.ds(e_base + e0, K)], colv)
                    pltpu.sync_copy(row_hbm.at[pl.ds(e_base + e0, K)], rowv)
                    pltpu.async_copy(xi_hbm.at[colv], rows_v, sg)
                    pltpu.async_copy(ew_hbm.at[pl.ds(e0, K)], ew_v, se)

            def stage_b(r, buf):
                colv, rowv, rows_v, ew_v, sg, se = buf
                cidx = r * NS + s

                @pl.when(cidx < n_chunks)
                def _():
                    e0 = cidx * K
                    pltpu.make_async_copy(xi_hbm.at[colv], rows_v, sg).wait()
                    pltpu.make_async_copy(
                        ew_hbm.at[pl.ds(e0, K)], ew_v, se).wait()

                    hi_mask = jnp.uint32(0xFFFF0000)
                    bc = jax.lax.bitcast_convert_type

                    def mrow(rr, _):
                        for j in range(4):
                            sl = pl.ds(j * 16, 16)
                            sh = pl.ds(64 + j * 16, 16)
                            ww = bc(ew_v[rr, sl], jnp.uint32)
                            wa = bc(ww << 16, jnp.float32)
                            wb = bc(ww & hi_mask, jnp.float32)
                            rows_v[rr, sl] = rows_v[rr, sl] * wa
                            rows_v[rr, sh] = rows_v[rr, sh] * wb
                        return ()
                    lax.fori_loop(0, K, mrow, ())
                    pltpu.sync_copy(rows_v, acc.at[rowv], add=True)

            stage_a(0, bufs[0])
            stage_a(1, bufs[1])

            def pair(h, _):
                r = h * 2
                stage_b(r, bufs[0])
                stage_a(r + 2, bufs[0])
                stage_b(r + 1, bufs[1])
                stage_a(r + 3, bufs[1])
                return ()
            lax.fori_loop(0, (rounds + 1) // 2, pair, ())

        @pl.when(c == 0)
        def _():
            edge_loop(xi0_hbm, ew0_hbm)

        @pl.when(c == 1)
        def _():
            edge_loop(xi1_hbm, ew1_hbm)

        plsc.subcore_barrier()

        def copy_out(o_hbm):
            for j in range(nfull):
                off = r0 + j * K

                @pl.when(off + K <= N)
                def _():
                    pltpu.sync_copy(acc.at[pl.ds(off, K)],
                                    o_hbm.at[pl.ds(off, K)])
            if tail:
                @pl.when((r0 <= last_full) & (last_full < r0 + stripe))
                def _():
                    pltpu.sync_copy(acc.at[pl.ds(last_full, tail)],
                                    o_hbm.at[pl.ds(last_full, tail)])

        @pl.when(c == 0)
        def _():
            copy_out(o0_hbm)

        @pl.when(c == 1)
        def _():
            copy_out(o1_hbm)

    return conv


def _epi_body(o0a_ref, o0b_ref, o1a_ref, o1b_ref, x_ref,
              wl2_ref, bl2_ref, w1_ref, b1_ref, w2_ref, b2_ref, w3_ref,
              b3_ref, out_ref):
    o = jnp.concatenate([o0a_ref[...] + o0b_ref[...],
                         o1a_ref[...] + o1b_ref[...]], axis=1)
    h = jnp.dot(o, wl2_ref[...], preferred_element_type=jnp.float32) + bl2_ref[...]
    v = _ssp(jnp.dot(h, w1_ref[...], preferred_element_type=jnp.float32) + b1_ref[...])
    v = _ssp(jnp.dot(v, w2_ref[...], preferred_element_type=jnp.float32) + b2_ref[...])
    v = jnp.dot(v, w3_ref[...], preferred_element_type=jnp.float32) + b3_ref[...]
    out_ref[...] = x_ref[...] + v


def _make_epi(N, H, bn):
    full = lambda r, c: pl.BlockSpec((r, c), lambda i: (0, 0))
    half = pl.BlockSpec((bn, H // 2), lambda i: (i, 0))
    return pl.pallas_call(
        _epi_body,
        grid=(N // bn,),
        in_specs=[
            half, half, half, half,
            pl.BlockSpec((bn, H), lambda i: (i, 0)),
            full(H, H), full(1, H),
            full(H, H), full(1, H),
            full(H, H), full(1, H),
            full(H, H), full(1, H),
        ],
        out_specs=pl.BlockSpec((bn, H), lambda i: (i, 0)),
        out_shape=jax.ShapeDtypeStruct((N, H), jnp.float32),
    )


def kernel(x, edge_index, edge_attr, W_lin1, b_lin1, W_m1, b_m1, W_m2, b_m2,
           W_lin2, b_lin2, W_u1, b_u1, W_u2, b_u2, W_u3, b_u3):
    N, H = x.shape
    E, G = edge_attr.shape
    F = W_lin1.shape[1]

    row = edge_index[0].astype(jnp.int32)
    col = edge_index[1].astype(jnp.int32)

    xi0, xi1 = _make_xi(N, H, F, 1000)(x, W_lin1, b_lin1.reshape(1, F))

    be = 3200
    Ea = (E * 32 // 100) // be * be
    Eb = E - Ea
    ea_t = edge_attr.T
    ew_args = (W_m1, b_m1.reshape(1, F), W_m2, b_m2.reshape(1, F))
    ew0a, ew1a = _make_ew(Ea, G, F, be, 0)(ea_t, *ew_args)
    o0a, o1a = _make_conv(N, Ea, 0)(xi0, xi1, row, col, ew0a, ew1a)
    ew0b, ew1b = _make_ew(Eb, G, F, be, Ea // be)(ea_t, *ew_args)
    o0b, o1b = _make_conv(N, Eb, Ea)(xi0, xi1, row, col, ew0b, ew1b)
    return _make_epi(N, H, 1000)(
        o0a, o0b, o1a, o1b, x, W_lin2, b_lin2.reshape(1, H),
        W_u1, b_u1.reshape(1, H), W_u2, b_u2.reshape(1, H),
        W_u3, b_u3.reshape(1, H))

# --- scband reference (transcript-rebuilt; emitter-appended) ---
"""Pipeline reference for scband-sch-net-19146964206341 (READ-ONLY COPY).

The authoritative reference and input builder live on the scoring server;
editing this copy changes nothing except your own understanding.
"""

import jax, jax.numpy as jnp
import numpy as np


def ssp(x):
    # shifted softplus activation used by SchNet ('ssp')
    return jax.nn.softplus(x) - jnp.log(2.0)


def setup_inputs(seed: int = 0) -> dict:
    key = jax.random.key(seed)
    ks = jax.random.split(key, 20)
    N, E, H, F, G = 10000, 160000, 256, 256, 50
    s = 0.05
    inp = {}
    inp["x"] = jax.random.normal(ks[0], (N, H), jnp.float32)
    inp["edge_index"] = jax.random.randint(ks[1], (2, E), 0, N)
    inp["edge_attr"] = jax.random.uniform(ks[2], (E, G), jnp.float32)
    # ContinuousFilterConv params
    inp["W_lin1"] = jax.random.normal(ks[3], (H, F), jnp.float32) * s
    inp["b_lin1"] = jnp.zeros((F,), jnp.float32)
    inp["W_m1"] = jax.random.normal(ks[4], (G, F), jnp.float32) * s
    inp["b_m1"] = jnp.zeros((F,), jnp.float32)
    inp["W_m2"] = jax.random.normal(ks[5], (F, F), jnp.float32) * s
    inp["b_m2"] = jnp.zeros((F,), jnp.float32)
    inp["W_lin2"] = jax.random.normal(ks[6], (F, H), jnp.float32) * s
    inp["b_lin2"] = jnp.zeros((H,), jnp.float32)
    # update_net params: 2 x (Linear + ssp) + final Linear
    inp["W_u1"] = jax.random.normal(ks[7], (H, H), jnp.float32) * s
    inp["b_u1"] = jnp.zeros((H,), jnp.float32)
    inp["W_u2"] = jax.random.normal(ks[8], (H, H), jnp.float32) * s
    inp["b_u2"] = jnp.zeros((H,), jnp.float32)
    inp["W_u3"] = jax.random.normal(ks[9], (H, H), jnp.float32) * s
    inp["b_u3"] = jnp.zeros((H,), jnp.float32)
    return inp


def reference(x, edge_index, edge_attr, W_lin1, b_lin1, W_m1, b_m1, W_m2, b_m2,
              W_lin2, b_lin2, W_u1, b_u1, W_u2, b_u2, W_u3, b_u3):
    row = edge_index[0]
    col = edge_index[1]
    # ContinuousFilterConv
    x_i = x @ W_lin1 + b_lin1
    edge_weight = ssp(edge_attr @ W_m1 + b_m1)
    edge_weight = ssp(edge_weight @ W_m2 + b_m2)
    x_j = jnp.take(x_i, col, axis=0) * edge_weight
    out = jax.ops.segment_sum(x_j, row, num_segments=x.shape[0])
    out = out @ W_lin2 + b_lin2
    # update_net
    v = ssp(out @ W_u1 + b_u1)
    v = ssp(v @ W_u2 + b_u2)
    v = v @ W_u3 + b_u3
    # residual
    return x + v

if __name__ == "__main__":
    import jax
    _d = setup_inputs()
    print(jax.jit(kernel)(*tuple(_d.values())))

</pallas_src>

<mosaic_0001>
#map = affine_map<(d0, d1) -> (0, 0)>
#map1 = affine_map<(d0, d1) -> (0)>
module attributes {stable_mosaic.version = 14 : i64} {
  func.func @conv(%arg0: i32, %arg1: i32, %arg2: memref<10000x128xf32, #tpu.memory_space<hbm>>, %arg3: memref<10000x128xf32, #tpu.memory_space<hbm>>, %arg4: memref<160000xi32, #tpu.memory_space<hbm>>, %arg5: memref<160000xi32, #tpu.memory_space<hbm>>, %arg6: memref<51200x64xf32, #tpu.memory_space<hbm>>, %arg7: memref<51200x64xf32, #tpu.memory_space<hbm>>, %arg8: memref<10000x128xf32, #tpu.memory_space<hbm>>, %arg9: memref<10000x128xf32, #tpu.memory_space<hbm>>, %arg10: memref<80xi32, #tpu.memory_space<vmem>>, %arg11: memref<80xi32, #tpu.memory_space<vmem>>, %arg12: memref<80x128xf32, #tpu.memory_space<vmem>>, %arg13: memref<80x64xf32, #tpu.memory_space<vmem>>, %arg14: memref<80xi32, #tpu.memory_space<vmem>>, %arg15: memref<80xi32, #tpu.memory_space<vmem>>, %arg16: memref<80x128xf32, #tpu.memory_space<vmem>>, %arg17: memref<80x64xf32, #tpu.memory_space<vmem>>, %arg18: memref<10240x128xf32, #tpu.memory_space<vmem_shared>>, %arg19: memref<!tpu.dma_semaphore, #tpu.memory_space<semaphore_mem>>, %arg20: memref<!tpu.dma_semaphore, #tpu.memory_space<semaphore_mem>>, %arg21: memref<!tpu.dma_semaphore, #tpu.memory_space<semaphore_mem>>, %arg22: memref<!tpu.dma_semaphore, #tpu.memory_space<semaphore_mem>>) attributes {dimension_semantics = [#tpu.dimension_semantics<core_parallel>, #tpu.dimension_semantics<subcore_parallel>], iteration_bounds = array<i64: 2, 16>, scalar_prefetch = 0 : i64, scratch_operands = 13 : i64, tpu.core_type = #tpu.core_type<sc_vector_subcore>, window_params = [{transform_indices = #map}, {transform_indices = #map}, {transform_indices = #map1}, {transform_indices = #map1}, {transform_indices = #map}, {transform_indices = #map}, {transform_indices = #map}, {transform_indices = #map}]} {
    %scan3A = arith.constant 0 : i32
    %scan3A_0 = arith.constant 80 : i32
    %scan3A_1 = arith.addi %scan3A, %scan3A_0 : i32
    %scan3A_2 = arith.constant 1 : i32
    scf.for %scan3A_38 = %scan3A to %scan3A_1 step %scan3A_2  : i32 {
      %broadcast_in_dim3A = arith.constant 0.000000e+00 : f32
      %broadcast_in_dim3A_39 = vector.broadcast %broadcast_in_dim3A : f32 to vector<16xf32>
      %swap3A = arith.index_cast %scan3A_38 : i32 to index
      %swap3A_40 = arith.constant 0 : index
      %swap3A_41 = tpu.vector_load %arg12[%swap3A, %swap3A_40] {strides = array<i32>} : memref<80x128xf32, #tpu.memory_space<vmem>>, vector<1x16xf32>,
      %swap3A_42 = vector.shape_cast %swap3A_41 : vector<1x16xf32> to vector<16xf32>
      %swap3A_43 = vector.shape_cast %broadcast_in_dim3A_39 : vector<16xf32> to vector<1x16xf32>
      tpu.vector_store %arg12[%swap3A, %swap3A_40], %swap3A_43 {strides = array<i32>} : memref<80x128xf32, #tpu.memory_space<vmem>>, vector<1x16xf32>,
      %broadcast_in_dim3A_44 = arith.constant 0.000000e+00 : f32
      %broadcast_in_dim3A_45 = vector.broadcast %broadcast_in_dim3A_44 : f32 to vector<16xf32>
      %swap3A_46 = arith.index_cast %scan3A_38 : i32 to index
      %swap3A_47 = arith.constant 16 : index
      %swap3A_48 = tpu.vector_load %arg12[%swap3A_46, %swap3A_47] {strides = array<i32>} : memref<80x128xf32, #tpu.memory_space<vmem>>, vector<1x16xf32>,
      %swap3A_49 = vector.shape_cast %swap3A_48 : vector<1x16xf32> to vector<16xf32>
      %swap3A_50 = vector.shape_cast %broadcast_in_dim3A_45 : vector<16xf32> to vector<1x16xf32>
      tpu.vector_store %arg12[%swap3A_46, %swap3A_47], %swap3A_50 {strides = array<i32>} : memref<80x128xf32, #tpu.memory_space<vmem>>, vector<1x16xf32>,
      %broadcast_in_dim3A_51 = arith.constant 0.000000e+00 : f32
      %broadcast_in_dim3A_52 = vector.broadcast %broadcast_in_dim3A_51 : f32 to vector<16xf32>
      %swap3A_53 = arith.index_cast %scan3A_38 : i32 to index
      %swap3A_54 = arith.constant 32 : index
      %swap3A_55 = tpu.vector_load %arg12[%swap3A_53, %swap3A_54] {strides = array<i32>} : memref<80x128xf32, #tpu.memory_space<vmem>>, vector<1x16xf32>,
      %swap3A_56 = vector.shape_cast %swap3A_55 : vector<1x16xf32> to vector<16xf32>
      %swap3A_57 = vector.shape_cast %broadcast_in_dim3A_52 : vector<16xf32> to vector<1x16xf32>
      tpu.vector_store %arg12[%swap3A_53, %swap3A_54], %swap3A_57 {strides = array<i32>} : memref<80x128xf32, #tpu.memory_space<vmem>>, vector<1x16xf32>,
      %broadcast_in_dim3A_58 = arith.constant 0.000000e+00 : f32
      %broadcast_in_dim3A_59 = vector.broadcast %broadcast_in_dim3A_58 : f32 to vector<16xf32>
      %swap3A_60 = arith.index_cast %scan3A_38 : i32 to index
      %swap3A_61 = arith.constant 48 : index
      %swap3A_62 = tpu.vector_load %arg12[%swap3A_60, %swap3A_61] {strides = array<i32>} : memref<80x128xf32, #tpu.memory_space<vmem>>, vector<1x16xf32>,
      %swap3A_63 = vector.shape_cast %swap3A_62 : vector<1x16xf32> to vector<16xf32>
      %swap3A_64 = vector.shape_cast %broadcast_in_dim3A_59 : vector<16xf32> to vector<1x16xf32>
      tpu.vector_store %arg12[%swap3A_60, %swap3A_61], %swap3A_64 {strides = array<i32>} : memref<80x128xf32, #tpu.memory_space<vmem>>, vector<1x16xf32>,
      %broadcast_in_dim3A_65 = arith.constant 0.000000e+00 : f32
      %broadcast_in_dim3A_66 = vector.broadcast %broadcast_in_dim3A_65 : f32 to vector<16xf32>
      %swap3A_67 = arith.index_cast %scan3A_38 : i32 to index
      %swap3A_68 = arith.constant 64 : index
      %swap3A_69 = tpu.vector_load %arg12[%swap3A_67, %swap3A_68] {strides = array<i32>} : memref<80x128xf32, #tpu.memory_space<vmem>>, vector<1x16xf32>,
      %swap3A_70 = vector.shape_cast %swap3A_69 : vector<1x16xf32> to vector<16xf32>
      %swap3A_71 = vector.shape_cast %broadcast_in_dim3A_66 : vector<16xf32> to vector<1x16xf32>
      tpu.vector_store %arg12[%swap3A_67, %swap3A_68], %swap3A_71 {strides = array<i32>} : memref<80x128xf32, #tpu.memory_space<vmem>>, vector<1x16xf32>,
      %broadcast_in_dim3A_72 = arith.constant 0.000000e+00 : f32
      %broadcast_in_dim3A_73 = vector.broadcast %broadcast_in_dim3A_72 : f32 to vector<16xf32>
      %swap3A_74 = arith.index_cast %scan3A_38 : i32 to index
      %swap3A_75 = arith.constant 80 : index
      %swap3A_76 = tpu.vector_load %arg12[%swap3A_74, %swap3A_75] {strides = array<i32>} : memref<80x128xf32, #tpu.memory_space<vmem>>, vector<1x16xf32>,
      %swap3A_77 = vector.shape_cast %swap3A_76 : vector<1x16xf32> to vector<16xf32>
      %swap3A_78 = vector.shape_cast %broadcast_in_dim3A_73 : vector<16xf32> to vector<1x16xf32>
      tpu.vector_store %arg12[%swap3A_74, %swap3A_75], %swap3A_78 {strides = array<i32>} : memref<80x128xf32, #tpu.memory_space<vmem>>, vector<1x16xf32>,
      %broadcast_in_dim3A_79 = arith.constant 0.000000e+00 : f32
      %broadcast_in_dim3A_80 = vector.broadcast %broadcast_in_dim3A_79 : f32 to vector<16xf32>
      %swap3A_81 = arith.index_cast %scan3A_38 : i32 to index
      %swap3A_82 = arith.constant 96 : index
      %swap3A_83 = tpu.vector_load %arg12[%swap3A_81, %swap3A_82] {strides = array<i32>} : memref<80x128xf32, #tpu.memory_space<vmem>>, vector<1x16xf32>,
      %swap3A_84 = vector.shape_cast %swap3A_83 : vector<1x16xf32> to vector<16xf32>
      %swap3A_85 = vector.shape_cast %broadcast_in_dim3A_80 : vector<16xf32> to vector<1x16xf32>
      tpu.vector_store %arg12[%swap3A_81, %swap3A_82], %swap3A_85 {strides = array<i32>} : memref<80x128xf32, #tpu.memory_space<vmem>>, vector<1x16xf32>,
      %broadcast_in_dim3A_86 = arith.constant 0.000000e+00 : f32
      %broadcast_in_dim3A_87 = vector.broadcast %broadcast_in_dim3A_86 : f32 to vector<16xf32>
      %swap3A_88 = arith.index_cast %scan3A_38 : i32 to index
      %swap3A_89 = arith.constant 112 : index
      %swap3A_90 = tpu.vector_load %arg12[%swap3A_88, %swap3A_89] {strides = array<i32>} : memref<80x128xf32, #tpu.memory_space<vmem>>, vector<1x16xf32>,
      %swap3A_91 = vector.shape_cast %swap3A_90 : vector<1x16xf32> to vector<16xf32>
      %swap3A_92 = vector.shape_cast %broadcast_in_dim3A_87 : vector<16xf32> to vector<1x16xf32>
      tpu.vector_store %arg12[%swap3A_88, %swap3A_89], %swap3A_92 {strides = array<i32>} : memref<80x128xf32, #tpu.memory_space<vmem>>, vector<1x16xf32>,
    }
    %scan3A_3 = arith.constant 80 : i32
    %mul3A = arith.constant 640 : i32
    %mul3A_4 = arith.muli %arg1, %mul3A : i32
    %add3A = arith.constant 0 : i32
    %add3A_5 = arith.addi %mul3A_4, %add3A : i32
    "tpu.region"() ({
      %run_scoped3A = tpu.sem_alloc : memref<!tpu.dma_semaphore, #tpu.memory_space<semaphore_mem>>
      %dma_start3A = arith.constant 0 : i32
      %dma_start3A_38 = tpu.memref_slice %arg18[%add3A_5, %dma_start3A] : memref<10240x128xf32, #tpu.memory_space<vmem_shared>> -> memref<80x128xf32, #tpu.memory_space<vmem_shared>>
      %dma_start3A_39 = arith.constant 0 : i32
      %dma_start3A_40 = tpu.memref_slice %arg18[%add3A_5, %dma_start3A_39] : memref<10240x128xf32, #tpu.memory_space<vmem_shared>> -> memref<80x128xf32, #tpu.memory_space<vmem_shared>>
      tpu.enqueue_dma source(%arg12 : memref<80x128xf32, #tpu.memory_space<vmem>>) target(%dma_start3A_40 : memref<80x128xf32, #tpu.memory_space<vmem_shared>>) target_semaphore(%run_scoped3A : memref<!tpu.dma_semaphore, #tpu.memory_space<semaphore_mem>>)
      %dma_wait3A = arith.constant 0 : i32
      %dma_wait3A_41 = tpu.memref_slice %arg18[%add3A_5, %dma_wait3A] : memref<10240x128xf32, #tpu.memory_space<vmem_shared>> -> memref<80x128xf32, #tpu.memory_space<vmem_shared>>
      %dma_wait3A_42 = arith.constant 0 : i32
      %dma_wait3A_43 = tpu.memref_slice %arg18[%add3A_5, %dma_wait3A_42] : memref<10240x128xf32, #tpu.memory_space<vmem_shared>> -> memref<80x128xf32, #tpu.memory_space<vmem_shared>>
      tpu.wait_dma2 semaphore(%run_scoped3A : memref<!tpu.dma_semaphore, #tpu.memory_space<semaphore_mem>>) src(%arg12 : memref<80x128xf32, #tpu.memory_space<vmem>>) dst(%dma_wait3A_43 : memref<80x128xf32, #tpu.memory_space<vmem_shared>>)
      tpu.yield
    }) : () -> ()
    %add3A_6 = arith.constant 80 : i32
    %add3A_7 = arith.addi %mul3A_4, %add3A_6 : i32
    "tpu.region"() ({
      %run_scoped3A = tpu.sem_alloc : memref<!tpu.dma_semaphore, #tpu.memory_space<semaphore_mem>>
      %dma_start3A = arith.constant 0 : i32
      %dma_start3A_38 = tpu.memref_slice %arg18[%add3A_7, %dma_start3A] : memref<10240x128xf32, #tpu.memory_space<vmem_shared>> -> memref<80x128xf32, #tpu.memory_space<vmem_shared>>
      %dma_start3A_39 = arith.constant 0 : i32
      %dma_start3A_40 = tpu.memref_slice %arg18[%add3A_7, %dma_start3A_39] : memref<10240x128xf32, #tpu.memory_space<vmem_shared>> -> memref<80x128xf32, #tpu.memory_space<vmem_shared>>
      tpu.enqueue_dma source(%arg12 : memref<80x128xf32, #tpu.memory_space<vmem>>) target(%dma_start3A_40 : memref<80x128xf32, #tpu.memory_space<vmem_shared>>) target_semaphore(%run_scoped3A : memref<!tpu.dma_semaphore, #tpu.memory_space<semaphore_mem>>)
      %dma_wait3A = arith.constant 0 : i32
      %dma_wait3A_41 = tpu.memref_slice %arg18[%add3A_7, %dma_wait3A] : memref<10240x128xf32, #tpu.memory_space<vmem_shared>> -> memref<80x128xf32, #tpu.memory_space<vmem_shared>>
      %dma_wait3A_42 = arith.constant 0 : i32
      %dma_wait3A_43 = tpu.memref_slice %arg18[%add3A_7, %dma_wait3A_42] : memref<10240x128xf32, #tpu.memory_space<vmem_shared>> -> memref<80x128xf32, #tpu.memory_space<vmem_shared>>
      tpu.wait_dma2 semaphore(%run_scoped3A : memref<!tpu.dma_semaphore, #tpu.memory_space<semaphore_mem>>) src(%arg12 : memref<80x128xf32, #tpu.memory_space<vmem>>) dst(%dma_wait3A_43 : memref<80x128xf32, #tpu.memory_space<vmem_shared>>)
      tpu.yield
    }) : () -> ()
    %add3A_8 = arith.constant 160 : i32
    %add3A_9 = arith.addi %mul3A_4, %add3A_8 : i32
    "tpu.region"() ({
      %run_scoped3A = tpu.sem_alloc : memref<!tpu.dma_semaphore, #tpu.memory_space<semaphore_mem>>
      %dma_start3A = arith.constant 0 : i32
      %dma_start3A_38 = tpu.memref_slice %arg18[%add3A_9, %dma_start3A] : memref<10240x128xf32, #tpu.memory_space<vmem_shared>> -> memref<80x128xf32, #tpu.memory_space<vmem_shared>>
      %dma_start3A_39 = arith.constant 0 : i32
      %dma_start3A_40 = tpu.memref_slice %arg18[%add3A_9, %dma_start3A_39] : memref<10240x128xf32, #tpu.memory_space<vmem_shared>> -> memref<80x128xf32, #tpu.memory_space<vmem_shared>>
      tpu.enqueue_dma source(%arg12 : memref<80x128xf32, #tpu.memory_space<vmem>>) target(%dma_start3A_40 : memref<80x128xf32, #tpu.memory_space<vmem_shared>>) target_semaphore(%run_scoped3A : memref<!tpu.dma_semaphore, #tpu.memory_space<semaphore_mem>>)
      %dma_wait3A = arith.constant 0 : i32
      %dma_wait3A_41 = tpu.memref_slice %arg18[%add3A_9, %dma_wait3A] : memref<10240x128xf32, #tpu.memory_space<vmem_shared>> -> memref<80x128xf32, #tpu.memory_space<vmem_shared>>
      %dma_wait3A_42 = arith.constant 0 : i32
      %dma_wait3A_43 = tpu.memref_slice %arg18[%add3A_9, %dma_wait3A_42] : memref<10240x128xf32, #tpu.memory_space<vmem_shared>> -> memref<80x128xf32, #tpu.memory_space<vmem_shared>>
      tpu.wait_dma2 semaphore(%run_scoped3A : memref<!tpu.dma_semaphore, #tpu.memory_space<semaphore_mem>>) src(%arg12 : memref<80x128xf32, #tpu.memory_space<vmem>>) dst(%dma_wait3A_43 : memref<80x128xf32, #tpu.memory_space<vmem_shared>>)
      tpu.yield
    }) : () -> ()
    %add3A_10 = arith.constant 240 : i32
    %add3A_11 = arith.addi %mul3A_4, %add3A_10 : i32
    "tpu.region"() ({
      %run_scoped3A = tpu.sem_alloc : memref<!tpu.dma_semaphore, #tpu.memory_space<semaphore_mem>>
      %dma_start3A = arith.constant 0 : i32
      %dma_start3A_38 = tpu.memref_slice %arg18[%add3A_11, %dma_start3A] : memref<10240x128xf32, #tpu.memory_space<vmem_shared>> -> memref<80x128xf32, #tpu.memory_space<vmem_shared>>
      %dma_start3A_39 = arith.constant 0 : i32
      %dma_start3A_40 = tpu.memref_slice %arg18[%add3A_11, %dma_start3A_39] : memref<10240x128xf32, #tpu.memory_space<vmem_shared>> -> memref<80x128xf32, #tpu.memory_space<vmem_shared>>
      tpu.enqueue_dma source(%arg12 : memref<80x128xf32, #tpu.memory_space<vmem>>) target(%dma_start3A_40 : memref<80x128xf32, #tpu.memory_space<vmem_shared>>) target_semaphore(%run_scoped3A : memref<!tpu.dma_semaphore, #tpu.memory_space<semaphore_mem>>)
      %dma_wait3A = arith.constant 0 : i32
      %dma_wait3A_41 = tpu.memref_slice %arg18[%add3A_11, %dma_wait3A] : memref<10240x128xf32, #tpu.memory_space<vmem_shared>> -> memref<80x128xf32, #tpu.memory_space<vmem_shared>>
      %dma_wait3A_42 = arith.constant 0 : i32
      %dma_wait3A_43 = tpu.memref_slice %arg18[%add3A_11, %dma_wait3A_42] : memref<10240x128xf32, #tpu.memory_space<vmem_shared>> -> memref<80x128xf32, #tpu.memory_space<vmem_shared>>
      tpu.wait_dma2 semaphore(%run_scoped3A : memref<!tpu.dma_semaphore, #tpu.memory_space<semaphore_mem>>) src(%arg12 : memref<80x128xf32, #tpu.memory_space<vmem>>) dst(%dma_wait3A_43 : memref<80x128xf32, #tpu.memory_space<vmem_shared>>)
      tpu.yield
    }) : () -> ()
    %add3A_12 = arith.constant 320 : i32
    %add3A_13 = arith.addi %mul3A_4, %add3A_12 : i32
    "tpu.region"() ({
      %run_scoped3A = tpu.sem_alloc : memref<!tpu.dma_semaphore, #tpu.memory_space<semaphore_mem>>
      %dma_start3A = arith.constant 0 : i32
      %dma_start3A_38 = tpu.memref_slice %arg18[%add3A_13, %dma_start3A] : memref<10240x128xf32, #tpu.memory_space<vmem_shared>> -> memref<80x128xf32, #tpu.memory_space<vmem_shared>>
      %dma_start3A_39 = arith.constant 0 : i32
      %dma_start3A_40 = tpu.memref_slice %arg18[%add3A_13, %dma_start3A_39] : memref<10240x128xf32, #tpu.memory_space<vmem_shared>> -> memref<80x128xf32, #tpu.memory_space<vmem_shared>>
      tpu.enqueue_dma source(%arg12 : memref<80x128xf32, #tpu.memory_space<vmem>>) target(%dma_start3A_40 : memref<80x128xf32, #tpu.memory_space<vmem_shared>>) target_semaphore(%run_scoped3A : memref<!tpu.dma_semaphore, #tpu.memory_space<semaphore_mem>>)
      %dma_wait3A = arith.constant 0 : i32
      %dma_wait3A_41 = tpu.memref_slice %arg18[%add3A_13, %dma_wait3A] : memref<10240x128xf32, #tpu.memory_space<vmem_shared>> -> memref<80x128xf32, #tpu.memory_space<vmem_shared>>
      %dma_wait3A_42 = arith.constant 0 : i32
      %dma_wait3A_43 = tpu.memref_slice %arg18[%add3A_13, %dma_wait3A_42] : memref<10240x128xf32, #tpu.memory_space<vmem_shared>> -> memref<80x128xf32, #tpu.memory_space<vmem_shared>>
      tpu.wait_dma2 semaphore(%run_scoped3A : memref<!tpu.dma_semaphore, #tpu.memory_space<semaphore_mem>>) src(%arg12 : memref<80x128xf32, #tpu.memory_space<vmem>>) dst(%dma_wait3A_43 : memref<80x128xf32, #tpu.memory_space<vmem_shared>>)
      tpu.yield
    }) : () -> ()
    %add3A_14 = arith.constant 400 : i32
    %add3A_15 = arith.addi %mul3A_4, %add3A_14 : i32
    "tpu.region"() ({
      %run_scoped3A = tpu.sem_alloc : memref<!tpu.dma_semaphore, #tpu.memory_space<semaphore_mem>>
      %dma_start3A = arith.constant 0 : i32
      %dma_start3A_38 = tpu.memref_slice %arg18[%add3A_15, %dma_start3A] : memref<10240x128xf32, #tpu.memory_space<vmem_shared>> -> memref<80x128xf32, #tpu.memory_space<vmem_shared>>
      %dma_start3A_39 = arith.constant 0 : i32
      %dma_start3A_40 = tpu.memref_slice %arg18[%add3A_15, %dma_start3A_39] : memref<10240x128xf32, #tpu.memory_space<vmem_shared>> -> memref<80x128xf32, #tpu.memory_space<vmem_shared>>
      tpu.enqueue_dma source(%arg12 : memref<80x128xf32, #tpu.memory_space<vmem>>) target(%dma_start3A_40 : memref<80x128xf32, #tpu.memory_space<vmem_shared>>) target_semaphore(%run_scoped3A : memref<!tpu.dma_semaphore, #tpu.memory_space<semaphore_mem>>)
      %dma_wait3A = arith.constant 0 : i32
      %dma_wait3A_41 = tpu.memref_slice %arg18[%add3A_15, %dma_wait3A] : memref<10240x128xf32, #tpu.memory_space<vmem_shared>> -> memref<80x128xf32, #tpu.memory_space<vmem_shared>>
      %dma_wait3A_42 = arith.constant 0 : i32
      %dma_wait3A_43 = tpu.memref_slice %arg18[%add3A_15, %dma_wait3A_42] : memref<10240x128xf32, #tpu.memory_space<vmem_shared>> -> memref<80x128xf32, #tpu.memory_space<vmem_shared>>
      tpu.wait_dma2 semaphore(%run_scoped3A : memref<!tpu.dma_semaphore, #tpu.memory_space<semaphore_mem>>) src(%arg12 : memref<80x128xf32, #tpu.memory_space<vmem>>) dst(%dma_wait3A_43 : memref<80x128xf32, #tpu.memory_space<vmem_shared>>)
      tpu.yield
    }) : () -> ()
    %add3A_16 = arith.constant 480 : i32
    %add3A_17 = arith.addi %mul3A_4, %add3A_16 : i32
    "tpu.region"() ({
      %run_scoped3A = tpu.sem_alloc : memref<!tpu.dma_semaphore, #tpu.memory_space<semaphore_mem>>
      %dma_start3A = arith.constant 0 : i32
      %dma_start3A_38 = tpu.memref_slice %arg18[%add3A_17, %dma_start3A] : memref<10240x128xf32, #tpu.memory_space<vmem_shared>> -> memref<80x128xf32, #tpu.memory_space<vmem_shared>>
      %dma_start3A_39 = arith.constant 0 : i32
      %dma_start3A_40 = tpu.memref_slice %arg18[%add3A_17, %dma_start3A_39] : memref<10240x128xf32, #tpu.memory_space<vmem_shared>> -> memref<80x128xf32, #tpu.memory_space<vmem_shared>>
      tpu.enqueue_dma source(%arg12 : memref<80x128xf32, #tpu.memory_space<vmem>>) target(%dma_start3A_40 : memref<80x128xf32, #tpu.memory_space<vmem_shared>>) target_semaphore(%run_scoped3A : memref<!tpu.dma_semaphore, #tpu.memory_space<semaphore_mem>>)
      %dma_wait3A = arith.constant 0 : i32
      %dma_wait3A_41 = tpu.memref_slice %arg18[%add3A_17, %dma_wait3A] : memref<10240x128xf32, #tpu.memory_space<vmem_shared>> -> memref<80x128xf32, #tpu.memory_space<vmem_shared>>
      %dma_wait3A_42 = arith.constant 0 : i32
      %dma_wait3A_43 = tpu.memref_slice %arg18[%add3A_17, %dma_wait3A_42] : memref<10240x128xf32, #tpu.memory_space<vmem_shared>> -> memref<80x128xf32, #tpu.memory_space<vmem_shared>>
      tpu.wait_dma2 semaphore(%run_scoped3A : memref<!tpu.dma_semaphore, #tpu.memory_space<semaphore_mem>>) src(%arg12 : memref<80x128xf32, #tpu.memory_space<vmem>>) dst(%dma_wait3A_43 : memref<80x128xf32, #tpu.memory_space<vmem_shared>>)
      tpu.yield
    }) : () -> ()
    %add3A_18 = arith.constant 560 : i32
    %add3A_19 = arith.addi %mul3A_4, %add3A_18 : i32
    "tpu.region"() ({
      %run_scoped3A = tpu.sem_alloc : memref<!tpu.dma_semaphore, #tpu.memory_space<semaphore_mem>>
      %dma_start3A = arith.constant 0 : i32
      %dma_start3A_38 = tpu.memref_slice %arg18[%add3A_19, %dma_start3A] : memref<10240x128xf32, #tpu.memory_space<vmem_shared>> -> memref<80x128xf32, #tpu.memory_space<vmem_shared>>
      %dma_start3A_39 = arith.constant 0 : i32
      %dma_start3A_40 = tpu.memref_slice %arg18[%add3A_19, %dma_start3A_39] : memref<10240x128xf32, #tpu.memory_space<vmem_shared>> -> memref<80x128xf32, #tpu.memory_space<vmem_shared>>
      tpu.enqueue_dma source(%arg12 : memref<80x128xf32, #tpu.memory_space<vmem>>) target(%dma_start3A_40 : memref<80x128xf32, #tpu.memory_space<vmem_shared>>) target_semaphore(%run_scoped3A : memref<!tpu.dma_semaphore, #tpu.memory_space<semaphore_mem>>)
      %dma_wait3A = arith.constant 0 : i32
      %dma_wait3A_41 = tpu.memref_slice %arg18[%add3A_19, %dma_wait3A] : memref<10240x128xf32, #tpu.memory_space<vmem_shared>> -> memref<80x128xf32, #tpu.memory_space<vmem_shared>>
      %dma_wait3A_42 = arith.constant 0 : i32
      %dma_wait3A_43 = tpu.memref_slice %arg18[%add3A_19, %dma_wait3A_42] : memref<10240x128xf32, #tpu.memory_space<vmem_shared>> -> memref<80x128xf32, #tpu.memory_space<vmem_shared>>
      tpu.wait_dma2 semaphore(%run_scoped3A : memref<!tpu.dma_semaphore, #tpu.memory_space<semaphore_mem>>) src(%arg12 : memref<80x128xf32, #tpu.memory_space<vmem>>) dst(%dma_wait3A_43 : memref<80x128xf32, #tpu.memory_space<vmem_shared>>)
      tpu.yield
    }) : () -> ()
    %barrier3A = arith.constant 0 : index
    tpu.barrier barrier_id(%barrier3A)
    %eq3A = arith.constant 0 : i32
    %eq3A_20 = arith.cmpi eq, %arg0, %eq3A : i32
    %convert_element_type3A = arith.extui %eq3A_20 : i1 to i32
    %cond3A = arith.constant 0 : i32
    %cond3A_21 = arith.cmpi ne, %convert_element_type3A, %cond3A : i32
    scf.if %cond3A_21 {
      %add3A_38 = arith.constant 0 : i32
      %add3A_39 = arith.addi %add3A_38, %arg1 : i32
      %lt3A = arith.constant 640 : i32
      %lt3A_40 = arith.cmpi slt, %add3A_39, %lt3A : i32
      %convert_element_type3A_41 = arith.extui %lt3A_40 : i1 to i32
      %cond3A_42 = arith.constant 0 : i32
      %cond3A_43 = arith.cmpi ne, %convert_element_type3A_41, %cond3A_42 : i32
      scf.if %cond3A_43 {
        %mul3A_56 = arith.constant 80 : i32
        %mul3A_57 = arith.muli %add3A_39, %mul3A_56 : i32
        %add3A_58 = arith.constant 0 : i32
        %add3A_59 = arith.addi %add3A_58, %mul3A_57 : i32
        "tpu.region"() ({
          %run_scoped3A = tpu.sem_alloc : memref<!tpu.dma_semaphore, #tpu.memory_space<semaphore_mem>>
          %dma_start3A_68 = tpu.memref_slice %arg5[%add3A_59] : memref<160000xi32, #tpu.memory_space<hbm>> -> memref<80xi32, #tpu.memory_space<hbm>>
          %dma_start3A_69 = tpu.memref_slice %arg5[%add3A_59] : memref<160000xi32, #tpu.memory_space<hbm>> -> memref<80xi32, #tpu.memory_space<hbm>>
          tpu.enqueue_dma source(%dma_start3A_69 : memref<80xi32, #tpu.memory_space<hbm>>) target(%arg10 : memref<80xi32, #tpu.memory_space<vmem>>) target_semaphore(%run_scoped3A : memref<!tpu.dma_semaphore, #tpu.memory_space<semaphore_mem>>)
          %dma_wait3A = tpu.memref_slice %arg5[%add3A_59] : memref<160000xi32, #tpu.memory_space<hbm>> -> memref<80xi32, #tpu.memory_space<hbm>>
          %dma_wait3A_70 = tpu.memref_slice %arg5[%add3A_59] : memref<160000xi32, #tpu.memory_space<hbm>> -> memref<80xi32, #tpu.memory_space<hbm>>
          tpu.wait_dma2 semaphore(%run_scoped3A : memref<!tpu.dma_semaphore, #tpu.memory_space<semaphore_mem>>) src(%dma_wait3A_70 : memref<80xi32, #tpu.memory_space<hbm>>) dst(%arg10 : memref<80xi32, #tpu.memory_space<vmem>>)
          tpu.yield
        }) : () -> ()
        %add3A_60 = arith.constant 0 : i32
        %add3A_61 = arith.addi %add3A_60, %mul3A_57 : i32
        "tpu.region"() ({
          %run_scoped3A = tpu.sem_alloc : memref<!tpu.dma_semaphore, #tpu.memory_space<semaphore_mem>>
          %dma_start3A_68 = tpu.memref_slice %arg4[%add3A_61] : memref<160000xi32, #tpu.memory_space<hbm>> -> memref<80xi32, #tpu.memory_space<hbm>>
          %dma_start3A_69 = tpu.memref_slice %arg4[%add3A_61] : memref<160000xi32, #tpu.memory_space<hbm>> -> memref<80xi32, #tpu.memory_space<hbm>>
          tpu.enqueue_dma source(%dma_start3A_69 : memref<80xi32, #tpu.memory_space<hbm>>) target(%arg11 : memref<80xi32, #tpu.memory_space<vmem>>) target_semaphore(%run_scoped3A : memref<!tpu.dma_semaphore, #tpu.memory_space<semaphore_mem>>)
          %dma_wait3A = tpu.memref_slice %arg4[%add3A_61] : memref<160000xi32, #tpu.memory_space<hbm>> -> memref<80xi32, #tpu.memory_space<hbm>>
          %dma_wait3A_70 = tpu.memref_slice %arg4[%add3A_61] : memref<160000xi32, #tpu.memory_space<hbm>> -> memref<80xi32, #tpu.memory_space<hbm>>
          tpu.wait_dma2 semaphore(%run_scoped3A : memref<!tpu.dma_semaphore, #tpu.memory_space<semaphore_mem>>) src(%dma_wait3A_70 : memref<80xi32, #tpu.memory_space<hbm>>) dst(%arg11 : memref<80xi32, #tpu.memory_space<vmem>>)
          tpu.yield
        }) : () -> ()
        %dma_start3A = arith.constant 0 : i32
        %dma_start3A_62 = arith.constant 0 : i32
        %dma_start3A_63 = tpu.memref_slice %arg2[%dma_start3A, %dma_start3A_62] : memref<10000x128xf32, #tpu.memory_space<hbm>> -> memref<10000x128xf32, #tpu.memory_space<hbm>>
        tpu.enqueue_indirect_dma source(%dma_start3A_63 : memref<10000x128xf32, #tpu.memory_space<hbm>>) target(%arg12 : memref<80x128xf32, #tpu.memory_space<vmem>>) offsets(%arg10 : memref<80xi32, #tpu.memory_space<vmem>>) semaphore(%arg19 : memref<!tpu.dma_semaphore, #tpu.memory_space<semaphore_mem>>)
        %dma_start3A_64 = arith.constant 0 : i32
        %dma_start3A_65 = tpu.memref_slice %arg6[%mul3A_57, %dma_start3A_64] : memref<51200x64xf32, #tpu.memory_space<hbm>> -> memref<80x64xf32, #tpu.memory_space<hbm>>
        %dma_start3A_66 = arith.constant 0 : i32
        %dma_start3A_67 = tpu.memref_slice %arg6[%mul3A_57, %dma_start3A_66] : memref<51200x64xf32, #tpu.memory_space<hbm>> -> memref<80x64xf32, #tpu.memory_space<hbm>>
        tpu.enqueue_dma source(%dma_start3A_67 : memref<80x64xf32, #tpu.memory_space<hbm>>) target(%arg13 : memref<80x64xf32, #tpu.memory_space<vmem>>) target_semaphore(%arg20 : memref<!tpu.dma_semaphore, #tpu.memory_space<semaphore_mem>>)
      } else {
      }
      %add3A_44 = arith.constant 16 : i32
      %add3A_45 = arith.addi %add3A_44, %arg1 : i32
      %lt3A_46 = arith.constant 640 : i32
      %lt3A_47 = arith.cmpi slt, %add3A_45, %lt3A_46 : i32
      %convert_element_type3A_48 = arith.extui %lt3A_47 : i1 to i32
      %cond3A_49 = arith.constant 0 : i32
      %cond3A_50 = arith.cmpi ne, %convert_element_type3A_48, %cond3A_49 : i32
      scf.if %cond3A_50 {
        %mul3A_56 = arith.constant 80 : i32
        %mul3A_57 = arith.muli %add3A_45, %mul3A_56 : i32
        %add3A_58 = arith.constant 0 : i32
        %add3A_59 = arith.addi %add3A_58, %mul3A_57 : i32
        "tpu.region"() ({
          %run_scoped3A = tpu.sem_alloc : memref<!tpu.dma_semaphore, #tpu.memory_space<semaphore_mem>>
          %dma_start3A_68 = tpu.memref_slice %arg5[%add3A_59] : memref<160000xi32, #tpu.memory_space<hbm>> -> memref<80xi32, #tpu.memory_space<hbm>>
          %dma_start3A_69 = tpu.memref_slice %arg5[%add3A_59] : memref<160000xi32, #tpu.memory_space<hbm>> -> memref<80xi32, #tpu.memory_space<hbm>>
          tpu.enqueue_dma source(%dma_start3A_69 : memref<80xi32, #tpu.memory_space<hbm>>) target(%arg14 : memref<80xi32, #tpu.memory_space<vmem>>) target_semaphore(%run_scoped3A : memref<!tpu.dma_semaphore, #tpu.memory_space<semaphore_mem>>)
          %dma_wait3A = tpu.memref_slice %arg5[%add3A_59] : memref<160000xi32, #tpu.memory_space<hbm>> -> memref<80xi32, #tpu.memory_space<hbm>>
          %dma_wait3A_70 = tpu.memref_slice %arg5[%add3A_59] : memref<160000xi32, #tpu.memory_space<hbm>> -> memref<80xi32, #tpu.memory_space<hbm>>
          tpu.wait_dma2 semaphore(%run_scoped3A : memref<!tpu.dma_semaphore, #tpu.memory_space<semaphore_mem>>) src(%dma_wait3A_70 : memref<80xi32, #tpu.memory_space<hbm>>) dst(%arg14 : memref<80xi32, #tpu.memory_space<vmem>>)
          tpu.yield
        }) : () -> ()
        %add3A_60 = arith.constant 0 : i32
        %add3A_61 = arith.addi %add3A_60, %mul3A_57 : i32
        "tpu.region"() ({
          %run_scoped3A = tpu.sem_alloc : memref<!tpu.dma_semaphore, #tpu.memory_space<semaphore_mem>>
          %dma_start3A_68 = tpu.memref_slice %arg4[%add3A_61] : memref<160000xi32, #tpu.memory_space<hbm>> -> memref<80xi32, #tpu.memory_space<hbm>>
          %dma_start3A_69 = tpu.memref_slice %arg4[%add3A_61] : memref<160000xi32, #tpu.memory_space<hbm>> -> memref<80xi32, #tpu.memory_space<hbm>>
          tpu.enqueue_dma source(%dma_start3A_69 : memref<80xi32, #tpu.memory_space<hbm>>) target(%arg15 : memref<80xi32, #tpu.memory_space<vmem>>) target_semaphore(%run_scoped3A : memref<!tpu.dma_semaphore, #tpu.memory_space<semaphore_mem>>)
          %dma_wait3A = tpu.memref_slice %arg4[%add3A_61] : memref<160000xi32, #tpu.memory_space<hbm>> -> memref<80xi32, #tpu.memory_space<hbm>>
          %dma_wait3A_70 = tpu.memref_slice %arg4[%add3A_61] : memref<160000xi32, #tpu.memory_space<hbm>> -> memref<80xi32, #tpu.memory_space<hbm>>
          tpu.wait_dma2 semaphore(%run_scoped3A : memref<!tpu.dma_semaphore, #tpu.memory_space<semaphore_mem>>) src(%dma_wait3A_70 : memref<80xi32, #tpu.memory_space<hbm>>) dst(%arg15 : memref<80xi32, #tpu.memory_space<vmem>>)
          tpu.yield
        }) : () -> ()
        %dma_start3A = arith.constant 0 : i32
        %dma_start3A_62 = arith.constant 0 : i32
        %dma_start3A_63 = tpu.memref_slice %arg2[%dma_start3A, %dma_start3A_62] : memref<10000x128xf32, #tpu.memory_space<hbm>> -> memref<10000x128xf32, #tpu.memory_space<hbm>>
        tpu.enqueue_indirect_dma source(%dma_start3A_63 : memref<10000x128xf32, #tpu.memory_space<hbm>>) target(%arg16 : memref<80x128xf32, #tpu.memory_space<vmem>>) offsets(%arg14 : memref<80xi32, #tpu.memory_space<vmem>>) semaphore(%arg21 : memref<!tpu.dma_semaphore, #tpu.memory_space<semaphore_mem>>)
        %dma_start3A_64 = arith.constant 0 : i32
        %dma_start3A_65 = tpu.memref_slice %arg6[%mul3A_57, %dma_start3A_64] : memref<51200x64xf32, #tpu.memory_space<hbm>> -> memref<80x64xf32, #tpu.memory_space<hbm>>
        %dma_start3A_66 = arith.constant 0 : i32
        %dma_start3A_67 = tpu.memref_slice %arg6[%mul3A_57, %dma_start3A_66] : memref<51200x64xf32, #tpu.memory_space<hbm>> -> memref<80x64xf32, #tpu.memory_space<hbm>>
        tpu.enqueue_dma source(%dma_start3A_67 : memref<80x64xf32, #tpu.memory_space<hbm>>) target(%arg17 : memref<80x64xf32, #tpu.memory_space<vmem>>) target_semaphore(%arg22 : memref<!tpu.dma_semaphore, #tpu.memory_space<semaphore_mem>>)
      } else {
      }
      %scan3A_51 = arith.constant 0 : i32
      %scan3A_52 = arith.constant 20 : i32
      %scan3A_53 = arith.addi %scan3A_51, %scan3A_52 : i32
      %scan3A_54 = arith.constant 1 : i32
      scf.for %scan3A_56 = %scan3A_51 to %scan3A_53 step %scan3A_54  : i32 {
        %mul3A_57 = arith.constant 2 : i32
        %mul3A_58 = arith.muli %scan3A_56, %mul3A_57 : i32
        %mul3A_59 = arith.constant 16 : i32
        %mul3A_60 = arith.muli %mul3A_58, %mul3A_59 : i32
        %add3A_61 = arith.addi %mul3A_60, %arg1 : i32
        %lt3A_62 = arith.constant 640 : i32
        %lt3A_63 = arith.cmpi slt, %add3A_61, %lt3A_62 : i32
        %convert_element_type3A_64 = arith.extui %lt3A_63 : i1 to i32
        %cond3A_65 = arith.constant 0 : i32
        %cond3A_66 = arith.cmpi ne, %convert_element_type3A_64, %cond3A_65 : i32
        scf.if %cond3A_66 {
          %mul3A_97 = arith.constant 80 : i32
          %mul3A_98 = arith.muli %add3A_61, %mul3A_97 : i32
          %dma_wait3A = arith.constant 0 : i32
          %dma_wait3A_99 = arith.constant 0 : i32
          %dma_wait3A_100 = tpu.memref_slice %arg2[%dma_wait3A, %dma_wait3A_99] : memref<10000x128xf32, #tpu.memory_space<hbm>> -> memref<10000x128xf32, #tpu.memory_space<hbm>>
          tpu.wait_indirect_dma semaphore(%arg19 : memref<!tpu.dma_semaphore, #tpu.memory_space<semaphore_mem>>) src(%dma_wait3A_100 : memref<10000x128xf32, #tpu.memory_space<hbm>>) dst(%arg12 : memref<80x128xf32, #tpu.memory_space<vmem>>)
          %dma_wait3A_101 = arith.constant 0 : i32
          %dma_wait3A_102 = tpu.memref_slice %arg6[%mul3A_98, %dma_wait3A_101] : memref<51200x64xf32, #tpu.memory_space<hbm>> -> memref<80x64xf32, #tpu.memory_space<hbm>>
          %dma_wait3A_103 = arith.constant 0 : i32
          %dma_wait3A_104 = tpu.memref_slice %arg6[%mul3A_98, %dma_wait3A_103] : memref<51200x64xf32, #tpu.memory_space<hbm>> -> memref<80x64xf32, #tpu.memory_space<hbm>>
          tpu.wait_dma2 semaphore(%arg20 : memref<!tpu.dma_semaphore, #tpu.memory_space<semaphore_mem>>) src(%dma_wait3A_104 : memref<80x64xf32, #tpu.memory_space<hbm>>) dst(%arg13 : memref<80x64xf32, #tpu.memory_space<vmem>>)
          %scan3A_105 = arith.constant -65536 : i32
          %scan3A_106 = arith.constant 0 : i32
          %scan3A_107 = arith.constant 80 : i32
          %scan3A_108 = arith.addi %scan3A_106, %scan3A_107 : i32
          %scan3A_109 = arith.constant 1 : i32
          scf.for %scan3A_111 = %scan3A_106 to %scan3A_108 step %scan3A_109  : i32 {
            %get3A = arith.index_cast %scan3A_111 : i32 to index
            %get3A_112 = arith.constant 0 : index
            %get3A_113 = tpu.vector_load %arg13[%get3A, %get3A_112] {strides = array<i32>} : memref<80x64xf32, #tpu.memory_space<vmem>>, vector<1x16xf32>,
            %get3A_114 = vector.shape_cast %get3A_113 : vector<1x16xf32> to vector<16xf32>
            %bitcast_convert_type3A = tpu.bitcast %get3A_114 : vector<16xf32> -> vector<16xi32>
            %shift_left3A = arith.constant 16 : i32
            %shift_left3A_115 = vector.broadcast %shift_left3A : i32 to vector<16xi32>
            %shift_left3A_116 = arith.shli %bitcast_convert_type3A, %shift_left3A_115 : vector<16xi32>
            %bitcast_convert_type3A_117 = tpu.bitcast %shift_left3A_116 : vector<16xi32> -> vector<16xf32>
            %and3A = vector.broadcast %scan3A_105 : i32 to vector<16xi32>
            %and3A_118 = arith.andi %bitcast_convert_type3A, %and3A : vector<16xi32>
            %bitcast_convert_type3A_119 = tpu.bitcast %and3A_118 : vector<16xi32> -> vector<16xf32>
            %get3A_120 = arith.index_cast %scan3A_111 : i32 to index
            %get3A_121 = arith.constant 0 : index
            %get3A_122 = tpu.vector_load %arg12[%get3A_120, %get3A_121] {strides = array<i32>} : memref<80x128xf32, #tpu.memory_space<vmem>>, vector<1x16xf32>,
            %get3A_123 = vector.shape_cast %get3A_122 : vector<1x16xf32> to vector<16xf32>
            %mul3A_124 = arith.mulf %get3A_123, %bitcast_convert_type3A_117 : vector<16xf32>
            %swap3A = arith.index_cast %scan3A_111 : i32 to index
            %swap3A_125 = arith.constant 0 : index
            %swap3A_126 = tpu.vector_load %arg12[%swap3A, %swap3A_125] {strides = array<i32>} : memref<80x128xf32, #tpu.memory_space<vmem>>, vector<1x16xf32>,
            %swap3A_127 = vector.shape_cast %swap3A_126 : vector<1x16xf32> to vector<16xf32>
            %swap3A_128 = vector.shape_cast %mul3A_124 : vector<16xf32> to vector<1x16xf32>
            tpu.vector_store %arg12[%swap3A, %swap3A_125], %swap3A_128 {strides = array<i32>} : memref<80x128xf32, #tpu.memory_space<vmem>>, vector<1x16xf32>,
            %get3A_129 = arith.index_cast %scan3A_111 : i32 to index
            %get3A_130 = arith.constant 64 : index
            %get3A_131 = tpu.vector_load %arg12[%get3A_129, %get3A_130] {strides = array<i32>} : memref<80x128xf32, #tpu.memory_space<vmem>>, vector<1x16xf32>,
            %get3A_132 = vector.shape_cast %get3A_131 : vector<1x16xf32> to vector<16xf32>
            %mul3A_133 = arith.mulf %get3A_132, %bitcast_convert_type3A_119 : vector<16xf32>
            %swap3A_134 = arith.index_cast %scan3A_111 : i32 to index
            %swap3A_135 = arith.constant 64 : index
            %swap3A_136 = tpu.vector_load %arg12[%swap3A_134, %swap3A_135] {strides = array<i32>} : memref<80x128xf32, #tpu.memory_space<vmem>>, vector<1x16xf32>,
            %swap3A_137 = vector.shape_cast %swap3A_136 : vector<1x16xf32> to vector<16xf32>
            %swap3A_138 = vector.shape_cast %mul3A_133 : vector<16xf32> to vector<1x16xf32>
            tpu.vector_store %arg12[%swap3A_134, %swap3A_135], %swap3A_138 {strides = array<i32>} : memref<80x128xf32, #tpu.memory_space<vmem>>, vector<1x16xf32>,
            %get3A_139 = arith.index_cast %scan3A_111 : i32 to index
            %get3A_140 = arith.constant 16 : index
            %get3A_141 = tpu.vector_load %arg13[%get3A_139, %get3A_140] {strides = array<i32>} : memref<80x64xf32, #tpu.memory_space<vmem>>, vector<1x16xf32>,
            %get3A_142 = vector.shape_cast %get3A_141 : vector<1x16xf32> to vector<16xf32>
            %bitcast_convert_type3A_143 = tpu.bitcast %get3A_142 : vector<16xf32> -> vector<16xi32>
            %shift_left3A_144 = arith.constant 16 : i32
            %shift_left3A_145 = vector.broadcast %shift_left3A_144 : i32 to vector<16xi32>
            %shift_left3A_146 = arith.shli %bitcast_convert_type3A_143, %shift_left3A_145 : vector<16xi32>
            %bitcast_convert_type3A_147 = tpu.bitcast %shift_left3A_146 : vector<16xi32> -> vector<16xf32>
            %and3A_148 = vector.broadcast %scan3A_105 : i32 to vector<16xi32>
            %and3A_149 = arith.andi %bitcast_convert_type3A_143, %and3A_148 : vector<16xi32>
            %bitcast_convert_type3A_150 = tpu.bitcast %and3A_149 : vector<16xi32> -> vector<16xf32>
            %get3A_151 = arith.index_cast %scan3A_111 : i32 to index
            %get3A_152 = arith.constant 16 : index
            %get3A_153 = tpu.vector_load %arg12[%get3A_151, %get3A_152] {strides = array<i32>} : memref<80x128xf32, #tpu.memory_space<vmem>>, vector<1x16xf32>,
            %get3A_154 = vector.shape_cast %get3A_153 : vector<1x16xf32> to vector<16xf32>
            %mul3A_155 = arith.mulf %get3A_154, %bitcast_convert_type3A_147 : vector<16xf32>
            %swap3A_156 = arith.index_cast %scan3A_111 : i32 to index
            %swap3A_157 = arith.constant 16 : index
            %swap3A_158 = tpu.vector_load %arg12[%swap3A_156, %swap3A_157] {strides = array<i32>} : memref<80x128xf32, #tpu.memory_space<vmem>>, vector<1x16xf32>,
            %swap3A_159 = vector.shape_cast %swap3A_158 : vector<1x16xf32> to vector<16xf32>
            %swap3A_160 = vector.shape_cast %mul3A_155 : vector<16xf32> to vector<1x16xf32>
            tpu.vector_store %arg12[%swap3A_156, %swap3A_157], %swap3A_160 {strides = array<i32>} : memref<80x128xf32, #tpu.memory_space<vmem>>, vector<1x16xf32>,
            %get3A_161 = arith.index_cast %scan3A_111 : i32 to index
            %get3A_162 = arith.constant 80 : index
            %get3A_163 = tpu.vector_load %arg12[%get3A_161, %get3A_162] {strides = array<i32>} : memref<80x128xf32, #tpu.memory_space<vmem>>, vector<1x16xf32>,
            %get3A_164 = vector.shape_cast %get3A_163 : vector<1x16xf32> to vector<16xf32>
            %mul3A_165 = arith.mulf %get3A_164, %bitcast_convert_type3A_150 : vector<16xf32>
            %swap3A_166 = arith.index_cast %scan3A_111 : i32 to index
            %swap3A_167 = arith.constant 80 : index
            %swap3A_168 = tpu.vector_load %arg12[%swap3A_166, %swap3A_167] {strides = array<i32>} : memref<80x128xf32, #tpu.memory_space<vmem>>, vector<1x16xf32>,
            %swap3A_169 = vector.shape_cast %swap3A_168 : vector<1x16xf32> to vector<16xf32>
            %swap3A_170 = vector.shape_cast %mul3A_165 : vector<16xf32> to vector<1x16xf32>
            tpu.vector_store %arg12[%swap3A_166, %swap3A_167], %swap3A_170 {strides = array<i32>} : memref<80x128xf32, #tpu.memory_space<vmem>>, vector<1x16xf32>,
            %get3A_171 = arith.index_cast %scan3A_111 : i32 to index
            %get3A_172 = arith.constant 32 : index
            %get3A_173 = tpu.vector_load %arg13[%get3A_171, %get3A_172] {strides = array<i32>} : memref<80x64xf32, #tpu.memory_space<vmem>>, vector<1x16xf32>,
            %get3A_174 = vector.shape_cast %get3A_173 : vector<1x16xf32> to vector<16xf32>
            %bitcast_convert_type3A_175 = tpu.bitcast %get3A_174 : vector<16xf32> -> vector<16xi32>
            %shift_left3A_176 = arith.constant 16 : i32
            %shift_left3A_177 = vector.broadcast %shift_left3A_176 : i32 to vector<16xi32>
            %shift_left3A_178 = arith.shli %bitcast_convert_type3A_175, %shift_left3A_177 : vector<16xi32>
            %bitcast_convert_type3A_179 = tpu.bitcast %shift_left3A_178 : vector<16xi32> -> vector<16xf32>
            %and3A_180 = vector.broadcast %scan3A_105 : i32 to vector<16xi32>
            %and3A_181 = arith.andi %bitcast_convert_type3A_175, %and3A_180 : vector<16xi32>
            %bitcast_convert_type3A_182 = tpu.bitcast %and3A_181 : vector<16xi32> -> vector<16xf32>
            %get3A_183 = arith.index_cast %scan3A_111 : i32 to index
            %get3A_184 = arith.constant 32 : index
            %get3A_185 = tpu.vector_load %arg12[%get3A_183, %get3A_184] {strides = array<i32>} : memref<80x128xf32, #tpu.memory_space<vmem>>, vector<1x16xf32>,
            %get3A_186 = vector.shape_cast %get3A_185 : vector<1x16xf32> to vector<16xf32>
            %mul3A_187 = arith.mulf %get3A_186, %bitcast_convert_type3A_179 : vector<16xf32>
            %swap3A_188 = arith.index_cast %scan3A_111 : i32 to index
            %swap3A_189 = arith.constant 32 : index
            %swap3A_190 = tpu.vector_load %arg12[%swap3A_188, %swap3A_189] {strides = array<i32>} : memref<80x128xf32, #tpu.memory_space<vmem>>, vector<1x16xf32>,
            %swap3A_191 = vector.shape_cast %swap3A_190 : vector<1x16xf32> to vector<16xf32>
            %swap3A_192 = vector.shape_cast %mul3A_187 : vector<16xf32> to vector<1x16xf32>
            tpu.vector_store %arg12[%swap3A_188, %swap3A_189], %swap3A_192 {strides = array<i32>} : memref<80x128xf32, #tpu.memory_space<vmem>>, vector<1x16xf32>,
            %get3A_193 = arith.index_cast %scan3A_111 : i32 to index
            %get3A_194 = arith.constant 96 : index
            %get3A_195 = tpu.vector_load %arg12[%get3A_193, %get3A_194] {strides = array<i32>} : memref<80x128xf32, #tpu.memory_space<vmem>>, vector<1x16xf32>,
            %get3A_196 = vector.shape_cast %get3A_195 : vector<1x16xf32> to vector<16xf32>
            %mul3A_197 = arith.mulf %get3A_196, %bitcast_convert_type3A_182 : vector<16xf32>
            %swap3A_198 = arith.index_cast %scan3A_111 : i32 to index
            %swap3A_199 = arith.constant 96 : index
            %swap3A_200 = tpu.vector_load %arg12[%swap3A_198, %swap3A_199] {strides = array<i32>} : memref<80x128xf32, #tpu.memory_space<vmem>>, vector<1x16xf32>,
            %swap3A_201 = vector.shape_cast %swap3A_200 : vector<1x16xf32> to vector<16xf32>
            %swap3A_202 = vector.shape_cast %mul3A_197 : vector<16xf32> to vector<1x16xf32>
            tpu.vector_store %arg12[%swap3A_198, %swap3A_199], %swap3A_202 {strides = array<i32>} : memref<80x128xf32, #tpu.memory_space<vmem>>, vector<1x16xf32>,
            %get3A_203 = arith.index_cast %scan3A_111 : i32 to index
            %get3A_204 = arith.constant 48 : index
            %get3A_205 = tpu.vector_load %arg13[%get3A_203, %get3A_204] {strides = array<i32>} : memref<80x64xf32, #tpu.memory_space<vmem>>, vector<1x16xf32>,
            %get3A_206 = vector.shape_cast %get3A_205 : vector<1x16xf32> to vector<16xf32>
            %bitcast_convert_type3A_207 = tpu.bitcast %get3A_206 : vector<16xf32> -> vector<16xi32>
            %shift_left3A_208 = arith.constant 16 : i32
            %shift_left3A_209 = vector.broadcast %shift_left3A_208 : i32 to vector<16xi32>
            %shift_left3A_210 = arith.shli %bitcast_convert_type3A_207, %shift_left3A_209 : vector<16xi32>
            %bitcast_convert_type3A_211 = tpu.bitcast %shift_left3A_210 : vector<16xi32> -> vector<16xf32>
            %and3A_212 = vector.broadcast %scan3A_105 : i32 to vector<16xi32>
            %and3A_213 = arith.andi %bitcast_convert_type3A_207, %and3A_212 : vector<16xi32>
            %bitcast_convert_type3A_214 = tpu.bitcast %and3A_213 : vector<16xi32> -> vector<16xf32>
            %get3A_215 = arith.index_cast %scan3A_111 : i32 to index
            %get3A_216 = arith.constant 48 : index
            %get3A_217 = tpu.vector_load %arg12[%get3A_215, %get3A_216] {strides = array<i32>} : memref<80x128xf32, #tpu.memory_space<vmem>>, vector<1x16xf32>,
            %get3A_218 = vector.shape_cast %get3A_217 : vector<1x16xf32> to vector<16xf32>
            %mul3A_219 = arith.mulf %get3A_218, %bitcast_convert_type3A_211 : vector<16xf32>
            %swap3A_220 = arith.index_cast %scan3A_111 : i32 to index
            %swap3A_221 = arith.constant 48 : index
            %swap3A_222 = tpu.vector_load %arg12[%swap3A_220, %swap3A_221] {strides = array<i32>} : memref<80x128xf32, #tpu.memory_space<vmem>>, vector<1x16xf32>,
            %swap3A_223 = vector.shape_cast %swap3A_222 : vector<1x16xf32> to vector<16xf32>
            %swap3A_224 = vector.shape_cast %mul3A_219 : vector<16xf32> to vector<1x16xf32>
            tpu.vector_store %arg12[%swap3A_220, %swap3A_221], %swap3A_224 {strides = array<i32>} : memref<80x128xf32, #tpu.memory_space<vmem>>, vector<1x16xf32>,
            %get3A_225 = arith.index_cast %scan3A_111 : i32 to index
            %get3A_226 = arith.constant 112 : index
            %get3A_227 = tpu.vector_load %arg12[%get3A_225, %get3A_226] {strides = array<i32>} : memref<80x128xf32, #tpu.memory_space<vmem>>, vector<1x16xf32>,
            %get3A_228 = vector.shape_cast %get3A_227 : vector<1x16xf32> to vector<16xf32>
            %mul3A_229 = arith.mulf %get3A_228, %bitcast_convert_type3A_214 : vector<16xf32>
            %swap3A_230 = arith.index_cast %scan3A_111 : i32 to index
            %swap3A_231 = arith.constant 112 : index
            %swap3A_232 = tpu.vector_load %arg12[%swap3A_230, %swap3A_231] {strides = array<i32>} : memref<80x128xf32, #tpu.memory_space<vmem>>, vector<1x16xf32>,
            %swap3A_233 = vector.shape_cast %swap3A_232 : vector<1x16xf32> to vector<16xf32>
            %swap3A_234 = vector.shape_cast %mul3A_229 : vector<16xf32> to vector<1x16xf32>
            tpu.vector_store %arg12[%swap3A_230, %swap3A_231], %swap3A_234 {strides = array<i32>} : memref<80x128xf32, #tpu.memory_space<vmem>>, vector<1x16xf32>,
          }
          %scan3A_110 = arith.constant 80 : i32
          "tpu.region"() ({
            %run_scoped3A = tpu.sem_alloc : memref<!tpu.dma_semaphore, #tpu.memory_space<semaphore_mem>>
            %dma_start3A = arith.constant 0 : i32
            %dma_start3A_111 = arith.constant 0 : i32
            %dma_start3A_112 = tpu.memref_slice %arg18[%dma_start3A, %dma_start3A_111] : memref<10240x128xf32, #tpu.memory_space<vmem_shared>> -> memref<10240x128xf32, #tpu.memory_space<vmem_shared>>
            tpu.enqueue_indirect_dma source(%arg12 : memref<80x128xf32, #tpu.memory_space<vmem>>) target(%dma_start3A_112 : memref<10240x128xf32, #tpu.memory_space<vmem_shared>>) offsets(%arg11 : memref<80xi32, #tpu.memory_space<vmem>>) semaphore(%run_scoped3A : memref<!tpu.dma_semaphore, #tpu.memory_space<semaphore_mem>>) {add = true}
            %dma_wait3A_113 = arith.constant 0 : i32
            %dma_wait3A_114 = arith.constant 0 : i32
            %dma_wait3A_115 = tpu.memref_slice %arg18[%dma_wait3A_113, %dma_wait3A_114] : memref<10240x128xf32, #tpu.memory_space<vmem_shared>> -> memref<10240x128xf32, #tpu.memory_space<vmem_shared>>
            tpu.wait_indirect_dma semaphore(%run_scoped3A : memref<!tpu.dma_semaphore, #tpu.memory_space<semaphore_mem>>) src(%arg12 : memref<80x128xf32, #tpu.memory_space<vmem>>) dst(%dma_wait3A_115 : memref<10240x128xf32, #tpu.memory_space<vmem_shared>>)
            tpu.yield
          }) : () -> ()
        } else {
        }
        %add3A_67 = arith.constant 2 : i32
        %add3A_68 = arith.addi %mul3A_58, %add3A_67 : i32
        %mul3A_69 = arith.constant 16 : i32
        %mul3A_70 = arith.muli %add3A_68, %mul3A_69 : i32
        %add3A_71 = arith.addi %mul3A_70, %arg1 : i32
        %lt3A_72 = arith.constant 640 : i32
        %lt3A_73 = arith.cmpi slt, %add3A_71, %lt3A_72 : i32
        %convert_element_type3A_74 = arith.extui %lt3A_73 : i1 to i32
        %cond3A_75 = arith.constant 0 : i32
        %cond3A_76 = arith.cmpi ne, %convert_element_type3A_74, %cond3A_75 : i32
        scf.if %cond3A_76 {
          %mul3A_97 = arith.constant 80 : i32
          %mul3A_98 = arith.muli %add3A_71, %mul3A_97 : i32
          %add3A_99 = arith.constant 0 : i32
          %add3A_100 = arith.addi %add3A_99, %mul3A_98 : i32
          "tpu.region"() ({
            %run_scoped3A = tpu.sem_alloc : memref<!tpu.dma_semaphore, #tpu.memory_space<semaphore_mem>>
            %dma_start3A_109 = tpu.memref_slice %arg5[%add3A_100] : memref<160000xi32, #tpu.memory_space<hbm>> -> memref<80xi32, #tpu.memory_space<hbm>>
            %dma_start3A_110 = tpu.memref_slice %arg5[%add3A_100] : memref<160000xi32, #tpu.memory_space<hbm>> -> memref<80xi32, #tpu.memory_space<hbm>>
            tpu.enqueue_dma source(%dma_start3A_110 : memref<80xi32, #tpu.memory_space<hbm>>) target(%arg10 : memref<80xi32, #tpu.memory_space<vmem>>) target_semaphore(%run_scoped3A : memref<!tpu.dma_semaphore, #tpu.memory_space<semaphore_mem>>)
            %dma_wait3A = tpu.memref_slice %arg5[%add3A_100] : memref<160000xi32, #tpu.memory_space<hbm>> -> memref<80xi32, #tpu.memory_space<hbm>>
            %dma_wait3A_111 = tpu.memref_slice %arg5[%add3A_100] : memref<160000xi32, #tpu.memory_space<hbm>> -> memref<80xi32, #tpu.memory_space<hbm>>
            tpu.wait_dma2 semaphore(%run_scoped3A : memref<!tpu.dma_semaphore, #tpu.memory_space<semaphore_mem>>) src(%dma_wait3A_111 : memref<80xi32, #tpu.memory_space<hbm>>) dst(%arg10 : memref<80xi32, #tpu.memory_space<vmem>>)
            tpu.yield
          }) : () -> ()
          %add3A_101 = arith.constant 0 : i32
          %add3A_102 = arith.addi %add3A_101, %mul3A_98 : i32
          "tpu.region"() ({
            %run_scoped3A = tpu.sem_alloc : memref<!tpu.dma_semaphore, #tpu.memory_space<semaphore_mem>>
            %dma_start3A_109 = tpu.memref_slice %arg4[%add3A_102] : memref<160000xi32, #tpu.memory_space<hbm>> -> memref<80xi32, #tpu.memory_space<hbm>>
            %dma_start3A_110 = tpu.memref_slice %arg4[%add3A_102] : memref<160000xi32, #tpu.memory_space<hbm>> -> memref<80xi32, #tpu.memory_space<hbm>>
            tpu.enqueue_dma source(%dma_start3A_110 : memref<80xi32, #tpu.memory_space<hbm>>) target(%arg11 : memref<80xi32, #tpu.memory_space<vmem>>) target_semaphore(%run_scoped3A : memref<!tpu.dma_semaphore, #tpu.memory_space<semaphore_mem>>)
            %dma_wait3A = tpu.memref_slice %arg4[%add3A_102] : memref<160000xi32, #tpu.memory_space<hbm>> -> memref<80xi32, #tpu.memory_space<hbm>>
            %dma_wait3A_111 = tpu.memref_slice %arg4[%add3A_102] : memref<160000xi32, #tpu.memory_space<hbm>> -> memref<80xi32, #tpu.memory_space<hbm>>
            tpu.wait_dma2 semaphore(%run_scoped3A : memref<!tpu.dma_semaphore, #tpu.memory_space<semaphore_mem>>) src(%dma_wait3A_111 : memref<80xi32, #tpu.memory_space<hbm>>) dst(%arg11 : memref<80xi32, #tpu.memory_space<vmem>>)
            tpu.yield
          }) : () -> ()
          %dma_start3A = arith.constant 0 : i32
          %dma_start3A_103 = arith.constant 0 : i32
          %dma_start3A_104 = tpu.memref_slice %arg2[%dma_start3A, %dma_start3A_103] : memref<10000x128xf32, #tpu.memory_space<hbm>> -> memref<10000x128xf32, #tpu.memory_space<hbm>>
          tpu.enqueue_indirect_dma source(%dma_start3A_104 : memref<10000x128xf32, #tpu.memory_space<hbm>>) target(%arg12 : memref<80x128xf32, #tpu.memory_space<vmem>>) offsets(%arg10 : memref<80xi32, #tpu.memory_space<vmem>>) semaphore(%arg19 : memref<!tpu.dma_semaphore, #tpu.memory_space<semaphore_mem>>)
          %dma_start3A_105 = arith.constant 0 : i32
          %dma_start3A_106 = tpu.memref_slice %arg6[%mul3A_98, %dma_start3A_105] : memref<51200x64xf32, #tpu.memory_space<hbm>> -> memref<80x64xf32, #tpu.memory_space<hbm>>
          %dma_start3A_107 = arith.constant 0 : i32
          %dma_start3A_108 = tpu.memref_slice %arg6[%mul3A_98, %dma_start3A_107] : memref<51200x64xf32, #tpu.memory_space<hbm>> -> memref<80x64xf32, #tpu.memory_space<hbm>>
          tpu.enqueue_dma source(%dma_start3A_108 : memref<80x64xf32, #tpu.memory_space<hbm>>) target(%arg13 : memref<80x64xf32, #tpu.memory_space<vmem>>) target_semaphore(%arg20 : memref<!tpu.dma_semaphore, #tpu.memory_space<semaphore_mem>>)
        } else {
        }
        %add3A_77 = arith.constant 1 : i32
        %add3A_78 = arith.addi %mul3A_58, %add3A_77 : i32
        %mul3A_79 = arith.constant 16 : i32
        %mul3A_80 = arith.muli %add3A_78, %mul3A_79 : i32
        %add3A_81 = arith.addi %mul3A_80, %arg1 : i32
        %lt3A_82 = arith.constant 640 : i32
        %lt3A_83 = arith.cmpi slt, %add3A_81, %lt3A_82 : i32
        %convert_element_type3A_84 = arith.extui %lt3A_83 : i1 to i32
        %cond3A_85 = arith.constant 0 : i32
        %cond3A_86 = arith.cmpi ne, %convert_element_type3A_84, %cond3A_85 : i32
        scf.if %cond3A_86 {
          %mul3A_97 = arith.constant 80 : i32
          %mul3A_98 = arith.muli %add3A_81, %mul3A_97 : i32
          %dma_wait3A = arith.constant 0 : i32
          %dma_wait3A_99 = arith.constant 0 : i32
          %dma_wait3A_100 = tpu.memref_slice %arg2[%dma_wait3A, %dma_wait3A_99] : memref<10000x128xf32, #tpu.memory_space<hbm>> -> memref<10000x128xf32, #tpu.memory_space<hbm>>
          tpu.wait_indirect_dma semaphore(%arg21 : memref<!tpu.dma_semaphore, #tpu.memory_space<semaphore_mem>>) src(%dma_wait3A_100 : memref<10000x128xf32, #tpu.memory_space<hbm>>) dst(%arg16 : memref<80x128xf32, #tpu.memory_space<vmem>>)
          %dma_wait3A_101 = arith.constant 0 : i32
          %dma_wait3A_102 = tpu.memref_slice %arg6[%mul3A_98, %dma_wait3A_101] : memref<51200x64xf32, #tpu.memory_space<hbm>> -> memref<80x64xf32, #tpu.memory_space<hbm>>
          %dma_wait3A_103 = arith.constant 0 : i32
          %dma_wait3A_104 = tpu.memref_slice %arg6[%mul3A_98, %dma_wait3A_103] : memref<51200x64xf32, #tpu.memory_space<hbm>> -> memref<80x64xf32, #tpu.memory_space<hbm>>
          tpu.wait_dma2 semaphore(%arg22 : memref<!tpu.dma_semaphore, #tpu.memory_space<semaphore_mem>>) src(%dma_wait3A_104 : memref<80x64xf32, #tpu.memory_space<hbm>>) dst(%arg17 : memref<80x64xf32, #tpu.memory_space<vmem>>)
          %scan3A_105 = arith.constant -65536 : i32
          %scan3A_106 = arith.constant 0 : i32
          %scan3A_107 = arith.constant 80 : i32
          %scan3A_108 = arith.addi %scan3A_106, %scan3A_107 : i32
          %scan3A_109 = arith.constant 1 : i32
          scf.for %scan3A_111 = %scan3A_106 to %scan3A_108 step %scan3A_109  : i32 {
            %get3A = arith.index_cast %scan3A_111 : i32 to index
            %get3A_112 = arith.constant 0 : index
            %get3A_113 = tpu.vector_load %arg17[%get3A, %get3A_112] {strides = array<i32>} : memref<80x64xf32, #tpu.memory_space<vmem>>, vector<1x16xf32>,
            %get3A_114 = vector.shape_cast %get3A_113 : vector<1x16xf32> to vector<16xf32>
            %bitcast_convert_type3A = tpu.bitcast %get3A_114 : vector<16xf32> -> vector<16xi32>
            %shift_left3A = arith.constant 16 : i32
            %shift_left3A_115 = vector.broadcast %shift_left3A : i32 to vector<16xi32>
            %shift_left3A_116 = arith.shli %bitcast_convert_type3A, %shift_left3A_115 : vector<16xi32>
            %bitcast_convert_type3A_117 = tpu.bitcast %shift_left3A_116 : vector<16xi32> -> vector<16xf32>
            %and3A = vector.broadcast %scan3A_105 : i32 to vector<16xi32>
            %and3A_118 = arith.andi %bitcast_convert_type3A, %and3A : vector<16xi32>
            %bitcast_convert_type3A_119 = tpu.bitcast %and3A_118 : vector<16xi32> -> vector<16xf32>
            %get3A_120 = arith.index_cast %scan3A_111 : i32 to index
            %get3A_121 = arith.constant 0 : index
            %get3A_122 = tpu.vector_load %arg16[%get3A_120, %get3A_121] {strides = array<i32>} : memref<80x128xf32, #tpu.memory_space<vmem>>, vector<1x16xf32>,
            %get3A_123 = vector.shape_cast %get3A_122 : vector<1x16xf32> to vector<16xf32>
            %mul3A_124 = arith.mulf %get3A_123, %bitcast_convert_type3A_117 : vector<16xf32>
            %swap3A = arith.index_cast %scan3A_111 : i32 to index
            %swap3A_125 = arith.constant 0 : index
            %swap3A_126 = tpu.vector_load %arg16[%swap3A, %swap3A_125] {strides = array<i32>} : memref<80x128xf32, #tpu.memory_space<vmem>>, vector<1x16xf32>,
            %swap3A_127 = vector.shape_cast %swap3A_126 : vector<1x16xf32> to vector<16xf32>
            %swap3A_128 = vector.shape_cast %mul3A_124 : vector<16xf32> to vector<1x16xf32>
            tpu.vector_store %arg16[%swap3A, %swap3A_125], %swap3A_128 {strides = array<i32>} : memref<80x128xf32, #tpu.memory_space<vmem>>, vector<1x16xf32>,
            %get3A_129 = arith.index_cast %scan3A_111 : i32 to index
            %get3A_130 = arith.constant 64 : index
            %get3A_131 = tpu.vector_load %arg16[%get3A_129, %get3A_130] {strides = array<i32>} : memref<80x128xf32, #tpu.memory_space<vmem>>, vector<1x16xf32>,
            %get3A_132 = vector.shape_cast %get3A_131 : vector<1x16xf32> to vector<16xf32>
            %mul3A_133 = arith.mulf %get3A_132, %bitcast_convert_type3A_119 : vector<16xf32>
            %swap3A_134 = arith.index_cast %scan3A_111 : i32 to index
            %swap3A_135 = arith.constant 64 : index
            %swap3A_136 = tpu.vector_load %arg16[%swap3A_134, %swap3A_135] {strides = array<i32>} : memref<80x128xf32, #tpu.memory_space<vmem>>, vector<1x16xf32>,
            %swap3A_137 = vector.shape_cast %swap3A_136 : vector<1x16xf32> to vector<16xf32>
            %swap3A_138 = vector.shape_cast %mul3A_133 : vector<16xf32> to vector<1x16xf32>
            tpu.vector_store %arg16[%swap3A_134, %swap3A_135], %swap3A_138 {strides = array<i32>} : memref<80x128xf32, #tpu.memory_space<vmem>>, vector<1x16xf32>,
            %get3A_139 = arith.index_cast %scan3A_111 : i32 to index
            %get3A_140 = arith.constant 16 : index
            %get3A_141 = tpu.vector_load %arg17[%get3A_139, %get3A_140] {strides = array<i32>} : memref<80x64xf32, #tpu.memory_space<vmem>>, vector<1x16xf32>,
            %get3A_142 = vector.shape_cast %get3A_141 : vector<1x16xf32> to vector<16xf32>
            %bitcast_convert_type3A_143 = tpu.bitcast %get3A_142 : vector<16xf32> -> vector<16xi32>
            %shift_left3A_144 = arith.constant 16 : i32
            %shift_left3A_145 = vector.broadcast %shift_left3A_144 : i32 to vector<16xi32>
            %shift_left3A_146 = arith.shli %bitcast_convert_type3A_143, %shift_left3A_145 : vector<16xi32>
            %bitcast_convert_type3A_147 = tpu.bitcast %shift_left3A_146 : vector<16xi32> -> vector<16xf32>
            %and3A_148 = vector.broadcast %scan3A_105 : i32 to vector<16xi32>
            %and3A_149 = arith.andi %bitcast_convert_type3A_143, %and3A_148 : vector<16xi32>
            %bitcast_convert_type3A_150 = tpu.bitcast %and3A_149 : vector<16xi32> -> vector<16xf32>
            %get3A_151 = arith.index_cast %scan3A_111 : i32 to index
            %get3A_152 = arith.constant 16 : index
            %get3A_153 = tpu.vector_load %arg16[%get3A_151, %get3A_152] {strides = array<i32>} : memref<80x128xf32, #tpu.memory_space<vmem>>, vector<1x16xf32>,
            %get3A_154 = vector.shape_cast %get3A_153 : vector<1x16xf32> to vector<16xf32>
            %mul3A_155 = arith.mulf %get3A_154, %bitcast_convert_type3A_147 : vector<16xf32>
            %swap3A_156 = arith.index_cast %scan3A_111 : i32 to index
            %swap3A_157 = arith.constant 16 : index
            %swap3A_158 = tpu.vector_load %arg16[%swap3A_156, %swap3A_157] {strides = array<i32>} : memref<80x128xf32, #tpu.memory_space<vmem>>, vector<1x16xf32>,
            %swap3A_159 = vector.shape_cast %swap3A_158 : vector<1x16xf32> to vector<16xf32>
            %swap3A_160 = vector.shape_cast %mul3A_155 : vector<16xf32> to vector<1x16xf32>
            tpu.vector_store %arg16[%swap3A_156, %swap3A_157], %swap3A_160 {strides = array<i32>} : memref<80x128xf32, #tpu.memory_space<vmem>>, vector<1x16xf32>,
            %get3A_161 = arith.index_cast %scan3A_111 : i32 to index
            %get3A_162 = arith.constant 80 : index
            %get3A_163 = tpu.vector_load %arg16[%get3A_161, %get3A_162] {strides = array<i32>} : memref<80x128xf32, #tpu.memory_space<vmem>>, vector<1x16xf32>,
            %get3A_164 = vector.shape_cast %get3A_163 : vector<1x16xf32> to vector<16xf32>
            %mul3A_165 = arith.mulf %get3A_164, %bitcast_convert_type3A_150 : vector<16xf32>
            %swap3A_166 = arith.index_cast %scan3A_111 : i32 to index
            %swap3A_167 = arith.constant 80 : index
            %swap3A_168 = tpu.vector_load %arg16[%swap3A_166, %swap3A_167] {strides = array<i32>} : memref<80x128xf32, #tpu.memory_space<vmem>>, vector<1x16xf32>,
            %swap3A_169 = vector.shape_cast %swap3A_168 : vector<1x16xf32> to vector<16xf32>
            %swap3A_170 = vector.shape_cast %mul3A_165 : vector<16xf32> to vector<1x16xf32>
            tpu.vector_store %arg16[%swap3A_166, %swap3A_167], %swap3A_170 {strides = array<i32>} : memref<80x128xf32, #tpu.memory_space<vmem>>, vector<1x16xf32>,
            %get3A_171 = arith.index_cast %scan3A_111 : i32 to index
            %get3A_172 = arith.constant 32 : index
            %get3A_173 = tpu.vector_load %arg17[%get3A_171, %get3A_172] {strides = array<i32>} : memref<80x64xf32, #tpu.memory_space<vmem>>, vector<1x16xf32>,
            %get3A_174 = vector.shape_cast %get3A_173 : vector<1x16xf32> to vector<16xf32>
            %bitcast_convert_type3A_175 = tpu.bitcast %get3A_174 : vector<16xf32> -> vector<16xi32>
            %shift_left3A_176 = arith.constant 16 : i32
            %shift_left3A_177 = vector.broadcast %shift_left3A_176 : i32 to vector<16xi32>
            %shift_left3A_178 = arith.shli %bitcast_convert_type3A_175, %shift_left3A_177 : vector<16xi32>
            %bitcast_convert_type3A_179 = tpu.bitcast %shift_left3A_178 : vector<16xi32> -> vector<16xf32>
            %and3A_180 = vector.broadcast %scan3A_105 : i32 to vector<16xi32>
            %and3A_181 = arith.andi %bitcast_convert_type3A_175, %and3A_180 : vector<16xi32>
            %bitcast_convert_type3A_182 = tpu.bitcast %and3A_181 : vector<16xi32> -> vector<16xf32>
            %get3A_183 = arith.index_cast %scan3A_111 : i32 to index
            %get3A_184 = arith.constant 32 : index
            %get3A_185 = tpu.vector_load %arg16[%get3A_183, %get3A_184] {strides = array<i32>} : memref<80x128xf32, #tpu.memory_space<vmem>>, vector<1x16xf32>,
            %get3A_186 = vector.shape_cast %get3A_185 : vector<1x16xf32> to vector<16xf32>
            %mul3A_187 = arith.mulf %get3A_186, %bitcast_convert_type3A_179 : vector<16xf32>
            %swap3A_188 = arith.index_cast %scan3A_111 : i32 to index
            %swap3A_189 = arith.constant 32 : index
            %swap3A_190 = tpu.vector_load %arg16[%swap3A_188, %swap3A_189] {strides = array<i32>} : memref<80x128xf32, #tpu.memory_space<vmem>>, vector<1x16xf32>,
            %swap3A_191 = vector.shape_cast %swap3A_190 : vector<1x16xf32> to vector<16xf32>
            %swap3A_192 = vector.shape_cast %mul3A_187 : vector<16xf32> to vector<1x16xf32>
            tpu.vector_store %arg16[%swap3A_188, %swap3A_189], %swap3A_192 {strides = array<i32>} : memref<80x128xf32, #tpu.memory_space<vmem>>, vector<1x16xf32>,
            %get3A_193 = arith.index_cast %scan3A_111 : i32 to index
            %get3A_194 = arith.constant 96 : index
            %get3A_195 = tpu.vector_load %arg16[%get3A_193, %get3A_194] {strides = array<i32>} : memref<80x128xf32, #tpu.memory_space<vmem>>, vector<1x16xf32>,
            %get3A_196 = vector.shape_cast %get3A_195 : vector<1x16xf32> to vector<16xf32>
            %mul3A_197 = arith.mulf %get3A_196, %bitcast_convert_type3A_182 : vector<16xf32>
            %swap3A_198 = arith.index_cast %scan3A_111 : i32 to index
            %swap3A_199 = arith.constant 96 : index
            %swap3A_200 = tpu.vector_load %arg16[%swap3A_198, %swap3A_199] {strides = array<i32>} : memref<80x128xf32, #tpu.memory_space<vmem>>, vector<1x16xf32>,
            %swap3A_201 = vector.shape_cast %swap3A_200 : vector<1x16xf32> to vector<16xf32>
            %swap3A_202 = vector.shape_cast %mul3A_197 : vector<16xf32> to vector<1x16xf32>
            tpu.vector_store %arg16[%swap3A_198, %swap3A_199], %swap3A_202 {strides = array<i32>} : memref<80x128xf32, #tpu.memory_space<vmem>>, vector<1x16xf32>,
            %get3A_203 = arith.index_cast %scan3A_111 : i32 to index
            %get3A_204 = arith.constant 48 : index
            %get3A_205 = tpu.vector_load %arg17[%get3A_203, %get3A_204] {strides = array<i32>} : memref<80x64xf32, #tpu.memory_space<vmem>>, vector<1x16xf32>,
            %get3A_206 = vector.shape_cast %get3A_205 : vector<1x16xf32> to vector<16xf32>
            %bitcast_convert_type3A_207 = tpu.bitcast %get3A_206 : vector<16xf32> -> vector<16xi32>
            %shift_left3A_208 = arith.constant 16 : i32
            %shift_left3A_209 = vector.broadcast %shift_left3A_208 : i32 to vector<16xi32>
            %shift_left3A_210 = arith.shli %bitcast_convert_type3A_207, %shift_left3A_209 : vector<16xi32>
            %bitcast_convert_type3A_211 = tpu.bitcast %shift_left3A_210 : vector<16xi32> -> vector<16xf32>
            %and3A_212 = vector.broadcast %scan3A_105 : i32 to vector<16xi32>
            %and3A_213 = arith.andi %bitcast_convert_type3A_207, %and3A_212 : vector<16xi32>
            %bitcast_convert_type3A_214 = tpu.bitcast %and3A_213 : vector<16xi32> -> vector<16xf32>
            %get3A_215 = arith.index_cast %scan3A_111 : i32 to index
            %get3A_216 = arith.constant 48 : index
            %get3A_217 = tpu.vector_load %arg16[%get3A_215, %get3A_216] {strides = array<i32>} : memref<80x128xf32, #tpu.memory_space<vmem>>, vector<1x16xf32>,
            %get3A_218 = vector.shape_cast %get3A_217 : vector<1x16xf32> to vector<16xf32>
            %mul3A_219 = arith.mulf %get3A_218, %bitcast_convert_type3A_211 : vector<16xf32>
            %swap3A_220 = arith.index_cast %scan3A_111 : i32 to index
            %swap3A_221 = arith.constant 48 : index
            %swap3A_222 = tpu.vector_load %arg16[%swap3A_220, %swap3A_221] {strides = array<i32>} : memref<80x128xf32, #tpu.memory_space<vmem>>, vector<1x16xf32>,
            %swap3A_223 = vector.shape_cast %swap3A_222 : vector<1x16xf32> to vector<16xf32>
            %swap3A_224 = vector.shape_cast %mul3A_219 : vector<16xf32> to vector<1x16xf32>
            tpu.vector_store %arg16[%swap3A_220, %swap3A_221], %swap3A_224 {strides = array<i32>} : memref<80x128xf32, #tpu.memory_space<vmem>>, vector<1x16xf32>,
            %get3A_225 = arith.index_cast %scan3A_111 : i32 to index
            %get3A_226 = arith.constant 112 : index
            %get3A_227 = tpu.vector_load %arg16[%get3A_225, %get3A_226] {strides = array<i32>} : memref<80x128xf32, #tpu.memory_space<vmem>>, vector<1x16xf32>,
            %get3A_228 = vector.shape_cast %get3A_227 : vector<1x16xf32> to vector<16xf32>
            %mul3A_229 = arith.mulf %get3A_228, %bitcast_convert_type3A_214 : vector<16xf32>
            %swap3A_230 = arith.index_cast %scan3A_111 : i32 to index
            %swap3A_231 = arith.constant 112 : index
            %swap3A_232 = tpu.vector_load %arg16[%swap3A_230, %swap3A_231] {strides = array<i32>} : memref<80x128xf32, #tpu.memory_space<vmem>>, vector<1x16xf32>,
            %swap3A_233 = vector.shape_cast %swap3A_232 : vector<1x16xf32> to vector<16xf32>
            %swap3A_234 = vector.shape_cast %mul3A_229 : vector<16xf32> to vector<1x16xf32>
            tpu.vector_store %arg16[%swap3A_230, %swap3A_231], %swap3A_234 {strides = array<i32>} : memref<80x128xf32, #tpu.memory_space<vmem>>, vector<1x16xf32>,
          }
          %scan3A_110 = arith.constant 80 : i32
          "tpu.region"() ({
            %run_scoped3A = tpu.sem_alloc : memref<!tpu.dma_semaphore, #tpu.memory_space<semaphore_mem>>
            %dma_start3A = arith.constant 0 : i32
            %dma_start3A_111 = arith.constant 0 : i32
            %dma_start3A_112 = tpu.memref_slice %arg18[%dma_start3A, %dma_start3A_111] : memref<10240x128xf32, #tpu.memory_space<vmem_shared>> -> memref<10240x128xf32, #tpu.memory_space<vmem_shared>>
            tpu.enqueue_indirect_dma source(%arg16 : memref<80x128xf32, #tpu.memory_space<vmem>>) target(%dma_start3A_112 : memref<10240x128xf32, #tpu.memory_space<vmem_shared>>) offsets(%arg15 : memref<80xi32, #tpu.memory_space<vmem>>) semaphore(%run_scoped3A : memref<!tpu.dma_semaphore, #tpu.memory_space<semaphore_mem>>) {add = true}
            %dma_wait3A_113 = arith.constant 0 : i32
            %dma_wait3A_114 = arith.constant 0 : i32
            %dma_wait3A_115 = tpu.memref_slice %arg18[%dma_wait3A_113, %dma_wait3A_114] : memref<10240x128xf32, #tpu.memory_space<vmem_shared>> -> memref<10240x128xf32, #tpu.memory_space<vmem_shared>>
            tpu.wait_indirect_dma semaphore(%run_scoped3A : memref<!tpu.dma_semaphore, #tpu.memory_space<semaphore_mem>>) src(%arg16 : memref<80x128xf32, #tpu.memory_space<vmem>>) dst(%dma_wait3A_115 : memref<10240x128xf32, #tpu.memory_space<vmem_shared>>)
            tpu.yield
          }) : () -> ()
        } else {
        }
        %add3A_87 = arith.constant 3 : i32
        %add3A_88 = arith.addi %mul3A_58, %add3A_87 : i32
        %mul3A_89 = arith.constant 16 : i32
        %mul3A_90 = arith.muli %add3A_88, %mul3A_89 : i32
        %add3A_91 = arith.addi %mul3A_90, %arg1 : i32
        %lt3A_92 = arith.constant 640 : i32
        %lt3A_93 = arith.cmpi slt, %add3A_91, %lt3A_92 : i32
        %convert_element_type3A_94 = arith.extui %lt3A_93 : i1 to i32
        %cond3A_95 = arith.constant 0 : i32
        %cond3A_96 = arith.cmpi ne, %convert_element_type3A_94, %cond3A_95 : i32
        scf.if %cond3A_96 {
          %mul3A_97 = arith.constant 80 : i32
          %mul3A_98 = arith.muli %add3A_91, %mul3A_97 : i32
          %add3A_99 = arith.constant 0 : i32
          %add3A_100 = arith.addi %add3A_99, %mul3A_98 : i32
          "tpu.region"() ({
            %run_scoped3A = tpu.sem_alloc : memref<!tpu.dma_semaphore, #tpu.memory_space<semaphore_mem>>
            %dma_start3A_109 = tpu.memref_slice %arg5[%add3A_100] : memref<160000xi32, #tpu.memory_space<hbm>> -> memref<80xi32, #tpu.memory_space<hbm>>
            %dma_start3A_110 = tpu.memref_slice %arg5[%add3A_100] : memref<160000xi32, #tpu.memory_space<hbm>> -> memref<80xi32, #tpu.memory_space<hbm>>
            tpu.enqueue_dma source(%dma_start3A_110 : memref<80xi32, #tpu.memory_space<hbm>>) target(%arg14 : memref<80xi32, #tpu.memory_space<vmem>>) target_semaphore(%run_scoped3A : memref<!tpu.dma_semaphore, #tpu.memory_space<semaphore_mem>>)
            %dma_wait3A = tpu.memref_slice %arg5[%add3A_100] : memref<160000xi32, #tpu.memory_space<hbm>> -> memref<80xi32, #tpu.memory_space<hbm>>
            %dma_wait3A_111 = tpu.memref_slice %arg5[%add3A_100] : memref<160000xi32, #tpu.memory_space<hbm>> -> memref<80xi32, #tpu.memory_space<hbm>>
            tpu.wait_dma2 semaphore(%run_scoped3A : memref<!tpu.dma_semaphore, #tpu.memory_space<semaphore_mem>>) src(%dma_wait3A_111 : memref<80xi32, #tpu.memory_space<hbm>>) dst(%arg14 : memref<80xi32, #tpu.memory_space<vmem>>)
            tpu.yield
          }) : () -> ()
          %add3A_101 = arith.constant 0 : i32
          %add3A_102 = arith.addi %add3A_101, %mul3A_98 : i32
          "tpu.region"() ({
            %run_scoped3A = tpu.sem_alloc : memref<!tpu.dma_semaphore, #tpu.memory_space<semaphore_mem>>
            %dma_start3A_109 = tpu.memref_slice %arg4[%add3A_102] : memref<160000xi32, #tpu.memory_space<hbm>> -> memref<80xi32, #tpu.memory_space<hbm>>
            %dma_start3A_110 = tpu.memref_slice %arg4[%add3A_102] : memref<160000xi32, #tpu.memory_space<hbm>> -> memref<80xi32, #tpu.memory_space<hbm>>
            tpu.enqueue_dma source(%dma_start3A_110 : memref<80xi32, #tpu.memory_space<hbm>>) target(%arg15 : memref<80xi32, #tpu.memory_space<vmem>>) target_semaphore(%run_scoped3A : memref<!tpu.dma_semaphore, #tpu.memory_space<semaphore_mem>>)
            %dma_wait3A = tpu.memref_slice %arg4[%add3A_102] : memref<160000xi32, #tpu.memory_space<hbm>> -> memref<80xi32, #tpu.memory_space<hbm>>
            %dma_wait3A_111 = tpu.memref_slice %arg4[%add3A_102] : memref<160000xi32, #tpu.memory_space<hbm>> -> memref<80xi32, #tpu.memory_space<hbm>>
            tpu.wait_dma2 semaphore(%run_scoped3A : memref<!tpu.dma_semaphore, #tpu.memory_space<semaphore_mem>>) src(%dma_wait3A_111 : memref<80xi32, #tpu.memory_space<hbm>>) dst(%arg15 : memref<80xi32, #tpu.memory_space<vmem>>)
            tpu.yield
          }) : () -> ()
          %dma_start3A = arith.constant 0 : i32
          %dma_start3A_103 = arith.constant 0 : i32
          %dma_start3A_104 = tpu.memref_slice %arg2[%dma_start3A, %dma_start3A_103] : memref<10000x128xf32, #tpu.memory_space<hbm>> -> memref<10000x128xf32, #tpu.memory_space<hbm>>
          tpu.enqueue_indirect_dma source(%dma_start3A_104 : memref<10000x128xf32, #tpu.memory_space<hbm>>) target(%arg16 : memref<80x128xf32, #tpu.memory_space<vmem>>) offsets(%arg14 : memref<80xi32, #tpu.memory_space<vmem>>) semaphore(%arg21 : memref<!tpu.dma_semaphore, #tpu.memory_space<semaphore_mem>>)
          %dma_start3A_105 = arith.constant 0 : i32
          %dma_start3A_106 = tpu.memref_slice %arg6[%mul3A_98, %dma_start3A_105] : memref<51200x64xf32, #tpu.memory_space<hbm>> -> memref<80x64xf32, #tpu.memory_space<hbm>>
          %dma_start3A_107 = arith.constant 0 : i32
          %dma_start3A_108 = tpu.memref_slice %arg6[%mul3A_98, %dma_start3A_107] : memref<51200x64xf32, #tpu.memory_space<hbm>> -> memref<80x64xf32, #tpu.memory_space<hbm>>
          tpu.enqueue_dma source(%dma_start3A_108 : memref<80x64xf32, #tpu.memory_space<hbm>>) target(%arg17 : memref<80x64xf32, #tpu.memory_space<vmem>>) target_semaphore(%arg22 : memref<!tpu.dma_semaphore, #tpu.memory_space<semaphore_mem>>)
        } else {
        }
      }
      %scan3A_55 = arith.constant 20 : i32
    } else {
    }
    %eq3A_22 = arith.constant 1 : i32
    %eq3A_23 = arith.cmpi eq, %arg0, %eq3A_22 : i32
    %convert_element_type3A_24 = arith.extui %eq3A_23 : i1 to i32
    %cond3A_25 = arith.constant 0 : i32
    %cond3A_26 = arith.cmpi ne, %convert_element_type3A_24, %cond3A_25 : i32
    scf.if %cond3A_26 {
      %add3A_38 = arith.constant 0 : i32
      %add3A_39 = arith.addi %add3A_38, %arg1 : i32
      %lt3A = arith.constant 640 : i32
      %lt3A_40 = arith.cmpi slt, %add3A_39, %lt3A : i32
      %convert_element_type3A_41 = arith.extui %lt3A_40 : i1 to i32
      %cond3A_42 = arith.constant 0 : i32
      %cond3A_43 = arith.cmpi ne, %convert_element_type3A_41, %cond3A_42 : i32
      scf.if %cond3A_43 {
        %mul3A_56 = arith.constant 80 : i32
        %mul3A_57 = arith.muli %add3A_39, %mul3A_56 : i32
        %add3A_58 = arith.constant 0 : i32
        %add3A_59 = arith.addi %add3A_58, %mul3A_57 : i32
        "tpu.region"() ({
          %run_scoped3A = tpu.sem_alloc : memref<!tpu.dma_semaphore, #tpu.memory_space<semaphore_mem>>
          %dma_start3A_68 = tpu.memref_slice %arg5[%add3A_59] : memref<160000xi32, #tpu.memory_space<hbm>> -> memref<80xi32, #tpu.memory_space<hbm>>
          %dma_start3A_69 = tpu.memref_slice %arg5[%add3A_59] : memref<160000xi32, #tpu.memory_space<hbm>> -> memref<80xi32, #tpu.memory_space<hbm>>
          tpu.enqueue_dma source(%dma_start3A_69 : memref<80xi32, #tpu.memory_space<hbm>>) target(%arg10 : memref<80xi32, #tpu.memory_space<vmem>>) target_semaphore(%run_scoped3A : memref<!tpu.dma_semaphore, #tpu.memory_space<semaphore_mem>>)
          %dma_wait3A = tpu.memref_slice %arg5[%add3A_59] : memref<160000xi32, #tpu.memory_space<hbm>> -> memref<80xi32, #tpu.memory_space<hbm>>
          %dma_wait3A_70 = tpu.memref_slice %arg5[%add3A_59] : memref<160000xi32, #tpu.memory_space<hbm>> -> memref<80xi32, #tpu.memory_space<hbm>>
          tpu.wait_dma2 semaphore(%run_scoped3A : memref<!tpu.dma_semaphore, #tpu.memory_space<semaphore_mem>>) src(%dma_wait3A_70 : memref<80xi32, #tpu.memory_space<hbm>>) dst(%arg10 : memref<80xi32, #tpu.memory_space<vmem>>)
          tpu.yield
        }) : () -> ()
        %add3A_60 = arith.constant 0 : i32
        %add3A_61 = arith.addi %add3A_60, %mul3A_57 : i32
        "tpu.region"() ({
          %run_scoped3A = tpu.sem_alloc : memref<!tpu.dma_semaphore, #tpu.memory_space<semaphore_mem>>
          %dma_start3A_68 = tpu.memref_slice %arg4[%add3A_61] : memref<160000xi32, #tpu.memory_space<hbm>> -> memref<80xi32, #tpu.memory_space<hbm>>
          %dma_start3A_69 = tpu.memref_slice %arg4[%add3A_61] : memref<160000xi32, #tpu.memory_space<hbm>> -> memref<80xi32, #tpu.memory_space<hbm>>
          tpu.enqueue_dma source(%dma_start3A_69 : memref<80xi32, #tpu.memory_space<hbm>>) target(%arg11 : memref<80xi32, #tpu.memory_space<vmem>>) target_semaphore(%run_scoped3A : memref<!tpu.dma_semaphore, #tpu.memory_space<semaphore_mem>>)
          %dma_wait3A = tpu.memref_slice %arg4[%add3A_61] : memref<160000xi32, #tpu.memory_space<hbm>> -> memref<80xi32, #tpu.memory_space<hbm>>
          %dma_wait3A_70 = tpu.memref_slice %arg4[%add3A_61] : memref<160000xi32, #tpu.memory_space<hbm>> -> memref<80xi32, #tpu.memory_space<hbm>>
          tpu.wait_dma2 semaphore(%run_scoped3A : memref<!tpu.dma_semaphore, #tpu.memory_space<semaphore_mem>>) src(%dma_wait3A_70 : memref<80xi32, #tpu.memory_space<hbm>>) dst(%arg11 : memref<80xi32, #tpu.memory_space<vmem>>)
          tpu.yield
        }) : () -> ()
        %dma_start3A = arith.constant 0 : i32
        %dma_start3A_62 = arith.constant 0 : i32
        %dma_start3A_63 = tpu.memref_slice %arg3[%dma_start3A, %dma_start3A_62] : memref<10000x128xf32, #tpu.memory_space<hbm>> -> memref<10000x128xf32, #tpu.memory_space<hbm>>
        tpu.enqueue_indirect_dma source(%dma_start3A_63 : memref<10000x128xf32, #tpu.memory_space<hbm>>) target(%arg12 : memref<80x128xf32, #tpu.memory_space<vmem>>) offsets(%arg10 : memref<80xi32, #tpu.memory_space<vmem>>) semaphore(%arg19 : memref<!tpu.dma_semaphore, #tpu.memory_space<semaphore_mem>>)
        %dma_start3A_64 = arith.constant 0 : i32
        %dma_start3A_65 = tpu.memref_slice %arg7[%mul3A_57, %dma_start3A_64] : memref<51200x64xf32, #tpu.memory_space<hbm>> -> memref<80x64xf32, #tpu.memory_space<hbm>>
        %dma_start3A_66 = arith.constant 0 : i32
        %dma_start3A_67 = tpu.memref_slice %arg7[%mul3A_57, %dma_start3A_66] : memref<51200x64xf32, #tpu.memory_space<hbm>> -> memref<80x64xf32, #tpu.memory_space<hbm>>
        tpu.enqueue_dma source(%dma_start3A_67 : memref<80x64xf32, #tpu.memory_space<hbm>>) target(%arg13 : memref<80x64xf32, #tpu.memory_space<vmem>>) target_semaphore(%arg20 : memref<!tpu.dma_semaphore, #tpu.memory_space<semaphore_mem>>)
      } else {
      }
      %add3A_44 = arith.constant 16 : i32
      %add3A_45 = arith.addi %add3A_44, %arg1 : i32
      %lt3A_46 = arith.constant 640 : i32
      %lt3A_47 = arith.cmpi slt, %add3A_45, %lt3A_46 : i32
      %convert_element_type3A_48 = arith.extui %lt3A_47 : i1 to i32
      %cond3A_49 = arith.constant 0 : i32
      %cond3A_50 = arith.cmpi ne, %convert_element_type3A_48, %cond3A_49 : i32
      scf.if %cond3A_50 {
        %mul3A_56 = arith.constant 80 : i32
        %mul3A_57 = arith.muli %add3A_45, %mul3A_56 : i32
        %add3A_58 = arith.constant 0 : i32
        %add3A_59 = arith.addi %add3A_58, %mul3A_57 : i32
        "tpu.region"() ({
          %run_scoped3A = tpu.sem_alloc : memref<!tpu.dma_semaphore, #tpu.memory_space<semaphore_mem>>
          %dma_start3A_68 = tpu.memref_slice %arg5[%add3A_59] : memref<160000xi32, #tpu.memory_space<hbm>> -> memref<80xi32, #tpu.memory_space<hbm>>
          %dma_start3A_69 = tpu.memref_slice %arg5[%add3A_59] : memref<160000xi32, #tpu.memory_space<hbm>> -> memref<80xi32, #tpu.memory_space<hbm>>
          tpu.enqueue_dma source(%dma_start3A_69 : memref<80xi32, #tpu.memory_space<hbm>>) target(%arg14 : memref<80xi32, #tpu.memory_space<vmem>>) target_semaphore(%run_scoped3A : memref<!tpu.dma_semaphore, #tpu.memory_space<semaphore_mem>>)
          %dma_wait3A = tpu.memref_slice %arg5[%add3A_59] : memref<160000xi32, #tpu.memory_space<hbm>> -> memref<80xi32, #tpu.memory_space<hbm>>
          %dma_wait3A_70 = tpu.memref_slice %arg5[%add3A_59] : memref<160000xi32, #tpu.memory_space<hbm>> -> memref<80xi32, #tpu.memory_space<hbm>>
          tpu.wait_dma2 semaphore(%run_scoped3A : memref<!tpu.dma_semaphore, #tpu.memory_space<semaphore_mem>>) src(%dma_wait3A_70 : memref<80xi32, #tpu.memory_space<hbm>>) dst(%arg14 : memref<80xi32, #tpu.memory_space<vmem>>)
          tpu.yield
        }) : () -> ()
        %add3A_60 = arith.constant 0 : i32
        %add3A_61 = arith.addi %add3A_60, %mul3A_57 : i32
        "tpu.region"() ({
          %run_scoped3A = tpu.sem_alloc : memref<!tpu.dma_semaphore, #tpu.memory_space<semaphore_mem>>
          %dma_start3A_68 = tpu.memref_slice %arg4[%add3A_61] : memref<160000xi32, #tpu.memory_space<hbm>> -> memref<80xi32, #tpu.memory_space<hbm>>
          %dma_start3A_69 = tpu.memref_slice %arg4[%add3A_61] : memref<160000xi32, #tpu.memory_space<hbm>> -> memref<80xi32, #tpu.memory_space<hbm>>
          tpu.enqueue_dma source(%dma_start3A_69 : memref<80xi32, #tpu.memory_space<hbm>>) target(%arg15 : memref<80xi32, #tpu.memory_space<vmem>>) target_semaphore(%run_scoped3A : memref<!tpu.dma_semaphore, #tpu.memory_space<semaphore_mem>>)
          %dma_wait3A = tpu.memref_slice %arg4[%add3A_61] : memref<160000xi32, #tpu.memory_space<hbm>> -> memref<80xi32, #tpu.memory_space<hbm>>
          %dma_wait3A_70 = tpu.memref_slice %arg4[%add3A_61] : memref<160000xi32, #tpu.memory_space<hbm>> -> memref<80xi32, #tpu.memory_space<hbm>>
          tpu.wait_dma2 semaphore(%run_scoped3A : memref<!tpu.dma_semaphore, #tpu.memory_space<semaphore_mem>>) src(%dma_wait3A_70 : memref<80xi32, #tpu.memory_space<hbm>>) dst(%arg15 : memref<80xi32, #tpu.memory_space<vmem>>)
          tpu.yield
        }) : () -> ()
        %dma_start3A = arith.constant 0 : i32
        %dma_start3A_62 = arith.constant 0 : i32
        %dma_start3A_63 = tpu.memref_slice %arg3[%dma_start3A, %dma_start3A_62] : memref<10000x128xf32, #tpu.memory_space<hbm>> -> memref<10000x128xf32, #tpu.memory_space<hbm>>
        tpu.enqueue_indirect_dma source(%dma_start3A_63 : memref<10000x128xf32, #tpu.memory_space<hbm>>) target(%arg16 : memref<80x128xf32, #tpu.memory_space<vmem>>) offsets(%arg14 : memref<80xi32, #tpu.memory_space<vmem>>) semaphore(%arg21 : memref<!tpu.dma_semaphore, #tpu.memory_space<semaphore_mem>>)
        %dma_start3A_64 = arith.constant 0 : i32
        %dma_start3A_65 = tpu.memref_slice %arg7[%mul3A_57, %dma_start3A_64] : memref<51200x64xf32, #tpu.memory_space<hbm>> -> memref<80x64xf32, #tpu.memory_space<hbm>>
        %dma_start3A_66 = arith.constant 0 : i32
        %dma_start3A_67 = tpu.memref_slice %arg7[%mul3A_57, %dma_start3A_66] : memref<51200x64xf32, #tpu.memory_space<hbm>> -> memref<80x64xf32, #tpu.memory_space<hbm>>
        tpu.enqueue_dma source(%dma_start3A_67 : memref<80x64xf32, #tpu.memory_space<hbm>>) target(%arg17 : memref<80x64xf32, #tpu.memory_space<vmem>>) target_semaphore(%arg22 : memref<!tpu.dma_semaphore, #tpu.memory_space<semaphore_mem>>)
      } else {
      }
      %scan3A_51 = arith.constant 0 : i32
      %scan3A_52 = arith.constant 20 : i32
      %scan3A_53 = arith.addi %scan3A_51, %scan3A_52 : i32
      %scan3A_54 = arith.constant 1 : i32
      scf.for %scan3A_56 = %scan3A_51 to %scan3A_53 step %scan3A_54  : i32 {
        %mul3A_57 = arith.constant 2 : i32
        %mul3A_58 = arith.muli %scan3A_56, %mul3A_57 : i32
        %mul3A_59 = arith.constant 16 : i32
        %mul3A_60 = arith.muli %mul3A_58, %mul3A_59 : i32
        %add3A_61 = arith.addi %mul3A_60, %arg1 : i32
        %lt3A_62 = arith.constant 640 : i32
        %lt3A_63 = arith.cmpi slt, %add3A_61, %lt3A_62 : i32
        %convert_element_type3A_64 = arith.extui %lt3A_63 : i1 to i32
        %cond3A_65 = arith.constant 0 : i32
        %cond3A_66 = arith.cmpi ne, %convert_element_type3A_64, %cond3A_65 : i32
        scf.if %cond3A_66 {
          %mul3A_97 = arith.constant 80 : i32
          %mul3A_98 = arith.muli %add3A_61, %mul3A_97 : i32
          %dma_wait3A = arith.constant 0 : i32
          %dma_wait3A_99 = arith.constant 0 : i32
          %dma_wait3A_100 = tpu.memref_slice %arg3[%dma_wait3A, %dma_wait3A_99] : memref<10000x128xf32, #tpu.memory_space<hbm>> -> memref<10000x128xf32, #tpu.memory_space<hbm>>
          tpu.wait_indirect_dma semaphore(%arg19 : memref<!tpu.dma_semaphore, #tpu.memory_space<semaphore_mem>>) src(%dma_wait3A_100 : memref<10000x128xf32, #tpu.memory_space<hbm>>) dst(%arg12 : memref<80x128xf32, #tpu.memory_space<vmem>>)
          %dma_wait3A_101 = arith.constant 0 : i32
          %dma_wait3A_102 = tpu.memref_slice %arg7[%mul3A_98, %dma_wait3A_101] : memref<51200x64xf32, #tpu.memory_space<hbm>> -> memref<80x64xf32, #tpu.memory_space<hbm>>
          %dma_wait3A_103 = arith.constant 0 : i32
          %dma_wait3A_104 = tpu.memref_slice %arg7[%mul3A_98, %dma_wait3A_103] : memref<51200x64xf32, #tpu.memory_space<hbm>> -> memref<80x64xf32, #tpu.memory_space<hbm>>
          tpu.wait_dma2 semaphore(%arg20 : memref<!tpu.dma_semaphore, #tpu.memory_space<semaphore_mem>>) src(%dma_wait3A_104 : memref<80x64xf32, #tpu.memory_space<hbm>>) dst(%arg13 : memref<80x64xf32, #tpu.memory_space<vmem>>)
          %scan3A_105 = arith.constant -65536 : i32
          %scan3A_106 = arith.constant 0 : i32
          %scan3A_107 = arith.constant 80 : i32
          %scan3A_108 = arith.addi %scan3A_106, %scan3A_107 : i32
          %scan3A_109 = arith.constant 1 : i32
          scf.for %scan3A_111 = %scan3A_106 to %scan3A_108 step %scan3A_109  : i32 {
            %get3A = arith.index_cast %scan3A_111 : i32 to index
            %get3A_112 = arith.constant 0 : index
            %get3A_113 = tpu.vector_load %arg13[%get3A, %get3A_112] {strides = array<i32>} : memref<80x64xf32, #tpu.memory_space<vmem>>, vector<1x16xf32>,
            %get3A_114 = vector.shape_cast %get3A_113 : vector<1x16xf32> to vector<16xf32>
            %bitcast_convert_type3A = tpu.bitcast %get3A_114 : vector<16xf32> -> vector<16xi32>
            %shift_left3A = arith.constant 16 : i32
            %shift_left3A_115 = vector.broadcast %shift_left3A : i32 to vector<16xi32>
            %shift_left3A_116 = arith.shli %bitcast_convert_type3A, %shift_left3A_115 : vector<16xi32>
            %bitcast_convert_type3A_117 = tpu.bitcast %shift_left3A_116 : vector<16xi32> -> vector<16xf32>
            %and3A = vector.broadcast %scan3A_105 : i32 to vector<16xi32>
            %and3A_118 = arith.andi %bitcast_convert_type3A, %and3A : vector<16xi32>
            %bitcast_convert_type3A_119 = tpu.bitcast %and3A_118 : vector<16xi32> -> vector<16xf32>
            %get3A_120 = arith.index_cast %scan3A_111 : i32 to index
            %get3A_121 = arith.constant 0 : index
            %get3A_122 = tpu.vector_load %arg12[%get3A_120, %get3A_121] {strides = array<i32>} : memref<80x128xf32, #tpu.memory_space<vmem>>, vector<1x16xf32>,
            %get3A_123 = vector.shape_cast %get3A_122 : vector<1x16xf32> to vector<16xf32>
            %mul3A_124 = arith.mulf %get3A_123, %bitcast_convert_type3A_117 : vector<16xf32>
            %swap3A = arith.index_cast %scan3A_111 : i32 to index
            %swap3A_125 = arith.constant 0 : index
            %swap3A_126 = tpu.vector_load %arg12[%swap3A, %swap3A_125] {strides = array<i32>} : memref<80x128xf32, #tpu.memory_space<vmem>>, vector<1x16xf32>,
            %swap3A_127 = vector.shape_cast %swap3A_126 : vector<1x16xf32> to vector<16xf32>
            %swap3A_128 = vector.shape_cast %mul3A_124 : vector<16xf32> to vector<1x16xf32>
            tpu.vector_store %arg12[%swap3A, %swap3A_125], %swap3A_128 {strides = array<i32>} : memref<80x128xf32, #tpu.memory_space<vmem>>, vector<1x16xf32>,
            %get3A_129 = arith.index_cast %scan3A_111 : i32 to index
            %get3A_130 = arith.constant 64 : index
            %get3A_131 = tpu.vector_load %arg12[%get3A_129, %get3A_130] {strides = array<i32>} : memref<80x128xf32, #tpu.memory_space<vmem>>, vector<1x16xf32>,
            %get3A_132 = vector.shape_cast %get3A_131 : vector<1x16xf32> to vector<16xf32>
            %mul3A_133 = arith.mulf %get3A_132, %bitcast_convert_type3A_119 : vector<16xf32>
            %swap3A_134 = arith.index_cast %scan3A_111 : i32 to index
            %swap3A_135 = arith.constant 64 : index
            %swap3A_136 = tpu.vector_load %arg12[%swap3A_134, %swap3A_135] {strides = array<i32>} : memref<80x128xf32, #tpu.memory_space<vmem>>, vector<1x16xf32>,
            %swap3A_137 = vector.shape_cast %swap3A_136 : vector<1x16xf32> to vector<16xf32>
            %swap3A_138 = vector.shape_cast %mul3A_133 : vector<16xf32> to vector<1x16xf32>
            tpu.vector_store %arg12[%swap3A_134, %swap3A_135], %swap3A_138 {strides = array<i32>} : memref<80x128xf32, #tpu.memory_space<vmem>>, vector<1x16xf32>,
            %get3A_139 = arith.index_cast %scan3A_111 : i32 to index
            %get3A_140 = arith.constant 16 : index
            %get3A_141 = tpu.vector_load %arg13[%get3A_139, %get3A_140] {strides = array<i32>} : memref<80x64xf32, #tpu.memory_space<vmem>>, vector<1x16xf32>,
            %get3A_142 = vector.shape_cast %get3A_141 : vector<1x16xf32> to vector<16xf32>
            %bitcast_convert_type3A_143 = tpu.bitcast %get3A_142 : vector<16xf32> -> vector<16xi32>
            %shift_left3A_144 = arith.constant 16 : i32
            %shift_left3A_145 = vector.broadcast %shift_left3A_144 : i32 to vector<16xi32>
            %shift_left3A_146 = arith.shli %bitcast_convert_type3A_143, %shift_left3A_145 : vector<16xi32>
            %bitcast_convert_type3A_147 = tpu.bitcast %shift_left3A_146 : vector<16xi32> -> vector<16xf32>
            %and3A_148 = vector.broadcast %scan3A_105 : i32 to vector<16xi32>
            %and3A_149 = arith.andi %bitcast_convert_type3A_143, %and3A_148 : vector<16xi32>
            %bitcast_convert_type3A_150 = tpu.bitcast %and3A_149 : vector<16xi32> -> vector<16xf32>
            %get3A_151 = arith.index_cast %scan3A_111 : i32 to index
            %get3A_152 = arith.constant 16 : index
            %get3A_153 = tpu.vector_load %arg12[%get3A_151, %get3A_152] {strides = array<i32>} : memref<80x128xf32, #tpu.memory_space<vmem>>, vector<1x16xf32>,
            %get3A_154 = vector.shape_cast %get3A_153 : vector<1x16xf32> to vector<16xf32>
            %mul3A_155 = arith.mulf %get3A_154, %bitcast_convert_type3A_147 : vector<16xf32>
            %swap3A_156 = arith.index_cast %scan3A_111 : i32 to index
            %swap3A_157 = arith.constant 16 : index
            %swap3A_158 = tpu.vector_load %arg12[%swap3A_156, %swap3A_157] {strides = array<i32>} : memref<80x128xf32, #tpu.memory_space<vmem>>, vector<1x16xf32>,
            %swap3A_159 = vector.shape_cast %swap3A_158 : vector<1x16xf32> to vector<16xf32>
            %swap3A_160 = vector.shape_cast %mul3A_155 : vector<16xf32> to vector<1x16xf32>
            tpu.vector_store %arg12[%swap3A_156, %swap3A_157], %swap3A_160 {strides = array<i32>} : memref<80x128xf32, #tpu.memory_space<vmem>>, vector<1x16xf32>,
            %get3A_161 = arith.index_cast %scan3A_111 : i32 to index
            %get3A_162 = arith.constant 80 : index
            %get3A_163 = tpu.vector_load %arg12[%get3A_161, %get3A_162] {strides = array<i32>} : memref<80x128xf32, #tpu.memory_space<vmem>>, vector<1x16xf32>,
            %get3A_164 = vector.shape_cast %get3A_163 : vector<1x16xf32> to vector<16xf32>
            %mul3A_165 = arith.mulf %get3A_164, %bitcast_convert_type3A_150 : vector<16xf32>
            %swap3A_166 = arith.index_cast %scan3A_111 : i32 to index
            %swap3A_167 = arith.constant 80 : index
            %swap3A_168 = tpu.vector_load %arg12[%swap3A_166, %swap3A_167] {strides = array<i32>} : memref<80x128xf32, #tpu.memory_space<vmem>>, vector<1x16xf32>,
            %swap3A_169 = vector.shape_cast %swap3A_168 : vector<1x16xf32> to vector<16xf32>
            %swap3A_170 = vector.shape_cast %mul3A_165 : vector<16xf32> to vector<1x16xf32>
            tpu.vector_store %arg12[%swap3A_166, %swap3A_167], %swap3A_170 {strides = array<i32>} : memref<80x128xf32, #tpu.memory_space<vmem>>, vector<1x16xf32>,
            %get3A_171 = arith.index_cast %scan3A_111 : i32 to index
            %get3A_172 = arith.constant 32 : index
            %get3A_173 = tpu.vector_load %arg13[%get3A_171, %get3A_172] {strides = array<i32>} : memref<80x64xf32, #tpu.memory_space<vmem>>, vector<1x16xf32>,
            %get3A_174 = vector.shape_cast %get3A_173 : vector<1x16xf32> to vector<16xf32>
            %bitcast_convert_type3A_175 = tpu.bitcast %get3A_174 : vector<16xf32> -> vector<16xi32>
            %shift_left3A_176 = arith.constant 16 : i32
            %shift_left3A_177 = vector.broadcast %shift_left3A_176 : i32 to vector<16xi32>
            %shift_left3A_178 = arith.shli %bitcast_convert_type3A_175, %shift_left3A_177 : vector<16xi32>
            %bitcast_convert_type3A_179 = tpu.bitcast %shift_left3A_178 : vector<16xi32> -> vector<16xf32>
            %and3A_180 = vector.broadcast %scan3A_105 : i32 to vector<16xi32>
            %and3A_181 = arith.andi %bitcast_convert_type3A_175, %and3A_180 : vector<16xi32>
            %bitcast_convert_type3A_182 = tpu.bitcast %and3A_181 : vector<16xi32> -> vector<16xf32>
            %get3A_183 = arith.index_cast %scan3A_111 : i32 to index
            %get3A_184 = arith.constant 32 : index
            %get3A_185 = tpu.vector_load %arg12[%get3A_183, %get3A_184] {strides = array<i32>} : memref<80x128xf32, #tpu.memory_space<vmem>>, vector<1x16xf32>,
            %get3A_186 = vector.shape_cast %get3A_185 : vector<1x16xf32> to vector<16xf32>
            %mul3A_187 = arith.mulf %get3A_186, %bitcast_convert_type3A_179 : vector<16xf32>
            %swap3A_188 = arith.index_cast %scan3A_111 : i32 to index
            %swap3A_189 = arith.constant 32 : index
            %swap3A_190 = tpu.vector_load %arg12[%swap3A_188, %swap3A_189] {strides = array<i32>} : memref<80x128xf32, #tpu.memory_space<vmem>>, vector<1x16xf32>,
            %swap3A_191 = vector.shape_cast %swap3A_190 : vector<1x16xf32> to vector<16xf32>
            %swap3A_192 = vector.shape_cast %mul3A_187 : vector<16xf32> to vector<1x16xf32>
            tpu.vector_store %arg12[%swap3A_188, %swap3A_189], %swap3A_192 {strides = array<i32>} : memref<80x128xf32, #tpu.memory_space<vmem>>, vector<1x16xf32>,
            %get3A_193 = arith.index_cast %scan3A_111 : i32 to index
            %get3A_194 = arith.constant 96 : index
            %get3A_195 = tpu.vector_load %arg12[%get3A_193, %get3A_194] {strides = array<i32>} : memref<80x128xf32, #tpu.memory_space<vmem>>, vector<1x16xf32>,
            %get3A_196 = vector.shape_cast %get3A_195 : vector<1x16xf32> to vector<16xf32>
            %mul3A_197 = arith.mulf %get3A_196, %bitcast_convert_type3A_182 : vector<16xf32>
            %swap3A_198 = arith.index_cast %scan3A_111 : i32 to index
            %swap3A_199 = arith.constant 96 : index
            %swap3A_200 = tpu.vector_load %arg12[%swap3A_198, %swap3A_199] {strides = array<i32>} : memref<80x128xf32, #tpu.memory_space<vmem>>, vector<1x16xf32>,
            %swap3A_201 = vector.shape_cast %swap3A_200 : vector<1x16xf32> to vector<16xf32>
            %swap3A_202 = vector.shape_cast %mul3A_197 : vector<16xf32> to vector<1x16xf32>
            tpu.vector_store %arg12[%swap3A_198, %swap3A_199], %swap3A_202 {strides = array<i32>} : memref<80x128xf32, #tpu.memory_space<vmem>>, vector<1x16xf32>,
            %get3A_203 = arith.index_cast %scan3A_111 : i32 to index
            %get3A_204 = arith.constant 48 : index
            %get3A_205 = tpu.vector_load %arg13[%get3A_203, %get3A_204] {strides = array<i32>} : memref<80x64xf32, #tpu.memory_space<vmem>>, vector<1x16xf32>,
            %get3A_206 = vector.shape_cast %get3A_205 : vector<1x16xf32> to vector<16xf32>
            %bitcast_convert_type3A_207 = tpu.bitcast %get3A_206 : vector<16xf32> -> vector<16xi32>
            %shift_left3A_208 = arith.constant 16 : i32
            %shift_left3A_209 = vector.broadcast %shift_left3A_208 : i32 to vector<16xi32>
            %shift_left3A_210 = arith.shli %bitcast_convert_type3A_207, %shift_left3A_209 : vector<16xi32>
            %bitcast_convert_type3A_211 = tpu.bitcast %shift_left3A_210 : vector<16xi32> -> vector<16xf32>
            %and3A_212 = vector.broadcast %scan3A_105 : i32 to vector<16xi32>
            %and3A_213 = arith.andi %bitcast_convert_type3A_207, %and3A_212 : vector<16xi32>
            %bitcast_convert_type3A_214 = tpu.bitcast %and3A_213 : vector<16xi32> -> vector<16xf32>
            %get3A_215 = arith.index_cast %scan3A_111 : i32 to index
            %get3A_216 = arith.constant 48 : index
            %get3A_217 = tpu.vector_load %arg12[%get3A_215, %get3A_216] {strides = array<i32>} : memref<80x128xf32, #tpu.memory_space<vmem>>, vector<1x16xf32>,
            %get3A_218 = vector.shape_cast %get3A_217 : vector<1x16xf32> to vector<16xf32>
            %mul3A_219 = arith.mulf %get3A_218, %bitcast_convert_type3A_211 : vector<16xf32>
            %swap3A_220 = arith.index_cast %scan3A_111 : i32 to index
            %swap3A_221 = arith.constant 48 : index
            %swap3A_222 = tpu.vector_load %arg12[%swap3A_220, %swap3A_221] {strides = array<i32>} : memref<80x128xf32, #tpu.memory_space<vmem>>, vector<1x16xf32>,
            %swap3A_223 = vector.shape_cast %swap3A_222 : vector<1x16xf32> to vector<16xf32>
            %swap3A_224 = vector.shape_cast %mul3A_219 : vector<16xf32> to vector<1x16xf32>
            tpu.vector_store %arg12[%swap3A_220, %swap3A_221], %swap3A_224 {strides = array<i32>} : memref<80x128xf32, #tpu.memory_space<vmem>>, vector<1x16xf32>,
            %get3A_225 = arith.index_cast %scan3A_111 : i32 to index
            %get3A_226 = arith.constant 112 : index
            %get3A_227 = tpu.vector_load %arg12[%get3A_225, %get3A_226] {strides = array<i32>} : memref<80x128xf32, #tpu.memory_space<vmem>>, vector<1x16xf32>,
            %get3A_228 = vector.shape_cast %get3A_227 : vector<1x16xf32> to vector<16xf32>
            %mul3A_229 = arith.mulf %get3A_228, %bitcast_convert_type3A_214 : vector<16xf32>
            %swap3A_230 = arith.index_cast %scan3A_111 : i32 to index
            %swap3A_231 = arith.constant 112 : index
            %swap3A_232 = tpu.vector_load %arg12[%swap3A_230, %swap3A_231] {strides = array<i32>} : memref<80x128xf32, #tpu.memory_space<vmem>>, vector<1x16xf32>,
            %swap3A_233 = vector.shape_cast %swap3A_232 : vector<1x16xf32> to vector<16xf32>
            %swap3A_234 = vector.shape_cast %mul3A_229 : vector<16xf32> to vector<1x16xf32>
            tpu.vector_store %arg12[%swap3A_230, %swap3A_231], %swap3A_234 {strides = array<i32>} : memref<80x128xf32, #tpu.memory_space<vmem>>, vector<1x16xf32>,
          }
          %scan3A_110 = arith.constant 80 : i32
          "tpu.region"() ({
            %run_scoped3A = tpu.sem_alloc : memref<!tpu.dma_semaphore, #tpu.memory_space<semaphore_mem>>
            %dma_start3A = arith.constant 0 : i32
            %dma_start3A_111 = arith.constant 0 : i32
            %dma_start3A_112 = tpu.memref_slice %arg18[%dma_start3A, %dma_start3A_111] : memref<10240x128xf32, #tpu.memory_space<vmem_shared>> -> memref<10240x128xf32, #tpu.memory_space<vmem_shared>>
            tpu.enqueue_indirect_dma source(%arg12 : memref<80x128xf32, #tpu.memory_space<vmem>>) target(%dma_start3A_112 : memref<10240x128xf32, #tpu.memory_space<vmem_shared>>) offsets(%arg11 : memref<80xi32, #tpu.memory_space<vmem>>) semaphore(%run_scoped3A : memref<!tpu.dma_semaphore, #tpu.memory_space<semaphore_mem>>) {add = true}
            %dma_wait3A_113 = arith.constant 0 : i32
            %dma_wait3A_114 = arith.constant 0 : i32
            %dma_wait3A_115 = tpu.memref_slice %arg18[%dma_wait3A_113, %dma_wait3A_114] : memref<10240x128xf32, #tpu.memory_space<vmem_shared>> -> memref<10240x128xf32, #tpu.memory_space<vmem_shared>>
            tpu.wait_indirect_dma semaphore(%run_scoped3A : memref<!tpu.dma_semaphore, #tpu.memory_space<semaphore_mem>>) src(%arg12 : memref<80x128xf32, #tpu.memory_space<vmem>>) dst(%dma_wait3A_115 : memref<10240x128xf32, #tpu.memory_space<vmem_shared>>)
            tpu.yield
          }) : () -> ()
        } else {
        }
        %add3A_67 = arith.constant 2 : i32
        %add3A_68 = arith.addi %mul3A_58, %add3A_67 : i32
        %mul3A_69 = arith.constant 16 : i32
        %mul3A_70 = arith.muli %add3A_68, %mul3A_69 : i32
        %add3A_71 = arith.addi %mul3A_70, %arg1 : i32
        %lt3A_72 = arith.constant 640 : i32
        %lt3A_73 = arith.cmpi slt, %add3A_71, %lt3A_72 : i32
        %convert_element_type3A_74 = arith.extui %lt3A_73 : i1 to i32
        %cond3A_75 = arith.constant 0 : i32
        %cond3A_76 = arith.cmpi ne, %convert_element_type3A_74, %cond3A_75 : i32
        scf.if %cond3A_76 {
          %mul3A_97 = arith.constant 80 : i32
          %mul3A_98 = arith.muli %add3A_71, %mul3A_97 : i32
          %add3A_99 = arith.constant 0 : i32
          %add3A_100 = arith.addi %add3A_99, %mul3A_98 : i32
          "tpu.region"() ({
            %run_scoped3A = tpu.sem_alloc : memref<!tpu.dma_semaphore, #tpu.memory_space<semaphore_mem>>
            %dma_start3A_109 = tpu.memref_slice %arg5[%add3A_100] : memref<160000xi32, #tpu.memory_space<hbm>> -> memref<80xi32, #tpu.memory_space<hbm>>
            %dma_start3A_110 = tpu.memref_slice %arg5[%add3A_100] : memref<160000xi32, #tpu.memory_space<hbm>> -> memref<80xi32, #tpu.memory_space<hbm>>
            tpu.enqueue_dma source(%dma_start3A_110 : memref<80xi32, #tpu.memory_space<hbm>>) target(%arg10 : memref<80xi32, #tpu.memory_space<vmem>>) target_semaphore(%run_scoped3A : memref<!tpu.dma_semaphore, #tpu.memory_space<semaphore_mem>>)
            %dma_wait3A = tpu.memref_slice %arg5[%add3A_100] : memref<160000xi32, #tpu.memory_space<hbm>> -> memref<80xi32, #tpu.memory_space<hbm>>
            %dma_wait3A_111 = tpu.memref_slice %arg5[%add3A_100] : memref<160000xi32, #tpu.memory_space<hbm>> -> memref<80xi32, #tpu.memory_space<hbm>>
            tpu.wait_dma2 semaphore(%run_scoped3A : memref<!tpu.dma_semaphore, #tpu.memory_space<semaphore_mem>>) src(%dma_wait3A_111 : memref<80xi32, #tpu.memory_space<hbm>>) dst(%arg10 : memref<80xi32, #tpu.memory_space<vmem>>)
            tpu.yield
          }) : () -> ()
          %add3A_101 = arith.constant 0 : i32
          %add3A_102 = arith.addi %add3A_101, %mul3A_98 : i32
          "tpu.region"() ({
            %run_scoped3A = tpu.sem_alloc : memref<!tpu.dma_semaphore, #tpu.memory_space<semaphore_mem>>
            %dma_start3A_109 = tpu.memref_slice %arg4[%add3A_102] : memref<160000xi32, #tpu.memory_space<hbm>> -> memref<80xi32, #tpu.memory_space<hbm>>
            %dma_start3A_110 = tpu.memref_slice %arg4[%add3A_102] : memref<160000xi32, #tpu.memory_space<hbm>> -> memref<80xi32, #tpu.memory_space<hbm>>
            tpu.enqueue_dma source(%dma_start3A_110 : memref<80xi32, #tpu.memory_space<hbm>>) target(%arg11 : memref<80xi32, #tpu.memory_space<vmem>>) target_semaphore(%run_scoped3A : memref<!tpu.dma_semaphore, #tpu.memory_space<semaphore_mem>>)
            %dma_wait3A = tpu.memref_slice %arg4[%add3A_102] : memref<160000xi32, #tpu.memory_space<hbm>> -> memref<80xi32, #tpu.memory_space<hbm>>
            %dma_wait3A_111 = tpu.memref_slice %arg4[%add3A_102] : memref<160000xi32, #tpu.memory_space<hbm>> -> memref<80xi32, #tpu.memory_space<hbm>>
            tpu.wait_dma2 semaphore(%run_scoped3A : memref<!tpu.dma_semaphore, #tpu.memory_space<semaphore_mem>>) src(%dma_wait3A_111 : memref<80xi32, #tpu.memory_space<hbm>>) dst(%arg11 : memref<80xi32, #tpu.memory_space<vmem>>)
            tpu.yield
          }) : () -> ()
          %dma_start3A = arith.constant 0 : i32
          %dma_start3A_103 = arith.constant 0 : i32
          %dma_start3A_104 = tpu.memref_slice %arg3[%dma_start3A, %dma_start3A_103] : memref<10000x128xf32, #tpu.memory_space<hbm>> -> memref<10000x128xf32, #tpu.memory_space<hbm>>
          tpu.enqueue_indirect_dma source(%dma_start3A_104 : memref<10000x128xf32, #tpu.memory_space<hbm>>) target(%arg12 : memref<80x128xf32, #tpu.memory_space<vmem>>) offsets(%arg10 : memref<80xi32, #tpu.memory_space<vmem>>) semaphore(%arg19 : memref<!tpu.dma_semaphore, #tpu.memory_space<semaphore_mem>>)
          %dma_start3A_105 = arith.constant 0 : i32
          %dma_start3A_106 = tpu.memref_slice %arg7[%mul3A_98, %dma_start3A_105] : memref<51200x64xf32, #tpu.memory_space<hbm>> -> memref<80x64xf32, #tpu.memory_space<hbm>>
          %dma_start3A_107 = arith.constant 0 : i32
          %dma_start3A_108 = tpu.memref_slice %arg7[%mul3A_98, %dma_start3A_107] : memref<51200x64xf32, #tpu.memory_space<hbm>> -> memref<80x64xf32, #tpu.memory_space<hbm>>
          tpu.enqueue_dma source(%dma_start3A_108 : memref<80x64xf32, #tpu.memory_space<hbm>>) target(%arg13 : memref<80x64xf32, #tpu.memory_space<vmem>>) target_semaphore(%arg20 : memref<!tpu.dma_semaphore, #tpu.memory_space<semaphore_mem>>)
        } else {
        }
        %add3A_77 = arith.constant 1 : i32
        %add3A_78 = arith.addi %mul3A_58, %add3A_77 : i32
        %mul3A_79 = arith.constant 16 : i32
        %mul3A_80 = arith.muli %add3A_78, %mul3A_79 : i32
        %add3A_81 = arith.addi %mul3A_80, %arg1 : i32
        %lt3A_82 = arith.constant 640 : i32
        %lt3A_83 = arith.cmpi slt, %add3A_81, %lt3A_82 : i32
        %convert_element_type3A_84 = arith.extui %lt3A_83 : i1 to i32
        %cond3A_85 = arith.constant 0 : i32
        %cond3A_86 = arith.cmpi ne, %convert_element_type3A_84, %cond3A_85 : i32
        scf.if %cond3A_86 {
          %mul3A_97 = arith.constant 80 : i32
          %mul3A_98 = arith.muli %add3A_81, %mul3A_97 : i32
          %dma_wait3A = arith.constant 0 : i32
          %dma_wait3A_99 = arith.constant 0 : i32
          %dma_wait3A_100 = tpu.memref_slice %arg3[%dma_wait3A, %dma_wait3A_99] : memref<10000x128xf32, #tpu.memory_space<hbm>> -> memref<10000x128xf32, #tpu.memory_space<hbm>>
          tpu.wait_indirect_dma semaphore(%arg21 : memref<!tpu.dma_semaphore, #tpu.memory_space<semaphore_mem>>) src(%dma_wait3A_100 : memref<10000x128xf32, #tpu.memory_space<hbm>>) dst(%arg16 : memref<80x128xf32, #tpu.memory_space<vmem>>)
          %dma_wait3A_101 = arith.constant 0 : i32
          %dma_wait3A_102 = tpu.memref_slice %arg7[%mul3A_98, %dma_wait3A_101] : memref<51200x64xf32, #tpu.memory_space<hbm>> -> memref<80x64xf32, #tpu.memory_space<hbm>>
          %dma_wait3A_103 = arith.constant 0 : i32
          %dma_wait3A_104 = tpu.memref_slice %arg7[%mul3A_98, %dma_wait3A_103] : memref<51200x64xf32, #tpu.memory_space<hbm>> -> memref<80x64xf32, #tpu.memory_space<hbm>>
          tpu.wait_dma2 semaphore(%arg22 : memref<!tpu.dma_semaphore, #tpu.memory_space<semaphore_mem>>) src(%dma_wait3A_104 : memref<80x64xf32, #tpu.memory_space<hbm>>) dst(%arg17 : memref<80x64xf32, #tpu.memory_space<vmem>>)
          %scan3A_105 = arith.constant -65536 : i32
          %scan3A_106 = arith.constant 0 : i32
          %scan3A_107 = arith.constant 80 : i32
          %scan3A_108 = arith.addi %scan3A_106, %scan3A_107 : i32
          %scan3A_109 = arith.constant 1 : i32
          scf.for %scan3A_111 = %scan3A_106 to %scan3A_108 step %scan3A_109  : i32 {
            %get3A = arith.index_cast %scan3A_111 : i32 to index
            %get3A_112 = arith.constant 0 : index
            %get3A_113 = tpu.vector_load %arg17[%get3A, %get3A_112] {strides = array<i32>} : memref<80x64xf32, #tpu.memory_space<vmem>>, vector<1x16xf32>,
            %get3A_114 = vector.shape_cast %get3A_113 : vector<1x16xf32> to vector<16xf32>
            %bitcast_convert_type3A = tpu.bitcast %get3A_114 : vector<16xf32> -> vector<16xi32>
            %shift_left3A = arith.constant 16 : i32
            %shift_left3A_115 = vector.broadcast %shift_left3A : i32 to vector<16xi32>
            %shift_left3A_116 = arith.shli %bitcast_convert_type3A, %shift_left3A_115 : vector<16xi32>
            %bitcast_convert_type3A_117 = tpu.bitcast %shift_left3A_116 : vector<16xi32> -> vector<16xf32>
            %and3A = vector.broadcast %scan3A_105 : i32 to vector<16xi32>
            %and3A_118 = arith.andi %bitcast_convert_type3A, %and3A : vector<16xi32>
            %bitcast_convert_type3A_119 = tpu.bitcast %and3A_118 : vector<16xi32> -> vector<16xf32>
            %get3A_120 = arith.index_cast %scan3A_111 : i32 to index
            %get3A_121 = arith.constant 0 : index
            %get3A_122 = tpu.vector_load %arg16[%get3A_120, %get3A_121] {strides = array<i32>} : memref<80x128xf32, #tpu.memory_space<vmem>>, vector<1x16xf32>,
            %get3A_123 = vector.shape_cast %get3A_122 : vector<1x16xf32> to vector<16xf32>
            %mul3A_124 = arith.mulf %get3A_123, %bitcast_convert_type3A_117 : vector<16xf32>
            %swap3A = arith.index_cast %scan3A_111 : i32 to index
            %swap3A_125 = arith.constant 0 : index
            %swap3A_126 = tpu.vector_load %arg16[%swap3A, %swap3A_125] {strides = array<i32>} : memref<80x128xf32, #tpu.memory_space<vmem>>, vector<1x16xf32>,
            %swap3A_127 = vector.shape_cast %swap3A_126 : vector<1x16xf32> to vector<16xf32>
            %swap3A_128 = vector.shape_cast %mul3A_124 : vector<16xf32> to vector<1x16xf32>
            tpu.vector_store %arg16[%swap3A, %swap3A_125], %swap3A_128 {strides = array<i32>} : memref<80x128xf32, #tpu.memory_space<vmem>>, vector<1x16xf32>,
            %get3A_129 = arith.index_cast %scan3A_111 : i32 to index
            %get3A_130 = arith.constant 64 : index
            %get3A_131 = tpu.vector_load %arg16[%get3A_129, %get3A_130] {strides = array<i32>} : memref<80x128xf32, #tpu.memory_space<vmem>>, vector<1x16xf32>,
            %get3A_132 = vector.shape_cast %get3A_131 : vector<1x16xf32> to vector<16xf32>
            %mul3A_133 = arith.mulf %get3A_132, %bitcast_convert_type3A_119 : vector<16xf32>
            %swap3A_134 = arith.index_cast %scan3A_111 : i32 to index
            %swap3A_135 = arith.constant 64 : index
            %swap3A_136 = tpu.vector_load %arg16[%swap3A_134, %swap3A_135] {strides = array<i32>} : memref<80x128xf32, #tpu.memory_space<vmem>>, vector<1x16xf32>,
            %swap3A_137 = vector.shape_cast %swap3A_136 : vector<1x16xf32> to vector<16xf32>
            %swap3A_138 = vector.shape_cast %mul3A_133 : vector<16xf32> to vector<1x16xf32>
            tpu.vector_store %arg16[%swap3A_134, %swap3A_135], %swap3A_138 {strides = array<i32>} : memref<80x128xf32, #tpu.memory_space<vmem>>, vector<1x16xf32>,
            %get3A_139 = arith.index_cast %scan3A_111 : i32 to index
            %get3A_140 = arith.constant 16 : index
            %get3A_141 = tpu.vector_load %arg17[%get3A_139, %get3A_140] {strides = array<i32>} : memref<80x64xf32, #tpu.memory_space<vmem>>, vector<1x16xf32>,
            %get3A_142 = vector.shape_cast %get3A_141 : vector<1x16xf32> to vector<16xf32>
            %bitcast_convert_type3A_143 = tpu.bitcast %get3A_142 : vector<16xf32> -> vector<16xi32>
            %shift_left3A_144 = arith.constant 16 : i32
            %shift_left3A_145 = vector.broadcast %shift_left3A_144 : i32 to vector<16xi32>
            %shift_left3A_146 = arith.shli %bitcast_convert_type3A_143, %shift_left3A_145 : vector<16xi32>
            %bitcast_convert_type3A_147 = tpu.bitcast %shift_left3A_146 : vector<16xi32> -> vector<16xf32>
            %and3A_148 = vector.broadcast %scan3A_105 : i32 to vector<16xi32>
            %and3A_149 = arith.andi %bitcast_convert_type3A_143, %and3A_148 : vector<16xi32>
            %bitcast_convert_type3A_150 = tpu.bitcast %and3A_149 : vector<16xi32> -> vector<16xf32>
            %get3A_151 = arith.index_cast %scan3A_111 : i32 to index
            %get3A_152 = arith.constant 16 : index
            %get3A_153 = tpu.vector_load %arg16[%get3A_151, %get3A_152] {strides = array<i32>} : memref<80x128xf32, #tpu.memory_space<vmem>>, vector<1x16xf32>,
            %get3A_154 = vector.shape_cast %get3A_153 : vector<1x16xf32> to vector<16xf32>
            %mul3A_155 = arith.mulf %get3A_154, %bitcast_convert_type3A_147 : vector<16xf32>
            %swap3A_156 = arith.index_cast %scan3A_111 : i32 to index
            %swap3A_157 = arith.constant 16 : index
            %swap3A_158 = tpu.vector_load %arg16[%swap3A_156, %swap3A_157] {strides = array<i32>} : memref<80x128xf32, #tpu.memory_space<vmem>>, vector<1x16xf32>,
            %swap3A_159 = vector.shape_cast %swap3A_158 : vector<1x16xf32> to vector<16xf32>
            %swap3A_160 = vector.shape_cast %mul3A_155 : vector<16xf32> to vector<1x16xf32>
            tpu.vector_store %arg16[%swap3A_156, %swap3A_157], %swap3A_160 {strides = array<i32>} : memref<80x128xf32, #tpu.memory_space<vmem>>, vector<1x16xf32>,
            %get3A_161 = arith.index_cast %scan3A_111 : i32 to index
            %get3A_162 = arith.constant 80 : index
            %get3A_163 = tpu.vector_load %arg16[%get3A_161, %get3A_162] {strides = array<i32>} : memref<80x128xf32, #tpu.memory_space<vmem>>, vector<1x16xf32>,
            %get3A_164 = vector.shape_cast %get3A_163 : vector<1x16xf32> to vector<16xf32>
            %mul3A_165 = arith.mulf %get3A_164, %bitcast_convert_type3A_150 : vector<16xf32>
            %swap3A_166 = arith.index_cast %scan3A_111 : i32 to index
            %swap3A_167 = arith.constant 80 : index
            %swap3A_168 = tpu.vector_load %arg16[%swap3A_166, %swap3A_167] {strides = array<i32>} : memref<80x128xf32, #tpu.memory_space<vmem>>, vector<1x16xf32>,
            %swap3A_169 = vector.shape_cast %swap3A_168 : vector<1x16xf32> to vector<16xf32>
            %swap3A_170 = vector.shape_cast %mul3A_165 : vector<16xf32> to vector<1x16xf32>
            tpu.vector_store %arg16[%swap3A_166, %swap3A_167], %swap3A_170 {strides = array<i32>} : memref<80x128xf32, #tpu.memory_space<vmem>>, vector<1x16xf32>,
            %get3A_171 = arith.index_cast %scan3A_111 : i32 to index
            %get3A_172 = arith.constant 32 : index
            %get3A_173 = tpu.vector_load %arg17[%get3A_171, %get3A_172] {strides = array<i32>} : memref<80x64xf32, #tpu.memory_space<vmem>>, vector<1x16xf32>,
            %get3A_174 = vector.shape_cast %get3A_173 : vector<1x16xf32> to vector<16xf32>
            %bitcast_convert_type3A_175 = tpu.bitcast %get3A_174 : vector<16xf32> -> vector<16xi32>
            %shift_left3A_176 = arith.constant 16 : i32
            %shift_left3A_177 = vector.broadcast %shift_left3A_176 : i32 to vector<16xi32>
            %shift_left3A_178 = arith.shli %bitcast_convert_type3A_175, %shift_left3A_177 : vector<16xi32>
            %bitcast_convert_type3A_179 = tpu.bitcast %shift_left3A_178 : vector<16xi32> -> vector<16xf32>
            %and3A_180 = vector.broadcast %scan3A_105 : i32 to vector<16xi32>
            %and3A_181 = arith.andi %bitcast_convert_type3A_175, %and3A_180 : vector<16xi32>
            %bitcast_convert_type3A_182 = tpu.bitcast %and3A_181 : vector<16xi32> -> vector<16xf32>
            %get3A_183 = arith.index_cast %scan3A_111 : i32 to index
            %get3A_184 = arith.constant 32 : index
            %get3A_185 = tpu.vector_load %arg16[%get3A_183, %get3A_184] {strides = array<i32>} : memref<80x128xf32, #tpu.memory_space<vmem>>, vector<1x16xf32>,
            %get3A_186 = vector.shape_cast %get3A_185 : vector<1x16xf32> to vector<16xf32>
            %mul3A_187 = arith.mulf %get3A_186, %bitcast_convert_type3A_179 : vector<16xf32>
            %swap3A_188 = arith.index_cast %scan3A_111 : i32 to index
            %swap3A_189 = arith.constant 32 : index
            %swap3A_190 = tpu.vector_load %arg16[%swap3A_188, %swap3A_189] {strides = array<i32>} : memref<80x128xf32, #tpu.memory_space<vmem>>, vector<1x16xf32>,
            %swap3A_191 = vector.shape_cast %swap3A_190 : vector<1x16xf32> to vector<16xf32>
            %swap3A_192 = vector.shape_cast %mul3A_187 : vector<16xf32> to vector<1x16xf32>
            tpu.vector_store %arg16[%swap3A_188, %swap3A_189], %swap3A_192 {strides = array<i32>} : memref<80x128xf32, #tpu.memory_space<vmem>>, vector<1x16xf32>,
            %get3A_193 = arith.index_cast %scan3A_111 : i32 to index
            %get3A_194 = arith.constant 96 : index
            %get3A_195 = tpu.vector_load %arg16[%get3A_193, %get3A_194] {strides = array<i32>} : memref<80x128xf32, #tpu.memory_space<vmem>>, vector<1x16xf32>,
            %get3A_196 = vector.shape_cast %get3A_195 : vector<1x16xf32> to vector<16xf32>
            %mul3A_197 = arith.mulf %get3A_196, %bitcast_convert_type3A_182 : vector<16xf32>
            %swap3A_198 = arith.index_cast %scan3A_111 : i32 to index
            %swap3A_199 = arith.constant 96 : index
            %swap3A_200 = tpu.vector_load %arg16[%swap3A_198, %swap3A_199] {strides = array<i32>} : memref<80x128xf32, #tpu.memory_space<vmem>>, vector<1x16xf32>,
            %swap3A_201 = vector.shape_cast %swap3A_200 : vector<1x16xf32> to vector<16xf32>
            %swap3A_202 = vector.shape_cast %mul3A_197 : vector<16xf32> to vector<1x16xf32>
            tpu.vector_store %arg16[%swap3A_198, %swap3A_199], %swap3A_202 {strides = array<i32>} : memref<80x128xf32, #tpu.memory_space<vmem>>, vector<1x16xf32>,
            %get3A_203 = arith.index_cast %scan3A_111 : i32 to index
            %get3A_204 = arith.constant 48 : index
            %get3A_205 = tpu.vector_load %arg17[%get3A_203, %get3A_204] {strides = array<i32>} : memref<80x64xf32, #tpu.memory_space<vmem>>, vector<1x16xf32>,
            %get3A_206 = vector.shape_cast %get3A_205 : vector<1x16xf32> to vector<16xf32>
            %bitcast_convert_type3A_207 = tpu.bitcast %get3A_206 : vector<16xf32> -> vector<16xi32>
            %shift_left3A_208 = arith.constant 16 : i32
            %shift_left3A_209 = vector.broadcast %shift_left3A_208 : i32 to vector<16xi32>
            %shift_left3A_210 = arith.shli %bitcast_convert_type3A_207, %shift_left3A_209 : vector<16xi32>
            %bitcast_convert_type3A_211 = tpu.bitcast %shift_left3A_210 : vector<16xi32> -> vector<16xf32>
            %and3A_212 = vector.broadcast %scan3A_105 : i32 to vector<16xi32>
            %and3A_213 = arith.andi %bitcast_convert_type3A_207, %and3A_212 : vector<16xi32>
            %bitcast_convert_type3A_214 = tpu.bitcast %and3A_213 : vector<16xi32> -> vector<16xf32>
            %get3A_215 = arith.index_cast %scan3A_111 : i32 to index
            %get3A_216 = arith.constant 48 : index
            %get3A_217 = tpu.vector_load %arg16[%get3A_215, %get3A_216] {strides = array<i32>} : memref<80x128xf32, #tpu.memory_space<vmem>>, vector<1x16xf32>,
            %get3A_218 = vector.shape_cast %get3A_217 : vector<1x16xf32> to vector<16xf32>
            %mul3A_219 = arith.mulf %get3A_218, %bitcast_convert_type3A_211 : vector<16xf32>
            %swap3A_220 = arith.index_cast %scan3A_111 : i32 to index
            %swap3A_221 = arith.constant 48 : index
            %swap3A_222 = tpu.vector_load %arg16[%swap3A_220, %swap3A_221] {strides = array<i32>} : memref<80x128xf32, #tpu.memory_space<vmem>>, vector<1x16xf32>,
            %swap3A_223 = vector.shape_cast %swap3A_222 : vector<1x16xf32> to vector<16xf32>
            %swap3A_224 = vector.shape_cast %mul3A_219 : vector<16xf32> to vector<1x16xf32>
            tpu.vector_store %arg16[%swap3A_220, %swap3A_221], %swap3A_224 {strides = array<i32>} : memref<80x128xf32, #tpu.memory_space<vmem>>, vector<1x16xf32>,
            %get3A_225 = arith.index_cast %scan3A_111 : i32 to index
            %get3A_226 = arith.constant 112 : index
            %get3A_227 = tpu.vector_load %arg16[%get3A_225, %get3A_226] {strides = array<i32>} : memref<80x128xf32, #tpu.memory_space<vmem>>, vector<1x16xf32>,
            %get3A_228 = vector.shape_cast %get3A_227 : vector<1x16xf32> to vector<16xf32>
            %mul3A_229 = arith.mulf %get3A_228, %bitcast_convert_type3A_214 : vector<16xf32>
            %swap3A_230 = arith.index_cast %scan3A_111 : i32 to index
            %swap3A_231 = arith.constant 112 : index
            %swap3A_232 = tpu.vector_load %arg16[%swap3A_230, %swap3A_231] {strides = array<i32>} : memref<80x128xf32, #tpu.memory_space<vmem>>, vector<1x16xf32>,
            %swap3A_233 = vector.shape_cast %swap3A_232 : vector<1x16xf32> to vector<16xf32>
            %swap3A_234 = vector.shape_cast %mul3A_229 : vector<16xf32> to vector<1x16xf32>
            tpu.vector_store %arg16[%swap3A_230, %swap3A_231], %swap3A_234 {strides = array<i32>} : memref<80x128xf32, #tpu.memory_space<vmem>>, vector<1x16xf32>,
          }
          %scan3A_110 = arith.constant 80 : i32
          "tpu.region"() ({
            %run_scoped3A = tpu.sem_alloc : memref<!tpu.dma_semaphore, #tpu.memory_space<semaphore_mem>>
            %dma_start3A = arith.constant 0 : i32
            %dma_start3A_111 = arith.constant 0 : i32
            %dma_start3A_112 = tpu.memref_slice %arg18[%dma_start3A, %dma_start3A_111] : memref<10240x128xf32, #tpu.memory_space<vmem_shared>> -> memref<10240x128xf32, #tpu.memory_space<vmem_shared>>
            tpu.enqueue_indirect_dma source(%arg16 : memref<80x128xf32, #tpu.memory_space<vmem>>) target(%dma_start3A_112 : memref<10240x128xf32, #tpu.memory_space<vmem_shared>>) offsets(%arg15 : memref<80xi32, #tpu.memory_space<vmem>>) semaphore(%run_scoped3A : memref<!tpu.dma_semaphore, #tpu.memory_space<semaphore_mem>>) {add = true}
            %dma_wait3A_113 = arith.constant 0 : i32
            %dma_wait3A_114 = arith.constant 0 : i32
            %dma_wait3A_115 = tpu.memref_slice %arg18[%dma_wait3A_113, %dma_wait3A_114] : memref<10240x128xf32, #tpu.memory_space<vmem_shared>> -> memref<10240x128xf32, #tpu.memory_space<vmem_shared>>
            tpu.wait_indirect_dma semaphore(%run_scoped3A : memref<!tpu.dma_semaphore, #tpu.memory_space<semaphore_mem>>) src(%arg16 : memref<80x128xf32, #tpu.memory_space<vmem>>) dst(%dma_wait3A_115 : memref<10240x128xf32, #tpu.memory_space<vmem_shared>>)
            tpu.yield
          }) : () -> ()
        } else {
        }
        %add3A_87 = arith.constant 3 : i32
        %add3A_88 = arith.addi %mul3A_58, %add3A_87 : i32
        %mul3A_89 = arith.constant 16 : i32
        %mul3A_90 = arith.muli %add3A_88, %mul3A_89 : i32
        %add3A_91 = arith.addi %mul3A_90, %arg1 : i32
        %lt3A_92 = arith.constant 640 : i32
        %lt3A_93 = arith.cmpi slt, %add3A_91, %lt3A_92 : i32
        %convert_element_type3A_94 = arith.extui %lt3A_93 : i1 to i32
        %cond3A_95 = arith.constant 0 : i32
        %cond3A_96 = arith.cmpi ne, %convert_element_type3A_94, %cond3A_95 : i32
        scf.if %cond3A_96 {
          %mul3A_97 = arith.constant 80 : i32
          %mul3A_98 = arith.muli %add3A_91, %mul3A_97 : i32
          %add3A_99 = arith.constant 0 : i32
          %add3A_100 = arith.addi %add3A_99, %mul3A_98 : i32
          "tpu.region"() ({
            %run_scoped3A = tpu.sem_alloc : memref<!tpu.dma_semaphore, #tpu.memory_space<semaphore_mem>>
            %dma_start3A_109 = tpu.memref_slice %arg5[%add3A_100] : memref<160000xi32, #tpu.memory_space<hbm>> -> memref<80xi32, #tpu.memory_space<hbm>>
            %dma_start3A_110 = tpu.memref_slice %arg5[%add3A_100] : memref<160000xi32, #tpu.memory_space<hbm>> -> memref<80xi32, #tpu.memory_space<hbm>>
            tpu.enqueue_dma source(%dma_start3A_110 : memref<80xi32, #tpu.memory_space<hbm>>) target(%arg14 : memref<80xi32, #tpu.memory_space<vmem>>) target_semaphore(%run_scoped3A : memref<!tpu.dma_semaphore, #tpu.memory_space<semaphore_mem>>)
            %dma_wait3A = tpu.memref_slice %arg5[%add3A_100] : memref<160000xi32, #tpu.memory_space<hbm>> -> memref<80xi32, #tpu.memory_space<hbm>>
            %dma_wait3A_111 = tpu.memref_slice %arg5[%add3A_100] : memref<160000xi32, #tpu.memory_space<hbm>> -> memref<80xi32, #tpu.memory_space<hbm>>
            tpu.wait_dma2 semaphore(%run_scoped3A : memref<!tpu.dma_semaphore, #tpu.memory_space<semaphore_mem>>) src(%dma_wait3A_111 : memref<80xi32, #tpu.memory_space<hbm>>) dst(%arg14 : memref<80xi32, #tpu.memory_space<vmem>>)
            tpu.yield
          }) : () -> ()
          %add3A_101 = arith.constant 0 : i32
          %add3A_102 = arith.addi %add3A_101, %mul3A_98 : i32
          "tpu.region"() ({
            %run_scoped3A = tpu.sem_alloc : memref<!tpu.dma_semaphore, #tpu.memory_space<semaphore_mem>>
            %dma_start3A_109 = tpu.memref_slice %arg4[%add3A_102] : memref<160000xi32, #tpu.memory_space<hbm>> -> memref<80xi32, #tpu.memory_space<hbm>>
            %dma_start3A_110 = tpu.memref_slice %arg4[%add3A_102] : memref<160000xi32, #tpu.memory_space<hbm>> -> memref<80xi32, #tpu.memory_space<hbm>>
            tpu.enqueue_dma source(%dma_start3A_110 : memref<80xi32, #tpu.memory_space<hbm>>) target(%arg15 : memref<80xi32, #tpu.memory_space<vmem>>) target_semaphore(%run_scoped3A : memref<!tpu.dma_semaphore, #tpu.memory_space<semaphore_mem>>)
            %dma_wait3A = tpu.memref_slice %arg4[%add3A_102] : memref<160000xi32, #tpu.memory_space<hbm>> -> memref<80xi32, #tpu.memory_space<hbm>>
            %dma_wait3A_111 = tpu.memref_slice %arg4[%add3A_102] : memref<160000xi32, #tpu.memory_space<hbm>> -> memref<80xi32, #tpu.memory_space<hbm>>
            tpu.wait_dma2 semaphore(%run_scoped3A : memref<!tpu.dma_semaphore, #tpu.memory_space<semaphore_mem>>) src(%dma_wait3A_111 : memref<80xi32, #tpu.memory_space<hbm>>) dst(%arg15 : memref<80xi32, #tpu.memory_space<vmem>>)
            tpu.yield
          }) : () -> ()
          %dma_start3A = arith.constant 0 : i32
          %dma_start3A_103 = arith.constant 0 : i32
          %dma_start3A_104 = tpu.memref_slice %arg3[%dma_start3A, %dma_start3A_103] : memref<10000x128xf32, #tpu.memory_space<hbm>> -> memref<10000x128xf32, #tpu.memory_space<hbm>>
          tpu.enqueue_indirect_dma source(%dma_start3A_104 : memref<10000x128xf32, #tpu.memory_space<hbm>>) target(%arg16 : memref<80x128xf32, #tpu.memory_space<vmem>>) offsets(%arg14 : memref<80xi32, #tpu.memory_space<vmem>>) semaphore(%arg21 : memref<!tpu.dma_semaphore, #tpu.memory_space<semaphore_mem>>)
          %dma_start3A_105 = arith.constant 0 : i32
          %dma_start3A_106 = tpu.memref_slice %arg7[%mul3A_98, %dma_start3A_105] : memref<51200x64xf32, #tpu.memory_space<hbm>> -> memref<80x64xf32, #tpu.memory_space<hbm>>
          %dma_start3A_107 = arith.constant 0 : i32
          %dma_start3A_108 = tpu.memref_slice %arg7[%mul3A_98, %dma_start3A_107] : memref<51200x64xf32, #tpu.memory_space<hbm>> -> memref<80x64xf32, #tpu.memory_space<hbm>>
          tpu.enqueue_dma source(%dma_start3A_108 : memref<80x64xf32, #tpu.memory_space<hbm>>) target(%arg17 : memref<80x64xf32, #tpu.memory_space<vmem>>) target_semaphore(%arg22 : memref<!tpu.dma_semaphore, #tpu.memory_space<semaphore_mem>>)
        } else {
        }
      }
      %scan3A_55 = arith.constant 20 : i32
    } else {
    }
    %barrier3A_27 = arith.constant 0 : index
    tpu.barrier barrier_id(%barrier3A_27)
    %eq3A_28 = arith.constant 0 : i32
    %eq3A_29 = arith.cmpi eq, %arg0, %eq3A_28 : i32
    %convert_element_type3A_30 = arith.extui %eq3A_29 : i1 to i32
    %cond3A_31 = arith.constant 0 : i32
    %cond3A_32 = arith.cmpi ne, %convert_element_type3A_30, %cond3A_31 : i32
    scf.if %cond3A_32 {
      %add3A_38 = arith.constant 0 : i32
      %add3A_39 = arith.addi %mul3A_4, %add3A_38 : i32
      %add3A_40 = arith.constant 80 : i32
      %add3A_41 = arith.addi %add3A_39, %add3A_40 : i32
      %le3A = arith.constant 10000 : i32
      %le3A_42 = arith.cmpi sle, %add3A_41, %le3A : i32
      %convert_element_type3A_43 = arith.extui %le3A_42 : i1 to i32
      %cond3A_44 = arith.constant 0 : i32
      %cond3A_45 = arith.cmpi ne, %convert_element_type3A_43, %cond3A_44 : i32
      scf.if %cond3A_45 {
        "tpu.region"() ({
          %run_scoped3A = tpu.sem_alloc : memref<!tpu.dma_semaphore, #tpu.memory_space<semaphore_mem>>
          %dma_start3A = arith.constant 0 : i32
          %dma_start3A_109 = tpu.memref_slice %arg8[%add3A_39, %dma_start3A] : memref<10000x128xf32, #tpu.memory_space<hbm>> -> memref<80x128xf32, #tpu.memory_space<hbm>>
          %dma_start3A_110 = arith.constant 0 : i32
          %dma_start3A_111 = tpu.memref_slice %arg18[%add3A_39, %dma_start3A_110] : memref<10240x128xf32, #tpu.memory_space<vmem_shared>> -> memref<80x128xf32, #tpu.memory_space<vmem_shared>>
          tpu.enqueue_dma source(%dma_start3A_111 : memref<80x128xf32, #tpu.memory_space<vmem_shared>>) target(%dma_start3A_109 : memref<80x128xf32, #tpu.memory_space<hbm>>) target_semaphore(%run_scoped3A : memref<!tpu.dma_semaphore, #tpu.memory_space<semaphore_mem>>)
          %dma_wait3A = arith.constant 0 : i32
          %dma_wait3A_112 = tpu.memref_slice %arg8[%add3A_39, %dma_wait3A] : memref<10000x128xf32, #tpu.memory_space<hbm>> -> memref<80x128xf32, #tpu.memory_space<hbm>>
          %dma_wait3A_113 = arith.constant 0 : i32
          %dma_wait3A_114 = tpu.memref_slice %arg18[%add3A_39, %dma_wait3A_113] : memref<10240x128xf32, #tpu.memory_space<vmem_shared>> -> memref<80x128xf32, #tpu.memory_space<vmem_shared>>
          tpu.wait_dma2 semaphore(%run_scoped3A : memref<!tpu.dma_semaphore, #tpu.memory_space<semaphore_mem>>) src(%dma_wait3A_114 : memref<80x128xf32, #tpu.memory_space<vmem_shared>>) dst(%dma_wait3A_112 : memref<80x128xf32, #tpu.memory_space<hbm>>)
          tpu.yield
        }) : () -> ()
      } else {
      }
      %add3A_46 = arith.constant 80 : i32
      %add3A_47 = arith.addi %mul3A_4, %add3A_46 : i32
      %add3A_48 = arith.constant 80 : i32
      %add3A_49 = arith.addi %add3A_47, %add3A_48 : i32
      %le3A_50 = arith.constant 10000 : i32
      %le3A_51 = arith.cmpi sle, %add3A_49, %le3A_50 : i32
      %convert_element_type3A_52 = arith.extui %le3A_51 : i1 to i32
      %cond3A_53 = arith.constant 0 : i32
      %cond3A_54 = arith.cmpi ne, %convert_element_type3A_52, %cond3A_53 : i32
      scf.if %cond3A_54 {
        "tpu.region"() ({
          %run_scoped3A = tpu.sem_alloc : memref<!tpu.dma_semaphore, #tpu.memory_space<semaphore_mem>>
          %dma_start3A = arith.constant 0 : i32
          %dma_start3A_109 = tpu.memref_slice %arg8[%add3A_47, %dma_start3A] : memref<10000x128xf32, #tpu.memory_space<hbm>> -> memref<80x128xf32, #tpu.memory_space<hbm>>
          %dma_start3A_110 = arith.constant 0 : i32
          %dma_start3A_111 = tpu.memref_slice %arg18[%add3A_47, %dma_start3A_110] : memref<10240x128xf32, #tpu.memory_space<vmem_shared>> -> memref<80x128xf32, #tpu.memory_space<vmem_shared>>
          tpu.enqueue_dma source(%dma_start3A_111 : memref<80x128xf32, #tpu.memory_space<vmem_shared>>) target(%dma_start3A_109 : memref<80x128xf32, #tpu.memory_space<hbm>>) target_semaphore(%run_scoped3A : memref<!tpu.dma_semaphore, #tpu.memory_space<semaphore_mem>>)
          %dma_wait3A = arith.constant 0 : i32
          %dma_wait3A_112 = tpu.memref_slice %arg8[%add3A_47, %dma_wait3A] : memref<10000x128xf32, #tpu.memory_space<hbm>> -> memref<80x128xf32, #tpu.memory_space<hbm>>
          %dma_wait3A_113 = arith.constant 0 : i32
          %dma_wait3A_114 = tpu.memref_slice %arg18[%add3A_47, %dma_wait3A_113] : memref<10240x128xf32, #tpu.memory_space<vmem_shared>> -> memref<80x128xf32, #tpu.memory_space<vmem_shared>>
          tpu.wait_dma2 semaphore(%run_scoped3A : memref<!tpu.dma_semaphore, #tpu.memory_space<semaphore_mem>>) src(%dma_wait3A_114 : memref<80x128xf32, #tpu.memory_space<vmem_shared>>) dst(%dma_wait3A_112 : memref<80x128xf32, #tpu.memory_space<hbm>>)
          tpu.yield
        }) : () -> ()
      } else {
      }
      %add3A_55 = arith.constant 160 : i32
      %add3A_56 = arith.addi %mul3A_4, %add3A_55 : i32
      %add3A_57 = arith.constant 80 : i32
      %add3A_58 = arith.addi %add3A_56, %add3A_57 : i32
      %le3A_59 = arith.constant 10000 : i32
      %le3A_60 = arith.cmpi sle, %add3A_58, %le3A_59 : i32
      %convert_element_type3A_61 = arith.extui %le3A_60 : i1 to i32
      %cond3A_62 = arith.constant 0 : i32
      %cond3A_63 = arith.cmpi ne, %convert_element_type3A_61, %cond3A_62 : i32
      scf.if %cond3A_63 {
        "tpu.region"() ({
          %run_scoped3A = tpu.sem_alloc : memref<!tpu.dma_semaphore, #tpu.memory_space<semaphore_mem>>
          %dma_start3A = arith.constant 0 : i32
          %dma_start3A_109 = tpu.memref_slice %arg8[%add3A_56, %dma_start3A] : memref<10000x128xf32, #tpu.memory_space<hbm>> -> memref<80x128xf32, #tpu.memory_space<hbm>>
          %dma_start3A_110 = arith.constant 0 : i32
          %dma_start3A_111 = tpu.memref_slice %arg18[%add3A_56, %dma_start3A_110] : memref<10240x128xf32, #tpu.memory_space<vmem_shared>> -> memref<80x128xf32, #tpu.memory_space<vmem_shared>>
          tpu.enqueue_dma source(%dma_start3A_111 : memref<80x128xf32, #tpu.memory_space<vmem_shared>>) target(%dma_start3A_109 : memref<80x128xf32, #tpu.memory_space<hbm>>) target_semaphore(%run_scoped3A : memref<!tpu.dma_semaphore, #tpu.memory_space<semaphore_mem>>)
          %dma_wait3A = arith.constant 0 : i32
          %dma_wait3A_112 = tpu.memref_slice %arg8[%add3A_56, %dma_wait3A] : memref<10000x128xf32, #tpu.memory_space<hbm>> -> memref<80x128xf32, #tpu.memory_space<hbm>>
          %dma_wait3A_113 = arith.constant 0 : i32
          %dma_wait3A_114 = tpu.memref_slice %arg18[%add3A_56, %dma_wait3A_113] : memref<10240x128xf32, #tpu.memory_space<vmem_shared>> -> memref<80x128xf32, #tpu.memory_space<vmem_shared>>
          tpu.wait_dma2 semaphore(%run_scoped3A : memref<!tpu.dma_semaphore, #tpu.memory_space<semaphore_mem>>) src(%dma_wait3A_114 : memref<80x128xf32, #tpu.memory_space<vmem_shared>>) dst(%dma_wait3A_112 : memref<80x128xf32, #tpu.memory_space<hbm>>)
          tpu.yield
        }) : () -> ()
      } else {
      }
      %add3A_64 = arith.constant 240 : i32
      %add3A_65 = arith.addi %mul3A_4, %add3A_64 : i32
      %add3A_66 = arith.constant 80 : i32
      %add3A_67 = arith.addi %add3A_65, %add3A_66 : i32
      %le3A_68 = arith.constant 10000 : i32
      %le3A_69 = arith.cmpi sle, %add3A_67, %le3A_68 : i32
      %convert_element_type3A_70 = arith.extui %le3A_69 : i1 to i32
      %cond3A_71 = arith.constant 0 : i32
      %cond3A_72 = arith.cmpi ne, %convert_element_type3A_70, %cond3A_71 : i32
      scf.if %cond3A_72 {
        "tpu.region"() ({
          %run_scoped3A = tpu.sem_alloc : memref<!tpu.dma_semaphore, #tpu.memory_space<semaphore_mem>>
          %dma_start3A = arith.constant 0 : i32
          %dma_start3A_109 = tpu.memref_slice %arg8[%add3A_65, %dma_start3A] : memref<10000x128xf32, #tpu.memory_space<hbm>> -> memref<80x128xf32, #tpu.memory_space<hbm>>
          %dma_start3A_110 = arith.constant 0 : i32
          %dma_start3A_111 = tpu.memref_slice %arg18[%add3A_65, %dma_start3A_110] : memref<10240x128xf32, #tpu.memory_space<vmem_shared>> -> memref<80x128xf32, #tpu.memory_space<vmem_shared>>
          tpu.enqueue_dma source(%dma_start3A_111 : memref<80x128xf32, #tpu.memory_space<vmem_shared>>) target(%dma_start3A_109 : memref<80x128xf32, #tpu.memory_space<hbm>>) target_semaphore(%run_scoped3A : memref<!tpu.dma_semaphore, #tpu.memory_space<semaphore_mem>>)
          %dma_wait3A = arith.constant 0 : i32
          %dma_wait3A_112 = tpu.memref_slice %arg8[%add3A_65, %dma_wait3A] : memref<10000x128xf32, #tpu.memory_space<hbm>> -> memref<80x128xf32, #tpu.memory_space<hbm>>
          %dma_wait3A_113 = arith.constant 0 : i32
          %dma_wait3A_114 = tpu.memref_slice %arg18[%add3A_65, %dma_wait3A_113] : memref<10240x128xf32, #tpu.memory_space<vmem_shared>> -> memref<80x128xf32, #tpu.memory_space<vmem_shared>>
          tpu.wait_dma2 semaphore(%run_scoped3A : memref<!tpu.dma_semaphore, #tpu.memory_space<semaphore_mem>>) src(%dma_wait3A_114 : memref<80x128xf32, #tpu.memory_space<vmem_shared>>) dst(%dma_wait3A_112 : memref<80x128xf32, #tpu.memory_space<hbm>>)
          tpu.yield
        }) : () -> ()
      } else {
      }
      %add3A_73 = arith.constant 320 : i32
      %add3A_74 = arith.addi %mul3A_4, %add3A_73 : i32
      %add3A_75 = arith.constant 80 : i32
      %add3A_76 = arith.addi %add3A_74, %add3A_75 : i32
      %le3A_77 = arith.constant 10000 : i32
      %le3A_78 = arith.cmpi sle, %add3A_76, %le3A_77 : i32
      %convert_element_type3A_79 = arith.extui %le3A_78 : i1 to i32
      %cond3A_80 = arith.constant 0 : i32
      %cond3A_81 = arith.cmpi ne, %convert_element_type3A_79, %cond3A_80 : i32
      scf.if %cond3A_81 {
        "tpu.region"() ({
          %run_scoped3A = tpu.sem_alloc : memref<!tpu.dma_semaphore, #tpu.memory_space<semaphore_mem>>
          %dma_start3A = arith.constant 0 : i32
          %dma_start3A_109 = tpu.memref_slice %arg8[%add3A_74, %dma_start3A] : memref<10000x128xf32, #tpu.memory_space<hbm>> -> memref<80x128xf32, #tpu.memory_space<hbm>>
          %dma_start3A_110 = arith.constant 0 : i32
          %dma_start3A_111 = tpu.memref_slice %arg18[%add3A_74, %dma_start3A_110] : memref<10240x128xf32, #tpu.memory_space<vmem_shared>> -> memref<80x128xf32, #tpu.memory_space<vmem_shared>>
          tpu.enqueue_dma source(%dma_start3A_111 : memref<80x128xf32, #tpu.memory_space<vmem_shared>>) target(%dma_start3A_109 : memref<80x128xf32, #tpu.memory_space<hbm>>) target_semaphore(%run_scoped3A : memref<!tpu.dma_semaphore, #tpu.memory_space<semaphore_mem>>)
          %dma_wait3A = arith.constant 0 : i32
          %dma_wait3A_112 = tpu.memref_slice %arg8[%add3A_74, %dma_wait3A] : memref<10000x128xf32, #tpu.memory_space<hbm>> -> memref<80x128xf32, #tpu.memory_space<hbm>>
          %dma_wait3A_113 = arith.constant 0 : i32
          %dma_wait3A_114 = tpu.memref_slice %arg18[%add3A_74, %dma_wait3A_113] : memref<10240x128xf32, #tpu.memory_space<vmem_shared>> -> memref<80x128xf32, #tpu.memory_space<vmem_shared>>
          tpu.wait_dma2 semaphore(%run_scoped3A : memref<!tpu.dma_semaphore, #tpu.memory_space<semaphore_mem>>) src(%dma_wait3A_114 : memref<80x128xf32, #tpu.memory_space<vmem_shared>>) dst(%dma_wait3A_112 : memref<80x128xf32, #tpu.memory_space<hbm>>)
          tpu.yield
        }) : () -> ()
      } else {
      }
      %add3A_82 = arith.constant 400 : i32
      %add3A_83 = arith.addi %mul3A_4, %add3A_82 : i32
      %add3A_84 = arith.constant 80 : i32
      %add3A_85 = arith.addi %add3A_83, %add3A_84 : i32
      %le3A_86 = arith.constant 10000 : i32
      %le3A_87 = arith.cmpi sle, %add3A_85, %le3A_86 : i32
      %convert_element_type3A_88 = arith.extui %le3A_87 : i1 to i32
      %cond3A_89 = arith.constant 0 : i32
      %cond3A_90 = arith.cmpi ne, %convert_element_type3A_88, %cond3A_89 : i32
      scf.if %cond3A_90 {
        "tpu.region"() ({
          %run_scoped3A = tpu.sem_alloc : memref<!tpu.dma_semaphore, #tpu.memory_space<semaphore_mem>>
          %dma_start3A = arith.constant 0 : i32
          %dma_start3A_109 = tpu.memref_slice %arg8[%add3A_83, %dma_start3A] : memref<10000x128xf32, #tpu.memory_space<hbm>> -> memref<80x128xf32, #tpu.memory_space<hbm>>
          %dma_start3A_110 = arith.constant 0 : i32
          %dma_start3A_111 = tpu.memref_slice %arg18[%add3A_83, %dma_start3A_110] : memref<10240x128xf32, #tpu.memory_space<vmem_shared>> -> memref<80x128xf32, #tpu.memory_space<vmem_shared>>
          tpu.enqueue_dma source(%dma_start3A_111 : memref<80x128xf32, #tpu.memory_space<vmem_shared>>) target(%dma_start3A_109 : memref<80x128xf32, #tpu.memory_space<hbm>>) target_semaphore(%run_scoped3A : memref<!tpu.dma_semaphore, #tpu.memory_space<semaphore_mem>>)
          %dma_wait3A = arith.constant 0 : i32
          %dma_wait3A_112 = tpu.memref_slice %arg8[%add3A_83, %dma_wait3A] : memref<10000x128xf32, #tpu.memory_space<hbm>> -> memref<80x128xf32, #tpu.memory_space<hbm>>
          %dma_wait3A_113 = arith.constant 0 : i32
          %dma_wait3A_114 = tpu.memref_slice %arg18[%add3A_83, %dma_wait3A_113] : memref<10240x128xf32, #tpu.memory_space<vmem_shared>> -> memref<80x128xf32, #tpu.memory_space<vmem_shared>>
          tpu.wait_dma2 semaphore(%run_scoped3A : memref<!tpu.dma_semaphore, #tpu.memory_space<semaphore_mem>>) src(%dma_wait3A_114 : memref<80x128xf32, #tpu.memory_space<vmem_shared>>) dst(%dma_wait3A_112 : memref<80x128xf32, #tpu.memory_space<hbm>>)
          tpu.yield
        }) : () -> ()
      } else {
      }
      %add3A_91 = arith.constant 480 : i32
      %add3A_92 = arith.addi %mul3A_4, %add3A_91 : i32
      %add3A_93 = arith.constant 80 : i32
      %add3A_94 = arith.addi %add3A_92, %add3A_93 : i32
      %le3A_95 = arith.constant 10000 : i32
      %le3A_96 = arith.cmpi sle, %add3A_94, %le3A_95 : i32
      %convert_element_type3A_97 = arith.extui %le3A_96 : i1 to i32
      %cond3A_98 = arith.constant 0 : i32
      %cond3A_99 = arith.cmpi ne, %convert_element_type3A_97, %cond3A_98 : i32
      scf.if %cond3A_99 {
        "tpu.region"() ({
          %run_scoped3A = tpu.sem_alloc : memref<!tpu.dma_semaphore, #tpu.memory_space<semaphore_mem>>
          %dma_start3A = arith.constant 0 : i32
          %dma_start3A_109 = tpu.memref_slice %arg8[%add3A_92, %dma_start3A] : memref<10000x128xf32, #tpu.memory_space<hbm>> -> memref<80x128xf32, #tpu.memory_space<hbm>>
          %dma_start3A_110 = arith.constant 0 : i32
          %dma_start3A_111 = tpu.memref_slice %arg18[%add3A_92, %dma_start3A_110] : memref<10240x128xf32, #tpu.memory_space<vmem_shared>> -> memref<80x128xf32, #tpu.memory_space<vmem_shared>>
          tpu.enqueue_dma source(%dma_start3A_111 : memref<80x128xf32, #tpu.memory_space<vmem_shared>>) target(%dma_start3A_109 : memref<80x128xf32, #tpu.memory_space<hbm>>) target_semaphore(%run_scoped3A : memref<!tpu.dma_semaphore, #tpu.memory_space<semaphore_mem>>)
          %dma_wait3A = arith.constant 0 : i32
          %dma_wait3A_112 = tpu.memref_slice %arg8[%add3A_92, %dma_wait3A] : memref<10000x128xf32, #tpu.memory_space<hbm>> -> memref<80x128xf32, #tpu.memory_space<hbm>>
          %dma_wait3A_113 = arith.constant 0 : i32
          %dma_wait3A_114 = tpu.memref_slice %arg18[%add3A_92, %dma_wait3A_113] : memref<10240x128xf32, #tpu.memory_space<vmem_shared>> -> memref<80x128xf32, #tpu.memory_space<vmem_shared>>
          tpu.wait_dma2 semaphore(%run_scoped3A : memref<!tpu.dma_semaphore, #tpu.memory_space<semaphore_mem>>) src(%dma_wait3A_114 : memref<80x128xf32, #tpu.memory_space<vmem_shared>>) dst(%dma_wait3A_112 : memref<80x128xf32, #tpu.memory_space<hbm>>)
          tpu.yield
        }) : () -> ()
      } else {
      }
      %add3A_100 = arith.constant 560 : i32
      %add3A_101 = arith.addi %mul3A_4, %add3A_100 : i32
      %add3A_102 = arith.constant 80 : i32
      %add3A_103 = arith.addi %add3A_101, %add3A_102 : i32
      %le3A_104 = arith.constant 10000 : i32
      %le3A_105 = arith.cmpi sle, %add3A_103, %le3A_104 : i32
      %convert_element_type3A_106 = arith.extui %le3A_105 : i1 to i32
      %cond3A_107 = arith.constant 0 : i32
      %cond3A_108 = arith.cmpi ne, %convert_element_type3A_106, %cond3A_107 : i32
      scf.if %cond3A_108 {
        "tpu.region"() ({
          %run_scoped3A = tpu.sem_alloc : memref<!tpu.dma_semaphore, #tpu.memory_space<semaphore_mem>>
          %dma_start3A = arith.constant 0 : i32
          %dma_start3A_109 = tpu.memref_slice %arg8[%add3A_101, %dma_start3A] : memref<10000x128xf32, #tpu.memory_space<hbm>> -> memref<80x128xf32, #tpu.memory_space<hbm>>
          %dma_start3A_110 = arith.constant 0 : i32
          %dma_start3A_111 = tpu.memref_slice %arg18[%add3A_101, %dma_start3A_110] : memref<10240x128xf32, #tpu.memory_space<vmem_shared>> -> memref<80x128xf32, #tpu.memory_space<vmem_shared>>
          tpu.enqueue_dma source(%dma_start3A_111 : memref<80x128xf32, #tpu.memory_space<vmem_shared>>) target(%dma_start3A_109 : memref<80x128xf32, #tpu.memory_space<hbm>>) target_semaphore(%run_scoped3A : memref<!tpu.dma_semaphore, #tpu.memory_space<semaphore_mem>>)
          %dma_wait3A = arith.constant 0 : i32
          %dma_wait3A_112 = tpu.memref_slice %arg8[%add3A_101, %dma_wait3A] : memref<10000x128xf32, #tpu.memory_space<hbm>> -> memref<80x128xf32, #tpu.memory_space<hbm>>
          %dma_wait3A_113 = arith.constant 0 : i32
          %dma_wait3A_114 = tpu.memref_slice %arg18[%add3A_101, %dma_wait3A_113] : memref<10240x128xf32, #tpu.memory_space<vmem_shared>> -> memref<80x128xf32, #tpu.memory_space<vmem_shared>>
          tpu.wait_dma2 semaphore(%run_scoped3A : memref<!tpu.dma_semaphore, #tpu.memory_space<semaphore_mem>>) src(%dma_wait3A_114 : memref<80x128xf32, #tpu.memory_space<vmem_shared>>) dst(%dma_wait3A_112 : memref<80x128xf32, #tpu.memory_space<hbm>>)
          tpu.yield
        }) : () -> ()
      } else {
      }
    } else {
    }
    %eq3A_33 = arith.constant 1 : i32
    %eq3A_34 = arith.cmpi eq, %arg0, %eq3A_33 : i32
    %convert_element_type3A_35 = arith.extui %eq3A_34 : i1 to i32
    %cond3A_36 = arith.constant 0 : i32
    %cond3A_37 = arith.cmpi ne, %convert_element_type3A_35, %cond3A_36 : i32
    scf.if %cond3A_37 {
      %add3A_38 = arith.constant 0 : i32
      %add3A_39 = arith.addi %mul3A_4, %add3A_38 : i32
      %add3A_40 = arith.constant 80 : i32
      %add3A_41 = arith.addi %add3A_39, %add3A_40 : i32
      %le3A = arith.constant 10000 : i32
      %le3A_42 = arith.cmpi sle, %add3A_41, %le3A : i32
      %convert_element_type3A_43 = arith.extui %le3A_42 : i1 to i32
      %cond3A_44 = arith.constant 0 : i32
      %cond3A_45 = arith.cmpi ne, %convert_element_type3A_43, %cond3A_44 : i32
      scf.if %cond3A_45 {
        "tpu.region"() ({
          %run_scoped3A = tpu.sem_alloc : memref<!tpu.dma_semaphore, #tpu.memory_space<semaphore_mem>>
          %dma_start3A = arith.constant 0 : i32
          %dma_start3A_109 = tpu.memref_slice %arg9[%add3A_39, %dma_start3A] : memref<10000x128xf32, #tpu.memory_space<hbm>> -> memref<80x128xf32, #tpu.memory_space<hbm>>
          %dma_start3A_110 = arith.constant 0 : i32
          %dma_start3A_111 = tpu.memref_slice %arg18[%add3A_39, %dma_start3A_110] : memref<10240x128xf32, #tpu.memory_space<vmem_shared>> -> memref<80x128xf32, #tpu.memory_space<vmem_shared>>
          tpu.enqueue_dma source(%dma_start3A_111 : memref<80x128xf32, #tpu.memory_space<vmem_shared>>) target(%dma_start3A_109 : memref<80x128xf32, #tpu.memory_space<hbm>>) target_semaphore(%run_scoped3A : memref<!tpu.dma_semaphore, #tpu.memory_space<semaphore_mem>>)
          %dma_wait3A = arith.constant 0 : i32
          %dma_wait3A_112 = tpu.memref_slice %arg9[%add3A_39, %dma_wait3A] : memref<10000x128xf32, #tpu.memory_space<hbm>> -> memref<80x128xf32, #tpu.memory_space<hbm>>
          %dma_wait3A_113 = arith.constant 0 : i32
          %dma_wait3A_114 = tpu.memref_slice %arg18[%add3A_39, %dma_wait3A_113] : memref<10240x128xf32, #tpu.memory_space<vmem_shared>> -> memref<80x128xf32, #tpu.memory_space<vmem_shared>>
          tpu.wait_dma2 semaphore(%run_scoped3A : memref<!tpu.dma_semaphore, #tpu.memory_space<semaphore_mem>>) src(%dma_wait3A_114 : memref<80x128xf32, #tpu.memory_space<vmem_shared>>) dst(%dma_wait3A_112 : memref<80x128xf32, #tpu.memory_space<hbm>>)
          tpu.yield
        }) : () -> ()
      } else {
      }
      %add3A_46 = arith.constant 80 : i32
      %add3A_47 = arith.addi %mul3A_4, %add3A_46 : i32
      %add3A_48 = arith.constant 80 : i32
      %add3A_49 = arith.addi %add3A_47, %add3A_48 : i32
      %le3A_50 = arith.constant 10000 : i32
      %le3A_51 = arith.cmpi sle, %add3A_49, %le3A_50 : i32
      %convert_element_type3A_52 = arith.extui %le3A_51 : i1 to i32
      %cond3A_53 = arith.constant 0 : i32
      %cond3A_54 = arith.cmpi ne, %convert_element_type3A_52, %cond3A_53 : i32
      scf.if %cond3A_54 {
        "tpu.region"() ({
          %run_scoped3A = tpu.sem_alloc : memref<!tpu.dma_semaphore, #tpu.memory_space<semaphore_mem>>
          %dma_start3A = arith.constant 0 : i32
          %dma_start3A_109 = tpu.memref_slice %arg9[%add3A_47, %dma_start3A] : memref<10000x128xf32, #tpu.memory_space<hbm>> -> memref<80x128xf32, #tpu.memory_space<hbm>>
          %dma_start3A_110 = arith.constant 0 : i32
          %dma_start3A_111 = tpu.memref_slice %arg18[%add3A_47, %dma_start3A_110] : memref<10240x128xf32, #tpu.memory_space<vmem_shared>> -> memref<80x128xf32, #tpu.memory_space<vmem_shared>>
          tpu.enqueue_dma source(%dma_start3A_111 : memref<80x128xf32, #tpu.memory_space<vmem_shared>>) target(%dma_start3A_109 : memref<80x128xf32, #tpu.memory_space<hbm>>) target_semaphore(%run_scoped3A : memref<!tpu.dma_semaphore, #tpu.memory_space<semaphore_mem>>)
          %dma_wait3A = arith.constant 0 : i32
          %dma_wait3A_112 = tpu.memref_slice %arg9[%add3A_47, %dma_wait3A] : memref<10000x128xf32, #tpu.memory_space<hbm>> -> memref<80x128xf32, #tpu.memory_space<hbm>>
          %dma_wait3A_113 = arith.constant 0 : i32
          %dma_wait3A_114 = tpu.memref_slice %arg18[%add3A_47, %dma_wait3A_113] : memref<10240x128xf32, #tpu.memory_space<vmem_shared>> -> memref<80x128xf32, #tpu.memory_space<vmem_shared>>
          tpu.wait_dma2 semaphore(%run_scoped3A : memref<!tpu.dma_semaphore, #tpu.memory_space<semaphore_mem>>) src(%dma_wait3A_114 : memref<80x128xf32, #tpu.memory_space<vmem_shared>>) dst(%dma_wait3A_112 : memref<80x128xf32, #tpu.memory_space<hbm>>)
          tpu.yield
        }) : () -> ()
      } else {
      }
      %add3A_55 = arith.constant 160 : i32
      %add3A_56 = arith.addi %mul3A_4, %add3A_55 : i32
      %add3A_57 = arith.constant 80 : i32
      %add3A_58 = arith.addi %add3A_56, %add3A_57 : i32
      %le3A_59 = arith.constant 10000 : i32
      %le3A_60 = arith.cmpi sle, %add3A_58, %le3A_59 : i32
      %convert_element_type3A_61 = arith.extui %le3A_60 : i1 to i32
      %cond3A_62 = arith.constant 0 : i32
      %cond3A_63 = arith.cmpi ne, %convert_element_type3A_61, %cond3A_62 : i32
      scf.if %cond3A_63 {
        "tpu.region"() ({
          %run_scoped3A = tpu.sem_alloc : memref<!tpu.dma_semaphore, #tpu.memory_space<semaphore_mem>>
          %dma_start3A = arith.constant 0 : i32
          %dma_start3A_109 = tpu.memref_slice %arg9[%add3A_56, %dma_start3A] : memref<10000x128xf32, #tpu.memory_space<hbm>> -> memref<80x128xf32, #tpu.memory_space<hbm>>
          %dma_start3A_110 = arith.constant 0 : i32
          %dma_start3A_111 = tpu.memref_slice %arg18[%add3A_56, %dma_start3A_110] : memref<10240x128xf32, #tpu.memory_space<vmem_shared>> -> memref<80x128xf32, #tpu.memory_space<vmem_shared>>
          tpu.enqueue_dma source(%dma_start3A_111 : memref<80x128xf32, #tpu.memory_space<vmem_shared>>) target(%dma_start3A_109 : memref<80x128xf32, #tpu.memory_space<hbm>>) target_semaphore(%run_scoped3A : memref<!tpu.dma_semaphore, #tpu.memory_space<semaphore_mem>>)
          %dma_wait3A = arith.constant 0 : i32
          %dma_wait3A_112 = tpu.memref_slice %arg9[%add3A_56, %dma_wait3A] : memref<10000x128xf32, #tpu.memory_space<hbm>> -> memref<80x128xf32, #tpu.memory_space<hbm>>
          %dma_wait3A_113 = arith.constant 0 : i32
          %dma_wait3A_114 = tpu.memref_slice %arg18[%add3A_56, %dma_wait3A_113] : memref<10240x128xf32, #tpu.memory_space<vmem_shared>> -> memref<80x128xf32, #tpu.memory_space<vmem_shared>>
          tpu.wait_dma2 semaphore(%run_scoped3A : memref<!tpu.dma_semaphore, #tpu.memory_space<semaphore_mem>>) src(%dma_wait3A_114 : memref<80x128xf32, #tpu.memory_space<vmem_shared>>) dst(%dma_wait3A_112 : memref<80x128xf32, #tpu.memory_space<hbm>>)
          tpu.yield
        }) : () -> ()
      } else {
      }
      %add3A_64 = arith.constant 240 : i32
      %add3A_65 = arith.addi %mul3A_4, %add3A_64 : i32
      %add3A_66 = arith.constant 80 : i32
      %add3A_67 = arith.addi %add3A_65, %add3A_66 : i32
      %le3A_68 = arith.constant 10000 : i32
      %le3A_69 = arith.cmpi sle, %add3A_67, %le3A_68 : i32
      %convert_element_type3A_70 = arith.extui %le3A_69 : i1 to i32
      %cond3A_71 = arith.constant 0 : i32
      %cond3A_72 = arith.cmpi ne, %convert_element_type3A_70, %cond3A_71 : i32
      scf.if %cond3A_72 {
        "tpu.region"() ({
          %run_scoped3A = tpu.sem_alloc : memref<!tpu.dma_semaphore, #tpu.memory_space<semaphore_mem>>
          %dma_start3A = arith.constant 0 : i32
          %dma_start3A_109 = tpu.memref_slice %arg9[%add3A_65, %dma_start3A] : memref<10000x128xf32, #tpu.memory_space<hbm>> -> memref<80x128xf32, #tpu.memory_space<hbm>>
          %dma_start3A_110 = arith.constant 0 : i32
          %dma_start3A_111 = tpu.memref_slice %arg18[%add3A_65, %dma_start3A_110] : memref<10240x128xf32, #tpu.memory_space<vmem_shared>> -> memref<80x128xf32, #tpu.memory_space<vmem_shared>>
          tpu.enqueue_dma source(%dma_start3A_111 : memref<80x128xf32, #tpu.memory_space<vmem_shared>>) target(%dma_start3A_109 : memref<80x128xf32, #tpu.memory_space<hbm>>) target_semaphore(%run_scoped3A : memref<!tpu.dma_semaphore, #tpu.memory_space<semaphore_mem>>)
          %dma_wait3A = arith.constant 0 : i32
          %dma_wait3A_112 = tpu.memref_slice %arg9[%add3A_65, %dma_wait3A] : memref<10000x128xf32, #tpu.memory_space<hbm>> -> memref<80x128xf32, #tpu.memory_space<hbm>>
          %dma_wait3A_113 = arith.constant 0 : i32
          %dma_wait3A_114 = tpu.memref_slice %arg18[%add3A_65, %dma_wait3A_113] : memref<10240x128xf32, #tpu.memory_space<vmem_shared>> -> memref<80x128xf32, #tpu.memory_space<vmem_shared>>
          tpu.wait_dma2 semaphore(%run_scoped3A : memref<!tpu.dma_semaphore, #tpu.memory_space<semaphore_mem>>) src(%dma_wait3A_114 : memref<80x128xf32, #tpu.memory_space<vmem_shared>>) dst(%dma_wait3A_112 : memref<80x128xf32, #tpu.memory_space<hbm>>)
          tpu.yield
        }) : () -> ()
      } else {
      }
      %add3A_73 = arith.constant 320 : i32
      %add3A_74 = arith.addi %mul3A_4, %add3A_73 : i32
      %add3A_75 = arith.constant 80 : i32
      %add3A_76 = arith.addi %add3A_74, %add3A_75 : i32
      %le3A_77 = arith.constant 10000 : i32
      %le3A_78 = arith.cmpi sle, %add3A_76, %le3A_77 : i32
      %convert_element_type3A_79 = arith.extui %le3A_78 : i1 to i32
      %cond3A_80 = arith.constant 0 : i32
      %cond3A_81 = arith.cmpi ne, %convert_element_type3A_79, %cond3A_80 : i32
      scf.if %cond3A_81 {
        "tpu.region"() ({
          %run_scoped3A = tpu.sem_alloc : memref<!tpu.dma_semaphore, #tpu.memory_space<semaphore_mem>>
          %dma_start3A = arith.constant 0 : i32
          %dma_start3A_109 = tpu.memref_slice %arg9[%add3A_74, %dma_start3A] : memref<10000x128xf32, #tpu.memory_space<hbm>> -> memref<80x128xf32, #tpu.memory_space<hbm>>
          %dma_start3A_110 = arith.constant 0 : i32
          %dma_start3A_111 = tpu.memref_slice %arg18[%add3A_74, %dma_start3A_110] : memref<10240x128xf32, #tpu.memory_space<vmem_shared>> -> memref<80x128xf32, #tpu.memory_space<vmem_shared>>
          tpu.enqueue_dma source(%dma_start3A_111 : memref<80x128xf32, #tpu.memory_space<vmem_shared>>) target(%dma_start3A_109 : memref<80x128xf32, #tpu.memory_space<hbm>>) target_semaphore(%run_scoped3A : memref<!tpu.dma_semaphore, #tpu.memory_space<semaphore_mem>>)
          %dma_wait3A = arith.constant 0 : i32
          %dma_wait3A_112 = tpu.memref_slice %arg9[%add3A_74, %dma_wait3A] : memref<10000x128xf32, #tpu.memory_space<hbm>> -> memref<80x128xf32, #tpu.memory_space<hbm>>
          %dma_wait3A_113 = arith.constant 0 : i32
          %dma_wait3A_114 = tpu.memref_slice %arg18[%add3A_74, %dma_wait3A_113] : memref<10240x128xf32, #tpu.memory_space<vmem_shared>> -> memref<80x128xf32, #tpu.memory_space<vmem_shared>>
          tpu.wait_dma2 semaphore(%run_scoped3A : memref<!tpu.dma_semaphore, #tpu.memory_space<semaphore_mem>>) src(%dma_wait3A_114 : memref<80x128xf32, #tpu.memory_space<vmem_shared>>) dst(%dma_wait3A_112 : memref<80x128xf32, #tpu.memory_space<hbm>>)
          tpu.yield
        }) : () -> ()
      } else {
      }
      %add3A_82 = arith.constant 400 : i32
      %add3A_83 = arith.addi %mul3A_4, %add3A_82 : i32
      %add3A_84 = arith.constant 80 : i32
      %add3A_85 = arith.addi %add3A_83, %add3A_84 : i32
      %le3A_86 = arith.constant 10000 : i32
      %le3A_87 = arith.cmpi sle, %add3A_85, %le3A_86 : i32
      %convert_element_type3A_88 = arith.extui %le3A_87 : i1 to i32
      %cond3A_89 = arith.constant 0 : i32
      %cond3A_90 = arith.cmpi ne, %convert_element_type3A_88, %cond3A_89 : i32
      scf.if %cond3A_90 {
        "tpu.region"() ({
          %run_scoped3A = tpu.sem_alloc : memref<!tpu.dma_semaphore, #tpu.memory_space<semaphore_mem>>
          %dma_start3A = arith.constant 0 : i32
          %dma_start3A_109 = tpu.memref_slice %arg9[%add3A_83, %dma_start3A] : memref<10000x128xf32, #tpu.memory_space<hbm>> -> memref<80x128xf32, #tpu.memory_space<hbm>>
          %dma_start3A_110 = arith.constant 0 : i32
          %dma_start3A_111 = tpu.memref_slice %arg18[%add3A_83, %dma_start3A_110] : memref<10240x128xf32, #tpu.memory_space<vmem_shared>> -> memref<80x128xf32, #tpu.memory_space<vmem_shared>>
          tpu.enqueue_dma source(%dma_start3A_111 : memref<80x128xf32, #tpu.memory_space<vmem_shared>>) target(%dma_start3A_109 : memref<80x128xf32, #tpu.memory_space<hbm>>) target_semaphore(%run_scoped3A : memref<!tpu.dma_semaphore, #tpu.memory_space<semaphore_mem>>)
          %dma_wait3A = arith.constant 0 : i32
          %dma_wait3A_112 = tpu.memref_slice %arg9[%add3A_83, %dma_wait3A] : memref<10000x128xf32, #tpu.memory_space<hbm>> -> memref<80x128xf32, #tpu.memory_space<hbm>>
          %dma_wait3A_113 = arith.constant 0 : i32
          %dma_wait3A_114 = tpu.memref_slice %arg18[%add3A_83, %dma_wait3A_113] : memref<10240x128xf32, #tpu.memory_space<vmem_shared>> -> memref<80x128xf32, #tpu.memory_space<vmem_shared>>
          tpu.wait_dma2 semaphore(%run_scoped3A : memref<!tpu.dma_semaphore, #tpu.memory_space<semaphore_mem>>) src(%dma_wait3A_114 : memref<80x128xf32, #tpu.memory_space<vmem_shared>>) dst(%dma_wait3A_112 : memref<80x128xf32, #tpu.memory_space<hbm>>)
          tpu.yield
        }) : () -> ()
      } else {
      }
      %add3A_91 = arith.constant 480 : i32
      %add3A_92 = arith.addi %mul3A_4, %add3A_91 : i32
      %add3A_93 = arith.constant 80 : i32
      %add3A_94 = arith.addi %add3A_92, %add3A_93 : i32
      %le3A_95 = arith.constant 10000 : i32
      %le3A_96 = arith.cmpi sle, %add3A_94, %le3A_95 : i32
      %convert_element_type3A_97 = arith.extui %le3A_96 : i1 to i32
      %cond3A_98 = arith.constant 0 : i32
      %cond3A_99 = arith.cmpi ne, %convert_element_type3A_97, %cond3A_98 : i32
      scf.if %cond3A_99 {
        "tpu.region"() ({
          %run_scoped3A = tpu.sem_alloc : memref<!tpu.dma_semaphore, #tpu.memory_space<semaphore_mem>>
          %dma_start3A = arith.constant 0 : i32
          %dma_start3A_109 = tpu.memref_slice %arg9[%add3A_92, %dma_start3A] : memref<10000x128xf32, #tpu.memory_space<hbm>> -> memref<80x128xf32, #tpu.memory_space<hbm>>
          %dma_start3A_110 = arith.constant 0 : i32
          %dma_start3A_111 = tpu.memref_slice %arg18[%add3A_92, %dma_start3A_110] : memref<10240x128xf32, #tpu.memory_space<vmem_shared>> -> memref<80x128xf32, #tpu.memory_space<vmem_shared>>
          tpu.enqueue_dma source(%dma_start3A_111 : memref<80x128xf32, #tpu.memory_space<vmem_shared>>) target(%dma_start3A_109 : memref<80x128xf32, #tpu.memory_space<hbm>>) target_semaphore(%run_scoped3A : memref<!tpu.dma_semaphore, #tpu.memory_space<semaphore_mem>>)
          %dma_wait3A = arith.constant 0 : i32
          %dma_wait3A_112 = tpu.memref_slice %arg9[%add3A_92, %dma_wait3A] : memref<10000x128xf32, #tpu.memory_space<hbm>> -> memref<80x128xf32, #tpu.memory_space<hbm>>
          %dma_wait3A_113 = arith.constant 0 : i32
          %dma_wait3A_114 = tpu.memref_slice %arg18[%add3A_92, %dma_wait3A_113] : memref<10240x128xf32, #tpu.memory_space<vmem_shared>> -> memref<80x128xf32, #tpu.memory_space<vmem_shared>>
          tpu.wait_dma2 semaphore(%run_scoped3A : memref<!tpu.dma_semaphore, #tpu.memory_space<semaphore_mem>>) src(%dma_wait3A_114 : memref<80x128xf32, #tpu.memory_space<vmem_shared>>) dst(%dma_wait3A_112 : memref<80x128xf32, #tpu.memory_space<hbm>>)
          tpu.yield
        }) : () -> ()
      } else {
      }
      %add3A_100 = arith.constant 560 : i32
      %add3A_101 = arith.addi %mul3A_4, %add3A_100 : i32
      %add3A_102 = arith.constant 80 : i32
      %add3A_103 = arith.addi %add3A_101, %add3A_102 : i32
      %le3A_104 = arith.constant 10000 : i32
      %le3A_105 = arith.cmpi sle, %add3A_103, %le3A_104 : i32
      %convert_element_type3A_106 = arith.extui %le3A_105 : i1 to i32
      %cond3A_107 = arith.constant 0 : i32
      %cond3A_108 = arith.cmpi ne, %convert_element_type3A_106, %cond3A_107 : i32
      scf.if %cond3A_108 {
        "tpu.region"() ({
          %run_scoped3A = tpu.sem_alloc : memref<!tpu.dma_semaphore, #tpu.memory_space<semaphore_mem>>
          %dma_start3A = arith.constant 0 : i32
          %dma_start3A_109 = tpu.memref_slice %arg9[%add3A_101, %dma_start3A] : memref<10000x128xf32, #tpu.memory_space<hbm>> -> memref<80x128xf32, #tpu.memory_space<hbm>>
          %dma_start3A_110 = arith.constant 0 : i32
          %dma_start3A_111 = tpu.memref_slice %arg18[%add3A_101, %dma_start3A_110] : memref<10240x128xf32, #tpu.memory_space<vmem_shared>> -> memref<80x128xf32, #tpu.memory_space<vmem_shared>>
          tpu.enqueue_dma source(%dma_start3A_111 : memref<80x128xf32, #tpu.memory_space<vmem_shared>>) target(%dma_start3A_109 : memref<80x128xf32, #tpu.memory_space<hbm>>) target_semaphore(%run_scoped3A : memref<!tpu.dma_semaphore, #tpu.memory_space<semaphore_mem>>)
          %dma_wait3A = arith.constant 0 : i32
          %dma_wait3A_112 = tpu.memref_slice %arg9[%add3A_101, %dma_wait3A] : memref<10000x128xf32, #tpu.memory_space<hbm>> -> memref<80x128xf32, #tpu.memory_space<hbm>>
          %dma_wait3A_113 = arith.constant 0 : i32
          %dma_wait3A_114 = tpu.memref_slice %arg18[%add3A_101, %dma_wait3A_113] : memref<10240x128xf32, #tpu.memory_space<vmem_shared>> -> memref<80x128xf32, #tpu.memory_space<vmem_shared>>
          tpu.wait_dma2 semaphore(%run_scoped3A : memref<!tpu.dma_semaphore, #tpu.memory_space<semaphore_mem>>) src(%dma_wait3A_114 : memref<80x128xf32, #tpu.memory_space<vmem_shared>>) dst(%dma_wait3A_112 : memref<80x128xf32, #tpu.memory_space<hbm>>)
          tpu.yield
        }) : () -> ()
      } else {
      }
    } else {
    }
    return
  }
}

#map = affine_map<(d0, d1) -> (0, 0)>
#map1 = affine_map<(d0, d1) -> (0)>
module attributes {stable_mosaic.version = 14 : i64} {
  func.func @conv(%arg0: i32, %arg1: i32, %arg2: memref<10000x128xf32, #tpu.memory_space<hbm>>, %arg3: memref<10000x128xf32, #tpu.memory_space<hbm>>, %arg4: memref<160000xi32, #tpu.memory_space<hbm>>, %arg5: memref<160000xi32, #tpu.memory_space<hbm>>, %arg6: memref<108800x64xf32, #tpu.memory_space<hbm>>, %arg7: memref<108800x64xf32, #tpu.memory_space<hbm>>, %arg8: memref<10000x128xf32, #tpu.memory_space<hbm>>, %arg9: memref<10000x128xf32, #tpu.memory_space<hbm>>, %arg10: memref<80xi32, #tpu.memory_space<vmem>>, %arg11: memref<80xi32, #tpu.memory_space<vmem>>, %arg12: memref<80x128xf32, #tpu.memory_space<vmem>>, %arg13: memref<80x64xf32, #tpu.memory_space<vmem>>, %arg14: memref<80xi32, #tpu.memory_space<vmem>>, %arg15: memref<80xi32, #tpu.memory_space<vmem>>, %arg16: memref<80x128xf32, #tpu.memory_space<vmem>>, %arg17: memref<80x64xf32, #tpu.memory_space<vmem>>, %arg18: memref<10240x128xf32, #tpu.memory_space<vmem_shared>>, %arg19: memref<!tpu.dma_semaphore, #tpu.memory_space<semaphore_mem>>, %arg20: memref<!tpu.dma_semaphore, #tpu.memory_space<semaphore_mem>>, %arg21: memref<!tpu.dma_semaphore, #tpu.memory_space<semaphore_mem>>, %arg22: memref<!tpu.dma_semaphore, #tpu.memory_space<semaphore_mem>>) attributes {dimension_semantics = [#tpu.dimension_semantics<core_parallel>, #tpu.dimension_semantics<subcore_parallel>], iteration_bounds = array<i64: 2, 16>, scalar_prefetch = 0 : i64, scratch_operands = 13 : i64, tpu.core_type = #tpu.core_type<sc_vector_subcore>, window_params = [{transform_indices = #map}, {transform_indices = #map}, {transform_indices = #map1}, {transform_indices = #map1}, {transform_indices = #map}, {transform_indices = #map}, {transform_indices = #map}, {transform_indices = #map}]} {
    %scan3A = arith.constant 0 : i32
    %scan3A_0 = arith.constant 80 : i32
    %scan3A_1 = arith.addi %scan3A, %scan3A_0 : i32
    %scan3A_2 = arith.constant 1 : i32
    scf.for %scan3A_38 = %scan3A to %scan3A_1 step %scan3A_2  : i32 {
      %broadcast_in_dim3A = arith.constant 0.000000e+00 : f32
      %broadcast_in_dim3A_39 = vector.broadcast %broadcast_in_dim3A : f32 to vector<16xf32>
      %swap3A = arith.index_cast %scan3A_38 : i32 to index
      %swap3A_40 = arith.constant 0 : index
      %swap3A_41 = tpu.vector_load %arg12[%swap3A, %swap3A_40] {strides = array<i32>} : memref<80x128xf32, #tpu.memory_space<vmem>>, vector<1x16xf32>,
      %swap3A_42 = vector.shape_cast %swap3A_41 : vector<1x16xf32> to vector<16xf32>
      %swap3A_43 = vector.shape_cast %broadcast_in_dim3A_39 : vector<16xf32> to vector<1x16xf32>
      tpu.vector_store %arg12[%swap3A, %swap3A_40], %swap3A_43 {strides = array<i32>} : memref<80x128xf32, #tpu.memory_space<vmem>>, vector<1x16xf32>,
      %broadcast_in_dim3A_44 = arith.constant 0.000000e+00 : f32
      %broadcast_in_dim3A_45 = vector.broadcast %broadcast_in_dim3A_44 : f32 to vector<16xf32>
      %swap3A_46 = arith.index_cast %scan3A_38 : i32 to index
      %swap3A_47 = arith.constant 16 : index
      %swap3A_48 = tpu.vector_load %arg12[%swap3A_46, %swap3A_47] {strides = array<i32>} : memref<80x128xf32, #tpu.memory_space<vmem>>, vector<1x16xf32>,
      %swap3A_49 = vector.shape_cast %swap3A_48 : vector<1x16xf32> to vector<16xf32>
      %swap3A_50 = vector.shape_cast %broadcast_in_dim3A_45 : vector<16xf32> to vector<1x16xf32>
      tpu.vector_store %arg12[%swap3A_46, %swap3A_47], %swap3A_50 {strides = array<i32>} : memref<80x128xf32, #tpu.memory_space<vmem>>, vector<1x16xf32>,
      %broadcast_in_dim3A_51 = arith.constant 0.000000e+00 : f32
      %broadcast_in_dim3A_52 = vector.broadcast %broadcast_in_dim3A_51 : f32 to vector<16xf32>
      %swap3A_53 = arith.index_cast %scan3A_38 : i32 to index
      %swap3A_54 = arith.constant 32 : index
      %swap3A_55 = tpu.vector_load %arg12[%swap3A_53, %swap3A_54] {strides = array<i32>} : memref<80x128xf32, #tpu.memory_space<vmem>>, vector<1x16xf32>,
      %swap3A_56 = vector.shape_cast %swap3A_55 : vector<1x16xf32> to vector<16xf32>
      %swap3A_57 = vector.shape_cast %broadcast_in_dim3A_52 : vector<16xf32> to vector<1x16xf32>
      tpu.vector_store %arg12[%swap3A_53, %swap3A_54], %swap3A_57 {strides = array<i32>} : memref<80x128xf32, #tpu.memory_space<vmem>>, vector<1x16xf32>,
      %broadcast_in_dim3A_58 = arith.constant 0.000000e+00 : f32
      %broadcast_in_dim3A_59 = vector.broadcast %broadcast_in_dim3A_58 : f32 to vector<16xf32>
      %swap3A_60 = arith.index_cast %scan3A_38 : i32 to index
      %swap3A_61 = arith.constant 48 : index
      %swap3A_62 = tpu.vector_load %arg12[%swap3A_60, %swap3A_61] {strides = array<i32>} : memref<80x128xf32, #tpu.memory_space<vmem>>, vector<1x16xf32>,
      %swap3A_63 = vector.shape_cast %swap3A_62 : vector<1x16xf32> to vector<16xf32>
      %swap3A_64 = vector.shape_cast %broadcast_in_dim3A_59 : vector<16xf32> to vector<1x16xf32>
      tpu.vector_store %arg12[%swap3A_60, %swap3A_61], %swap3A_64 {strides = array<i32>} : memref<80x128xf32, #tpu.memory_space<vmem>>, vector<1x16xf32>,
      %broadcast_in_dim3A_65 = arith.constant 0.000000e+00 : f32
      %broadcast_in_dim3A_66 = vector.broadcast %broadcast_in_dim3A_65 : f32 to vector<16xf32>
      %swap3A_67 = arith.index_cast %scan3A_38 : i32 to index
      %swap3A_68 = arith.constant 64 : index
      %swap3A_69 = tpu.vector_load %arg12[%swap3A_67, %swap3A_68] {strides = array<i32>} : memref<80x128xf32, #tpu.memory_space<vmem>>, vector<1x16xf32>,
      %swap3A_70 = vector.shape_cast %swap3A_69 : vector<1x16xf32> to vector<16xf32>
      %swap3A_71 = vector.shape_cast %broadcast_in_dim3A_66 : vector<16xf32> to vector<1x16xf32>
      tpu.vector_store %arg12[%swap3A_67, %swap3A_68], %swap3A_71 {strides = array<i32>} : memref<80x128xf32, #tpu.memory_space<vmem>>, vector<1x16xf32>,
      %broadcast_in_dim3A_72 = arith.constant 0.000000e+00 : f32
      %broadcast_in_dim3A_73 = vector.broadcast %broadcast_in_dim3A_72 : f32 to vector<16xf32>
      %swap3A_74 = arith.index_cast %scan3A_38 : i32 to index
      %swap3A_75 = arith.constant 80 : index
      %swap3A_76 = tpu.vector_load %arg12[%swap3A_74, %swap3A_75] {strides = array<i32>} : memref<80x128xf32, #tpu.memory_space<vmem>>, vector<1x16xf32>,
      %swap3A_77 = vector.shape_cast %swap3A_76 : vector<1x16xf32> to vector<16xf32>
      %swap3A_78 = vector.shape_cast %broadcast_in_dim3A_73 : vector<16xf32> to vector<1x16xf32>
      tpu.vector_store %arg12[%swap3A_74, %swap3A_75], %swap3A_78 {strides = array<i32>} : memref<80x128xf32, #tpu.memory_space<vmem>>, vector<1x16xf32>,
      %broadcast_in_dim3A_79 = arith.constant 0.000000e+00 : f32
      %broadcast_in_dim3A_80 = vector.broadcast %broadcast_in_dim3A_79 : f32 to vector<16xf32>
      %swap3A_81 = arith.index_cast %scan3A_38 : i32 to index
      %swap3A_82 = arith.constant 96 : index
      %swap3A_83 = tpu.vector_load %arg12[%swap3A_81, %swap3A_82] {strides = array<i32>} : memref<80x128xf32, #tpu.memory_space<vmem>>, vector<1x16xf32>,
      %swap3A_84 = vector.shape_cast %swap3A_83 : vector<1x16xf32> to vector<16xf32>
      %swap3A_85 = vector.shape_cast %broadcast_in_dim3A_80 : vector<16xf32> to vector<1x16xf32>
      tpu.vector_store %arg12[%swap3A_81, %swap3A_82], %swap3A_85 {strides = array<i32>} : memref<80x128xf32, #tpu.memory_space<vmem>>, vector<1x16xf32>,
      %broadcast_in_dim3A_86 = arith.constant 0.000000e+00 : f32
      %broadcast_in_dim3A_87 = vector.broadcast %broadcast_in_dim3A_86 : f32 to vector<16xf32>
      %swap3A_88 = arith.index_cast %scan3A_38 : i32 to index
      %swap3A_89 = arith.constant 112 : index
      %swap3A_90 = tpu.vector_load %arg12[%swap3A_88, %swap3A_89] {strides = array<i32>} : memref<80x128xf32, #tpu.memory_space<vmem>>, vector<1x16xf32>,
      %swap3A_91 = vector.shape_cast %swap3A_90 : vector<1x16xf32> to vector<16xf32>
      %swap3A_92 = vector.shape_cast %broadcast_in_dim3A_87 : vector<16xf32> to vector<1x16xf32>
      tpu.vector_store %arg12[%swap3A_88, %swap3A_89], %swap3A_92 {strides = array<i32>} : memref<80x128xf32, #tpu.memory_space<vmem>>, vector<1x16xf32>,
    }
    %scan3A_3 = arith.constant 80 : i32
    %mul3A = arith.constant 640 : i32
    %mul3A_4 = arith.muli %arg1, %mul3A : i32
    %add3A = arith.constant 0 : i32
    %add3A_5 = arith.addi %mul3A_4, %add3A : i32
    "tpu.region"() ({
      %run_scoped3A = tpu.sem_alloc : memref<!tpu.dma_semaphore, #tpu.memory_space<semaphore_mem>>
      %dma_start3A = arith.constant 0 : i32
      %dma_start3A_38 = tpu.memref_slice %arg18[%add3A_5, %dma_start3A] : memref<10240x128xf32, #tpu.memory_space<vmem_shared>> -> memref<80x128xf32, #tpu.memory_space<vmem_shared>>
      %dma_start3A_39 = arith.constant 0 : i32
      %dma_start3A_40 = tpu.memref_slice %arg18[%add3A_5, %dma_start3A_39] : memref<10240x128xf32, #tpu.memory_space<vmem_shared>> -> memref<80x128xf32, #tpu.memory_space<vmem_shared>>
      tpu.enqueue_dma source(%arg12 : memref<80x128xf32, #tpu.memory_space<vmem>>) target(%dma_start3A_40 : memref<80x128xf32, #tpu.memory_space<vmem_shared>>) target_semaphore(%run_scoped3A : memref<!tpu.dma_semaphore, #tpu.memory_space<semaphore_mem>>)
      %dma_wait3A = arith.constant 0 : i32
      %dma_wait3A_41 = tpu.memref_slice %arg18[%add3A_5, %dma_wait3A] : memref<10240x128xf32, #tpu.memory_space<vmem_shared>> -> memref<80x128xf32, #tpu.memory_space<vmem_shared>>
      %dma_wait3A_42 = arith.constant 0 : i32
      %dma_wait3A_43 = tpu.memref_slice %arg18[%add3A_5, %dma_wait3A_42] : memref<10240x128xf32, #tpu.memory_space<vmem_shared>> -> memref<80x128xf32, #tpu.memory_space<vmem_shared>>
      tpu.wait_dma2 semaphore(%run_scoped3A : memref<!tpu.dma_semaphore, #tpu.memory_space<semaphore_mem>>) src(%arg12 : memref<80x128xf32, #tpu.memory_space<vmem>>) dst(%dma_wait3A_43 : memref<80x128xf32, #tpu.memory_space<vmem_shared>>)
      tpu.yield
    }) : () -> ()
    %add3A_6 = arith.constant 80 : i32
    %add3A_7 = arith.addi %mul3A_4, %add3A_6 : i32
    "tpu.region"() ({
      %run_scoped3A = tpu.sem_alloc : memref<!tpu.dma_semaphore, #tpu.memory_space<semaphore_mem>>
      %dma_start3A = arith.constant 0 : i32
      %dma_start3A_38 = tpu.memref_slice %arg18[%add3A_7, %dma_start3A] : memref<10240x128xf32, #tpu.memory_space<vmem_shared>> -> memref<80x128xf32, #tpu.memory_space<vmem_shared>>
      %dma_start3A_39 = arith.constant 0 : i32
      %dma_start3A_40 = tpu.memref_slice %arg18[%add3A_7, %dma_start3A_39] : memref<10240x128xf32, #tpu.memory_space<vmem_shared>> -> memref<80x128xf32, #tpu.memory_space<vmem_shared>>
      tpu.enqueue_dma source(%arg12 : memref<80x128xf32, #tpu.memory_space<vmem>>) target(%dma_start3A_40 : memref<80x128xf32, #tpu.memory_space<vmem_shared>>) target_semaphore(%run_scoped3A : memref<!tpu.dma_semaphore, #tpu.memory_space<semaphore_mem>>)
      %dma_wait3A = arith.constant 0 : i32
      %dma_wait3A_41 = tpu.memref_slice %arg18[%add3A_7, %dma_wait3A] : memref<10240x128xf32, #tpu.memory_space<vmem_shared>> -> memref<80x128xf32, #tpu.memory_space<vmem_shared>>
      %dma_wait3A_42 = arith.constant 0 : i32
      %dma_wait3A_43 = tpu.memref_slice %arg18[%add3A_7, %dma_wait3A_42] : memref<10240x128xf32, #tpu.memory_space<vmem_shared>> -> memref<80x128xf32, #tpu.memory_space<vmem_shared>>
      tpu.wait_dma2 semaphore(%run_scoped3A : memref<!tpu.dma_semaphore, #tpu.memory_space<semaphore_mem>>) src(%arg12 : memref<80x128xf32, #tpu.memory_space<vmem>>) dst(%dma_wait3A_43 : memref<80x128xf32, #tpu.memory_space<vmem_shared>>)
      tpu.yield
    }) : () -> ()
    %add3A_8 = arith.constant 160 : i32
    %add3A_9 = arith.addi %mul3A_4, %add3A_8 : i32
    "tpu.region"() ({
      %run_scoped3A = tpu.sem_alloc : memref<!tpu.dma_semaphore, #tpu.memory_space<semaphore_mem>>
      %dma_start3A = arith.constant 0 : i32
      %dma_start3A_38 = tpu.memref_slice %arg18[%add3A_9, %dma_start3A] : memref<10240x128xf32, #tpu.memory_space<vmem_shared>> -> memref<80x128xf32, #tpu.memory_space<vmem_shared>>
      %dma_start3A_39 = arith.constant 0 : i32
      %dma_start3A_40 = tpu.memref_slice %arg18[%add3A_9, %dma_start3A_39] : memref<10240x128xf32, #tpu.memory_space<vmem_shared>> -> memref<80x128xf32, #tpu.memory_space<vmem_shared>>
      tpu.enqueue_dma source(%arg12 : memref<80x128xf32, #tpu.memory_space<vmem>>) target(%dma_start3A_40 : memref<80x128xf32, #tpu.memory_space<vmem_shared>>) target_semaphore(%run_scoped3A : memref<!tpu.dma_semaphore, #tpu.memory_space<semaphore_mem>>)
      %dma_wait3A = arith.constant 0 : i32
      %dma_wait3A_41 = tpu.memref_slice %arg18[%add3A_9, %dma_wait3A] : memref<10240x128xf32, #tpu.memory_space<vmem_shared>> -> memref<80x128xf32, #tpu.memory_space<vmem_shared>>
      %dma_wait3A_42 = arith.constant 0 : i32
      %dma_wait3A_43 = tpu.memref_slice %arg18[%add3A_9, %dma_wait3A_42] : memref<10240x128xf32, #tpu.memory_space<vmem_shared>> -> memref<80x128xf32, #tpu.memory_space<vmem_shared>>
      tpu.wait_dma2 semaphore(%run_scoped3A : memref<!tpu.dma_semaphore, #tpu.memory_space<semaphore_mem>>) src(%arg12 : memref<80x128xf32, #tpu.memory_space<vmem>>) dst(%dma_wait3A_43 : memref<80x128xf32, #tpu.memory_space<vmem_shared>>)
      tpu.yield
    }) : () -> ()
    %add3A_10 = arith.constant 240 : i32
    %add3A_11 = arith.addi %mul3A_4, %add3A_10 : i32
    "tpu.region"() ({
      %run_scoped3A = tpu.sem_alloc : memref<!tpu.dma_semaphore, #tpu.memory_space<semaphore_mem>>
      %dma_start3A = arith.constant 0 : i32
      %dma_start3A_38 = tpu.memref_slice %arg18[%add3A_11, %dma_start3A] : memref<10240x128xf32, #tpu.memory_space<vmem_shared>> -> memref<80x128xf32, #tpu.memory_space<vmem_shared>>
      %dma_start3A_39 = arith.constant 0 : i32
      %dma_start3A_40 = tpu.memref_slice %arg18[%add3A_11, %dma_start3A_39] : memref<10240x128xf32, #tpu.memory_space<vmem_shared>> -> memref<80x128xf32, #tpu.memory_space<vmem_shared>>
      tpu.enqueue_dma source(%arg12 : memref<80x128xf32, #tpu.memory_space<vmem>>) target(%dma_start3A_40 : memref<80x128xf32, #tpu.memory_space<vmem_shared>>) target_semaphore(%run_scoped3A : memref<!tpu.dma_semaphore, #tpu.memory_space<semaphore_mem>>)
      %dma_wait3A = arith.constant 0 : i32
      %dma_wait3A_41 = tpu.memref_slice %arg18[%add3A_11, %dma_wait3A] : memref<10240x128xf32, #tpu.memory_space<vmem_shared>> -> memref<80x128xf32, #tpu.memory_space<vmem_shared>>
      %dma_wait3A_42 = arith.constant 0 : i32
      %dma_wait3A_43 = tpu.memref_slice %arg18[%add3A_11, %dma_wait3A_42] : memref<10240x128xf32, #tpu.memory_space<vmem_shared>> -> memref<80x128xf32, #tpu.memory_space<vmem_shared>>
      tpu.wait_dma2 semaphore(%run_scoped3A : memref<!tpu.dma_semaphore, #tpu.memory_space<semaphore_mem>>) src(%arg12 : memref<80x128xf32, #tpu.memory_space<vmem>>) dst(%dma_wait3A_43 : memref<80x128xf32, #tpu.memory_space<vmem_shared>>)
      tpu.yield
    }) : () -> ()
    %add3A_12 = arith.constant 320 : i32
    %add3A_13 = arith.addi %mul3A_4, %add3A_12 : i32
    "tpu.region"() ({
      %run_scoped3A = tpu.sem_alloc : memref<!tpu.dma_semaphore, #tpu.memory_space<semaphore_mem>>
      %dma_start3A = arith.constant 0 : i32
      %dma_start3A_38 = tpu.memref_slice %arg18[%add3A_13, %dma_start3A] : memref<10240x128xf32, #tpu.memory_space<vmem_shared>> -> memref<80x128xf32, #tpu.memory_space<vmem_shared>>
      %dma_start3A_39 = arith.constant 0 : i32
      %dma_start3A_40 = tpu.memref_slice %arg18[%add3A_13, %dma_start3A_39] : memref<10240x128xf32, #tpu.memory_space<vmem_shared>> -> memref<80x128xf32, #tpu.memory_space<vmem_shared>>
      tpu.enqueue_dma source(%arg12 : memref<80x128xf32, #tpu.memory_space<vmem>>) target(%dma_start3A_40 : memref<80x128xf32, #tpu.memory_space<vmem_shared>>) target_semaphore(%run_scoped3A : memref<!tpu.dma_semaphore, #tpu.memory_space<semaphore_mem>>)
      %dma_wait3A = arith.constant 0 : i32
      %dma_wait3A_41 = tpu.memref_slice %arg18[%add3A_13, %dma_wait3A] : memref<10240x128xf32, #tpu.memory_space<vmem_shared>> -> memref<80x128xf32, #tpu.memory_space<vmem_shared>>
      %dma_wait3A_42 = arith.constant 0 : i32
      %dma_wait3A_43 = tpu.memref_slice %arg18[%add3A_13, %dma_wait3A_42] : memref<10240x128xf32, #tpu.memory_space<vmem_shared>> -> memref<80x128xf32, #tpu.memory_space<vmem_shared>>
      tpu.wait_dma2 semaphore(%run_scoped3A : memref<!tpu.dma_semaphore, #tpu.memory_space<semaphore_mem>>) src(%arg12 : memref<80x128xf32, #tpu.memory_space<vmem>>) dst(%dma_wait3A_43 : memref<80x128xf32, #tpu.memory_space<vmem_shared>>)
      tpu.yield
    }) : () -> ()
    %add3A_14 = arith.constant 400 : i32
    %add3A_15 = arith.addi %mul3A_4, %add3A_14 : i32
    "tpu.region"() ({
      %run_scoped3A = tpu.sem_alloc : memref<!tpu.dma_semaphore, #tpu.memory_space<semaphore_mem>>
      %dma_start3A = arith.constant 0 : i32
      %dma_start3A_38 = tpu.memref_slice %arg18[%add3A_15, %dma_start3A] : memref<10240x128xf32, #tpu.memory_space<vmem_shared>> -> memref<80x128xf32, #tpu.memory_space<vmem_shared>>
      %dma_start3A_39 = arith.constant 0 : i32
      %dma_start3A_40 = tpu.memref_slice %arg18[%add3A_15, %dma_start3A_39] : memref<10240x128xf32, #tpu.memory_space<vmem_shared>> -> memref<80x128xf32, #tpu.memory_space<vmem_shared>>
      tpu.enqueue_dma source(%arg12 : memref<80x128xf32, #tpu.memory_space<vmem>>) target(%dma_start3A_40 : memref<80x128xf32, #tpu.memory_space<vmem_shared>>) target_semaphore(%run_scoped3A : memref<!tpu.dma_semaphore, #tpu.memory_space<semaphore_mem>>)
      %dma_wait3A = arith.constant 0 : i32
      %dma_wait3A_41 = tpu.memref_slice %arg18[%add3A_15, %dma_wait3A] : memref<10240x128xf32, #tpu.memory_space<vmem_shared>> -> memref<80x128xf32, #tpu.memory_space<vmem_shared>>
      %dma_wait3A_42 = arith.constant 0 : i32
      %dma_wait3A_43 = tpu.memref_slice %arg18[%add3A_15, %dma_wait3A_42] : memref<10240x128xf32, #tpu.memory_space<vmem_shared>> -> memref<80x128xf32, #tpu.memory_space<vmem_shared>>
      tpu.wait_dma2 semaphore(%run_scoped3A : memref<!tpu.dma_semaphore, #tpu.memory_space<semaphore_mem>>) src(%arg12 : memref<80x128xf32, #tpu.memory_space<vmem>>) dst(%dma_wait3A_43 : memref<80x128xf32, #tpu.memory_space<vmem_shared>>)
      tpu.yield
    }) : () -> ()
    %add3A_16 = arith.constant 480 : i32
    %add3A_17 = arith.addi %mul3A_4, %add3A_16 : i32
    "tpu.region"() ({
      %run_scoped3A = tpu.sem_alloc : memref<!tpu.dma_semaphore, #tpu.memory_space<semaphore_mem>>
      %dma_start3A = arith.constant 0 : i32
      %dma_start3A_38 = tpu.memref_slice %arg18[%add3A_17, %dma_start3A] : memref<10240x128xf32, #tpu.memory_space<vmem_shared>> -> memref<80x128xf32, #tpu.memory_space<vmem_shared>>
      %dma_start3A_39 = arith.constant 0 : i32
      %dma_start3A_40 = tpu.memref_slice %arg18[%add3A_17, %dma_start3A_39] : memref<10240x128xf32, #tpu.memory_space<vmem_shared>> -> memref<80x128xf32, #tpu.memory_space<vmem_shared>>
      tpu.enqueue_dma source(%arg12 : memref<80x128xf32, #tpu.memory_space<vmem>>) target(%dma_start3A_40 : memref<80x128xf32, #tpu.memory_space<vmem_shared>>) target_semaphore(%run_scoped3A : memref<!tpu.dma_semaphore, #tpu.memory_space<semaphore_mem>>)
      %dma_wait3A = arith.constant 0 : i32
      %dma_wait3A_41 = tpu.memref_slice %arg18[%add3A_17, %dma_wait3A] : memref<10240x128xf32, #tpu.memory_space<vmem_shared>> -> memref<80x128xf32, #tpu.memory_space<vmem_shared>>
      %dma_wait3A_42 = arith.constant 0 : i32
      %dma_wait3A_43 = tpu.memref_slice %arg18[%add3A_17, %dma_wait3A_42] : memref<10240x128xf32, #tpu.memory_space<vmem_shared>> -> memref<80x128xf32, #tpu.memory_space<vmem_shared>>
      tpu.wait_dma2 semaphore(%run_scoped3A : memref<!tpu.dma_semaphore, #tpu.memory_space<semaphore_mem>>) src(%arg12 : memref<80x128xf32, #tpu.memory_space<vmem>>) dst(%dma_wait3A_43 : memref<80x128xf32, #tpu.memory_space<vmem_shared>>)
      tpu.yield
    }) : () -> ()
    %add3A_18 = arith.constant 560 : i32
    %add3A_19 = arith.addi %mul3A_4, %add3A_18 : i32
    "tpu.region"() ({
      %run_scoped3A = tpu.sem_alloc : memref<!tpu.dma_semaphore, #tpu.memory_space<semaphore_mem>>
      %dma_start3A = arith.constant 0 : i32
      %dma_start3A_38 = tpu.memref_slice %arg18[%add3A_19, %dma_start3A] : memref<10240x128xf32, #tpu.memory_space<vmem_shared>> -> memref<80x128xf32, #tpu.memory_space<vmem_shared>>
      %dma_start3A_39 = arith.constant 0 : i32
      %dma_start3A_40 = tpu.memref_slice %arg18[%add3A_19, %dma_start3A_39] : memref<10240x128xf32, #tpu.memory_space<vmem_shared>> -> memref<80x128xf32, #tpu.memory_space<vmem_shared>>
      tpu.enqueue_dma source(%arg12 : memref<80x128xf32, #tpu.memory_space<vmem>>) target(%dma_start3A_40 : memref<80x128xf32, #tpu.memory_space<vmem_shared>>) target_semaphore(%run_scoped3A : memref<!tpu.dma_semaphore, #tpu.memory_space<semaphore_mem>>)
      %dma_wait3A = arith.constant 0 : i32
      %dma_wait3A_41 = tpu.memref_slice %arg18[%add3A_19, %dma_wait3A] : memref<10240x128xf32, #tpu.memory_space<vmem_shared>> -> memref<80x128xf32, #tpu.memory_space<vmem_shared>>
      %dma_wait3A_42 = arith.constant 0 : i32
      %dma_wait3A_43 = tpu.memref_slice %arg18[%add3A_19, %dma_wait3A_42] : memref<10240x128xf32, #tpu.memory_space<vmem_shared>> -> memref<80x128xf32, #tpu.memory_space<vmem_shared>>
      tpu.wait_dma2 semaphore(%run_scoped3A : memref<!tpu.dma_semaphore, #tpu.memory_space<semaphore_mem>>) src(%arg12 : memref<80x128xf32, #tpu.memory_space<vmem>>) dst(%dma_wait3A_43 : memref<80x128xf32, #tpu.memory_space<vmem_shared>>)
      tpu.yield
    }) : () -> ()
    %barrier3A = arith.constant 0 : index
    tpu.barrier barrier_id(%barrier3A)
    %eq3A = arith.constant 0 : i32
    %eq3A_20 = arith.cmpi eq, %arg0, %eq3A : i32
    %convert_element_type3A = arith.extui %eq3A_20 : i1 to i32
    %cond3A = arith.constant 0 : i32
    %cond3A_21 = arith.cmpi ne, %convert_element_type3A, %cond3A : i32
    scf.if %cond3A_21 {
      %add3A_38 = arith.constant 0 : i32
      %add3A_39 = arith.addi %add3A_38, %arg1 : i32
      %lt3A = arith.constant 1360 : i32
      %lt3A_40 = arith.cmpi slt, %add3A_39, %lt3A : i32
      %convert_element_type3A_41 = arith.extui %lt3A_40 : i1 to i32
      %cond3A_42 = arith.constant 0 : i32
      %cond3A_43 = arith.cmpi ne, %convert_element_type3A_41, %cond3A_42 : i32
      scf.if %cond3A_43 {
        %mul3A_56 = arith.constant 80 : i32
        %mul3A_57 = arith.muli %add3A_39, %mul3A_56 : i32
        %add3A_58 = arith.constant 51200 : i32
        %add3A_59 = arith.addi %add3A_58, %mul3A_57 : i32
        "tpu.region"() ({
          %run_scoped3A = tpu.sem_alloc : memref<!tpu.dma_semaphore, #tpu.memory_space<semaphore_mem>>
          %dma_start3A_68 = tpu.memref_slice %arg5[%add3A_59] : memref<160000xi32, #tpu.memory_space<hbm>> -> memref<80xi32, #tpu.memory_space<hbm>>
          %dma_start3A_69 = tpu.memref_slice %arg5[%add3A_59] : memref<160000xi32, #tpu.memory_space<hbm>> -> memref<80xi32, #tpu.memory_space<hbm>>
          tpu.enqueue_dma source(%dma_start3A_69 : memref<80xi32, #tpu.memory_space<hbm>>) target(%arg10 : memref<80xi32, #tpu.memory_space<vmem>>) target_semaphore(%run_scoped3A : memref<!tpu.dma_semaphore, #tpu.memory_space<semaphore_mem>>)
          %dma_wait3A = tpu.memref_slice %arg5[%add3A_59] : memref<160000xi32, #tpu.memory_space<hbm>> -> memref<80xi32, #tpu.memory_space<hbm>>
          %dma_wait3A_70 = tpu.memref_slice %arg5[%add3A_59] : memref<160000xi32, #tpu.memory_space<hbm>> -> memref<80xi32, #tpu.memory_space<hbm>>
          tpu.wait_dma2 semaphore(%run_scoped3A : memref<!tpu.dma_semaphore, #tpu.memory_space<semaphore_mem>>) src(%dma_wait3A_70 : memref<80xi32, #tpu.memory_space<hbm>>) dst(%arg10 : memref<80xi32, #tpu.memory_space<vmem>>)
          tpu.yield
        }) : () -> ()
        %add3A_60 = arith.constant 51200 : i32
        %add3A_61 = arith.addi %add3A_60, %mul3A_57 : i32
        "tpu.region"() ({
          %run_scoped3A = tpu.sem_alloc : memref<!tpu.dma_semaphore, #tpu.memory_space<semaphore_mem>>
          %dma_start3A_68 = tpu.memref_slice %arg4[%add3A_61] : memref<160000xi32, #tpu.memory_space<hbm>> -> memref<80xi32, #tpu.memory_space<hbm>>
          %dma_start3A_69 = tpu.memref_slice %arg4[%add3A_61] : memref<160000xi32, #tpu.memory_space<hbm>> -> memref<80xi32, #tpu.memory_space<hbm>>
          tpu.enqueue_dma source(%dma_start3A_69 : memref<80xi32, #tpu.memory_space<hbm>>) target(%arg11 : memref<80xi32, #tpu.memory_space<vmem>>) target_semaphore(%run_scoped3A : memref<!tpu.dma_semaphore, #tpu.memory_space<semaphore_mem>>)
          %dma_wait3A = tpu.memref_slice %arg4[%add3A_61] : memref<160000xi32, #tpu.memory_space<hbm>> -> memref<80xi32, #tpu.memory_space<hbm>>
          %dma_wait3A_70 = tpu.memref_slice %arg4[%add3A_61] : memref<160000xi32, #tpu.memory_space<hbm>> -> memref<80xi32, #tpu.memory_space<hbm>>
          tpu.wait_dma2 semaphore(%run_scoped3A : memref<!tpu.dma_semaphore, #tpu.memory_space<semaphore_mem>>) src(%dma_wait3A_70 : memref<80xi32, #tpu.memory_space<hbm>>) dst(%arg11 : memref<80xi32, #tpu.memory_space<vmem>>)
          tpu.yield
        }) : () -> ()
        %dma_start3A = arith.constant 0 : i32
        %dma_start3A_62 = arith.constant 0 : i32
        %dma_start3A_63 = tpu.memref_slice %arg2[%dma_start3A, %dma_start3A_62] : memref<10000x128xf32, #tpu.memory_space<hbm>> -> memref<10000x128xf32, #tpu.memory_space<hbm>>
        tpu.enqueue_indirect_dma source(%dma_start3A_63 : memref<10000x128xf32, #tpu.memory_space<hbm>>) target(%arg12 : memref<80x128xf32, #tpu.memory_space<vmem>>) offsets(%arg10 : memref<80xi32, #tpu.memory_space<vmem>>) semaphore(%arg19 : memref<!tpu.dma_semaphore, #tpu.memory_space<semaphore_mem>>)
        %dma_start3A_64 = arith.constant 0 : i32
        %dma_start3A_65 = tpu.memref_slice %arg6[%mul3A_57, %dma_start3A_64] : memref<108800x64xf32, #tpu.memory_space<hbm>> -> memref<80x64xf32, #tpu.memory_space<hbm>>
        %dma_start3A_66 = arith.constant 0 : i32
        %dma_start3A_67 = tpu.memref_slice %arg6[%mul3A_57, %dma_start3A_66] : memref<108800x64xf32, #tpu.memory_space<hbm>> -> memref<80x64xf32, #tpu.memory_space<hbm>>
        tpu.enqueue_dma source(%dma_start3A_67 : memref<80x64xf32, #tpu.memory_space<hbm>>) target(%arg13 : memref<80x64xf32, #tpu.memory_space<vmem>>) target_semaphore(%arg20 : memref<!tpu.dma_semaphore, #tpu.memory_space<semaphore_mem>>)
      } else {
      }
      %add3A_44 = arith.constant 16 : i32
      %add3A_45 = arith.addi %add3A_44, %arg1 : i32
      %lt3A_46 = arith.constant 1360 : i32
      %lt3A_47 = arith.cmpi slt, %add3A_45, %lt3A_46 : i32
      %convert_element_type3A_48 = arith.extui %lt3A_47 : i1 to i32
      %cond3A_49 = arith.constant 0 : i32
      %cond3A_50 = arith.cmpi ne, %convert_element_type3A_48, %cond3A_49 : i32
      scf.if %cond3A_50 {
        %mul3A_56 = arith.constant 80 : i32
        %mul3A_57 = arith.muli %add3A_45, %mul3A_56 : i32
        %add3A_58 = arith.constant 51200 : i32
        %add3A_59 = arith.addi %add3A_58, %mul3A_57 : i32
        "tpu.region"() ({
          %run_scoped3A = tpu.sem_alloc : memref<!tpu.dma_semaphore, #tpu.memory_space<semaphore_mem>>
          %dma_start3A_68 = tpu.memref_slice %arg5[%add3A_59] : memref<160000xi32, #tpu.memory_space<hbm>> -> memref<80xi32, #tpu.memory_space<hbm>>
          %dma_start3A_69 = tpu.memref_slice %arg5[%add3A_59] : memref<160000xi32, #tpu.memory_space<hbm>> -> memref<80xi32, #tpu.memory_space<hbm>>
          tpu.enqueue_dma source(%dma_start3A_69 : memref<80xi32, #tpu.memory_space<hbm>>) target(%arg14 : memref<80xi32, #tpu.memory_space<vmem>>) target_semaphore(%run_scoped3A : memref<!tpu.dma_semaphore, #tpu.memory_space<semaphore_mem>>)
          %dma_wait3A = tpu.memref_slice %arg5[%add3A_59] : memref<160000xi32, #tpu.memory_space<hbm>> -> memref<80xi32, #tpu.memory_space<hbm>>
          %dma_wait3A_70 = tpu.memref_slice %arg5[%add3A_59] : memref<160000xi32, #tpu.memory_space<hbm>> -> memref<80xi32, #tpu.memory_space<hbm>>
          tpu.wait_dma2 semaphore(%run_scoped3A : memref<!tpu.dma_semaphore, #tpu.memory_space<semaphore_mem>>) src(%dma_wait3A_70 : memref<80xi32, #tpu.memory_space<hbm>>) dst(%arg14 : memref<80xi32, #tpu.memory_space<vmem>>)
          tpu.yield
        }) : () -> ()
        %add3A_60 = arith.constant 51200 : i32
        %add3A_61 = arith.addi %add3A_60, %mul3A_57 : i32
        "tpu.region"() ({
          %run_scoped3A = tpu.sem_alloc : memref<!tpu.dma_semaphore, #tpu.memory_space<semaphore_mem>>
          %dma_start3A_68 = tpu.memref_slice %arg4[%add3A_61] : memref<160000xi32, #tpu.memory_space<hbm>> -> memref<80xi32, #tpu.memory_space<hbm>>
          %dma_start3A_69 = tpu.memref_slice %arg4[%add3A_61] : memref<160000xi32, #tpu.memory_space<hbm>> -> memref<80xi32, #tpu.memory_space<hbm>>
          tpu.enqueue_dma source(%dma_start3A_69 : memref<80xi32, #tpu.memory_space<hbm>>) target(%arg15 : memref<80xi32, #tpu.memory_space<vmem>>) target_semaphore(%run_scoped3A : memref<!tpu.dma_semaphore, #tpu.memory_space<semaphore_mem>>)
          %dma_wait3A = tpu.memref_slice %arg4[%add3A_61] : memref<160000xi32, #tpu.memory_space<hbm>> -> memref<80xi32, #tpu.memory_space<hbm>>
          %dma_wait3A_70 = tpu.memref_slice %arg4[%add3A_61] : memref<160000xi32, #tpu.memory_space<hbm>> -> memref<80xi32, #tpu.memory_space<hbm>>
          tpu.wait_dma2 semaphore(%run_scoped3A : memref<!tpu.dma_semaphore, #tpu.memory_space<semaphore_mem>>) src(%dma_wait3A_70 : memref<80xi32, #tpu.memory_space<hbm>>) dst(%arg15 : memref<80xi32, #tpu.memory_space<vmem>>)
          tpu.yield
        }) : () -> ()
        %dma_start3A = arith.constant 0 : i32
        %dma_start3A_62 = arith.constant 0 : i32
        %dma_start3A_63 = tpu.memref_slice %arg2[%dma_start3A, %dma_start3A_62] : memref<10000x128xf32, #tpu.memory_space<hbm>> -> memref<10000x128xf32, #tpu.memory_space<hbm>>
        tpu.enqueue_indirect_dma source(%dma_start3A_63 : memref<10000x128xf32, #tpu.memory_space<hbm>>) target(%arg16 : memref<80x128xf32, #tpu.memory_space<vmem>>) offsets(%arg14 : memref<80xi32, #tpu.memory_space<vmem>>) semaphore(%arg21 : memref<!tpu.dma_semaphore, #tpu.memory_space<semaphore_mem>>)
        %dma_start3A_64 = arith.constant 0 : i32
        %dma_start3A_65 = tpu.memref_slice %arg6[%mul3A_57, %dma_start3A_64] : memref<108800x64xf32, #tpu.memory_space<hbm>> -> memref<80x64xf32, #tpu.memory_space<hbm>>
        %dma_start3A_66 = arith.constant 0 : i32
        %dma_start3A_67 = tpu.memref_slice %arg6[%mul3A_57, %dma_start3A_66] : memref<108800x64xf32, #tpu.memory_space<hbm>> -> memref<80x64xf32, #tpu.memory_space<hbm>>
        tpu.enqueue_dma source(%dma_start3A_67 : memref<80x64xf32, #tpu.memory_space<hbm>>) target(%arg17 : memref<80x64xf32, #tpu.memory_space<vmem>>) target_semaphore(%arg22 : memref<!tpu.dma_semaphore, #tpu.memory_space<semaphore_mem>>)
      } else {
      }
      %scan3A_51 = arith.constant 0 : i32
      %scan3A_52 = arith.constant 43 : i32
      %scan3A_53 = arith.addi %scan3A_51, %scan3A_52 : i32
      %scan3A_54 = arith.constant 1 : i32
      scf.for %scan3A_56 = %scan3A_51 to %scan3A_53 step %scan3A_54  : i32 {
        %mul3A_57 = arith.constant 2 : i32
        %mul3A_58 = arith.muli %scan3A_56, %mul3A_57 : i32
        %mul3A_59 = arith.constant 16 : i32
        %mul3A_60 = arith.muli %mul3A_58, %mul3A_59 : i32
        %add3A_61 = arith.addi %mul3A_60, %arg1 : i32
        %lt3A_62 = arith.constant 1360 : i32
        %lt3A_63 = arith.cmpi slt, %add3A_61, %lt3A_62 : i32
        %convert_element_type3A_64 = arith.extui %lt3A_63 : i1 to i32
        %cond3A_65 = arith.constant 0 : i32
        %cond3A_66 = arith.cmpi ne, %convert_element_type3A_64, %cond3A_65 : i32
        scf.if %cond3A_66 {
          %mul3A_97 = arith.constant 80 : i32
          %mul3A_98 = arith.muli %add3A_61, %mul3A_97 : i32
          %dma_wait3A = arith.constant 0 : i32
          %dma_wait3A_99 = arith.constant 0 : i32
          %dma_wait3A_100 = tpu.memref_slice %arg2[%dma_wait3A, %dma_wait3A_99] : memref<10000x128xf32, #tpu.memory_space<hbm>> -> memref<10000x128xf32, #tpu.memory_space<hbm>>
          tpu.wait_indirect_dma semaphore(%arg19 : memref<!tpu.dma_semaphore, #tpu.memory_space<semaphore_mem>>) src(%dma_wait3A_100 : memref<10000x128xf32, #tpu.memory_space<hbm>>) dst(%arg12 : memref<80x128xf32, #tpu.memory_space<vmem>>)
          %dma_wait3A_101 = arith.constant 0 : i32
          %dma_wait3A_102 = tpu.memref_slice %arg6[%mul3A_98, %dma_wait3A_101] : memref<108800x64xf32, #tpu.memory_space<hbm>> -> memref<80x64xf32, #tpu.memory_space<hbm>>
          %dma_wait3A_103 = arith.constant 0 : i32
          %dma_wait3A_104 = tpu.memref_slice %arg6[%mul3A_98, %dma_wait3A_103] : memref<108800x64xf32, #tpu.memory_space<hbm>> -> memref<80x64xf32, #tpu.memory_space<hbm>>
          tpu.wait_dma2 semaphore(%arg20 : memref<!tpu.dma_semaphore, #tpu.memory_space<semaphore_mem>>) src(%dma_wait3A_104 : memref<80x64xf32, #tpu.memory_space<hbm>>) dst(%arg13 : memref<80x64xf32, #tpu.memory_space<vmem>>)
          %scan3A_105 = arith.constant -65536 : i32
          %scan3A_106 = arith.constant 0 : i32
          %scan3A_107 = arith.constant 80 : i32
          %scan3A_108 = arith.addi %scan3A_106, %scan3A_107 : i32
          %scan3A_109 = arith.constant 1 : i32
          scf.for %scan3A_111 = %scan3A_106 to %scan3A_108 step %scan3A_109  : i32 {
            %get3A = arith.index_cast %scan3A_111 : i32 to index
            %get3A_112 = arith.constant 0 : index
            %get3A_113 = tpu.vector_load %arg13[%get3A, %get3A_112] {strides = array<i32>} : memref<80x64xf32, #tpu.memory_space<vmem>>, vector<1x16xf32>,
            %get3A_114 = vector.shape_cast %get3A_113 : vector<1x16xf32> to vector<16xf32>
            %bitcast_convert_type3A = tpu.bitcast %get3A_114 : vector<16xf32> -> vector<16xi32>
            %shift_left3A = arith.constant 16 : i32
            %shift_left3A_115 = vector.broadcast %shift_left3A : i32 to vector<16xi32>
            %shift_left3A_116 = arith.shli %bitcast_convert_type3A, %shift_left3A_115 : vector<16xi32>
            %bitcast_convert_type3A_117 = tpu.bitcast %shift_left3A_116 : vector<16xi32> -> vector<16xf32>
            %and3A = vector.broadcast %scan3A_105 : i32 to vector<16xi32>
            %and3A_118 = arith.andi %bitcast_convert_type3A, %and3A : vector<16xi32>
            %bitcast_convert_type3A_119 = tpu.bitcast %and3A_118 : vector<16xi32> -> vector<16xf32>
            %get3A_120 = arith.index_cast %scan3A_111 : i32 to index
            %get3A_121 = arith.constant 0 : index
            %get3A_122 = tpu.vector_load %arg12[%get3A_120, %get3A_121] {strides = array<i32>} : memref<80x128xf32, #tpu.memory_space<vmem>>, vector<1x16xf32>,
            %get3A_123 = vector.shape_cast %get3A_122 : vector<1x16xf32> to vector<16xf32>
            %mul3A_124 = arith.mulf %get3A_123, %bitcast_convert_type3A_117 : vector<16xf32>
            %swap3A = arith.index_cast %scan3A_111 : i32 to index
            %swap3A_125 = arith.constant 0 : index
            %swap3A_126 = tpu.vector_load %arg12[%swap3A, %swap3A_125] {strides = array<i32>} : memref<80x128xf32, #tpu.memory_space<vmem>>, vector<1x16xf32>,
            %swap3A_127 = vector.shape_cast %swap3A_126 : vector<1x16xf32> to vector<16xf32>
            %swap3A_128 = vector.shape_cast %mul3A_124 : vector<16xf32> to vector<1x16xf32>
            tpu.vector_store %arg12[%swap3A, %swap3A_125], %swap3A_128 {strides = array<i32>} : memref<80x128xf32, #tpu.memory_space<vmem>>, vector<1x16xf32>,
            %get3A_129 = arith.index_cast %scan3A_111 : i32 to index
            %get3A_130 = arith.constant 64 : index
            %get3A_131 = tpu.vector_load %arg12[%get3A_129, %get3A_130] {strides = array<i32>} : memref<80x128xf32, #tpu.memory_space<vmem>>, vector<1x16xf32>,
            %get3A_132 = vector.shape_cast %get3A_131 : vector<1x16xf32> to vector<16xf32>
            %mul3A_133 = arith.mulf %get3A_132, %bitcast_convert_type3A_119 : vector<16xf32>
            %swap3A_134 = arith.index_cast %scan3A_111 : i32 to index
            %swap3A_135 = arith.constant 64 : index
            %swap3A_136 = tpu.vector_load %arg12[%swap3A_134, %swap3A_135] {strides = array<i32>} : memref<80x128xf32, #tpu.memory_space<vmem>>, vector<1x16xf32>,
            %swap3A_137 = vector.shape_cast %swap3A_136 : vector<1x16xf32> to vector<16xf32>
            %swap3A_138 = vector.shape_cast %mul3A_133 : vector<16xf32> to vector<1x16xf32>
            tpu.vector_store %arg12[%swap3A_134, %swap3A_135], %swap3A_138 {strides = array<i32>} : memref<80x128xf32, #tpu.memory_space<vmem>>, vector<1x16xf32>,
            %get3A_139 = arith.index_cast %scan3A_111 : i32 to index
            %get3A_140 = arith.constant 16 : index
            %get3A_141 = tpu.vector_load %arg13[%get3A_139, %get3A_140] {strides = array<i32>} : memref<80x64xf32, #tpu.memory_space<vmem>>, vector<1x16xf32>,
            %get3A_142 = vector.shape_cast %get3A_141 : vector<1x16xf32> to vector<16xf32>
            %bitcast_convert_type3A_143 = tpu.bitcast %get3A_142 : vector<16xf32> -> vector<16xi32>
            %shift_left3A_144 = arith.constant 16 : i32
            %shift_left3A_145 = vector.broadcast %shift_left3A_144 : i32 to vector<16xi32>
            %shift_left3A_146 = arith.shli %bitcast_convert_type3A_143, %shift_left3A_145 : vector<16xi32>
            %bitcast_convert_type3A_147 = tpu.bitcast %shift_left3A_146 : vector<16xi32> -> vector<16xf32>
            %and3A_148 = vector.broadcast %scan3A_105 : i32 to vector<16xi32>
            %and3A_149 = arith.andi %bitcast_convert_type3A_143, %and3A_148 : vector<16xi32>
            %bitcast_convert_type3A_150 = tpu.bitcast %and3A_149 : vector<16xi32> -> vector<16xf32>
            %get3A_151 = arith.index_cast %scan3A_111 : i32 to index
            %get3A_152 = arith.constant 16 : index
            %get3A_153 = tpu.vector_load %arg12[%get3A_151, %get3A_152] {strides = array<i32>} : memref<80x128xf32, #tpu.memory_space<vmem>>, vector<1x16xf32>,
            %get3A_154 = vector.shape_cast %get3A_153 : vector<1x16xf32> to vector<16xf32>
            %mul3A_155 = arith.mulf %get3A_154, %bitcast_convert_type3A_147 : vector<16xf32>
            %swap3A_156 = arith.index_cast %scan3A_111 : i32 to index
            %swap3A_157 = arith.constant 16 : index
            %swap3A_158 = tpu.vector_load %arg12[%swap3A_156, %swap3A_157] {strides = array<i32>} : memref<80x128xf32, #tpu.memory_space<vmem>>, vector<1x16xf32>,
            %swap3A_159 = vector.shape_cast %swap3A_158 : vector<1x16xf32> to vector<16xf32>
            %swap3A_160 = vector.shape_cast %mul3A_155 : vector<16xf32> to vector<1x16xf32>
            tpu.vector_store %arg12[%swap3A_156, %swap3A_157], %swap3A_160 {strides = array<i32>} : memref<80x128xf32, #tpu.memory_space<vmem>>, vector<1x16xf32>,
            %get3A_161 = arith.index_cast %scan3A_111 : i32 to index
            %get3A_162 = arith.constant 80 : index
            %get3A_163 = tpu.vector_load %arg12[%get3A_161, %get3A_162] {strides = array<i32>} : memref<80x128xf32, #tpu.memory_space<vmem>>, vector<1x16xf32>,
            %get3A_164 = vector.shape_cast %get3A_163 : vector<1x16xf32> to vector<16xf32>
            %mul3A_165 = arith.mulf %get3A_164, %bitcast_convert_type3A_150 : vector<16xf32>
            %swap3A_166 = arith.index_cast %scan3A_111 : i32 to index
            %swap3A_167 = arith.constant 80 : index
            %swap3A_168 = tpu.vector_load %arg12[%swap3A_166, %swap3A_167] {strides = array<i32>} : memref<80x128xf32, #tpu.memory_space<vmem>>, vector<1x16xf32>,
            %swap3A_169 = vector.shape_cast %swap3A_168 : vector<1x16xf32> to vector<16xf32>
            %swap3A_170 = vector.shape_cast %mul3A_165 : vector<16xf32> to vector<1x16xf32>
            tpu.vector_store %arg12[%swap3A_166, %swap3A_167], %swap3A_170 {strides = array<i32>} : memref<80x128xf32, #tpu.memory_space<vmem>>, vector<1x16xf32>,
            %get3A_171 = arith.index_cast %scan3A_111 : i32 to index
            %get3A_172 = arith.constant 32 : index
            %get3A_173 = tpu.vector_load %arg13[%get3A_171, %get3A_172] {strides = array<i32>} : memref<80x64xf32, #tpu.memory_space<vmem>>, vector<1x16xf32>,
            %get3A_174 = vector.shape_cast %get3A_173 : vector<1x16xf32> to vector<16xf32>
            %bitcast_convert_type3A_175 = tpu.bitcast %get3A_174 : vector<16xf32> -> vector<16xi32>
            %shift_left3A_176 = arith.constant 16 : i32
            %shift_left3A_177 = vector.broadcast %shift_left3A_176 : i32 to vector<16xi32>
            %shift_left3A_178 = arith.shli %bitcast_convert_type3A_175, %shift_left3A_177 : vector<16xi32>
            %bitcast_convert_type3A_179 = tpu.bitcast %shift_left3A_178 : vector<16xi32> -> vector<16xf32>
            %and3A_180 = vector.broadcast %scan3A_105 : i32 to vector<16xi32>
            %and3A_181 = arith.andi %bitcast_convert_type3A_175, %and3A_180 : vector<16xi32>
            %bitcast_convert_type3A_182 = tpu.bitcast %and3A_181 : vector<16xi32> -> vector<16xf32>
            %get3A_183 = arith.index_cast %scan3A_111 : i32 to index
            %get3A_184 = arith.constant 32 : index
            %get3A_185 = tpu.vector_load %arg12[%get3A_183, %get3A_184] {strides = array<i32>} : memref<80x128xf32, #tpu.memory_space<vmem>>, vector<1x16xf32>,
            %get3A_186 = vector.shape_cast %get3A_185 : vector<1x16xf32> to vector<16xf32>
            %mul3A_187 = arith.mulf %get3A_186, %bitcast_convert_type3A_179 : vector<16xf32>
            %swap3A_188 = arith.index_cast %scan3A_111 : i32 to index
            %swap3A_189 = arith.constant 32 : index
            %swap3A_190 = tpu.vector_load %arg12[%swap3A_188, %swap3A_189] {strides = array<i32>} : memref<80x128xf32, #tpu.memory_space<vmem>>, vector<1x16xf32>,
            %swap3A_191 = vector.shape_cast %swap3A_190 : vector<1x16xf32> to vector<16xf32>
            %swap3A_192 = vector.shape_cast %mul3A_187 : vector<16xf32> to vector<1x16xf32>
            tpu.vector_store %arg12[%swap3A_188, %swap3A_189], %swap3A_192 {strides = array<i32>} : memref<80x128xf32, #tpu.memory_space<vmem>>, vector<1x16xf32>,
            %get3A_193 = arith.index_cast %scan3A_111 : i32 to index
            %get3A_194 = arith.constant 96 : index
            %get3A_195 = tpu.vector_load %arg12[%get3A_193, %get3A_194] {strides = array<i32>} : memref<80x128xf32, #tpu.memory_space<vmem>>, vector<1x16xf32>,
            %get3A_196 = vector.shape_cast %get3A_195 : vector<1x16xf32> to vector<16xf32>
            %mul3A_197 = arith.mulf %get3A_196, %bitcast_convert_type3A_182 : vector<16xf32>
            %swap3A_198 = arith.index_cast %scan3A_111 : i32 to index
            %swap3A_199 = arith.constant 96 : index
            %swap3A_200 = tpu.vector_load %arg12[%swap3A_198, %swap3A_199] {strides = array<i32>} : memref<80x128xf32, #tpu.memory_space<vmem>>, vector<1x16xf32>,
            %swap3A_201 = vector.shape_cast %swap3A_200 : vector<1x16xf32> to vector<16xf32>
            %swap3A_202 = vector.shape_cast %mul3A_197 : vector<16xf32> to vector<1x16xf32>
            tpu.vector_store %arg12[%swap3A_198, %swap3A_199], %swap3A_202 {strides = array<i32>} : memref<80x128xf32, #tpu.memory_space<vmem>>, vector<1x16xf32>,
            %get3A_203 = arith.index_cast %scan3A_111 : i32 to index
            %get3A_204 = arith.constant 48 : index
            %get3A_205 = tpu.vector_load %arg13[%get3A_203, %get3A_204] {strides = array<i32>} : memref<80x64xf32, #tpu.memory_space<vmem>>, vector<1x16xf32>,
            %get3A_206 = vector.shape_cast %get3A_205 : vector<1x16xf32> to vector<16xf32>
            %bitcast_convert_type3A_207 = tpu.bitcast %get3A_206 : vector<16xf32> -> vector<16xi32>
            %shift_left3A_208 = arith.constant 16 : i32
            %shift_left3A_209 = vector.broadcast %shift_left3A_208 : i32 to vector<16xi32>
            %shift_left3A_210 = arith.shli %bitcast_convert_type3A_207, %shift_left3A_209 : vector<16xi32>
            %bitcast_convert_type3A_211 = tpu.bitcast %shift_left3A_210 : vector<16xi32> -> vector<16xf32>
            %and3A_212 = vector.broadcast %scan3A_105 : i32 to vector<16xi32>
            %and3A_213 = arith.andi %bitcast_convert_type3A_207, %and3A_212 : vector<16xi32>
            %bitcast_convert_type3A_214 = tpu.bitcast %and3A_213 : vector<16xi32> -> vector<16xf32>
            %get3A_215 = arith.index_cast %scan3A_111 : i32 to index
            %get3A_216 = arith.constant 48 : index
            %get3A_217 = tpu.vector_load %arg12[%get3A_215, %get3A_216] {strides = array<i32>} : memref<80x128xf32, #tpu.memory_space<vmem>>, vector<1x16xf32>,
            %get3A_218 = vector.shape_cast %get3A_217 : vector<1x16xf32> to vector<16xf32>
            %mul3A_219 = arith.mulf %get3A_218, %bitcast_convert_type3A_211 : vector<16xf32>
            %swap3A_220 = arith.index_cast %scan3A_111 : i32 to index
            %swap3A_221 = arith.constant 48 : index
            %swap3A_222 = tpu.vector_load %arg12[%swap3A_220, %swap3A_221] {strides = array<i32>} : memref<80x128xf32, #tpu.memory_space<vmem>>, vector<1x16xf32>,
            %swap3A_223 = vector.shape_cast %swap3A_222 : vector<1x16xf32> to vector<16xf32>
            %swap3A_224 = vector.shape_cast %mul3A_219 : vector<16xf32> to vector<1x16xf32>
            tpu.vector_store %arg12[%swap3A_220, %swap3A_221], %swap3A_224 {strides = array<i32>} : memref<80x128xf32, #tpu.memory_space<vmem>>, vector<1x16xf32>,
            %get3A_225 = arith.index_cast %scan3A_111 : i32 to index
            %get3A_226 = arith.constant 112 : index
            %get3A_227 = tpu.vector_load %arg12[%get3A_225, %get3A_226] {strides = array<i32>} : memref<80x128xf32, #tpu.memory_space<vmem>>, vector<1x16xf32>,
            %get3A_228 = vector.shape_cast %get3A_227 : vector<1x16xf32> to vector<16xf32>
            %mul3A_229 = arith.mulf %get3A_228, %bitcast_convert_type3A_214 : vector<16xf32>
            %swap3A_230 = arith.index_cast %scan3A_111 : i32 to index
            %swap3A_231 = arith.constant 112 : index
            %swap3A_232 = tpu.vector_load %arg12[%swap3A_230, %swap3A_231] {strides = array<i32>} : memref<80x128xf32, #tpu.memory_space<vmem>>, vector<1x16xf32>,
            %swap3A_233 = vector.shape_cast %swap3A_232 : vector<1x16xf32> to vector<16xf32>
            %swap3A_234 = vector.shape_cast %mul3A_229 : vector<16xf32> to vector<1x16xf32>
            tpu.vector_store %arg12[%swap3A_230, %swap3A_231], %swap3A_234 {strides = array<i32>} : memref<80x128xf32, #tpu.memory_space<vmem>>, vector<1x16xf32>,
          }
          %scan3A_110 = arith.constant 80 : i32
          "tpu.region"() ({
            %run_scoped3A = tpu.sem_alloc : memref<!tpu.dma_semaphore, #tpu.memory_space<semaphore_mem>>
            %dma_start3A = arith.constant 0 : i32
            %dma_start3A_111 = arith.constant 0 : i32
            %dma_start3A_112 = tpu.memref_slice %arg18[%dma_start3A, %dma_start3A_111] : memref<10240x128xf32, #tpu.memory_space<vmem_shared>> -> memref<10240x128xf32, #tpu.memory_space<vmem_shared>>
            tpu.enqueue_indirect_dma source(%arg12 : memref<80x128xf32, #tpu.memory_space<vmem>>) target(%dma_start3A_112 : memref<10240x128xf32, #tpu.memory_space<vmem_shared>>) offsets(%arg11 : memref<80xi32, #tpu.memory_space<vmem>>) semaphore(%run_scoped3A : memref<!tpu.dma_semaphore, #tpu.memory_space<semaphore_mem>>) {add = true}
            %dma_wait3A_113 = arith.constant 0 : i32
            %dma_wait3A_114 = arith.constant 0 : i32
            %dma_wait3A_115 = tpu.memref_slice %arg18[%dma_wait3A_113, %dma_wait3A_114] : memref<10240x128xf32, #tpu.memory_space<vmem_shared>> -> memref<10240x128xf32, #tpu.memory_space<vmem_shared>>
            tpu.wait_indirect_dma semaphore(%run_scoped3A : memref<!tpu.dma_semaphore, #tpu.memory_space<semaphore_mem>>) src(%arg12 : memref<80x128xf32, #tpu.memory_space<vmem>>) dst(%dma_wait3A_115 : memref<10240x128xf32, #tpu.memory_space<vmem_shared>>)
            tpu.yield
          }) : () -> ()
        } else {
        }
        %add3A_67 = arith.constant 2 : i32
        %add3A_68 = arith.addi %mul3A_58, %add3A_67 : i32
        %mul3A_69 = arith.constant 16 : i32
        %mul3A_70 = arith.muli %add3A_68, %mul3A_69 : i32
        %add3A_71 = arith.addi %mul3A_70, %arg1 : i32
        %lt3A_72 = arith.constant 1360 : i32
        %lt3A_73 = arith.cmpi slt, %add3A_71, %lt3A_72 : i32
        %convert_element_type3A_74 = arith.extui %lt3A_73 : i1 to i32
        %cond3A_75 = arith.constant 0 : i32
        %cond3A_76 = arith.cmpi ne, %convert_element_type3A_74, %cond3A_75 : i32
        scf.if %cond3A_76 {
          %mul3A_97 = arith.constant 80 : i32
          %mul3A_98 = arith.muli %add3A_71, %mul3A_97 : i32
          %add3A_99 = arith.constant 51200 : i32
          %add3A_100 = arith.addi %add3A_99, %mul3A_98 : i32
          "tpu.region"() ({
            %run_scoped3A = tpu.sem_alloc : memref<!tpu.dma_semaphore, #tpu.memory_space<semaphore_mem>>
            %dma_start3A_109 = tpu.memref_slice %arg5[%add3A_100] : memref<160000xi32, #tpu.memory_space<hbm>> -> memref<80xi32, #tpu.memory_space<hbm>>
            %dma_start3A_110 = tpu.memref_slice %arg5[%add3A_100] : memref<160000xi32, #tpu.memory_space<hbm>> -> memref<80xi32, #tpu.memory_space<hbm>>
            tpu.enqueue_dma source(%dma_start3A_110 : memref<80xi32, #tpu.memory_space<hbm>>) target(%arg10 : memref<80xi32, #tpu.memory_space<vmem>>) target_semaphore(%run_scoped3A : memref<!tpu.dma_semaphore, #tpu.memory_space<semaphore_mem>>)
            %dma_wait3A = tpu.memref_slice %arg5[%add3A_100] : memref<160000xi32, #tpu.memory_space<hbm>> -> memref<80xi32, #tpu.memory_space<hbm>>
            %dma_wait3A_111 = tpu.memref_slice %arg5[%add3A_100] : memref<160000xi32, #tpu.memory_space<hbm>> -> memref<80xi32, #tpu.memory_space<hbm>>
            tpu.wait_dma2 semaphore(%run_scoped3A : memref<!tpu.dma_semaphore, #tpu.memory_space<semaphore_mem>>) src(%dma_wait3A_111 : memref<80xi32, #tpu.memory_space<hbm>>) dst(%arg10 : memref<80xi32, #tpu.memory_space<vmem>>)
            tpu.yield
          }) : () -> ()
          %add3A_101 = arith.constant 51200 : i32
          %add3A_102 = arith.addi %add3A_101, %mul3A_98 : i32
          "tpu.region"() ({
            %run_scoped3A = tpu.sem_alloc : memref<!tpu.dma_semaphore, #tpu.memory_space<semaphore_mem>>
            %dma_start3A_109 = tpu.memref_slice %arg4[%add3A_102] : memref<160000xi32, #tpu.memory_space<hbm>> -> memref<80xi32, #tpu.memory_space<hbm>>
            %dma_start3A_110 = tpu.memref_slice %arg4[%add3A_102] : memref<160000xi32, #tpu.memory_space<hbm>> -> memref<80xi32, #tpu.memory_space<hbm>>
            tpu.enqueue_dma source(%dma_start3A_110 : memref<80xi32, #tpu.memory_space<hbm>>) target(%arg11 : memref<80xi32, #tpu.memory_space<vmem>>) target_semaphore(%run_scoped3A : memref<!tpu.dma_semaphore, #tpu.memory_space<semaphore_mem>>)
            %dma_wait3A = tpu.memref_slice %arg4[%add3A_102] : memref<160000xi32, #tpu.memory_space<hbm>> -> memref<80xi32, #tpu.memory_space<hbm>>
            %dma_wait3A_111 = tpu.memref_slice %arg4[%add3A_102] : memref<160000xi32, #tpu.memory_space<hbm>> -> memref<80xi32, #tpu.memory_space<hbm>>
            tpu.wait_dma2 semaphore(%run_scoped3A : memref<!tpu.dma_semaphore, #tpu.memory_space<semaphore_mem>>) src(%dma_wait3A_111 : memref<80xi32, #tpu.memory_space<hbm>>) dst(%arg11 : memref<80xi32, #tpu.memory_space<vmem>>)
            tpu.yield
          }) : () -> ()
          %dma_start3A = arith.constant 0 : i32
          %dma_start3A_103 = arith.constant 0 : i32
          %dma_start3A_104 = tpu.memref_slice %arg2[%dma_start3A, %dma_start3A_103] : memref<10000x128xf32, #tpu.memory_space<hbm>> -> memref<10000x128xf32, #tpu.memory_space<hbm>>
          tpu.enqueue_indirect_dma source(%dma_start3A_104 : memref<10000x128xf32, #tpu.memory_space<hbm>>) target(%arg12 : memref<80x128xf32, #tpu.memory_space<vmem>>) offsets(%arg10 : memref<80xi32, #tpu.memory_space<vmem>>) semaphore(%arg19 : memref<!tpu.dma_semaphore, #tpu.memory_space<semaphore_mem>>)
          %dma_start3A_105 = arith.constant 0 : i32
          %dma_start3A_106 = tpu.memref_slice %arg6[%mul3A_98, %dma_start3A_105] : memref<108800x64xf32, #tpu.memory_space<hbm>> -> memref<80x64xf32, #tpu.memory_space<hbm>>
          %dma_start3A_107 = arith.constant 0 : i32
          %dma_start3A_108 = tpu.memref_slice %arg6[%mul3A_98, %dma_start3A_107] : memref<108800x64xf32, #tpu.memory_space<hbm>> -> memref<80x64xf32, #tpu.memory_space<hbm>>
          tpu.enqueue_dma source(%dma_start3A_108 : memref<80x64xf32, #tpu.memory_space<hbm>>) target(%arg13 : memref<80x64xf32, #tpu.memory_space<vmem>>) target_semaphore(%arg20 : memref<!tpu.dma_semaphore, #tpu.memory_space<semaphore_mem>>)
        } else {
        }
        %add3A_77 = arith.constant 1 : i32
        %add3A_78 = arith.addi %mul3A_58, %add3A_77 : i32
        %mul3A_79 = arith.constant 16 : i32
        %mul3A_80 = arith.muli %add3A_78, %mul3A_79 : i32
        %add3A_81 = arith.addi %mul3A_80, %arg1 : i32
        %lt3A_82 = arith.constant 1360 : i32
        %lt3A_83 = arith.cmpi slt, %add3A_81, %lt3A_82 : i32
        %convert_element_type3A_84 = arith.extui %lt3A_83 : i1 to i32
        %cond3A_85 = arith.constant 0 : i32
        %cond3A_86 = arith.cmpi ne, %convert_element_type3A_84, %cond3A_85 : i32
        scf.if %cond3A_86 {
          %mul3A_97 = arith.constant 80 : i32
          %mul3A_98 = arith.muli %add3A_81, %mul3A_97 : i32
          %dma_wait3A = arith.constant 0 : i32
          %dma_wait3A_99 = arith.constant 0 : i32
          %dma_wait3A_100 = tpu.memref_slice %arg2[%dma_wait3A, %dma_wait3A_99] : memref<10000x128xf32, #tpu.memory_space<hbm>> -> memref<10000x128xf32, #tpu.memory_space<hbm>>
          tpu.wait_indirect_dma semaphore(%arg21 : memref<!tpu.dma_semaphore, #tpu.memory_space<semaphore_mem>>) src(%dma_wait3A_100 : memref<10000x128xf32, #tpu.memory_space<hbm>>) dst(%arg16 : memref<80x128xf32, #tpu.memory_space<vmem>>)
          %dma_wait3A_101 = arith.constant 0 : i32
          %dma_wait3A_102 = tpu.memref_slice %arg6[%mul3A_98, %dma_wait3A_101] : memref<108800x64xf32, #tpu.memory_space<hbm>> -> memref<80x64xf32, #tpu.memory_space<hbm>>
          %dma_wait3A_103 = arith.constant 0 : i32
          %dma_wait3A_104 = tpu.memref_slice %arg6[%mul3A_98, %dma_wait3A_103] : memref<108800x64xf32, #tpu.memory_space<hbm>> -> memref<80x64xf32, #tpu.memory_space<hbm>>
          tpu.wait_dma2 semaphore(%arg22 : memref<!tpu.dma_semaphore, #tpu.memory_space<semaphore_mem>>) src(%dma_wait3A_104 : memref<80x64xf32, #tpu.memory_space<hbm>>) dst(%arg17 : memref<80x64xf32, #tpu.memory_space<vmem>>)
          %scan3A_105 = arith.constant -65536 : i32
          %scan3A_106 = arith.constant 0 : i32
          %scan3A_107 = arith.constant 80 : i32
          %scan3A_108 = arith.addi %scan3A_106, %scan3A_107 : i32
          %scan3A_109 = arith.constant 1 : i32
          scf.for %scan3A_111 = %scan3A_106 to %scan3A_108 step %scan3A_109  : i32 {
            %get3A = arith.index_cast %scan3A_111 : i32 to index
            %get3A_112 = arith.constant 0 : index
            %get3A_113 = tpu.vector_load %arg17[%get3A, %get3A_112] {strides = array<i32>} : memref<80x64xf32, #tpu.memory_space<vmem>>, vector<1x16xf32>,
            %get3A_114 = vector.shape_cast %get3A_113 : vector<1x16xf32> to vector<16xf32>
            %bitcast_convert_type3A = tpu.bitcast %get3A_114 : vector<16xf32> -> vector<16xi32>
            %shift_left3A = arith.constant 16 : i32
            %shift_left3A_115 = vector.broadcast %shift_left3A : i32 to vector<16xi32>
            %shift_left3A_116 = arith.shli %bitcast_convert_type3A, %shift_left3A_115 : vector<16xi32>
            %bitcast_convert_type3A_117 = tpu.bitcast %shift_left3A_116 : vector<16xi32> -> vector<16xf32>
            %and3A = vector.broadcast %scan3A_105 : i32 to vector<16xi32>
            %and3A_118 = arith.andi %bitcast_convert_type3A, %and3A : vector<16xi32>
            %bitcast_convert_type3A_119 = tpu.bitcast %and3A_118 : vector<16xi32> -> vector<16xf32>
            %get3A_120 = arith.index_cast %scan3A_111 : i32 to index
            %get3A_121 = arith.constant 0 : index
            %get3A_122 = tpu.vector_load %arg16[%get3A_120, %get3A_121] {strides = array<i32>} : memref<80x128xf32, #tpu.memory_space<vmem>>, vector<1x16xf32>,
            %get3A_123 = vector.shape_cast %get3A_122 : vector<1x16xf32> to vector<16xf32>
            %mul3A_124 = arith.mulf %get3A_123, %bitcast_convert_type3A_117 : vector<16xf32>
            %swap3A = arith.index_cast %scan3A_111 : i32 to index
            %swap3A_125 = arith.constant 0 : index
            %swap3A_126 = tpu.vector_load %arg16[%swap3A, %swap3A_125] {strides = array<i32>} : memref<80x128xf32, #tpu.memory_space<vmem>>, vector<1x16xf32>,
            %swap3A_127 = vector.shape_cast %swap3A_126 : vector<1x16xf32> to vector<16xf32>
            %swap3A_128 = vector.shape_cast %mul3A_124 : vector<16xf32> to vector<1x16xf32>
            tpu.vector_store %arg16[%swap3A, %swap3A_125], %swap3A_128 {strides = array<i32>} : memref<80x128xf32, #tpu.memory_space<vmem>>, vector<1x16xf32>,
            %get3A_129 = arith.index_cast %scan3A_111 : i32 to index
            %get3A_130 = arith.constant 64 : index
            %get3A_131 = tpu.vector_load %arg16[%get3A_129, %get3A_130] {strides = array<i32>} : memref<80x128xf32, #tpu.memory_space<vmem>>, vector<1x16xf32>,
            %get3A_132 = vector.shape_cast %get3A_131 : vector<1x16xf32> to vector<16xf32>
            %mul3A_133 = arith.mulf %get3A_132, %bitcast_convert_type3A_119 : vector<16xf32>
            %swap3A_134 = arith.index_cast %scan3A_111 : i32 to index
            %swap3A_135 = arith.constant 64 : index
            %swap3A_136 = tpu.vector_load %arg16[%swap3A_134, %swap3A_135] {strides = array<i32>} : memref<80x128xf32, #tpu.memory_space<vmem>>, vector<1x16xf32>,
            %swap3A_137 = vector.shape_cast %swap3A_136 : vector<1x16xf32> to vector<16xf32>
            %swap3A_138 = vector.shape_cast %mul3A_133 : vector<16xf32> to vector<1x16xf32>
            tpu.vector_store %arg16[%swap3A_134, %swap3A_135], %swap3A_138 {strides = array<i32>} : memref<80x128xf32, #tpu.memory_space<vmem>>, vector<1x16xf32>,
            %get3A_139 = arith.index_cast %scan3A_111 : i32 to index
            %get3A_140 = arith.constant 16 : index
            %get3A_141 = tpu.vector_load %arg17[%get3A_139, %get3A_140] {strides = array<i32>} : memref<80x64xf32, #tpu.memory_space<vmem>>, vector<1x16xf32>,
            %get3A_142 = vector.shape_cast %get3A_141 : vector<1x16xf32> to vector<16xf32>
            %bitcast_convert_type3A_143 = tpu.bitcast %get3A_142 : vector<16xf32> -> vector<16xi32>
            %shift_left3A_144 = arith.constant 16 : i32
            %shift_left3A_145 = vector.broadcast %shift_left3A_144 : i32 to vector<16xi32>
            %shift_left3A_146 = arith.shli %bitcast_convert_type3A_143, %shift_left3A_145 : vector<16xi32>
            %bitcast_convert_type3A_147 = tpu.bitcast %shift_left3A_146 : vector<16xi32> -> vector<16xf32>
            %and3A_148 = vector.broadcast %scan3A_105 : i32 to vector<16xi32>
            %and3A_149 = arith.andi %bitcast_convert_type3A_143, %and3A_148 : vector<16xi32>
            %bitcast_convert_type3A_150 = tpu.bitcast %and3A_149 : vector<16xi32> -> vector<16xf32>
            %get3A_151 = arith.index_cast %scan3A_111 : i32 to index
            %get3A_152 = arith.constant 16 : index
            %get3A_153 = tpu.vector_load %arg16[%get3A_151, %get3A_152] {strides = array<i32>} : memref<80x128xf32, #tpu.memory_space<vmem>>, vector<1x16xf32>,
            %get3A_154 = vector.shape_cast %get3A_153 : vector<1x16xf32> to vector<16xf32>
            %mul3A_155 = arith.mulf %get3A_154, %bitcast_convert_type3A_147 : vector<16xf32>
            %swap3A_156 = arith.index_cast %scan3A_111 : i32 to index
            %swap3A_157 = arith.constant 16 : index
            %swap3A_158 = tpu.vector_load %arg16[%swap3A_156, %swap3A_157] {strides = array<i32>} : memref<80x128xf32, #tpu.memory_space<vmem>>, vector<1x16xf32>,
            %swap3A_159 = vector.shape_cast %swap3A_158 : vector<1x16xf32> to vector<16xf32>
            %swap3A_160 = vector.shape_cast %mul3A_155 : vector<16xf32> to vector<1x16xf32>
            tpu.vector_store %arg16[%swap3A_156, %swap3A_157], %swap3A_160 {strides = array<i32>} : memref<80x128xf32, #tpu.memory_space<vmem>>, vector<1x16xf32>,
            %get3A_161 = arith.index_cast %scan3A_111 : i32 to index
            %get3A_162 = arith.constant 80 : index
            %get3A_163 = tpu.vector_load %arg16[%get3A_161, %get3A_162] {strides = array<i32>} : memref<80x128xf32, #tpu.memory_space<vmem>>, vector<1x16xf32>,
            %get3A_164 = vector.shape_cast %get3A_163 : vector<1x16xf32> to vector<16xf32>
            %mul3A_165 = arith.mulf %get3A_164, %bitcast_convert_type3A_150 : vector<16xf32>
            %swap3A_166 = arith.index_cast %scan3A_111 : i32 to index
            %swap3A_167 = arith.constant 80 : index
            %swap3A_168 = tpu.vector_load %arg16[%swap3A_166, %swap3A_167] {strides = array<i32>} : memref<80x128xf32, #tpu.memory_space<vmem>>, vector<1x16xf32>,
            %swap3A_169 = vector.shape_cast %swap3A_168 : vector<1x16xf32> to vector<16xf32>
            %swap3A_170 = vector.shape_cast %mul3A_165 : vector<16xf32> to vector<1x16xf32>
            tpu.vector_store %arg16[%swap3A_166, %swap3A_167], %swap3A_170 {strides = array<i32>} : memref<80x128xf32, #tpu.memory_space<vmem>>, vector<1x16xf32>,
            %get3A_171 = arith.index_cast %scan3A_111 : i32 to index
            %get3A_172 = arith.constant 32 : index
            %get3A_173 = tpu.vector_load %arg17[%get3A_171, %get3A_172] {strides = array<i32>} : memref<80x64xf32, #tpu.memory_space<vmem>>, vector<1x16xf32>,
            %get3A_174 = vector.shape_cast %get3A_173 : vector<1x16xf32> to vector<16xf32>
            %bitcast_convert_type3A_175 = tpu.bitcast %get3A_174 : vector<16xf32> -> vector<16xi32>
            %shift_left3A_176 = arith.constant 16 : i32
            %shift_left3A_177 = vector.broadcast %shift_left3A_176 : i32 to vector<16xi32>
            %shift_left3A_178 = arith.shli %bitcast_convert_type3A_175, %shift_left3A_177 : vector<16xi32>
            %bitcast_convert_type3A_179 = tpu.bitcast %shift_left3A_178 : vector<16xi32> -> vector<16xf32>
            %and3A_180 = vector.broadcast %scan3A_105 : i32 to vector<16xi32>
            %and3A_181 = arith.andi %bitcast_convert_type3A_175, %and3A_180 : vector<16xi32>
            %bitcast_convert_type3A_182 = tpu.bitcast %and3A_181 : vector<16xi32> -> vector<16xf32>
            %get3A_183 = arith.index_cast %scan3A_111 : i32 to index
            %get3A_184 = arith.constant 32 : index
            %get3A_185 = tpu.vector_load %arg16[%get3A_183, %get3A_184] {strides = array<i32>} : memref<80x128xf32, #tpu.memory_space<vmem>>, vector<1x16xf32>,
            %get3A_186 = vector.shape_cast %get3A_185 : vector<1x16xf32> to vector<16xf32>
            %mul3A_187 = arith.mulf %get3A_186, %bitcast_convert_type3A_179 : vector<16xf32>
            %swap3A_188 = arith.index_cast %scan3A_111 : i32 to index
            %swap3A_189 = arith.constant 32 : index
            %swap3A_190 = tpu.vector_load %arg16[%swap3A_188, %swap3A_189] {strides = array<i32>} : memref<80x128xf32, #tpu.memory_space<vmem>>, vector<1x16xf32>,
            %swap3A_191 = vector.shape_cast %swap3A_190 : vector<1x16xf32> to vector<16xf32>
            %swap3A_192 = vector.shape_cast %mul3A_187 : vector<16xf32> to vector<1x16xf32>
            tpu.vector_store %arg16[%swap3A_188, %swap3A_189], %swap3A_192 {strides = array<i32>} : memref<80x128xf32, #tpu.memory_space<vmem>>, vector<1x16xf32>,
            %get3A_193 = arith.index_cast %scan3A_111 : i32 to index
            %get3A_194 = arith.constant 96 : index
            %get3A_195 = tpu.vector_load %arg16[%get3A_193, %get3A_194] {strides = array<i32>} : memref<80x128xf32, #tpu.memory_space<vmem>>, vector<1x16xf32>,
            %get3A_196 = vector.shape_cast %get3A_195 : vector<1x16xf32> to vector<16xf32>
            %mul3A_197 = arith.mulf %get3A_196, %bitcast_convert_type3A_182 : vector<16xf32>
            %swap3A_198 = arith.index_cast %scan3A_111 : i32 to index
            %swap3A_199 = arith.constant 96 : index
            %swap3A_200 = tpu.vector_load %arg16[%swap3A_198, %swap3A_199] {strides = array<i32>} : memref<80x128xf32, #tpu.memory_space<vmem>>, vector<1x16xf32>,
            %swap3A_201 = vector.shape_cast %swap3A_200 : vector<1x16xf32> to vector<16xf32>
            %swap3A_202 = vector.shape_cast %mul3A_197 : vector<16xf32> to vector<1x16xf32>
            tpu.vector_store %arg16[%swap3A_198, %swap3A_199], %swap3A_202 {strides = array<i32>} : memref<80x128xf32, #tpu.memory_space<vmem>>, vector<1x16xf32>,
            %get3A_203 = arith.index_cast %scan3A_111 : i32 to index
            %get3A_204 = arith.constant 48 : index
            %get3A_205 = tpu.vector_load %arg17[%get3A_203, %get3A_204] {strides = array<i32>} : memref<80x64xf32, #tpu.memory_space<vmem>>, vector<1x16xf32>,
            %get3A_206 = vector.shape_cast %get3A_205 : vector<1x16xf32> to vector<16xf32>
            %bitcast_convert_type3A_207 = tpu.bitcast %get3A_206 : vector<16xf32> -> vector<16xi32>
            %shift_left3A_208 = arith.constant 16 : i32
            %shift_left3A_209 = vector.broadcast %shift_left3A_208 : i32 to vector<16xi32>
            %shift_left3A_210 = arith.shli %bitcast_convert_type3A_207, %shift_left3A_209 : vector<16xi32>
            %bitcast_convert_type3A_211 = tpu.bitcast %shift_left3A_210 : vector<16xi32> -> vector<16xf32>
            %and3A_212 = vector.broadcast %scan3A_105 : i32 to vector<16xi32>
            %and3A_213 = arith.andi %bitcast_convert_type3A_207, %and3A_212 : vector<16xi32>
            %bitcast_convert_type3A_214 = tpu.bitcast %and3A_213 : vector<16xi32> -> vector<16xf32>
            %get3A_215 = arith.index_cast %scan3A_111 : i32 to index
            %get3A_216 = arith.constant 48 : index
            %get3A_217 = tpu.vector_load %arg16[%get3A_215, %get3A_216] {strides = array<i32>} : memref<80x128xf32, #tpu.memory_space<vmem>>, vector<1x16xf32>,
            %get3A_218 = vector.shape_cast %get3A_217 : vector<1x16xf32> to vector<16xf32>
            %mul3A_219 = arith.mulf %get3A_218, %bitcast_convert_type3A_211 : vector<16xf32>
            %swap3A_220 = arith.index_cast %scan3A_111 : i32 to index
            %swap3A_221 = arith.constant 48 : index
            %swap3A_222 = tpu.vector_load %arg16[%swap3A_220, %swap3A_221] {strides = array<i32>} : memref<80x128xf32, #tpu.memory_space<vmem>>, vector<1x16xf32>,
            %swap3A_223 = vector.shape_cast %swap3A_222 : vector<1x16xf32> to vector<16xf32>
            %swap3A_224 = vector.shape_cast %mul3A_219 : vector<16xf32> to vector<1x16xf32>
            tpu.vector_store %arg16[%swap3A_220, %swap3A_221], %swap3A_224 {strides = array<i32>} : memref<80x128xf32, #tpu.memory_space<vmem>>, vector<1x16xf32>,
            %get3A_225 = arith.index_cast %scan3A_111 : i32 to index
            %get3A_226 = arith.constant 112 : index
            %get3A_227 = tpu.vector_load %arg16[%get3A_225, %get3A_226] {strides = array<i32>} : memref<80x128xf32, #tpu.memory_space<vmem>>, vector<1x16xf32>,
            %get3A_228 = vector.shape_cast %get3A_227 : vector<1x16xf32> to vector<16xf32>
            %mul3A_229 = arith.mulf %get3A_228, %bitcast_convert_type3A_214 : vector<16xf32>
            %swap3A_230 = arith.index_cast %scan3A_111 : i32 to index
            %swap3A_231 = arith.constant 112 : index
            %swap3A_232 = tpu.vector_load %arg16[%swap3A_230, %swap3A_231] {strides = array<i32>} : memref<80x128xf32, #tpu.memory_space<vmem>>, vector<1x16xf32>,
            %swap3A_233 = vector.shape_cast %swap3A_232 : vector<1x16xf32> to vector<16xf32>
            %swap3A_234 = vector.shape_cast %mul3A_229 : vector<16xf32> to vector<1x16xf32>
            tpu.vector_store %arg16[%swap3A_230, %swap3A_231], %swap3A_234 {strides = array<i32>} : memref<80x128xf32, #tpu.memory_space<vmem>>, vector<1x16xf32>,
          }
          %scan3A_110 = arith.constant 80 : i32
          "tpu.region"() ({
            %run_scoped3A = tpu.sem_alloc : memref<!tpu.dma_semaphore, #tpu.memory_space<semaphore_mem>>
            %dma_start3A = arith.constant 0 : i32
            %dma_start3A_111 = arith.constant 0 : i32
            %dma_start3A_112 = tpu.memref_slice %arg18[%dma_start3A, %dma_start3A_111] : memref<10240x128xf32, #tpu.memory_space<vmem_shared>> -> memref<10240x128xf32, #tpu.memory_space<vmem_shared>>
            tpu.enqueue_indirect_dma source(%arg16 : memref<80x128xf32, #tpu.memory_space<vmem>>) target(%dma_start3A_112 : memref<10240x128xf32, #tpu.memory_space<vmem_shared>>) offsets(%arg15 : memref<80xi32, #tpu.memory_space<vmem>>) semaphore(%run_scoped3A : memref<!tpu.dma_semaphore, #tpu.memory_space<semaphore_mem>>) {add = true}
            %dma_wait3A_113 = arith.constant 0 : i32
            %dma_wait3A_114 = arith.constant 0 : i32
            %dma_wait3A_115 = tpu.memref_slice %arg18[%dma_wait3A_113, %dma_wait3A_114] : memref<10240x128xf32, #tpu.memory_space<vmem_shared>> -> memref<10240x128xf32, #tpu.memory_space<vmem_shared>>
            tpu.wait_indirect_dma semaphore(%run_scoped3A : memref<!tpu.dma_semaphore, #tpu.memory_space<semaphore_mem>>) src(%arg16 : memref<80x128xf32, #tpu.memory_space<vmem>>) dst(%dma_wait3A_115 : memref<10240x128xf32, #tpu.memory_space<vmem_shared>>)
            tpu.yield
          }) : () -> ()
        } else {
        }
        %add3A_87 = arith.constant 3 : i32
        %add3A_88 = arith.addi %mul3A_58, %add3A_87 : i32
        %mul3A_89 = arith.constant 16 : i32
        %mul3A_90 = arith.muli %add3A_88, %mul3A_89 : i32
        %add3A_91 = arith.addi %mul3A_90, %arg1 : i32
        %lt3A_92 = arith.constant 1360 : i32
        %lt3A_93 = arith.cmpi slt, %add3A_91, %lt3A_92 : i32
        %convert_element_type3A_94 = arith.extui %lt3A_93 : i1 to i32
        %cond3A_95 = arith.constant 0 : i32
        %cond3A_96 = arith.cmpi ne, %convert_element_type3A_94, %cond3A_95 : i32
        scf.if %cond3A_96 {
          %mul3A_97 = arith.constant 80 : i32
          %mul3A_98 = arith.muli %add3A_91, %mul3A_97 : i32
          %add3A_99 = arith.constant 51200 : i32
          %add3A_100 = arith.addi %add3A_99, %mul3A_98 : i32
          "tpu.region"() ({
            %run_scoped3A = tpu.sem_alloc : memref<!tpu.dma_semaphore, #tpu.memory_space<semaphore_mem>>
            %dma_start3A_109 = tpu.memref_slice %arg5[%add3A_100] : memref<160000xi32, #tpu.memory_space<hbm>> -> memref<80xi32, #tpu.memory_space<hbm>>
            %dma_start3A_110 = tpu.memref_slice %arg5[%add3A_100] : memref<160000xi32, #tpu.memory_space<hbm>> -> memref<80xi32, #tpu.memory_space<hbm>>
            tpu.enqueue_dma source(%dma_start3A_110 : memref<80xi32, #tpu.memory_space<hbm>>) target(%arg14 : memref<80xi32, #tpu.memory_space<vmem>>) target_semaphore(%run_scoped3A : memref<!tpu.dma_semaphore, #tpu.memory_space<semaphore_mem>>)
            %dma_wait3A = tpu.memref_slice %arg5[%add3A_100] : memref<160000xi32, #tpu.memory_space<hbm>> -> memref<80xi32, #tpu.memory_space<hbm>>
            %dma_wait3A_111 = tpu.memref_slice %arg5[%add3A_100] : memref<160000xi32, #tpu.memory_space<hbm>> -> memref<80xi32, #tpu.memory_space<hbm>>
            tpu.wait_dma2 semaphore(%run_scoped3A : memref<!tpu.dma_semaphore, #tpu.memory_space<semaphore_mem>>) src(%dma_wait3A_111 : memref<80xi32, #tpu.memory_space<hbm>>) dst(%arg14 : memref<80xi32, #tpu.memory_space<vmem>>)
            tpu.yield
          }) : () -> ()
          %add3A_101 = arith.constant 51200 : i32
          %add3A_102 = arith.addi %add3A_101, %mul3A_98 : i32
          "tpu.region"() ({
            %run_scoped3A = tpu.sem_alloc : memref<!tpu.dma_semaphore, #tpu.memory_space<semaphore_mem>>
            %dma_start3A_109 = tpu.memref_slice %arg4[%add3A_102] : memref<160000xi32, #tpu.memory_space<hbm>> -> memref<80xi32, #tpu.memory_space<hbm>>
            %dma_start3A_110 = tpu.memref_slice %arg4[%add3A_102] : memref<160000xi32, #tpu.memory_space<hbm>> -> memref<80xi32, #tpu.memory_space<hbm>>
            tpu.enqueue_dma source(%dma_start3A_110 : memref<80xi32, #tpu.memory_space<hbm>>) target(%arg15 : memref<80xi32, #tpu.memory_space<vmem>>) target_semaphore(%run_scoped3A : memref<!tpu.dma_semaphore, #tpu.memory_space<semaphore_mem>>)
            %dma_wait3A = tpu.memref_slice %arg4[%add3A_102] : memref<160000xi32, #tpu.memory_space<hbm>> -> memref<80xi32, #tpu.memory_space<hbm>>
            %dma_wait3A_111 = tpu.memref_slice %arg4[%add3A_102] : memref<160000xi32, #tpu.memory_space<hbm>> -> memref<80xi32, #tpu.memory_space<hbm>>
            tpu.wait_dma2 semaphore(%run_scoped3A : memref<!tpu.dma_semaphore, #tpu.memory_space<semaphore_mem>>) src(%dma_wait3A_111 : memref<80xi32, #tpu.memory_space<hbm>>) dst(%arg15 : memref<80xi32, #tpu.memory_space<vmem>>)
            tpu.yield
          }) : () -> ()
          %dma_start3A = arith.constant 0 : i32
          %dma_start3A_103 = arith.constant 0 : i32
          %dma_start3A_104 = tpu.memref_slice %arg2[%dma_start3A, %dma_start3A_103] : memref<10000x128xf32, #tpu.memory_space<hbm>> -> memref<10000x128xf32, #tpu.memory_space<hbm>>
          tpu.enqueue_indirect_dma source(%dma_start3A_104 : memref<10000x128xf32, #tpu.memory_space<hbm>>) target(%arg16 : memref<80x128xf32, #tpu.memory_space<vmem>>) offsets(%arg14 : memref<80xi32, #tpu.memory_space<vmem>>) semaphore(%arg21 : memref<!tpu.dma_semaphore, #tpu.memory_space<semaphore_mem>>)
          %dma_start3A_105 = arith.constant 0 : i32
          %dma_start3A_106 = tpu.memref_slice %arg6[%mul3A_98, %dma_start3A_105] : memref<108800x64xf32, #tpu.memory_space<hbm>> -> memref<80x64xf32, #tpu.memory_space<hbm>>
          %dma_start3A_107 = arith.constant 0 : i32
          %dma_start3A_108 = tpu.memref_slice %arg6[%mul3A_98, %dma_start3A_107] : memref<108800x64xf32, #tpu.memory_space<hbm>> -> memref<80x64xf32, #tpu.memory_space<hbm>>
          tpu.enqueue_dma source(%dma_start3A_108 : memref<80x64xf32, #tpu.memory_space<hbm>>) target(%arg17 : memref<80x64xf32, #tpu.memory_space<vmem>>) target_semaphore(%arg22 : memref<!tpu.dma_semaphore, #tpu.memory_space<semaphore_mem>>)
        } else {
        }
      }
      %scan3A_55 = arith.constant 43 : i32
    } else {
    }
    %eq3A_22 = arith.constant 1 : i32
    %eq3A_23 = arith.cmpi eq, %arg0, %eq3A_22 : i32
    %convert_element_type3A_24 = arith.extui %eq3A_23 : i1 to i32
    %cond3A_25 = arith.constant 0 : i32
    %cond3A_26 = arith.cmpi ne, %convert_element_type3A_24, %cond3A_25 : i32
    scf.if %cond3A_26 {
      %add3A_38 = arith.constant 0 : i32
      %add3A_39 = arith.addi %add3A_38, %arg1 : i32
      %lt3A = arith.constant 1360 : i32
      %lt3A_40 = arith.cmpi slt, %add3A_39, %lt3A : i32
      %convert_element_type3A_41 = arith.extui %lt3A_40 : i1 to i32
      %cond3A_42 = arith.constant 0 : i32
      %cond3A_43 = arith.cmpi ne, %convert_element_type3A_41, %cond3A_42 : i32
      scf.if %cond3A_43 {
        %mul3A_56 = arith.constant 80 : i32
        %mul3A_57 = arith.muli %add3A_39, %mul3A_56 : i32
        %add3A_58 = arith.constant 51200 : i32
        %add3A_59 = arith.addi %add3A_58, %mul3A_57 : i32
        "tpu.region"() ({
          %run_scoped3A = tpu.sem_alloc : memref<!tpu.dma_semaphore, #tpu.memory_space<semaphore_mem>>
          %dma_start3A_68 = tpu.memref_slice %arg5[%add3A_59] : memref<160000xi32, #tpu.memory_space<hbm>> -> memref<80xi32, #tpu.memory_space<hbm>>
          %dma_start3A_69 = tpu.memref_slice %arg5[%add3A_59] : memref<160000xi32, #tpu.memory_space<hbm>> -> memref<80xi32, #tpu.memory_space<hbm>>
          tpu.enqueue_dma source(%dma_start3A_69 : memref<80xi32, #tpu.memory_space<hbm>>) target(%arg10 : memref<80xi32, #tpu.memory_space<vmem>>) target_semaphore(%run_scoped3A : memref<!tpu.dma_semaphore, #tpu.memory_space<semaphore_mem>>)
          %dma_wait3A = tpu.memref_slice %arg5[%add3A_59] : memref<160000xi32, #tpu.memory_space<hbm>> -> memref<80xi32, #tpu.memory_space<hbm>>
          %dma_wait3A_70 = tpu.memref_slice %arg5[%add3A_59] : memref<160000xi32, #tpu.memory_space<hbm>> -> memref<80xi32, #tpu.memory_space<hbm>>
          tpu.wait_dma2 semaphore(%run_scoped3A : memref<!tpu.dma_semaphore, #tpu.memory_space<semaphore_mem>>) src(%dma_wait3A_70 : memref<80xi32, #tpu.memory_space<hbm>>) dst(%arg10 : memref<80xi32, #tpu.memory_space<vmem>>)
          tpu.yield
        }) : () -> ()
        %add3A_60 = arith.constant 51200 : i32
        %add3A_61 = arith.addi %add3A_60, %mul3A_57 : i32
        "tpu.region"() ({
          %run_scoped3A = tpu.sem_alloc : memref<!tpu.dma_semaphore, #tpu.memory_space<semaphore_mem>>
          %dma_start3A_68 = tpu.memref_slice %arg4[%add3A_61] : memref<160000xi32, #tpu.memory_space<hbm>> -> memref<80xi32, #tpu.memory_space<hbm>>
          %dma_start3A_69 = tpu.memref_slice %arg4[%add3A_61] : memref<160000xi32, #tpu.memory_space<hbm>> -> memref<80xi32, #tpu.memory_space<hbm>>
          tpu.enqueue_dma source(%dma_start3A_69 : memref<80xi32, #tpu.memory_space<hbm>>) target(%arg11 : memref<80xi32, #tpu.memory_space<vmem>>) target_semaphore(%run_scoped3A : memref<!tpu.dma_semaphore, #tpu.memory_space<semaphore_mem>>)
          %dma_wait3A = tpu.memref_slice %arg4[%add3A_61] : memref<160000xi32, #tpu.memory_space<hbm>> -> memref<80xi32, #tpu.memory_space<hbm>>
          %dma_wait3A_70 = tpu.memref_slice %arg4[%add3A_61] : memref<160000xi32, #tpu.memory_space<hbm>> -> memref<80xi32, #tpu.memory_space<hbm>>
          tpu.wait_dma2 semaphore(%run_scoped3A : memref<!tpu.dma_semaphore, #tpu.memory_space<semaphore_mem>>) src(%dma_wait3A_70 : memref<80xi32, #tpu.memory_space<hbm>>) dst(%arg11 : memref<80xi32, #tpu.memory_space<vmem>>)
          tpu.yield
        }) : () -> ()
        %dma_start3A = arith.constant 0 : i32
        %dma_start3A_62 = arith.constant 0 : i32
        %dma_start3A_63 = tpu.memref_slice %arg3[%dma_start3A, %dma_start3A_62] : memref<10000x128xf32, #tpu.memory_space<hbm>> -> memref<10000x128xf32, #tpu.memory_space<hbm>>
        tpu.enqueue_indirect_dma source(%dma_start3A_63 : memref<10000x128xf32, #tpu.memory_space<hbm>>) target(%arg12 : memref<80x128xf32, #tpu.memory_space<vmem>>) offsets(%arg10 : memref<80xi32, #tpu.memory_space<vmem>>) semaphore(%arg19 : memref<!tpu.dma_semaphore, #tpu.memory_space<semaphore_mem>>)
        %dma_start3A_64 = arith.constant 0 : i32
        %dma_start3A_65 = tpu.memref_slice %arg7[%mul3A_57, %dma_start3A_64] : memref<108800x64xf32, #tpu.memory_space<hbm>> -> memref<80x64xf32, #tpu.memory_space<hbm>>
        %dma_start3A_66 = arith.constant 0 : i32
        %dma_start3A_67 = tpu.memref_slice %arg7[%mul3A_57, %dma_start3A_66] : memref<108800x64xf32, #tpu.memory_space<hbm>> -> memref<80x64xf32, #tpu.memory_space<hbm>>
        tpu.enqueue_dma source(%dma_start3A_67 : memref<80x64xf32, #tpu.memory_space<hbm>>) target(%arg13 : memref<80x64xf32, #tpu.memory_space<vmem>>) target_semaphore(%arg20 : memref<!tpu.dma_semaphore, #tpu.memory_space<semaphore_mem>>)
      } else {
      }
      %add3A_44 = arith.constant 16 : i32
      %add3A_45 = arith.addi %add3A_44, %arg1 : i32
      %lt3A_46 = arith.constant 1360 : i32
      %lt3A_47 = arith.cmpi slt, %add3A_45, %lt3A_46 : i32
      %convert_element_type3A_48 = arith.extui %lt3A_47 : i1 to i32
      %cond3A_49 = arith.constant 0 : i32
      %cond3A_50 = arith.cmpi ne, %convert_element_type3A_48, %cond3A_49 : i32
      scf.if %cond3A_50 {
        %mul3A_56 = arith.constant 80 : i32
        %mul3A_57 = arith.muli %add3A_45, %mul3A_56 : i32
        %add3A_58 = arith.constant 51200 : i32
        %add3A_59 = arith.addi %add3A_58, %mul3A_57 : i32
        "tpu.region"() ({
          %run_scoped3A = tpu.sem_alloc : memref<!tpu.dma_semaphore, #tpu.memory_space<semaphore_mem>>
          %dma_start3A_68 = tpu.memref_slice %arg5[%add3A_59] : memref<160000xi32, #tpu.memory_space<hbm>> -> memref<80xi32, #tpu.memory_space<hbm>>
          %dma_start3A_69 = tpu.memref_slice %arg5[%add3A_59] : memref<160000xi32, #tpu.memory_space<hbm>> -> memref<80xi32, #tpu.memory_space<hbm>>
          tpu.enqueue_dma source(%dma_start3A_69 : memref<80xi32, #tpu.memory_space<hbm>>) target(%arg14 : memref<80xi32, #tpu.memory_space<vmem>>) target_semaphore(%run_scoped3A : memref<!tpu.dma_semaphore, #tpu.memory_space<semaphore_mem>>)
          %dma_wait3A = tpu.memref_slice %arg5[%add3A_59] : memref<160000xi32, #tpu.memory_space<hbm>> -> memref<80xi32, #tpu.memory_space<hbm>>
          %dma_wait3A_70 = tpu.memref_slice %arg5[%add3A_59] : memref<160000xi32, #tpu.memory_space<hbm>> -> memref<80xi32, #tpu.memory_space<hbm>>
          tpu.wait_dma2 semaphore(%run_scoped3A : memref<!tpu.dma_semaphore, #tpu.memory_space<semaphore_mem>>) src(%dma_wait3A_70 : memref<80xi32, #tpu.memory_space<hbm>>) dst(%arg14 : memref<80xi32, #tpu.memory_space<vmem>>)
          tpu.yield
        }) : () -> ()
        %add3A_60 = arith.constant 51200 : i32
        %add3A_61 = arith.addi %add3A_60, %mul3A_57 : i32
        "tpu.region"() ({
          %run_scoped3A = tpu.sem_alloc : memref<!tpu.dma_semaphore, #tpu.memory_space<semaphore_mem>>
          %dma_start3A_68 = tpu.memref_slice %arg4[%add3A_61] : memref<160000xi32, #tpu.memory_space<hbm>> -> memref<80xi32, #tpu.memory_space<hbm>>
          %dma_start3A_69 = tpu.memref_slice %arg4[%add3A_61] : memref<160000xi32, #tpu.memory_space<hbm>> -> memref<80xi32, #tpu.memory_space<hbm>>
          tpu.enqueue_dma source(%dma_start3A_69 : memref<80xi32, #tpu.memory_space<hbm>>) target(%arg15 : memref<80xi32, #tpu.memory_space<vmem>>) target_semaphore(%run_scoped3A : memref<!tpu.dma_semaphore, #tpu.memory_space<semaphore_mem>>)
          %dma_wait3A = tpu.memref_slice %arg4[%add3A_61] : memref<160000xi32, #tpu.memory_space<hbm>> -> memref<80xi32, #tpu.memory_space<hbm>>
          %dma_wait3A_70 = tpu.memref_slice %arg4[%add3A_61] : memref<160000xi32, #tpu.memory_space<hbm>> -> memref<80xi32, #tpu.memory_space<hbm>>
          tpu.wait_dma2 semaphore(%run_scoped3A : memref<!tpu.dma_semaphore, #tpu.memory_space<semaphore_mem>>) src(%dma_wait3A_70 : memref<80xi32, #tpu.memory_space<hbm>>) dst(%arg15 : memref<80xi32, #tpu.memory_space<vmem>>)
          tpu.yield
        }) : () -> ()
        %dma_start3A = arith.constant 0 : i32
        %dma_start3A_62 = arith.constant 0 : i32
        %dma_start3A_63 = tpu.memref_slice %arg3[%dma_start3A, %dma_start3A_62] : memref<10000x128xf32, #tpu.memory_space<hbm>> -> memref<10000x128xf32, #tpu.memory_space<hbm>>
        tpu.enqueue_indirect_dma source(%dma_start3A_63 : memref<10000x128xf32, #tpu.memory_space<hbm>>) target(%arg16 : memref<80x128xf32, #tpu.memory_space<vmem>>) offsets(%arg14 : memref<80xi32, #tpu.memory_space<vmem>>) semaphore(%arg21 : memref<!tpu.dma_semaphore, #tpu.memory_space<semaphore_mem>>)
        %dma_start3A_64 = arith.constant 0 : i32
        %dma_start3A_65 = tpu.memref_slice %arg7[%mul3A_57, %dma_start3A_64] : memref<108800x64xf32, #tpu.memory_space<hbm>> -> memref<80x64xf32, #tpu.memory_space<hbm>>
        %dma_start3A_66 = arith.constant 0 : i32
        %dma_start3A_67 = tpu.memref_slice %arg7[%mul3A_57, %dma_start3A_66] : memref<108800x64xf32, #tpu.memory_space<hbm>> -> memref<80x64xf32, #tpu.memory_space<hbm>>
        tpu.enqueue_dma source(%dma_start3A_67 : memref<80x64xf32, #tpu.memory_space<hbm>>) target(%arg17 : memref<80x64xf32, #tpu.memory_space<vmem>>) target_semaphore(%arg22 : memref<!tpu.dma_semaphore, #tpu.memory_space<semaphore_mem>>)
      } else {
      }
      %scan3A_51 = arith.constant 0 : i32
      %scan3A_52 = arith.constant 43 : i32
      %scan3A_53 = arith.addi %scan3A_51, %scan3A_52 : i32
      %scan3A_54 = arith.constant 1 : i32
      scf.for %scan3A_56 = %scan3A_51 to %scan3A_53 step %scan3A_54  : i32 {
        %mul3A_57 = arith.constant 2 : i32
        %mul3A_58 = arith.muli %scan3A_56, %mul3A_57 : i32
        %mul3A_59 = arith.constant 16 : i32
        %mul3A_60 = arith.muli %mul3A_58, %mul3A_59 : i32
        %add3A_61 = arith.addi %mul3A_60, %arg1 : i32
        %lt3A_62 = arith.constant 1360 : i32
        %lt3A_63 = arith.cmpi slt, %add3A_61, %lt3A_62 : i32
        %convert_element_type3A_64 = arith.extui %lt3A_63 : i1 to i32
        %cond3A_65 = arith.constant 0 : i32
        %cond3A_66 = arith.cmpi ne, %convert_element_type3A_64, %cond3A_65 : i32
        scf.if %cond3A_66 {
          %mul3A_97 = arith.constant 80 : i32
          %mul3A_98 = arith.muli %add3A_61, %mul3A_97 : i32
          %dma_wait3A = arith.constant 0 : i32
          %dma_wait3A_99 = arith.constant 0 : i32
          %dma_wait3A_100 = tpu.memref_slice %arg3[%dma_wait3A, %dma_wait3A_99] : memref<10000x128xf32, #tpu.memory_space<hbm>> -> memref<10000x128xf32, #tpu.memory_space<hbm>>
          tpu.wait_indirect_dma semaphore(%arg19 : memref<!tpu.dma_semaphore, #tpu.memory_space<semaphore_mem>>) src(%dma_wait3A_100 : memref<10000x128xf32, #tpu.memory_space<hbm>>) dst(%arg12 : memref<80x128xf32, #tpu.memory_space<vmem>>)
          %dma_wait3A_101 = arith.constant 0 : i32
          %dma_wait3A_102 = tpu.memref_slice %arg7[%mul3A_98, %dma_wait3A_101] : memref<108800x64xf32, #tpu.memory_space<hbm>> -> memref<80x64xf32, #tpu.memory_space<hbm>>
          %dma_wait3A_103 = arith.constant 0 : i32
          %dma_wait3A_104 = tpu.memref_slice %arg7[%mul3A_98, %dma_wait3A_103] : memref<108800x64xf32, #tpu.memory_space<hbm>> -> memref<80x64xf32, #tpu.memory_space<hbm>>
          tpu.wait_dma2 semaphore(%arg20 : memref<!tpu.dma_semaphore, #tpu.memory_space<semaphore_mem>>) src(%dma_wait3A_104 : memref<80x64xf32, #tpu.memory_space<hbm>>) dst(%arg13 : memref<80x64xf32, #tpu.memory_space<vmem>>)
          %scan3A_105 = arith.constant -65536 : i32
          %scan3A_106 = arith.constant 0 : i32
          %scan3A_107 = arith.constant 80 : i32
          %scan3A_108 = arith.addi %scan3A_106, %scan3A_107 : i32
          %scan3A_109 = arith.constant 1 : i32
          scf.for %scan3A_111 = %scan3A_106 to %scan3A_108 step %scan3A_109  : i32 {
            %get3A = arith.index_cast %scan3A_111 : i32 to index
            %get3A_112 = arith.constant 0 : index
            %get3A_113 = tpu.vector_load %arg13[%get3A, %get3A_112] {strides = array<i32>} : memref<80x64xf32, #tpu.memory_space<vmem>>, vector<1x16xf32>,
            %get3A_114 = vector.shape_cast %get3A_113 : vector<1x16xf32> to vector<16xf32>
            %bitcast_convert_type3A = tpu.bitcast %get3A_114 : vector<16xf32> -> vector<16xi32>
            %shift_left3A = arith.constant 16 : i32
            %shift_left3A_115 = vector.broadcast %shift_left3A : i32 to vector<16xi32>
            %shift_left3A_116 = arith.shli %bitcast_convert_type3A, %shift_left3A_115 : vector<16xi32>
            %bitcast_convert_type3A_117 = tpu.bitcast %shift_left3A_116 : vector<16xi32> -> vector<16xf32>
            %and3A = vector.broadcast %scan3A_105 : i32 to vector<16xi32>
            %and3A_118 = arith.andi %bitcast_convert_type3A, %and3A : vector<16xi32>
            %bitcast_convert_type3A_119 = tpu.bitcast %and3A_118 : vector<16xi32> -> vector<16xf32>
            %get3A_120 = arith.index_cast %scan3A_111 : i32 to index
            %get3A_121 = arith.constant 0 : index
            %get3A_122 = tpu.vector_load %arg12[%get3A_120, %get3A_121] {strides = array<i32>} : memref<80x128xf32, #tpu.memory_space<vmem>>, vector<1x16xf32>,
            %get3A_123 = vector.shape_cast %get3A_122 : vector<1x16xf32> to vector<16xf32>
            %mul3A_124 = arith.mulf %get3A_123, %bitcast_convert_type3A_117 : vector<16xf32>
            %swap3A = arith.index_cast %scan3A_111 : i32 to index
            %swap3A_125 = arith.constant 0 : index
            %swap3A_126 = tpu.vector_load %arg12[%swap3A, %swap3A_125] {strides = array<i32>} : memref<80x128xf32, #tpu.memory_space<vmem>>, vector<1x16xf32>,
            %swap3A_127 = vector.shape_cast %swap3A_126 : vector<1x16xf32> to vector<16xf32>
            %swap3A_128 = vector.shape_cast %mul3A_124 : vector<16xf32> to vector<1x16xf32>
            tpu.vector_store %arg12[%swap3A, %swap3A_125], %swap3A_128 {strides = array<i32>} : memref<80x128xf32, #tpu.memory_space<vmem>>, vector<1x16xf32>,
            %get3A_129 = arith.index_cast %scan3A_111 : i32 to index
            %get3A_130 = arith.constant 64 : index
            %get3A_131 = tpu.vector_load %arg12[%get3A_129, %get3A_130] {strides = array<i32>} : memref<80x128xf32, #tpu.memory_space<vmem>>, vector<1x16xf32>,
            %get3A_132 = vector.shape_cast %get3A_131 : vector<1x16xf32> to vector<16xf32>
            %mul3A_133 = arith.mulf %get3A_132, %bitcast_convert_type3A_119 : vector<16xf32>
            %swap3A_134 = arith.index_cast %scan3A_111 : i32 to index
            %swap3A_135 = arith.constant 64 : index
            %swap3A_136 = tpu.vector_load %arg12[%swap3A_134, %swap3A_135] {strides = array<i32>} : memref<80x128xf32, #tpu.memory_space<vmem>>, vector<1x16xf32>,
            %swap3A_137 = vector.shape_cast %swap3A_136 : vector<1x16xf32> to vector<16xf32>
            %swap3A_138 = vector.shape_cast %mul3A_133 : vector<16xf32> to vector<1x16xf32>
            tpu.vector_store %arg12[%swap3A_134, %swap3A_135], %swap3A_138 {strides = array<i32>} : memref<80x128xf32, #tpu.memory_space<vmem>>, vector<1x16xf32>,
            %get3A_139 = arith.index_cast %scan3A_111 : i32 to index
            %get3A_140 = arith.constant 16 : index
            %get3A_141 = tpu.vector_load %arg13[%get3A_139, %get3A_140] {strides = array<i32>} : memref<80x64xf32, #tpu.memory_space<vmem>>, vector<1x16xf32>,
            %get3A_142 = vector.shape_cast %get3A_141 : vector<1x16xf32> to vector<16xf32>
            %bitcast_convert_type3A_143 = tpu.bitcast %get3A_142 : vector<16xf32> -> vector<16xi32>
            %shift_left3A_144 = arith.constant 16 : i32
            %shift_left3A_145 = vector.broadcast %shift_left3A_144 : i32 to vector<16xi32>
            %shift_left3A_146 = arith.shli %bitcast_convert_type3A_143, %shift_left3A_145 : vector<16xi32>
            %bitcast_convert_type3A_147 = tpu.bitcast %shift_left3A_146 : vector<16xi32> -> vector<16xf32>
            %and3A_148 = vector.broadcast %scan3A_105 : i32 to vector<16xi32>
            %and3A_149 = arith.andi %bitcast_convert_type3A_143, %and3A_148 : vector<16xi32>
            %bitcast_convert_type3A_150 = tpu.bitcast %and3A_149 : vector<16xi32> -> vector<16xf32>
            %get3A_151 = arith.index_cast %scan3A_111 : i32 to index
            %get3A_152 = arith.constant 16 : index
            %get3A_153 = tpu.vector_load %arg12[%get3A_151, %get3A_152] {strides = array<i32>} : memref<80x128xf32, #tpu.memory_space<vmem>>, vector<1x16xf32>,
            %get3A_154 = vector.shape_cast %get3A_153 : vector<1x16xf32> to vector<16xf32>
            %mul3A_155 = arith.mulf %get3A_154, %bitcast_convert_type3A_147 : vector<16xf32>
            %swap3A_156 = arith.index_cast %scan3A_111 : i32 to index
            %swap3A_157 = arith.constant 16 : index
            %swap3A_158 = tpu.vector_load %arg12[%swap3A_156, %swap3A_157] {strides = array<i32>} : memref<80x128xf32, #tpu.memory_space<vmem>>, vector<1x16xf32>,
            %swap3A_159 = vector.shape_cast %swap3A_158 : vector<1x16xf32> to vector<16xf32>
            %swap3A_160 = vector.shape_cast %mul3A_155 : vector<16xf32> to vector<1x16xf32>
            tpu.vector_store %arg12[%swap3A_156, %swap3A_157], %swap3A_160 {strides = array<i32>} : memref<80x128xf32, #tpu.memory_space<vmem>>, vector<1x16xf32>,
            %get3A_161 = arith.index_cast %scan3A_111 : i32 to index
            %get3A_162 = arith.constant 80 : index
            %get3A_163 = tpu.vector_load %arg12[%get3A_161, %get3A_162] {strides = array<i32>} : memref<80x128xf32, #tpu.memory_space<vmem>>, vector<1x16xf32>,
            %get3A_164 = vector.shape_cast %get3A_163 : vector<1x16xf32> to vector<16xf32>
            %mul3A_165 = arith.mulf %get3A_164, %bitcast_convert_type3A_150 : vector<16xf32>
            %swap3A_166 = arith.index_cast %scan3A_111 : i32 to index
            %swap3A_167 = arith.constant 80 : index
            %swap3A_168 = tpu.vector_load %arg12[%swap3A_166, %swap3A_167] {strides = array<i32>} : memref<80x128xf32, #tpu.memory_space<vmem>>, vector<1x16xf32>,
            %swap3A_169 = vector.shape_cast %swap3A_168 : vector<1x16xf32> to vector<16xf32>
            %swap3A_170 = vector.shape_cast %mul3A_165 : vector<16xf32> to vector<1x16xf32>
            tpu.vector_store %arg12[%swap3A_166, %swap3A_167], %swap3A_170 {strides = array<i32>} : memref<80x128xf32, #tpu.memory_space<vmem>>, vector<1x16xf32>,
            %get3A_171 = arith.index_cast %scan3A_111 : i32 to index
            %get3A_172 = arith.constant 32 : index
            %get3A_173 = tpu.vector_load %arg13[%get3A_171, %get3A_172] {strides = array<i32>} : memref<80x64xf32, #tpu.memory_space<vmem>>, vector<1x16xf32>,
            %get3A_174 = vector.shape_cast %get3A_173 : vector<1x16xf32> to vector<16xf32>
            %bitcast_convert_type3A_175 = tpu.bitcast %get3A_174 : vector<16xf32> -> vector<16xi32>
            %shift_left3A_176 = arith.constant 16 : i32
            %shift_left3A_177 = vector.broadcast %shift_left3A_176 : i32 to vector<16xi32>
            %shift_left3A_178 = arith.shli %bitcast_convert_type3A_175, %shift_left3A_177 : vector<16xi32>
            %bitcast_convert_type3A_179 = tpu.bitcast %shift_left3A_178 : vector<16xi32> -> vector<16xf32>
            %and3A_180 = vector.broadcast %scan3A_105 : i32 to vector<16xi32>
            %and3A_181 = arith.andi %bitcast_convert_type3A_175, %and3A_180 : vector<16xi32>
            %bitcast_convert_type3A_182 = tpu.bitcast %and3A_181 : vector<16xi32> -> vector<16xf32>
            %get3A_183 = arith.index_cast %scan3A_111 : i32 to index
            %get3A_184 = arith.constant 32 : index
            %get3A_185 = tpu.vector_load %arg12[%get3A_183, %get3A_184] {strides = array<i32>} : memref<80x128xf32, #tpu.memory_space<vmem>>, vector<1x16xf32>,
            %get3A_186 = vector.shape_cast %get3A_185 : vector<1x16xf32> to vector<16xf32>
            %mul3A_187 = arith.mulf %get3A_186, %bitcast_convert_type3A_179 : vector<16xf32>
            %swap3A_188 = arith.index_cast %scan3A_111 : i32 to index
            %swap3A_189 = arith.constant 32 : index
            %swap3A_190 = tpu.vector_load %arg12[%swap3A_188, %swap3A_189] {strides = array<i32>} : memref<80x128xf32, #tpu.memory_space<vmem>>, vector<1x16xf32>,
            %swap3A_191 = vector.shape_cast %swap3A_190 : vector<1x16xf32> to vector<16xf32>
            %swap3A_192 = vector.shape_cast %mul3A_187 : vector<16xf32> to vector<1x16xf32>
            tpu.vector_store %arg12[%swap3A_188, %swap3A_189], %swap3A_192 {strides = array<i32>} : memref<80x128xf32, #tpu.memory_space<vmem>>, vector<1x16xf32>,
            %get3A_193 = arith.index_cast %scan3A_111 : i32 to index
            %get3A_194 = arith.constant 96 : index
            %get3A_195 = tpu.vector_load %arg12[%get3A_193, %get3A_194] {strides = array<i32>} : memref<80x128xf32, #tpu.memory_space<vmem>>, vector<1x16xf32>,
            %get3A_196 = vector.shape_cast %get3A_195 : vector<1x16xf32> to vector<16xf32>
            %mul3A_197 = arith.mulf %get3A_196, %bitcast_convert_type3A_182 : vector<16xf32>
            %swap3A_198 = arith.index_cast %scan3A_111 : i32 to index
            %swap3A_199 = arith.constant 96 : index
            %swap3A_200 = tpu.vector_load %arg12[%swap3A_198, %swap3A_199] {strides = array<i32>} : memref<80x128xf32, #tpu.memory_space<vmem>>, vector<1x16xf32>,
            %swap3A_201 = vector.shape_cast %swap3A_200 : vector<1x16xf32> to vector<16xf32>
            %swap3A_202 = vector.shape_cast %mul3A_197 : vector<16xf32> to vector<1x16xf32>
            tpu.vector_store %arg12[%swap3A_198, %swap3A_199], %swap3A_202 {strides = array<i32>} : memref<80x128xf32, #tpu.memory_space<vmem>>, vector<1x16xf32>,
            %get3A_203 = arith.index_cast %scan3A_111 : i32 to index
            %get3A_204 = arith.constant 48 : index
            %get3A_205 = tpu.vector_load %arg13[%get3A_203, %get3A_204] {strides = array<i32>} : memref<80x64xf32, #tpu.memory_space<vmem>>, vector<1x16xf32>,
            %get3A_206 = vector.shape_cast %get3A_205 : vector<1x16xf32> to vector<16xf32>
            %bitcast_convert_type3A_207 = tpu.bitcast %get3A_206 : vector<16xf32> -> vector<16xi32>
            %shift_left3A_208 = arith.constant 16 : i32
            %shift_left3A_209 = vector.broadcast %shift_left3A_208 : i32 to vector<16xi32>
            %shift_left3A_210 = arith.shli %bitcast_convert_type3A_207, %shift_left3A_209 : vector<16xi32>
            %bitcast_convert_type3A_211 = tpu.bitcast %shift_left3A_210 : vector<16xi32> -> vector<16xf32>
            %and3A_212 = vector.broadcast %scan3A_105 : i32 to vector<16xi32>
            %and3A_213 = arith.andi %bitcast_convert_type3A_207, %and3A_212 : vector<16xi32>
            %bitcast_convert_type3A_214 = tpu.bitcast %and3A_213 : vector<16xi32> -> vector<16xf32>
            %get3A_215 = arith.index_cast %scan3A_111 : i32 to index
            %get3A_216 = arith.constant 48 : index
            %get3A_217 = tpu.vector_load %arg12[%get3A_215, %get3A_216] {strides = array<i32>} : memref<80x128xf32, #tpu.memory_space<vmem>>, vector<1x16xf32>,
            %get3A_218 = vector.shape_cast %get3A_217 : vector<1x16xf32> to vector<16xf32>
            %mul3A_219 = arith.mulf %get3A_218, %bitcast_convert_type3A_211 : vector<16xf32>
            %swap3A_220 = arith.index_cast %scan3A_111 : i32 to index
            %swap3A_221 = arith.constant 48 : index
            %swap3A_222 = tpu.vector_load %arg12[%swap3A_220, %swap3A_221] {strides = array<i32>} : memref<80x128xf32, #tpu.memory_space<vmem>>, vector<1x16xf32>,
            %swap3A_223 = vector.shape_cast %swap3A_222 : vector<1x16xf32> to vector<16xf32>
            %swap3A_224 = vector.shape_cast %mul3A_219 : vector<16xf32> to vector<1x16xf32>
            tpu.vector_store %arg12[%swap3A_220, %swap3A_221], %swap3A_224 {strides = array<i32>} : memref<80x128xf32, #tpu.memory_space<vmem>>, vector<1x16xf32>,
            %get3A_225 = arith.index_cast %scan3A_111 : i32 to index
            %get3A_226 = arith.constant 112 : index
            %get3A_227 = tpu.vector_load %arg12[%get3A_225, %get3A_226] {strides = array<i32>} : memref<80x128xf32, #tpu.memory_space<vmem>>, vector<1x16xf32>,
            %get3A_228 = vector.shape_cast %get3A_227 : vector<1x16xf32> to vector<16xf32>
            %mul3A_229 = arith.mulf %get3A_228, %bitcast_convert_type3A_214 : vector<16xf32>
            %swap3A_230 = arith.index_cast %scan3A_111 : i32 to index
            %swap3A_231 = arith.constant 112 : index
            %swap3A_232 = tpu.vector_load %arg12[%swap3A_230, %swap3A_231] {strides = array<i32>} : memref<80x128xf32, #tpu.memory_space<vmem>>, vector<1x16xf32>,
            %swap3A_233 = vector.shape_cast %swap3A_232 : vector<1x16xf32> to vector<16xf32>
            %swap3A_234 = vector.shape_cast %mul3A_229 : vector<16xf32> to vector<1x16xf32>
            tpu.vector_store %arg12[%swap3A_230, %swap3A_231], %swap3A_234 {strides = array<i32>} : memref<80x128xf32, #tpu.memory_space<vmem>>, vector<1x16xf32>,
          }
          %scan3A_110 = arith.constant 80 : i32
          "tpu.region"() ({
            %run_scoped3A = tpu.sem_alloc : memref<!tpu.dma_semaphore, #tpu.memory_space<semaphore_mem>>
            %dma_start3A = arith.constant 0 : i32
            %dma_start3A_111 = arith.constant 0 : i32
            %dma_start3A_112 = tpu.memref_slice %arg18[%dma_start3A, %dma_start3A_111] : memref<10240x128xf32, #tpu.memory_space<vmem_shared>> -> memref<10240x128xf32, #tpu.memory_space<vmem_shared>>
            tpu.enqueue_indirect_dma source(%arg12 : memref<80x128xf32, #tpu.memory_space<vmem>>) target(%dma_start3A_112 : memref<10240x128xf32, #tpu.memory_space<vmem_shared>>) offsets(%arg11 : memref<80xi32, #tpu.memory_space<vmem>>) semaphore(%run_scoped3A : memref<!tpu.dma_semaphore, #tpu.memory_space<semaphore_mem>>) {add = true}
            %dma_wait3A_113 = arith.constant 0 : i32
            %dma_wait3A_114 = arith.constant 0 : i32
            %dma_wait3A_115 = tpu.memref_slice %arg18[%dma_wait3A_113, %dma_wait3A_114] : memref<10240x128xf32, #tpu.memory_space<vmem_shared>> -> memref<10240x128xf32, #tpu.memory_space<vmem_shared>>
            tpu.wait_indirect_dma semaphore(%run_scoped3A : memref<!tpu.dma_semaphore, #tpu.memory_space<semaphore_mem>>) src(%arg12 : memref<80x128xf32, #tpu.memory_space<vmem>>) dst(%dma_wait3A_115 : memref<10240x128xf32, #tpu.memory_space<vmem_shared>>)
            tpu.yield
          }) : () -> ()
        } else {
        }
        %add3A_67 = arith.constant 2 : i32
        %add3A_68 = arith.addi %mul3A_58, %add3A_67 : i32
        %mul3A_69 = arith.constant 16 : i32
        %mul3A_70 = arith.muli %add3A_68, %mul3A_69 : i32
        %add3A_71 = arith.addi %mul3A_70, %arg1 : i32
        %lt3A_72 = arith.constant 1360 : i32
        %lt3A_73 = arith.cmpi slt, %add3A_71, %lt3A_72 : i32
        %convert_element_type3A_74 = arith.extui %lt3A_73 : i1 to i32
        %cond3A_75 = arith.constant 0 : i32
        %cond3A_76 = arith.cmpi ne, %convert_element_type3A_74, %cond3A_75 : i32
        scf.if %cond3A_76 {
          %mul3A_97 = arith.constant 80 : i32
          %mul3A_98 = arith.muli %add3A_71, %mul3A_97 : i32
          %add3A_99 = arith.constant 51200 : i32
          %add3A_100 = arith.addi %add3A_99, %mul3A_98 : i32
          "tpu.region"() ({
            %run_scoped3A = tpu.sem_alloc : memref<!tpu.dma_semaphore, #tpu.memory_space<semaphore_mem>>
            %dma_start3A_109 = tpu.memref_slice %arg5[%add3A_100] : memref<160000xi32, #tpu.memory_space<hbm>> -> memref<80xi32, #tpu.memory_space<hbm>>
            %dma_start3A_110 = tpu.memref_slice %arg5[%add3A_100] : memref<160000xi32, #tpu.memory_space<hbm>> -> memref<80xi32, #tpu.memory_space<hbm>>
            tpu.enqueue_dma source(%dma_start3A_110 : memref<80xi32, #tpu.memory_space<hbm>>) target(%arg10 : memref<80xi32, #tpu.memory_space<vmem>>) target_semaphore(%run_scoped3A : memref<!tpu.dma_semaphore, #tpu.memory_space<semaphore_mem>>)
            %dma_wait3A = tpu.memref_slice %arg5[%add3A_100] : memref<160000xi32, #tpu.memory_space<hbm>> -> memref<80xi32, #tpu.memory_space<hbm>>
            %dma_wait3A_111 = tpu.memref_slice %arg5[%add3A_100] : memref<160000xi32, #tpu.memory_space<hbm>> -> memref<80xi32, #tpu.memory_space<hbm>>
            tpu.wait_dma2 semaphore(%run_scoped3A : memref<!tpu.dma_semaphore, #tpu.memory_space<semaphore_mem>>) src(%dma_wait3A_111 : memref<80xi32, #tpu.memory_space<hbm>>) dst(%arg10 : memref<80xi32, #tpu.memory_space<vmem>>)
            tpu.yield
          }) : () -> ()
          %add3A_101 = arith.constant 51200 : i32
          %add3A_102 = arith.addi %add3A_101, %mul3A_98 : i32
          "tpu.region"() ({
            %run_scoped3A = tpu.sem_alloc : memref<!tpu.dma_semaphore, #tpu.memory_space<semaphore_mem>>
            %dma_start3A_109 = tpu.memref_slice %arg4[%add3A_102] : memref<160000xi32, #tpu.memory_space<hbm>> -> memref<80xi32, #tpu.memory_space<hbm>>
            %dma_start3A_110 = tpu.memref_slice %arg4[%add3A_102] : memref<160000xi32, #tpu.memory_space<hbm>> -> memref<80xi32, #tpu.memory_space<hbm>>
            tpu.enqueue_dma source(%dma_start3A_110 : memref<80xi32, #tpu.memory_space<hbm>>) target(%arg11 : memref<80xi32, #tpu.memory_space<vmem>>) target_semaphore(%run_scoped3A : memref<!tpu.dma_semaphore, #tpu.memory_space<semaphore_mem>>)
            %dma_wait3A = tpu.memref_slice %arg4[%add3A_102] : memref<160000xi32, #tpu.memory_space<hbm>> -> memref<80xi32, #tpu.memory_space<hbm>>
            %dma_wait3A_111 = tpu.memref_slice %arg4[%add3A_102] : memref<160000xi32, #tpu.memory_space<hbm>> -> memref<80xi32, #tpu.memory_space<hbm>>
            tpu.wait_dma2 semaphore(%run_scoped3A : memref<!tpu.dma_semaphore, #tpu.memory_space<semaphore_mem>>) src(%dma_wait3A_111 : memref<80xi32, #tpu.memory_space<hbm>>) dst(%arg11 : memref<80xi32, #tpu.memory_space<vmem>>)
            tpu.yield
          }) : () -> ()
          %dma_start3A = arith.constant 0 : i32
          %dma_start3A_103 = arith.constant 0 : i32
          %dma_start3A_104 = tpu.memref_slice %arg3[%dma_start3A, %dma_start3A_103] : memref<10000x128xf32, #tpu.memory_space<hbm>> -> memref<10000x128xf32, #tpu.memory_space<hbm>>
          tpu.enqueue_indirect_dma source(%dma_start3A_104 : memref<10000x128xf32, #tpu.memory_space<hbm>>) target(%arg12 : memref<80x128xf32, #tpu.memory_space<vmem>>) offsets(%arg10 : memref<80xi32, #tpu.memory_space<vmem>>) semaphore(%arg19 : memref<!tpu.dma_semaphore, #tpu.memory_space<semaphore_mem>>)
          %dma_start3A_105 = arith.constant 0 : i32
          %dma_start3A_106 = tpu.memref_slice %arg7[%mul3A_98, %dma_start3A_105] : memref<108800x64xf32, #tpu.memory_space<hbm>> -> memref<80x64xf32, #tpu.memory_space<hbm>>
          %dma_start3A_107 = arith.constant 0 : i32
          %dma_start3A_108 = tpu.memref_slice %arg7[%mul3A_98, %dma_start3A_107] : memref<108800x64xf32, #tpu.memory_space<hbm>> -> memref<80x64xf32, #tpu.memory_space<hbm>>
          tpu.enqueue_dma source(%dma_start3A_108 : memref<80x64xf32, #tpu.memory_space<hbm>>) target(%arg13 : memref<80x64xf32, #tpu.memory_space<vmem>>) target_semaphore(%arg20 : memref<!tpu.dma_semaphore, #tpu.memory_space<semaphore_mem>>)
        } else {
        }
        %add3A_77 = arith.constant 1 : i32
        %add3A_78 = arith.addi %mul3A_58, %add3A_77 : i32
        %mul3A_79 = arith.constant 16 : i32
        %mul3A_80 = arith.muli %add3A_78, %mul3A_79 : i32
        %add3A_81 = arith.addi %mul3A_80, %arg1 : i32
        %lt3A_82 = arith.constant 1360 : i32
        %lt3A_83 = arith.cmpi slt, %add3A_81, %lt3A_82 : i32
        %convert_element_type3A_84 = arith.extui %lt3A_83 : i1 to i32
        %cond3A_85 = arith.constant 0 : i32
        %cond3A_86 = arith.cmpi ne, %convert_element_type3A_84, %cond3A_85 : i32
        scf.if %cond3A_86 {
          %mul3A_97 = arith.constant 80 : i32
          %mul3A_98 = arith.muli %add3A_81, %mul3A_97 : i32
          %dma_wait3A = arith.constant 0 : i32
          %dma_wait3A_99 = arith.constant 0 : i32
          %dma_wait3A_100 = tpu.memref_slice %arg3[%dma_wait3A, %dma_wait3A_99] : memref<10000x128xf32, #tpu.memory_space<hbm>> -> memref<10000x128xf32, #tpu.memory_space<hbm>>
          tpu.wait_indirect_dma semaphore(%arg21 : memref<!tpu.dma_semaphore, #tpu.memory_space<semaphore_mem>>) src(%dma_wait3A_100 : memref<10000x128xf32, #tpu.memory_space<hbm>>) dst(%arg16 : memref<80x128xf32, #tpu.memory_space<vmem>>)
          %dma_wait3A_101 = arith.constant 0 : i32
          %dma_wait3A_102 = tpu.memref_slice %arg7[%mul3A_98, %dma_wait3A_101] : memref<108800x64xf32, #tpu.memory_space<hbm>> -> memref<80x64xf32, #tpu.memory_space<hbm>>
          %dma_wait3A_103 = arith.constant 0 : i32
          %dma_wait3A_104 = tpu.memref_slice %arg7[%mul3A_98, %dma_wait3A_103] : memref<108800x64xf32, #tpu.memory_space<hbm>> -> memref<80x64xf32, #tpu.memory_space<hbm>>
          tpu.wait_dma2 semaphore(%arg22 : memref<!tpu.dma_semaphore, #tpu.memory_space<semaphore_mem>>) src(%dma_wait3A_104 : memref<80x64xf32, #tpu.memory_space<hbm>>) dst(%arg17 : memref<80x64xf32, #tpu.memory_space<vmem>>)
          %scan3A_105 = arith.constant -65536 : i32
          %scan3A_106 = arith.constant 0 : i32
          %scan3A_107 = arith.constant 80 : i32
          %scan3A_108 = arith.addi %scan3A_106, %scan3A_107 : i32
          %scan3A_109 = arith.constant 1 : i32
          scf.for %scan3A_111 = %scan3A_106 to %scan3A_108 step %scan3A_109  : i32 {
            %get3A = arith.index_cast %scan3A_111 : i32 to index
            %get3A_112 = arith.constant 0 : index
            %get3A_113 = tpu.vector_load %arg17[%get3A, %get3A_112] {strides = array<i32>} : memref<80x64xf32, #tpu.memory_space<vmem>>, vector<1x16xf32>,
            %get3A_114 = vector.shape_cast %get3A_113 : vector<1x16xf32> to vector<16xf32>
            %bitcast_convert_type3A = tpu.bitcast %get3A_114 : vector<16xf32> -> vector<16xi32>
            %shift_left3A = arith.constant 16 : i32
            %shift_left3A_115 = vector.broadcast %shift_left3A : i32 to vector<16xi32>
            %shift_left3A_116 = arith.shli %bitcast_convert_type3A, %shift_left3A_115 : vector<16xi32>
            %bitcast_convert_type3A_117 = tpu.bitcast %shift_left3A_116 : vector<16xi32> -> vector<16xf32>
            %and3A = vector.broadcast %scan3A_105 : i32 to vector<16xi32>
            %and3A_118 = arith.andi %bitcast_convert_type3A, %and3A : vector<16xi32>
            %bitcast_convert_type3A_119 = tpu.bitcast %and3A_118 : vector<16xi32> -> vector<16xf32>
            %get3A_120 = arith.index_cast %scan3A_111 : i32 to index
            %get3A_121 = arith.constant 0 : index
            %get3A_122 = tpu.vector_load %arg16[%get3A_120, %get3A_121] {strides = array<i32>} : memref<80x128xf32, #tpu.memory_space<vmem>>, vector<1x16xf32>,
            %get3A_123 = vector.shape_cast %get3A_122 : vector<1x16xf32> to vector<16xf32>
            %mul3A_124 = arith.mulf %get3A_123, %bitcast_convert_type3A_117 : vector<16xf32>
            %swap3A = arith.index_cast %scan3A_111 : i32 to index
            %swap3A_125 = arith.constant 0 : index
            %swap3A_126 = tpu.vector_load %arg16[%swap3A, %swap3A_125] {strides = array<i32>} : memref<80x128xf32, #tpu.memory_space<vmem>>, vector<1x16xf32>,
            %swap3A_127 = vector.shape_cast %swap3A_126 : vector<1x16xf32> to vector<16xf32>
            %swap3A_128 = vector.shape_cast %mul3A_124 : vector<16xf32> to vector<1x16xf32>
            tpu.vector_store %arg16[%swap3A, %swap3A_125], %swap3A_128 {strides = array<i32>} : memref<80x128xf32, #tpu.memory_space<vmem>>, vector<1x16xf32>,
            %get3A_129 = arith.index_cast %scan3A_111 : i32 to index
            %get3A_130 = arith.constant 64 : index
            %get3A_131 = tpu.vector_load %arg16[%get3A_129, %get3A_130] {strides = array<i32>} : memref<80x128xf32, #tpu.memory_space<vmem>>, vector<1x16xf32>,
            %get3A_132 = vector.shape_cast %get3A_131 : vector<1x16xf32> to vector<16xf32>
            %mul3A_133 = arith.mulf %get3A_132, %bitcast_convert_type3A_119 : vector<16xf32>
            %swap3A_134 = arith.index_cast %scan3A_111 : i32 to index
            %swap3A_135 = arith.constant 64 : index
            %swap3A_136 = tpu.vector_load %arg16[%swap3A_134, %swap3A_135] {strides = array<i32>} : memref<80x128xf32, #tpu.memory_space<vmem>>, vector<1x16xf32>,
            %swap3A_137 = vector.shape_cast %swap3A_136 : vector<1x16xf32> to vector<16xf32>
            %swap3A_138 = vector.shape_cast %mul3A_133 : vector<16xf32> to vector<1x16xf32>
            tpu.vector_store %arg16[%swap3A_134, %swap3A_135], %swap3A_138 {strides = array<i32>} : memref<80x128xf32, #tpu.memory_space<vmem>>, vector<1x16xf32>,
            %get3A_139 = arith.index_cast %scan3A_111 : i32 to index
            %get3A_140 = arith.constant 16 : index
            %get3A_141 = tpu.vector_load %arg17[%get3A_139, %get3A_140] {strides = array<i32>} : memref<80x64xf32, #tpu.memory_space<vmem>>, vector<1x16xf32>,
            %get3A_142 = vector.shape_cast %get3A_141 : vector<1x16xf32> to vector<16xf32>
            %bitcast_convert_type3A_143 = tpu.bitcast %get3A_142 : vector<16xf32> -> vector<16xi32>
            %shift_left3A_144 = arith.constant 16 : i32
            %shift_left3A_145 = vector.broadcast %shift_left3A_144 : i32 to vector<16xi32>
            %shift_left3A_146 = arith.shli %bitcast_convert_type3A_143, %shift_left3A_145 : vector<16xi32>
            %bitcast_convert_type3A_147 = tpu.bitcast %shift_left3A_146 : vector<16xi32> -> vector<16xf32>
            %and3A_148 = vector.broadcast %scan3A_105 : i32 to vector<16xi32>
            %and3A_149 = arith.andi %bitcast_convert_type3A_143, %and3A_148 : vector<16xi32>
            %bitcast_convert_type3A_150 = tpu.bitcast %and3A_149 : vector<16xi32> -> vector<16xf32>
            %get3A_151 = arith.index_cast %scan3A_111 : i32 to index
            %get3A_152 = arith.constant 16 : index
            %get3A_153 = tpu.vector_load %arg16[%get3A_151, %get3A_152] {strides = array<i32>} : memref<80x128xf32, #tpu.memory_space<vmem>>, vector<1x16xf32>,
            %get3A_154 = vector.shape_cast %get3A_153 : vector<1x16xf32> to vector<16xf32>
            %mul3A_155 = arith.mulf %get3A_154, %bitcast_convert_type3A_147 : vector<16xf32>
            %swap3A_156 = arith.index_cast %scan3A_111 : i32 to index
            %swap3A_157 = arith.constant 16 : index
            %swap3A_158 = tpu.vector_load %arg16[%swap3A_156, %swap3A_157] {strides = array<i32>} : memref<80x128xf32, #tpu.memory_space<vmem>>, vector<1x16xf32>,
            %swap3A_159 = vector.shape_cast %swap3A_158 : vector<1x16xf32> to vector<16xf32>
            %swap3A_160 = vector.shape_cast %mul3A_155 : vector<16xf32> to vector<1x16xf32>
            tpu.vector_store %arg16[%swap3A_156, %swap3A_157], %swap3A_160 {strides = array<i32>} : memref<80x128xf32, #tpu.memory_space<vmem>>, vector<1x16xf32>,
            %get3A_161 = arith.index_cast %scan3A_111 : i32 to index
            %get3A_162 = arith.constant 80 : index
            %get3A_163 = tpu.vector_load %arg16[%get3A_161, %get3A_162] {strides = array<i32>} : memref<80x128xf32, #tpu.memory_space<vmem>>, vector<1x16xf32>,
            %get3A_164 = vector.shape_cast %get3A_163 : vector<1x16xf32> to vector<16xf32>
            %mul3A_165 = arith.mulf %get3A_164, %bitcast_convert_type3A_150 : vector<16xf32>
            %swap3A_166 = arith.index_cast %scan3A_111 : i32 to index
            %swap3A_167 = arith.constant 80 : index
            %swap3A_168 = tpu.vector_load %arg16[%swap3A_166, %swap3A_167] {strides = array<i32>} : memref<80x128xf32, #tpu.memory_space<vmem>>, vector<1x16xf32>,
            %swap3A_169 = vector.shape_cast %swap3A_168 : vector<1x16xf32> to vector<16xf32>
            %swap3A_170 = vector.shape_cast %mul3A_165 : vector<16xf32> to vector<1x16xf32>
            tpu.vector_store %arg16[%swap3A_166, %swap3A_167], %swap3A_170 {strides = array<i32>} : memref<80x128xf32, #tpu.memory_space<vmem>>, vector<1x16xf32>,
            %get3A_171 = arith.index_cast %scan3A_111 : i32 to index
            %get3A_172 = arith.constant 32 : index
            %get3A_173 = tpu.vector_load %arg17[%get3A_171, %get3A_172] {strides = array<i32>} : memref<80x64xf32, #tpu.memory_space<vmem>>, vector<1x16xf32>,
            %get3A_174 = vector.shape_cast %get3A_173 : vector<1x16xf32> to vector<16xf32>
            %bitcast_convert_type3A_175 = tpu.bitcast %get3A_174 : vector<16xf32> -> vector<16xi32>
            %shift_left3A_176 = arith.constant 16 : i32
            %shift_left3A_177 = vector.broadcast %shift_left3A_176 : i32 to vector<16xi32>
            %shift_left3A_178 = arith.shli %bitcast_convert_type3A_175, %shift_left3A_177 : vector<16xi32>
            %bitcast_convert_type3A_179 = tpu.bitcast %shift_left3A_178 : vector<16xi32> -> vector<16xf32>
            %and3A_180 = vector.broadcast %scan3A_105 : i32 to vector<16xi32>
            %and3A_181 = arith.andi %bitcast_convert_type3A_175, %and3A_180 : vector<16xi32>
            %bitcast_convert_type3A_182 = tpu.bitcast %and3A_181 : vector<16xi32> -> vector<16xf32>
            %get3A_183 = arith.index_cast %scan3A_111 : i32 to index
            %get3A_184 = arith.constant 32 : index
            %get3A_185 = tpu.vector_load %arg16[%get3A_183, %get3A_184] {strides = array<i32>} : memref<80x128xf32, #tpu.memory_space<vmem>>, vector<1x16xf32>,
            %get3A_186 = vector.shape_cast %get3A_185 : vector<1x16xf32> to vector<16xf32>
            %mul3A_187 = arith.mulf %get3A_186, %bitcast_convert_type3A_179 : vector<16xf32>
            %swap3A_188 = arith.index_cast %scan3A_111 : i32 to index
            %swap3A_189 = arith.constant 32 : index
            %swap3A_190 = tpu.vector_load %arg16[%swap3A_188, %swap3A_189] {strides = array<i32>} : memref<80x128xf32, #tpu.memory_space<vmem>>, vector<1x16xf32>,
            %swap3A_191 = vector.shape_cast %swap3A_190 : vector<1x16xf32> to vector<16xf32>
            %swap3A_192 = vector.shape_cast %mul3A_187 : vector<16xf32> to vector<1x16xf32>
            tpu.vector_store %arg16[%swap3A_188, %swap3A_189], %swap3A_192 {strides = array<i32>} : memref<80x128xf32, #tpu.memory_space<vmem>>, vector<1x16xf32>,
            %get3A_193 = arith.index_cast %scan3A_111 : i32 to index
            %get3A_194 = arith.constant 96 : index
            %get3A_195 = tpu.vector_load %arg16[%get3A_193, %get3A_194] {strides = array<i32>} : memref<80x128xf32, #tpu.memory_space<vmem>>, vector<1x16xf32>,
            %get3A_196 = vector.shape_cast %get3A_195 : vector<1x16xf32> to vector<16xf32>
            %mul3A_197 = arith.mulf %get3A_196, %bitcast_convert_type3A_182 : vector<16xf32>
            %swap3A_198 = arith.index_cast %scan3A_111 : i32 to index
            %swap3A_199 = arith.constant 96 : index
            %swap3A_200 = tpu.vector_load %arg16[%swap3A_198, %swap3A_199] {strides = array<i32>} : memref<80x128xf32, #tpu.memory_space<vmem>>, vector<1x16xf32>,
            %swap3A_201 = vector.shape_cast %swap3A_200 : vector<1x16xf32> to vector<16xf32>
            %swap3A_202 = vector.shape_cast %mul3A_197 : vector<16xf32> to vector<1x16xf32>
            tpu.vector_store %arg16[%swap3A_198, %swap3A_199], %swap3A_202 {strides = array<i32>} : memref<80x128xf32, #tpu.memory_space<vmem>>, vector<1x16xf32>,
            %get3A_203 = arith.index_cast %scan3A_111 : i32 to index
            %get3A_204 = arith.constant 48 : index
            %get3A_205 = tpu.vector_load %arg17[%get3A_203, %get3A_204] {strides = array<i32>} : memref<80x64xf32, #tpu.memory_space<vmem>>, vector<1x16xf32>,
            %get3A_206 = vector.shape_cast %get3A_205 : vector<1x16xf32> to vector<16xf32>
            %bitcast_convert_type3A_207 = tpu.bitcast %get3A_206 : vector<16xf32> -> vector<16xi32>
            %shift_left3A_208 = arith.constant 16 : i32
            %shift_left3A_209 = vector.broadcast %shift_left3A_208 : i32 to vector<16xi32>
            %shift_left3A_210 = arith.shli %bitcast_convert_type3A_207, %shift_left3A_209 : vector<16xi32>
            %bitcast_convert_type3A_211 = tpu.bitcast %shift_left3A_210 : vector<16xi32> -> vector<16xf32>
            %and3A_212 = vector.broadcast %scan3A_105 : i32 to vector<16xi32>
            %and3A_213 = arith.andi %bitcast_convert_type3A_207, %and3A_212 : vector<16xi32>
            %bitcast_convert_type3A_214 = tpu.bitcast %and3A_213 : vector<16xi32> -> vector<16xf32>
            %get3A_215 = arith.index_cast %scan3A_111 : i32 to index
            %get3A_216 = arith.constant 48 : index
            %get3A_217 = tpu.vector_load %arg16[%get3A_215, %get3A_216] {strides = array<i32>} : memref<80x128xf32, #tpu.memory_space<vmem>>, vector<1x16xf32>,
            %get3A_218 = vector.shape_cast %get3A_217 : vector<1x16xf32> to vector<16xf32>
            %mul3A_219 = arith.mulf %get3A_218, %bitcast_convert_type3A_211 : vector<16xf32>
            %swap3A_220 = arith.index_cast %scan3A_111 : i32 to index
            %swap3A_221 = arith.constant 48 : index
            %swap3A_222 = tpu.vector_load %arg16[%swap3A_220, %swap3A_221] {strides = array<i32>} : memref<80x128xf32, #tpu.memory_space<vmem>>, vector<1x16xf32>,
            %swap3A_223 = vector.shape_cast %swap3A_222 : vector<1x16xf32> to vector<16xf32>
            %swap3A_224 = vector.shape_cast %mul3A_219 : vector<16xf32> to vector<1x16xf32>
            tpu.vector_store %arg16[%swap3A_220, %swap3A_221], %swap3A_224 {strides = array<i32>} : memref<80x128xf32, #tpu.memory_space<vmem>>, vector<1x16xf32>,
            %get3A_225 = arith.index_cast %scan3A_111 : i32 to index
            %get3A_226 = arith.constant 112 : index
            %get3A_227 = tpu.vector_load %arg16[%get3A_225, %get3A_226] {strides = array<i32>} : memref<80x128xf32, #tpu.memory_space<vmem>>, vector<1x16xf32>,
            %get3A_228 = vector.shape_cast %get3A_227 : vector<1x16xf32> to vector<16xf32>
            %mul3A_229 = arith.mulf %get3A_228, %bitcast_convert_type3A_214 : vector<16xf32>
            %swap3A_230 = arith.index_cast %scan3A_111 : i32 to index
            %swap3A_231 = arith.constant 112 : index
            %swap3A_232 = tpu.vector_load %arg16[%swap3A_230, %swap3A_231] {strides = array<i32>} : memref<80x128xf32, #tpu.memory_space<vmem>>, vector<1x16xf32>,
            %swap3A_233 = vector.shape_cast %swap3A_232 : vector<1x16xf32> to vector<16xf32>
            %swap3A_234 = vector.shape_cast %mul3A_229 : vector<16xf32> to vector<1x16xf32>
            tpu.vector_store %arg16[%swap3A_230, %swap3A_231], %swap3A_234 {strides = array<i32>} : memref<80x128xf32, #tpu.memory_space<vmem>>, vector<1x16xf32>,
          }
          %scan3A_110 = arith.constant 80 : i32
          "tpu.region"() ({
            %run_scoped3A = tpu.sem_alloc : memref<!tpu.dma_semaphore, #tpu.memory_space<semaphore_mem>>
            %dma_start3A = arith.constant 0 : i32
            %dma_start3A_111 = arith.constant 0 : i32
            %dma_start3A_112 = tpu.memref_slice %arg18[%dma_start3A, %dma_start3A_111] : memref<10240x128xf32, #tpu.memory_space<vmem_shared>> -> memref<10240x128xf32, #tpu.memory_space<vmem_shared>>
            tpu.enqueue_indirect_dma source(%arg16 : memref<80x128xf32, #tpu.memory_space<vmem>>) target(%dma_start3A_112 : memref<10240x128xf32, #tpu.memory_space<vmem_shared>>) offsets(%arg15 : memref<80xi32, #tpu.memory_space<vmem>>) semaphore(%run_scoped3A : memref<!tpu.dma_semaphore, #tpu.memory_space<semaphore_mem>>) {add = true}
            %dma_wait3A_113 = arith.constant 0 : i32
            %dma_wait3A_114 = arith.constant 0 : i32
            %dma_wait3A_115 = tpu.memref_slice %arg18[%dma_wait3A_113, %dma_wait3A_114] : memref<10240x128xf32, #tpu.memory_space<vmem_shared>> -> memref<10240x128xf32, #tpu.memory_space<vmem_shared>>
            tpu.wait_indirect_dma semaphore(%run_scoped3A : memref<!tpu.dma_semaphore, #tpu.memory_space<semaphore_mem>>) src(%arg16 : memref<80x128xf32, #tpu.memory_space<vmem>>) dst(%dma_wait3A_115 : memref<10240x128xf32, #tpu.memory_space<vmem_shared>>)
            tpu.yield
          }) : () -> ()
        } else {
        }
        %add3A_87 = arith.constant 3 : i32
        %add3A_88 = arith.addi %mul3A_58, %add3A_87 : i32
        %mul3A_89 = arith.constant 16 : i32
        %mul3A_90 = arith.muli %add3A_88, %mul3A_89 : i32
        %add3A_91 = arith.addi %mul3A_90, %arg1 : i32
        %lt3A_92 = arith.constant 1360 : i32
        %lt3A_93 = arith.cmpi slt, %add3A_91, %lt3A_92 : i32
        %convert_element_type3A_94 = arith.extui %lt3A_93 : i1 to i32
        %cond3A_95 = arith.constant 0 : i32
        %cond3A_96 = arith.cmpi ne, %convert_element_type3A_94, %cond3A_95 : i32
        scf.if %cond3A_96 {
          %mul3A_97 = arith.constant 80 : i32
          %mul3A_98 = arith.muli %add3A_91, %mul3A_97 : i32
          %add3A_99 = arith.constant 51200 : i32
          %add3A_100 = arith.addi %add3A_99, %mul3A_98 : i32
          "tpu.region"() ({
            %run_scoped3A = tpu.sem_alloc : memref<!tpu.dma_semaphore, #tpu.memory_space<semaphore_mem>>
            %dma_start3A_109 = tpu.memref_slice %arg5[%add3A_100] : memref<160000xi32, #tpu.memory_space<hbm>> -> memref<80xi32, #tpu.memory_space<hbm>>
            %dma_start3A_110 = tpu.memref_slice %arg5[%add3A_100] : memref<160000xi32, #tpu.memory_space<hbm>> -> memref<80xi32, #tpu.memory_space<hbm>>
            tpu.enqueue_dma source(%dma_start3A_110 : memref<80xi32, #tpu.memory_space<hbm>>) target(%arg14 : memref<80xi32, #tpu.memory_space<vmem>>) target_semaphore(%run_scoped3A : memref<!tpu.dma_semaphore, #tpu.memory_space<semaphore_mem>>)
            %dma_wait3A = tpu.memref_slice %arg5[%add3A_100] : memref<160000xi32, #tpu.memory_space<hbm>> -> memref<80xi32, #tpu.memory_space<hbm>>
            %dma_wait3A_111 = tpu.memref_slice %arg5[%add3A_100] : memref<160000xi32, #tpu.memory_space<hbm>> -> memref<80xi32, #tpu.memory_space<hbm>>
            tpu.wait_dma2 semaphore(%run_scoped3A : memref<!tpu.dma_semaphore, #tpu.memory_space<semaphore_mem>>) src(%dma_wait3A_111 : memref<80xi32, #tpu.memory_space<hbm>>) dst(%arg14 : memref<80xi32, #tpu.memory_space<vmem>>)
            tpu.yield
          }) : () -> ()
          %add3A_101 = arith.constant 51200 : i32
          %add3A_102 = arith.addi %add3A_101, %mul3A_98 : i32
          "tpu.region"() ({
            %run_scoped3A = tpu.sem_alloc : memref<!tpu.dma_semaphore, #tpu.memory_space<semaphore_mem>>
            %dma_start3A_109 = tpu.memref_slice %arg4[%add3A_102] : memref<160000xi32, #tpu.memory_space<hbm>> -> memref<80xi32, #tpu.memory_space<hbm>>
            %dma_start3A_110 = tpu.memref_slice %arg4[%add3A_102] : memref<160000xi32, #tpu.memory_space<hbm>> -> memref<80xi32, #tpu.memory_space<hbm>>
            tpu.enqueue_dma source(%dma_start3A_110 : memref<80xi32, #tpu.memory_space<hbm>>) target(%arg15 : memref<80xi32, #tpu.memory_space<vmem>>) target_semaphore(%run_scoped3A : memref<!tpu.dma_semaphore, #tpu.memory_space<semaphore_mem>>)
            %dma_wait3A = tpu.memref_slice %arg4[%add3A_102] : memref<160000xi32, #tpu.memory_space<hbm>> -> memref<80xi32, #tpu.memory_space<hbm>>
            %dma_wait3A_111 = tpu.memref_slice %arg4[%add3A_102] : memref<160000xi32, #tpu.memory_space<hbm>> -> memref<80xi32, #tpu.memory_space<hbm>>
            tpu.wait_dma2 semaphore(%run_scoped3A : memref<!tpu.dma_semaphore, #tpu.memory_space<semaphore_mem>>) src(%dma_wait3A_111 : memref<80xi32, #tpu.memory_space<hbm>>) dst(%arg15 : memref<80xi32, #tpu.memory_space<vmem>>)
            tpu.yield
          }) : () -> ()
          %dma_start3A = arith.constant 0 : i32
          %dma_start3A_103 = arith.constant 0 : i32
          %dma_start3A_104 = tpu.memref_slice %arg3[%dma_start3A, %dma_start3A_103] : memref<10000x128xf32, #tpu.memory_space<hbm>> -> memref<10000x128xf32, #tpu.memory_space<hbm>>
          tpu.enqueue_indirect_dma source(%dma_start3A_104 : memref<10000x128xf32, #tpu.memory_space<hbm>>) target(%arg16 : memref<80x128xf32, #tpu.memory_space<vmem>>) offsets(%arg14 : memref<80xi32, #tpu.memory_space<vmem>>) semaphore(%arg21 : memref<!tpu.dma_semaphore, #tpu.memory_space<semaphore_mem>>)
          %dma_start3A_105 = arith.constant 0 : i32
          %dma_start3A_106 = tpu.memref_slice %arg7[%mul3A_98, %dma_start3A_105] : memref<108800x64xf32, #tpu.memory_space<hbm>> -> memref<80x64xf32, #tpu.memory_space<hbm>>
          %dma_start3A_107 = arith.constant 0 : i32
          %dma_start3A_108 = tpu.memref_slice %arg7[%mul3A_98, %dma_start3A_107] : memref<108800x64xf32, #tpu.memory_space<hbm>> -> memref<80x64xf32, #tpu.memory_space<hbm>>
          tpu.enqueue_dma source(%dma_start3A_108 : memref<80x64xf32, #tpu.memory_space<hbm>>) target(%arg17 : memref<80x64xf32, #tpu.memory_space<vmem>>) target_semaphore(%arg22 : memref<!tpu.dma_semaphore, #tpu.memory_space<semaphore_mem>>)
        } else {
        }
      }
      %scan3A_55 = arith.constant 43 : i32
    } else {
    }
    %barrier3A_27 = arith.constant 0 : index
    tpu.barrier barrier_id(%barrier3A_27)
    %eq3A_28 = arith.constant 0 : i32
    %eq3A_29 = arith.cmpi eq, %arg0, %eq3A_28 : i32
    %convert_element_type3A_30 = arith.extui %eq3A_29 : i1 to i32
    %cond3A_31 = arith.constant 0 : i32
    %cond3A_32 = arith.cmpi ne, %convert_element_type3A_30, %cond3A_31 : i32
    scf.if %cond3A_32 {
      %add3A_38 = arith.constant 0 : i32
      %add3A_39 = arith.addi %mul3A_4, %add3A_38 : i32
      %add3A_40 = arith.constant 80 : i32
      %add3A_41 = arith.addi %add3A_39, %add3A_40 : i32
      %le3A = arith.constant 10000 : i32
      %le3A_42 = arith.cmpi sle, %add3A_41, %le3A : i32
      %convert_element_type3A_43 = arith.extui %le3A_42 : i1 to i32
      %cond3A_44 = arith.constant 0 : i32
      %cond3A_45 = arith.cmpi ne, %convert_element_type3A_43, %cond3A_44 : i32
      scf.if %cond3A_45 {
        "tpu.region"() ({
          %run_scoped3A = tpu.sem_alloc : memref<!tpu.dma_semaphore, #tpu.memory_space<semaphore_mem>>
          %dma_start3A = arith.constant 0 : i32
          %dma_start3A_109 = tpu.memref_slice %arg8[%add3A_39, %dma_start3A] : memref<10000x128xf32, #tpu.memory_space<hbm>> -> memref<80x128xf32, #tpu.memory_space<hbm>>
          %dma_start3A_110 = arith.constant 0 : i32
          %dma_start3A_111 = tpu.memref_slice %arg18[%add3A_39, %dma_start3A_110] : memref<10240x128xf32, #tpu.memory_space<vmem_shared>> -> memref<80x128xf32, #tpu.memory_space<vmem_shared>>
          tpu.enqueue_dma source(%dma_start3A_111 : memref<80x128xf32, #tpu.memory_space<vmem_shared>>) target(%dma_start3A_109 : memref<80x128xf32, #tpu.memory_space<hbm>>) target_semaphore(%run_scoped3A : memref<!tpu.dma_semaphore, #tpu.memory_space<semaphore_mem>>)
          %dma_wait3A = arith.constant 0 : i32
          %dma_wait3A_112 = tpu.memref_slice %arg8[%add3A_39, %dma_wait3A] : memref<10000x128xf32, #tpu.memory_space<hbm>> -> memref<80x128xf32, #tpu.memory_space<hbm>>
          %dma_wait3A_113 = arith.constant 0 : i32
          %dma_wait3A_114 = tpu.memref_slice %arg18[%add3A_39, %dma_wait3A_113] : memref<10240x128xf32, #tpu.memory_space<vmem_shared>> -> memref<80x128xf32, #tpu.memory_space<vmem_shared>>
          tpu.wait_dma2 semaphore(%run_scoped3A : memref<!tpu.dma_semaphore, #tpu.memory_space<semaphore_mem>>) src(%dma_wait3A_114 : memref<80x128xf32, #tpu.memory_space<vmem_shared>>) dst(%dma_wait3A_112 : memref<80x128xf32, #tpu.memory_space<hbm>>)
          tpu.yield
        }) : () -> ()
      } else {
      }
      %add3A_46 = arith.constant 80 : i32
      %add3A_47 = arith.addi %mul3A_4, %add3A_46 : i32
      %add3A_48 = arith.constant 80 : i32
      %add3A_49 = arith.addi %add3A_47, %add3A_48 : i32
      %le3A_50 = arith.constant 10000 : i32
      %le3A_51 = arith.cmpi sle, %add3A_49, %le3A_50 : i32
      %convert_element_type3A_52 = arith.extui %le3A_51 : i1 to i32
      %cond3A_53 = arith.constant 0 : i32
      %cond3A_54 = arith.cmpi ne, %convert_element_type3A_52, %cond3A_53 : i32
      scf.if %cond3A_54 {
        "tpu.region"() ({
          %run_scoped3A = tpu.sem_alloc : memref<!tpu.dma_semaphore, #tpu.memory_space<semaphore_mem>>
          %dma_start3A = arith.constant 0 : i32
          %dma_start3A_109 = tpu.memref_slice %arg8[%add3A_47, %dma_start3A] : memref<10000x128xf32, #tpu.memory_space<hbm>> -> memref<80x128xf32, #tpu.memory_space<hbm>>
          %dma_start3A_110 = arith.constant 0 : i32
          %dma_start3A_111 = tpu.memref_slice %arg18[%add3A_47, %dma_start3A_110] : memref<10240x128xf32, #tpu.memory_space<vmem_shared>> -> memref<80x128xf32, #tpu.memory_space<vmem_shared>>
          tpu.enqueue_dma source(%dma_start3A_111 : memref<80x128xf32, #tpu.memory_space<vmem_shared>>) target(%dma_start3A_109 : memref<80x128xf32, #tpu.memory_space<hbm>>) target_semaphore(%run_scoped3A : memref<!tpu.dma_semaphore, #tpu.memory_space<semaphore_mem>>)
          %dma_wait3A = arith.constant 0 : i32
          %dma_wait3A_112 = tpu.memref_slice %arg8[%add3A_47, %dma_wait3A] : memref<10000x128xf32, #tpu.memory_space<hbm>> -> memref<80x128xf32, #tpu.memory_space<hbm>>
          %dma_wait3A_113 = arith.constant 0 : i32
          %dma_wait3A_114 = tpu.memref_slice %arg18[%add3A_47, %dma_wait3A_113] : memref<10240x128xf32, #tpu.memory_space<vmem_shared>> -> memref<80x128xf32, #tpu.memory_space<vmem_shared>>
          tpu.wait_dma2 semaphore(%run_scoped3A : memref<!tpu.dma_semaphore, #tpu.memory_space<semaphore_mem>>) src(%dma_wait3A_114 : memref<80x128xf32, #tpu.memory_space<vmem_shared>>) dst(%dma_wait3A_112 : memref<80x128xf32, #tpu.memory_space<hbm>>)
          tpu.yield
        }) : () -> ()
      } else {
      }
      %add3A_55 = arith.constant 160 : i32
      %add3A_56 = arith.addi %mul3A_4, %add3A_55 : i32
      %add3A_57 = arith.constant 80 : i32
      %add3A_58 = arith.addi %add3A_56, %add3A_57 : i32
      %le3A_59 = arith.constant 10000 : i32
      %le3A_60 = arith.cmpi sle, %add3A_58, %le3A_59 : i32
      %convert_element_type3A_61 = arith.extui %le3A_60 : i1 to i32
      %cond3A_62 = arith.constant 0 : i32
      %cond3A_63 = arith.cmpi ne, %convert_element_type3A_61, %cond3A_62 : i32
      scf.if %cond3A_63 {
        "tpu.region"() ({
          %run_scoped3A = tpu.sem_alloc : memref<!tpu.dma_semaphore, #tpu.memory_space<semaphore_mem>>
          %dma_start3A = arith.constant 0 : i32
          %dma_start3A_109 = tpu.memref_slice %arg8[%add3A_56, %dma_start3A] : memref<10000x128xf32, #tpu.memory_space<hbm>> -> memref<80x128xf32, #tpu.memory_space<hbm>>
          %dma_start3A_110 = arith.constant 0 : i32
          %dma_start3A_111 = tpu.memref_slice %arg18[%add3A_56, %dma_start3A_110] : memref<10240x128xf32, #tpu.memory_space<vmem_shared>> -> memref<80x128xf32, #tpu.memory_space<vmem_shared>>
          tpu.enqueue_dma source(%dma_start3A_111 : memref<80x128xf32, #tpu.memory_space<vmem_shared>>) target(%dma_start3A_109 : memref<80x128xf32, #tpu.memory_space<hbm>>) target_semaphore(%run_scoped3A : memref<!tpu.dma_semaphore, #tpu.memory_space<semaphore_mem>>)
          %dma_wait3A = arith.constant 0 : i32
          %dma_wait3A_112 = tpu.memref_slice %arg8[%add3A_56, %dma_wait3A] : memref<10000x128xf32, #tpu.memory_space<hbm>> -> memref<80x128xf32, #tpu.memory_space<hbm>>
          %dma_wait3A_113 = arith.constant 0 : i32
          %dma_wait3A_114 = tpu.memref_slice %arg18[%add3A_56, %dma_wait3A_113] : memref<10240x128xf32, #tpu.memory_space<vmem_shared>> -> memref<80x128xf32, #tpu.memory_space<vmem_shared>>
          tpu.wait_dma2 semaphore(%run_scoped3A : memref<!tpu.dma_semaphore, #tpu.memory_space<semaphore_mem>>) src(%dma_wait3A_114 : memref<80x128xf32, #tpu.memory_space<vmem_shared>>) dst(%dma_wait3A_112 : memref<80x128xf32, #tpu.memory_space<hbm>>)
          tpu.yield
        }) : () -> ()
      } else {
      }
      %add3A_64 = arith.constant 240 : i32
      %add3A_65 = arith.addi %mul3A_4, %add3A_64 : i32
      %add3A_66 = arith.constant 80 : i32
      %add3A_67 = arith.addi %add3A_65, %add3A_66 : i32
      %le3A_68 = arith.constant 10000 : i32
      %le3A_69 = arith.cmpi sle, %add3A_67, %le3A_68 : i32
      %convert_element_type3A_70 = arith.extui %le3A_69 : i1 to i32
      %cond3A_71 = arith.constant 0 : i32
      %cond3A_72 = arith.cmpi ne, %convert_element_type3A_70, %cond3A_71 : i32
      scf.if %cond3A_72 {
        "tpu.region"() ({
          %run_scoped3A = tpu.sem_alloc : memref<!tpu.dma_semaphore, #tpu.memory_space<semaphore_mem>>
          %dma_start3A = arith.constant 0 : i32
          %dma_start3A_109 = tpu.memref_slice %arg8[%add3A_65, %dma_start3A] : memref<10000x128xf32, #tpu.memory_space<hbm>> -> memref<80x128xf32, #tpu.memory_space<hbm>>
          %dma_start3A_110 = arith.constant 0 : i32
          %dma_start3A_111 = tpu.memref_slice %arg18[%add3A_65, %dma_start3A_110] : memref<10240x128xf32, #tpu.memory_space<vmem_shared>> -> memref<80x128xf32, #tpu.memory_space<vmem_shared>>
          tpu.enqueue_dma source(%dma_start3A_111 : memref<80x128xf32, #tpu.memory_space<vmem_shared>>) target(%dma_start3A_109 : memref<80x128xf32, #tpu.memory_space<hbm>>) target_semaphore(%run_scoped3A : memref<!tpu.dma_semaphore, #tpu.memory_space<semaphore_mem>>)
          %dma_wait3A = arith.constant 0 : i32
          %dma_wait3A_112 = tpu.memref_slice %arg8[%add3A_65, %dma_wait3A] : memref<10000x128xf32, #tpu.memory_space<hbm>> -> memref<80x128xf32, #tpu.memory_space<hbm>>
          %dma_wait3A_113 = arith.constant 0 : i32
          %dma_wait3A_114 = tpu.memref_slice %arg18[%add3A_65, %dma_wait3A_113] : memref<10240x128xf32, #tpu.memory_space<vmem_shared>> -> memref<80x128xf32, #tpu.memory_space<vmem_shared>>
          tpu.wait_dma2 semaphore(%run_scoped3A : memref<!tpu.dma_semaphore, #tpu.memory_space<semaphore_mem>>) src(%dma_wait3A_114 : memref<80x128xf32, #tpu.memory_space<vmem_shared>>) dst(%dma_wait3A_112 : memref<80x128xf32, #tpu.memory_space<hbm>>)
          tpu.yield
        }) : () -> ()
      } else {
      }
      %add3A_73 = arith.constant 320 : i32
      %add3A_74 = arith.addi %mul3A_4, %add3A_73 : i32
      %add3A_75 = arith.constant 80 : i32
      %add3A_76 = arith.addi %add3A_74, %add3A_75 : i32
      %le3A_77 = arith.constant 10000 : i32
      %le3A_78 = arith.cmpi sle, %add3A_76, %le3A_77 : i32
      %convert_element_type3A_79 = arith.extui %le3A_78 : i1 to i32
      %cond3A_80 = arith.constant 0 : i32
      %cond3A_81 = arith.cmpi ne, %convert_element_type3A_79, %cond3A_80 : i32
      scf.if %cond3A_81 {
        "tpu.region"() ({
          %run_scoped3A = tpu.sem_alloc : memref<!tpu.dma_semaphore, #tpu.memory_space<semaphore_mem>>
          %dma_start3A = arith.constant 0 : i32
          %dma_start3A_109 = tpu.memref_slice %arg8[%add3A_74, %dma_start3A] : memref<10000x128xf32, #tpu.memory_space<hbm>> -> memref<80x128xf32, #tpu.memory_space<hbm>>
          %dma_start3A_110 = arith.constant 0 : i32
          %dma_start3A_111 = tpu.memref_slice %arg18[%add3A_74, %dma_start3A_110] : memref<10240x128xf32, #tpu.memory_space<vmem_shared>> -> memref<80x128xf32, #tpu.memory_space<vmem_shared>>
          tpu.enqueue_dma source(%dma_start3A_111 : memref<80x128xf32, #tpu.memory_space<vmem_shared>>) target(%dma_start3A_109 : memref<80x128xf32, #tpu.memory_space<hbm>>) target_semaphore(%run_scoped3A : memref<!tpu.dma_semaphore, #tpu.memory_space<semaphore_mem>>)
          %dma_wait3A = arith.constant 0 : i32
          %dma_wait3A_112 = tpu.memref_slice %arg8[%add3A_74, %dma_wait3A] : memref<10000x128xf32, #tpu.memory_space<hbm>> -> memref<80x128xf32, #tpu.memory_space<hbm>>
          %dma_wait3A_113 = arith.constant 0 : i32
          %dma_wait3A_114 = tpu.memref_slice %arg18[%add3A_74, %dma_wait3A_113] : memref<10240x128xf32, #tpu.memory_space<vmem_shared>> -> memref<80x128xf32, #tpu.memory_space<vmem_shared>>
          tpu.wait_dma2 semaphore(%run_scoped3A : memref<!tpu.dma_semaphore, #tpu.memory_space<semaphore_mem>>) src(%dma_wait3A_114 : memref<80x128xf32, #tpu.memory_space<vmem_shared>>) dst(%dma_wait3A_112 : memref<80x128xf32, #tpu.memory_space<hbm>>)
          tpu.yield
        }) : () -> ()
      } else {
      }
      %add3A_82 = arith.constant 400 : i32
      %add3A_83 = arith.addi %mul3A_4, %add3A_82 : i32
      %add3A_84 = arith.constant 80 : i32
      %add3A_85 = arith.addi %add3A_83, %add3A_84 : i32
      %le3A_86 = arith.constant 10000 : i32
      %le3A_87 = arith.cmpi sle, %add3A_85, %le3A_86 : i32
      %convert_element_type3A_88 = arith.extui %le3A_87 : i1 to i32
      %cond3A_89 = arith.constant 0 : i32
      %cond3A_90 = arith.cmpi ne, %convert_element_type3A_88, %cond3A_89 : i32
      scf.if %cond3A_90 {
        "tpu.region"() ({
          %run_scoped3A = tpu.sem_alloc : memref<!tpu.dma_semaphore, #tpu.memory_space<semaphore_mem>>
          %dma_start3A = arith.constant 0 : i32
          %dma_start3A_109 = tpu.memref_slice %arg8[%add3A_83, %dma_start3A] : memref<10000x128xf32, #tpu.memory_space<hbm>> -> memref<80x128xf32, #tpu.memory_space<hbm>>
          %dma_start3A_110 = arith.constant 0 : i32
          %dma_start3A_111 = tpu.memref_slice %arg18[%add3A_83, %dma_start3A_110] : memref<10240x128xf32, #tpu.memory_space<vmem_shared>> -> memref<80x128xf32, #tpu.memory_space<vmem_shared>>
          tpu.enqueue_dma source(%dma_start3A_111 : memref<80x128xf32, #tpu.memory_space<vmem_shared>>) target(%dma_start3A_109 : memref<80x128xf32, #tpu.memory_space<hbm>>) target_semaphore(%run_scoped3A : memref<!tpu.dma_semaphore, #tpu.memory_space<semaphore_mem>>)
          %dma_wait3A = arith.constant 0 : i32
          %dma_wait3A_112 = tpu.memref_slice %arg8[%add3A_83, %dma_wait3A] : memref<10000x128xf32, #tpu.memory_space<hbm>> -> memref<80x128xf32, #tpu.memory_space<hbm>>
          %dma_wait3A_113 = arith.constant 0 : i32
          %dma_wait3A_114 = tpu.memref_slice %arg18[%add3A_83, %dma_wait3A_113] : memref<10240x128xf32, #tpu.memory_space<vmem_shared>> -> memref<80x128xf32, #tpu.memory_space<vmem_shared>>
          tpu.wait_dma2 semaphore(%run_scoped3A : memref<!tpu.dma_semaphore, #tpu.memory_space<semaphore_mem>>) src(%dma_wait3A_114 : memref<80x128xf32, #tpu.memory_space<vmem_shared>>) dst(%dma_wait3A_112 : memref<80x128xf32, #tpu.memory_space<hbm>>)
          tpu.yield
        }) : () -> ()
      } else {
      }
      %add3A_91 = arith.constant 480 : i32
      %add3A_92 = arith.addi %mul3A_4, %add3A_91 : i32
      %add3A_93 = arith.constant 80 : i32
      %add3A_94 = arith.addi %add3A_92, %add3A_93 : i32
      %le3A_95 = arith.constant 10000 : i32
      %le3A_96 = arith.cmpi sle, %add3A_94, %le3A_95 : i32
      %convert_element_type3A_97 = arith.extui %le3A_96 : i1 to i32
      %cond3A_98 = arith.constant 0 : i32
      %cond3A_99 = arith.cmpi ne, %convert_element_type3A_97, %cond3A_98 : i32
      scf.if %cond3A_99 {
        "tpu.region"() ({
          %run_scoped3A = tpu.sem_alloc : memref<!tpu.dma_semaphore, #tpu.memory_space<semaphore_mem>>
          %dma_start3A = arith.constant 0 : i32
          %dma_start3A_109 = tpu.memref_slice %arg8[%add3A_92, %dma_start3A] : memref<10000x128xf32, #tpu.memory_space<hbm>> -> memref<80x128xf32, #tpu.memory_space<hbm>>
          %dma_start3A_110 = arith.constant 0 : i32
          %dma_start3A_111 = tpu.memref_slice %arg18[%add3A_92, %dma_start3A_110] : memref<10240x128xf32, #tpu.memory_space<vmem_shared>> -> memref<80x128xf32, #tpu.memory_space<vmem_shared>>
          tpu.enqueue_dma source(%dma_start3A_111 : memref<80x128xf32, #tpu.memory_space<vmem_shared>>) target(%dma_start3A_109 : memref<80x128xf32, #tpu.memory_space<hbm>>) target_semaphore(%run_scoped3A : memref<!tpu.dma_semaphore, #tpu.memory_space<semaphore_mem>>)
          %dma_wait3A = arith.constant 0 : i32
          %dma_wait3A_112 = tpu.memref_slice %arg8[%add3A_92, %dma_wait3A] : memref<10000x128xf32, #tpu.memory_space<hbm>> -> memref<80x128xf32, #tpu.memory_space<hbm>>
          %dma_wait3A_113 = arith.constant 0 : i32
          %dma_wait3A_114 = tpu.memref_slice %arg18[%add3A_92, %dma_wait3A_113] : memref<10240x128xf32, #tpu.memory_space<vmem_shared>> -> memref<80x128xf32, #tpu.memory_space<vmem_shared>>
          tpu.wait_dma2 semaphore(%run_scoped3A : memref<!tpu.dma_semaphore, #tpu.memory_space<semaphore_mem>>) src(%dma_wait3A_114 : memref<80x128xf32, #tpu.memory_space<vmem_shared>>) dst(%dma_wait3A_112 : memref<80x128xf32, #tpu.memory_space<hbm>>)
          tpu.yield
        }) : () -> ()
      } else {
      }
      %add3A_100 = arith.constant 560 : i32
      %add3A_101 = arith.addi %mul3A_4, %add3A_100 : i32
      %add3A_102 = arith.constant 80 : i32
      %add3A_103 = arith.addi %add3A_101, %add3A_102 : i32
      %le3A_104 = arith.constant 10000 : i32
      %le3A_105 = arith.cmpi sle, %add3A_103, %le3A_104 : i32
      %convert_element_type3A_106 = arith.extui %le3A_105 : i1 to i32
      %cond3A_107 = arith.constant 0 : i32
      %cond3A_108 = arith.cmpi ne, %convert_element_type3A_106, %cond3A_107 : i32
      scf.if %cond3A_108 {
        "tpu.region"() ({
          %run_scoped3A = tpu.sem_alloc : memref<!tpu.dma_semaphore, #tpu.memory_space<semaphore_mem>>
          %dma_start3A = arith.constant 0 : i32
          %dma_start3A_109 = tpu.memref_slice %arg8[%add3A_101, %dma_start3A] : memref<10000x128xf32, #tpu.memory_space<hbm>> -> memref<80x128xf32, #tpu.memory_space<hbm>>
          %dma_start3A_110 = arith.constant 0 : i32
          %dma_start3A_111 = tpu.memref_slice %arg18[%add3A_101, %dma_start3A_110] : memref<10240x128xf32, #tpu.memory_space<vmem_shared>> -> memref<80x128xf32, #tpu.memory_space<vmem_shared>>
          tpu.enqueue_dma source(%dma_start3A_111 : memref<80x128xf32, #tpu.memory_space<vmem_shared>>) target(%dma_start3A_109 : memref<80x128xf32, #tpu.memory_space<hbm>>) target_semaphore(%run_scoped3A : memref<!tpu.dma_semaphore, #tpu.memory_space<semaphore_mem>>)
          %dma_wait3A = arith.constant 0 : i32
          %dma_wait3A_112 = tpu.memref_slice %arg8[%add3A_101, %dma_wait3A] : memref<10000x128xf32, #tpu.memory_space<hbm>> -> memref<80x128xf32, #tpu.memory_space<hbm>>
          %dma_wait3A_113 = arith.constant 0 : i32
          %dma_wait3A_114 = tpu.memref_slice %arg18[%add3A_101, %dma_wait3A_113] : memref<10240x128xf32, #tpu.memory_space<vmem_shared>> -> memref<80x128xf32, #tpu.memory_space<vmem_shared>>
          tpu.wait_dma2 semaphore(%run_scoped3A : memref<!tpu.dma_semaphore, #tpu.memory_space<semaphore_mem>>) src(%dma_wait3A_114 : memref<80x128xf32, #tpu.memory_space<vmem_shared>>) dst(%dma_wait3A_112 : memref<80x128xf32, #tpu.memory_space<hbm>>)
          tpu.yield
        }) : () -> ()
      } else {
      }
    } else {
    }
    %eq3A_33 = arith.constant 1 : i32
    %eq3A_34 = arith.cmpi eq, %arg0, %eq3A_33 : i32
    %convert_element_type3A_35 = arith.extui %eq3A_34 : i1 to i32
    %cond3A_36 = arith.constant 0 : i32
    %cond3A_37 = arith.cmpi ne, %convert_element_type3A_35, %cond3A_36 : i32
    scf.if %cond3A_37 {
      %add3A_38 = arith.constant 0 : i32
      %add3A_39 = arith.addi %mul3A_4, %add3A_38 : i32
      %add3A_40 = arith.constant 80 : i32
      %add3A_41 = arith.addi %add3A_39, %add3A_40 : i32
      %le3A = arith.constant 10000 : i32
      %le3A_42 = arith.cmpi sle, %add3A_41, %le3A : i32
      %convert_element_type3A_43 = arith.extui %le3A_42 : i1 to i32
      %cond3A_44 = arith.constant 0 : i32
      %cond3A_45 = arith.cmpi ne, %convert_element_type3A_43, %cond3A_44 : i32
      scf.if %cond3A_45 {
        "tpu.region"() ({
          %run_scoped3A = tpu.sem_alloc : memref<!tpu.dma_semaphore, #tpu.memory_space<semaphore_mem>>
          %dma_start3A = arith.constant 0 : i32
          %dma_start3A_109 = tpu.memref_slice %arg9[%add3A_39, %dma_start3A] : memref<10000x128xf32, #tpu.memory_space<hbm>> -> memref<80x128xf32, #tpu.memory_space<hbm>>
          %dma_start3A_110 = arith.constant 0 : i32
          %dma_start3A_111 = tpu.memref_slice %arg18[%add3A_39, %dma_start3A_110] : memref<10240x128xf32, #tpu.memory_space<vmem_shared>> -> memref<80x128xf32, #tpu.memory_space<vmem_shared>>
          tpu.enqueue_dma source(%dma_start3A_111 : memref<80x128xf32, #tpu.memory_space<vmem_shared>>) target(%dma_start3A_109 : memref<80x128xf32, #tpu.memory_space<hbm>>) target_semaphore(%run_scoped3A : memref<!tpu.dma_semaphore, #tpu.memory_space<semaphore_mem>>)
          %dma_wait3A = arith.constant 0 : i32
          %dma_wait3A_112 = tpu.memref_slice %arg9[%add3A_39, %dma_wait3A] : memref<10000x128xf32, #tpu.memory_space<hbm>> -> memref<80x128xf32, #tpu.memory_space<hbm>>
          %dma_wait3A_113 = arith.constant 0 : i32
          %dma_wait3A_114 = tpu.memref_slice %arg18[%add3A_39, %dma_wait3A_113] : memref<10240x128xf32, #tpu.memory_space<vmem_shared>> -> memref<80x128xf32, #tpu.memory_space<vmem_shared>>
          tpu.wait_dma2 semaphore(%run_scoped3A : memref<!tpu.dma_semaphore, #tpu.memory_space<semaphore_mem>>) src(%dma_wait3A_114 : memref<80x128xf32, #tpu.memory_space<vmem_shared>>) dst(%dma_wait3A_112 : memref<80x128xf32, #tpu.memory_space<hbm>>)
          tpu.yield
        }) : () -> ()
      } else {
      }
      %add3A_46 = arith.constant 80 : i32
      %add3A_47 = arith.addi %mul3A_4, %add3A_46 : i32
      %add3A_48 = arith.constant 80 : i32
      %add3A_49 = arith.addi %add3A_47, %add3A_48 : i32
      %le3A_50 = arith.constant 10000 : i32
      %le3A_51 = arith.cmpi sle, %add3A_49, %le3A_50 : i32
      %convert_element_type3A_52 = arith.extui %le3A_51 : i1 to i32
      %cond3A_53 = arith.constant 0 : i32
      %cond3A_54 = arith.cmpi ne, %convert_element_type3A_52, %cond3A_53 : i32
      scf.if %cond3A_54 {
        "tpu.region"() ({
          %run_scoped3A = tpu.sem_alloc : memref<!tpu.dma_semaphore, #tpu.memory_space<semaphore_mem>>
          %dma_start3A = arith.constant 0 : i32
          %dma_start3A_109 = tpu.memref_slice %arg9[%add3A_47, %dma_start3A] : memref<10000x128xf32, #tpu.memory_space<hbm>> -> memref<80x128xf32, #tpu.memory_space<hbm>>
          %dma_start3A_110 = arith.constant 0 : i32
          %dma_start3A_111 = tpu.memref_slice %arg18[%add3A_47, %dma_start3A_110] : memref<10240x128xf32, #tpu.memory_space<vmem_shared>> -> memref<80x128xf32, #tpu.memory_space<vmem_shared>>
          tpu.enqueue_dma source(%dma_start3A_111 : memref<80x128xf32, #tpu.memory_space<vmem_shared>>) target(%dma_start3A_109 : memref<80x128xf32, #tpu.memory_space<hbm>>) target_semaphore(%run_scoped3A : memref<!tpu.dma_semaphore, #tpu.memory_space<semaphore_mem>>)
          %dma_wait3A = arith.constant 0 : i32
          %dma_wait3A_112 = tpu.memref_slice %arg9[%add3A_47, %dma_wait3A] : memref<10000x128xf32, #tpu.memory_space<hbm>> -> memref<80x128xf32, #tpu.memory_space<hbm>>
          %dma_wait3A_113 = arith.constant 0 : i32
          %dma_wait3A_114 = tpu.memref_slice %arg18[%add3A_47, %dma_wait3A_113] : memref<10240x128xf32, #tpu.memory_space<vmem_shared>> -> memref<80x128xf32, #tpu.memory_space<vmem_shared>>
          tpu.wait_dma2 semaphore(%run_scoped3A : memref<!tpu.dma_semaphore, #tpu.memory_space<semaphore_mem>>) src(%dma_wait3A_114 : memref<80x128xf32, #tpu.memory_space<vmem_shared>>) dst(%dma_wait3A_112 : memref<80x128xf32, #tpu.memory_space<hbm>>)
          tpu.yield
        }) : () -> ()
      } else {
      }
      %add3A_55 = arith.constant 160 : i32
      %add3A_56 = arith.addi %mul3A_4, %add3A_55 : i32
      %add3A_57 = arith.constant 80 : i32
      %add3A_58 = arith.addi %add3A_56, %add3A_57 : i32
      %le3A_59 = arith.constant 10000 : i32
      %le3A_60 = arith.cmpi sle, %add3A_58, %le3A_59 : i32
      %convert_element_type3A_61 = arith.extui %le3A_60 : i1 to i32
      %cond3A_62 = arith.constant 0 : i32
      %cond3A_63 = arith.cmpi ne, %convert_element_type3A_61, %cond3A_62 : i32
      scf.if %cond3A_63 {
        "tpu.region"() ({
          %run_scoped3A = tpu.sem_alloc : memref<!tpu.dma_semaphore, #tpu.memory_space<semaphore_mem>>
          %dma_start3A = arith.constant 0 : i32
          %dma_start3A_109 = tpu.memref_slice %arg9[%add3A_56, %dma_start3A] : memref<10000x128xf32, #tpu.memory_space<hbm>> -> memref<80x128xf32, #tpu.memory_space<hbm>>
          %dma_start3A_110 = arith.constant 0 : i32
          %dma_start3A_111 = tpu.memref_slice %arg18[%add3A_56, %dma_start3A_110] : memref<10240x128xf32, #tpu.memory_space<vmem_shared>> -> memref<80x128xf32, #tpu.memory_space<vmem_shared>>
          tpu.enqueue_dma source(%dma_start3A_111 : memref<80x128xf32, #tpu.memory_space<vmem_shared>>) target(%dma_start3A_109 : memref<80x128xf32, #tpu.memory_space<hbm>>) target_semaphore(%run_scoped3A : memref<!tpu.dma_semaphore, #tpu.memory_space<semaphore_mem>>)
          %dma_wait3A = arith.constant 0 : i32
          %dma_wait3A_112 = tpu.memref_slice %arg9[%add3A_56, %dma_wait3A] : memref<10000x128xf32, #tpu.memory_space<hbm>> -> memref<80x128xf32, #tpu.memory_space<hbm>>
          %dma_wait3A_113 = arith.constant 0 : i32
          %dma_wait3A_114 = tpu.memref_slice %arg18[%add3A_56, %dma_wait3A_113] : memref<10240x128xf32, #tpu.memory_space<vmem_shared>> -> memref<80x128xf32, #tpu.memory_space<vmem_shared>>
          tpu.wait_dma2 semaphore(%run_scoped3A : memref<!tpu.dma_semaphore, #tpu.memory_space<semaphore_mem>>) src(%dma_wait3A_114 : memref<80x128xf32, #tpu.memory_space<vmem_shared>>) dst(%dma_wait3A_112 : memref<80x128xf32, #tpu.memory_space<hbm>>)
          tpu.yield
        }) : () -> ()
      } else {
      }
      %add3A_64 = arith.constant 240 : i32
      %add3A_65 = arith.addi %mul3A_4, %add3A_64 : i32
      %add3A_66 = arith.constant 80 : i32
      %add3A_67 = arith.addi %add3A_65, %add3A_66 : i32
      %le3A_68 = arith.constant 10000 : i32
      %le3A_69 = arith.cmpi sle, %add3A_67, %le3A_68 : i32
      %convert_element_type3A_70 = arith.extui %le3A_69 : i1 to i32
      %cond3A_71 = arith.constant 0 : i32
      %cond3A_72 = arith.cmpi ne, %convert_element_type3A_70, %cond3A_71 : i32
      scf.if %cond3A_72 {
        "tpu.region"() ({
          %run_scoped3A = tpu.sem_alloc : memref<!tpu.dma_semaphore, #tpu.memory_space<semaphore_mem>>
          %dma_start3A = arith.constant 0 : i32
          %dma_start3A_109 = tpu.memref_slice %arg9[%add3A_65, %dma_start3A] : memref<10000x128xf32, #tpu.memory_space<hbm>> -> memref<80x128xf32, #tpu.memory_space<hbm>>
          %dma_start3A_110 = arith.constant 0 : i32
          %dma_start3A_111 = tpu.memref_slice %arg18[%add3A_65, %dma_start3A_110] : memref<10240x128xf32, #tpu.memory_space<vmem_shared>> -> memref<80x128xf32, #tpu.memory_space<vmem_shared>>
          tpu.enqueue_dma source(%dma_start3A_111 : memref<80x128xf32, #tpu.memory_space<vmem_shared>>) target(%dma_start3A_109 : memref<80x128xf32, #tpu.memory_space<hbm>>) target_semaphore(%run_scoped3A : memref<!tpu.dma_semaphore, #tpu.memory_space<semaphore_mem>>)
          %dma_wait3A = arith.constant 0 : i32
          %dma_wait3A_112 = tpu.memref_slice %arg9[%add3A_65, %dma_wait3A] : memref<10000x128xf32, #tpu.memory_space<hbm>> -> memref<80x128xf32, #tpu.memory_space<hbm>>
          %dma_wait3A_113 = arith.constant 0 : i32
          %dma_wait3A_114 = tpu.memref_slice %arg18[%add3A_65, %dma_wait3A_113] : memref<10240x128xf32, #tpu.memory_space<vmem_shared>> -> memref<80x128xf32, #tpu.memory_space<vmem_shared>>
          tpu.wait_dma2 semaphore(%run_scoped3A : memref<!tpu.dma_semaphore, #tpu.memory_space<semaphore_mem>>) src(%dma_wait3A_114 : memref<80x128xf32, #tpu.memory_space<vmem_shared>>) dst(%dma_wait3A_112 : memref<80x128xf32, #tpu.memory_space<hbm>>)
          tpu.yield
        }) : () -> ()
      } else {
      }
      %add3A_73 = arith.constant 320 : i32
      %add3A_74 = arith.addi %mul3A_4, %add3A_73 : i32
      %add3A_75 = arith.constant 80 : i32
      %add3A_76 = arith.addi %add3A_74, %add3A_75 : i32
      %le3A_77 = arith.constant 10000 : i32
      %le3A_78 = arith.cmpi sle, %add3A_76, %le3A_77 : i32
      %convert_element_type3A_79 = arith.extui %le3A_78 : i1 to i32
      %cond3A_80 = arith.constant 0 : i32
      %cond3A_81 = arith.cmpi ne, %convert_element_type3A_79, %cond3A_80 : i32
      scf.if %cond3A_81 {
        "tpu.region"() ({
          %run_scoped3A = tpu.sem_alloc : memref<!tpu.dma_semaphore, #tpu.memory_space<semaphore_mem>>
          %dma_start3A = arith.constant 0 : i32
          %dma_start3A_109 = tpu.memref_slice %arg9[%add3A_74, %dma_start3A] : memref<10000x128xf32, #tpu.memory_space<hbm>> -> memref<80x128xf32, #tpu.memory_space<hbm>>
          %dma_start3A_110 = arith.constant 0 : i32
          %dma_start3A_111 = tpu.memref_slice %arg18[%add3A_74, %dma_start3A_110] : memref<10240x128xf32, #tpu.memory_space<vmem_shared>> -> memref<80x128xf32, #tpu.memory_space<vmem_shared>>
          tpu.enqueue_dma source(%dma_start3A_111 : memref<80x128xf32, #tpu.memory_space<vmem_shared>>) target(%dma_start3A_109 : memref<80x128xf32, #tpu.memory_space<hbm>>) target_semaphore(%run_scoped3A : memref<!tpu.dma_semaphore, #tpu.memory_space<semaphore_mem>>)
          %dma_wait3A = arith.constant 0 : i32
          %dma_wait3A_112 = tpu.memref_slice %arg9[%add3A_74, %dma_wait3A] : memref<10000x128xf32, #tpu.memory_space<hbm>> -> memref<80x128xf32, #tpu.memory_space<hbm>>
          %dma_wait3A_113 = arith.constant 0 : i32
          %dma_wait3A_114 = tpu.memref_slice %arg18[%add3A_74, %dma_wait3A_113] : memref<10240x128xf32, #tpu.memory_space<vmem_shared>> -> memref<80x128xf32, #tpu.memory_space<vmem_shared>>
          tpu.wait_dma2 semaphore(%run_scoped3A : memref<!tpu.dma_semaphore, #tpu.memory_space<semaphore_mem>>) src(%dma_wait3A_114 : memref<80x128xf32, #tpu.memory_space<vmem_shared>>) dst(%dma_wait3A_112 : memref<80x128xf32, #tpu.memory_space<hbm>>)
          tpu.yield
        }) : () -> ()
      } else {
      }
      %add3A_82 = arith.constant 400 : i32
      %add3A_83 = arith.addi %mul3A_4, %add3A_82 : i32
      %add3A_84 = arith.constant 80 : i32
      %add3A_85 = arith.addi %add3A_83, %add3A_84 : i32
      %le3A_86 = arith.constant 10000 : i32
      %le3A_87 = arith.cmpi sle, %add3A_85, %le3A_86 : i32
      %convert_element_type3A_88 = arith.extui %le3A_87 : i1 to i32
      %cond3A_89 = arith.constant 0 : i32
      %cond3A_90 = arith.cmpi ne, %convert_element_type3A_88, %cond3A_89 : i32
      scf.if %cond3A_90 {
        "tpu.region"() ({
          %run_scoped3A = tpu.sem_alloc : memref<!tpu.dma_semaphore, #tpu.memory_space<semaphore_mem>>
          %dma_start3A = arith.constant 0 : i32
          %dma_start3A_109 = tpu.memref_slice %arg9[%add3A_83, %dma_start3A] : memref<10000x128xf32, #tpu.memory_space<hbm>> -> memref<80x128xf32, #tpu.memory_space<hbm>>
          %dma_start3A_110 = arith.constant 0 : i32
          %dma_start3A_111 = tpu.memref_slice %arg18[%add3A_83, %dma_start3A_110] : memref<10240x128xf32, #tpu.memory_space<vmem_shared>> -> memref<80x128xf32, #tpu.memory_space<vmem_shared>>
          tpu.enqueue_dma source(%dma_start3A_111 : memref<80x128xf32, #tpu.memory_space<vmem_shared>>) target(%dma_start3A_109 : memref<80x128xf32, #tpu.memory_space<hbm>>) target_semaphore(%run_scoped3A : memref<!tpu.dma_semaphore, #tpu.memory_space<semaphore_mem>>)
          %dma_wait3A = arith.constant 0 : i32
          %dma_wait3A_112 = tpu.memref_slice %arg9[%add3A_83, %dma_wait3A] : memref<10000x128xf32, #tpu.memory_space<hbm>> -> memref<80x128xf32, #tpu.memory_space<hbm>>
          %dma_wait3A_113 = arith.constant 0 : i32
          %dma_wait3A_114 = tpu.memref_slice %arg18[%add3A_83, %dma_wait3A_113] : memref<10240x128xf32, #tpu.memory_space<vmem_shared>> -> memref<80x128xf32, #tpu.memory_space<vmem_shared>>
          tpu.wait_dma2 semaphore(%run_scoped3A : memref<!tpu.dma_semaphore, #tpu.memory_space<semaphore_mem>>) src(%dma_wait3A_114 : memref<80x128xf32, #tpu.memory_space<vmem_shared>>) dst(%dma_wait3A_112 : memref<80x128xf32, #tpu.memory_space<hbm>>)
          tpu.yield
        }) : () -> ()
      } else {
      }
      %add3A_91 = arith.constant 480 : i32
      %add3A_92 = arith.addi %mul3A_4, %add3A_91 : i32
      %add3A_93 = arith.constant 80 : i32
      %add3A_94 = arith.addi %add3A_92, %add3A_93 : i32
      %le3A_95 = arith.constant 10000 : i32
      %le3A_96 = arith.cmpi sle, %add3A_94, %le3A_95 : i32
      %convert_element_type3A_97 = arith.extui %le3A_96 : i1 to i32
      %cond3A_98 = arith.constant 0 : i32
      %cond3A_99 = arith.cmpi ne, %convert_element_type3A_97, %cond3A_98 : i32
      scf.if %cond3A_99 {
        "tpu.region"() ({
          %run_scoped3A = tpu.sem_alloc : memref<!tpu.dma_semaphore, #tpu.memory_space<semaphore_mem>>
          %dma_start3A = arith.constant 0 : i32
          %dma_start3A_109 = tpu.memref_slice %arg9[%add3A_92, %dma_start3A] : memref<10000x128xf32, #tpu.memory_space<hbm>> -> memref<80x128xf32, #tpu.memory_space<hbm>>
          %dma_start3A_110 = arith.constant 0 : i32
          %dma_start3A_111 = tpu.memref_slice %arg18[%add3A_92, %dma_start3A_110] : memref<10240x128xf32, #tpu.memory_space<vmem_shared>> -> memref<80x128xf32, #tpu.memory_space<vmem_shared>>
          tpu.enqueue_dma source(%dma_start3A_111 : memref<80x128xf32, #tpu.memory_space<vmem_shared>>) target(%dma_start3A_109 : memref<80x128xf32, #tpu.memory_space<hbm>>) target_semaphore(%run_scoped3A : memref<!tpu.dma_semaphore, #tpu.memory_space<semaphore_mem>>)
          %dma_wait3A = arith.constant 0 : i32
          %dma_wait3A_112 = tpu.memref_slice %arg9[%add3A_92, %dma_wait3A] : memref<10000x128xf32, #tpu.memory_space<hbm>> -> memref<80x128xf32, #tpu.memory_space<hbm>>
          %dma_wait3A_113 = arith.constant 0 : i32
          %dma_wait3A_114 = tpu.memref_slice %arg18[%add3A_92, %dma_wait3A_113] : memref<10240x128xf32, #tpu.memory_space<vmem_shared>> -> memref<80x128xf32, #tpu.memory_space<vmem_shared>>
          tpu.wait_dma2 semaphore(%run_scoped3A : memref<!tpu.dma_semaphore, #tpu.memory_space<semaphore_mem>>) src(%dma_wait3A_114 : memref<80x128xf32, #tpu.memory_space<vmem_shared>>) dst(%dma_wait3A_112 : memref<80x128xf32, #tpu.memory_space<hbm>>)
          tpu.yield
        }) : () -> ()
      } else {
      }
      %add3A_100 = arith.constant 560 : i32
      %add3A_101 = arith.addi %mul3A_4, %add3A_100 : i32
      %add3A_102 = arith.constant 80 : i32
      %add3A_103 = arith.addi %add3A_101, %add3A_102 : i32
      %le3A_104 = arith.constant 10000 : i32
      %le3A_105 = arith.cmpi sle, %add3A_103, %le3A_104 : i32
      %convert_element_type3A_106 = arith.extui %le3A_105 : i1 to i32
      %cond3A_107 = arith.constant 0 : i32
      %cond3A_108 = arith.cmpi ne, %convert_element_type3A_106, %cond3A_107 : i32
      scf.if %cond3A_108 {
        "tpu.region"() ({
          %run_scoped3A = tpu.sem_alloc : memref<!tpu.dma_semaphore, #tpu.memory_space<semaphore_mem>>
          %dma_start3A = arith.constant 0 : i32
          %dma_start3A_109 = tpu.memref_slice %arg9[%add3A_101, %dma_start3A] : memref<10000x128xf32, #tpu.memory_space<hbm>> -> memref<80x128xf32, #tpu.memory_space<hbm>>
          %dma_start3A_110 = arith.constant 0 : i32
          %dma_start3A_111 = tpu.memref_slice %arg18[%add3A_101, %dma_start3A_110] : memref<10240x128xf32, #tpu.memory_space<vmem_shared>> -> memref<80x128xf32, #tpu.memory_space<vmem_shared>>
          tpu.enqueue_dma source(%dma_start3A_111 : memref<80x128xf32, #tpu.memory_space<vmem_shared>>) target(%dma_start3A_109 : memref<80x128xf32, #tpu.memory_space<hbm>>) target_semaphore(%run_scoped3A : memref<!tpu.dma_semaphore, #tpu.memory_space<semaphore_mem>>)
          %dma_wait3A = arith.constant 0 : i32
          %dma_wait3A_112 = tpu.memref_slice %arg9[%add3A_101, %dma_wait3A] : memref<10000x128xf32, #tpu.memory_space<hbm>> -> memref<80x128xf32, #tpu.memory_space<hbm>>
          %dma_wait3A_113 = arith.constant 0 : i32
          %dma_wait3A_114 = tpu.memref_slice %arg18[%add3A_101, %dma_wait3A_113] : memref<10240x128xf32, #tpu.memory_space<vmem_shared>> -> memref<80x128xf32, #tpu.memory_space<vmem_shared>>
          tpu.wait_dma2 semaphore(%run_scoped3A : memref<!tpu.dma_semaphore, #tpu.memory_space<semaphore_mem>>) src(%dma_wait3A_114 : memref<80x128xf32, #tpu.memory_space<vmem_shared>>) dst(%dma_wait3A_112 : memref<80x128xf32, #tpu.memory_space<hbm>>)
          tpu.yield
        }) : () -> ()
      } else {
      }
    } else {
    }
    return
  }
}

module attributes {stable_mosaic.version = 14 : i64} {
  func.func @_ew_body(%arg0: i32, %arg1: memref<50x3200xf32, #tpu.memory_space<vmem>>, %arg2: memref<50x256xf32, #tpu.memory_space<vmem>>, %arg3: memref<1x256xf32, #tpu.memory_space<vmem>>, %arg4: memref<256x256xf32, #tpu.memory_space<vmem>>, %arg5: memref<1x256xf32, #tpu.memory_space<vmem>>, %arg6: memref<3200x64xf32, #tpu.memory_space<vmem>>, %arg7: memref<3200x64xf32, #tpu.memory_space<vmem>>) attributes {dimension_semantics = [#tpu.dimension_semantics<arbitrary>], iteration_bounds = array<i64: 16>, scalar_prefetch = 0 : i64, scratch_operands = 0 : i64, tpu.core_type = #tpu.core_type<tc>, window_params = [{transform_indices = @transform_0, window_bounds = array<i64: 50, 3200>}, {pipeline_mode = #tpu.pipeline_mode<synchronous>, transform_indices = @transform_1, window_bounds = array<i64: 50, 256>}, {pipeline_mode = #tpu.pipeline_mode<synchronous>, transform_indices = @transform_2, window_bounds = array<i64: 1, 256>}, {pipeline_mode = #tpu.pipeline_mode<synchronous>, transform_indices = @transform_3, window_bounds = array<i64: 256, 256>}, {pipeline_mode = #tpu.pipeline_mode<synchronous>, transform_indices = @transform_4, window_bounds = array<i64: 1, 256>}, {transform_indices = @transform_5, window_bounds = array<i64: 3200, 64>}, {transform_indices = @transform_6, window_bounds = array<i64: 3200, 64>}]} {
    %get3A = arith.constant 0 : index
    %get3A_0 = arith.constant 0 : index
    %get3A_1 = vector.load %arg1[%get3A, %get3A_0] : memref<50x3200xf32, #tpu.memory_space<vmem>>, vector<50x3200xf32>
    %get3A_2 = arith.constant 0 : index
    %get3A_3 = arith.constant 0 : index
    %get3A_4 = vector.load %arg2[%get3A_2, %get3A_3] : memref<50x256xf32, #tpu.memory_space<vmem>>, vector<50x256xf32>
    %dot_general3A = arith.constant dense<0.000000e+00> : vector<3200x256xf32>
    %dot_general3A_5 = tpu.matmul %get3A_1, %get3A_4, %dot_general3A {dimension_numbers = #tpu.dot_dimension_numbers<[0], [0], [1], [1], [0, 1, 1, 1], [], []>, transpose_lhs_hint = false} : vector<50x3200xf32>, vector<50x256xf32>, vector<3200x256xf32> -> vector<3200x256xf32>
    %get3A_6 = arith.constant 0 : index
    %get3A_7 = arith.constant 0 : index
    %get3A_8 = vector.load %arg3[%get3A_6, %get3A_7] : memref<1x256xf32, #tpu.memory_space<vmem>>, vector<1x256xf32>
    %add3A = vector.broadcast %get3A_8 : vector<1x256xf32> to vector<3200x256xf32>
    %add3A_9 = arith.addf %dot_general3A_5, %add3A : vector<3200x256xf32>
    %exp3A = math.exp %add3A_9 : vector<3200x256xf32>
    %mul3A = arith.constant 5.000000e-01 : f32
    %mul3A_10 = vector.broadcast %mul3A : f32 to vector<3200x256xf32>
    %mul3A_11 = arith.mulf %mul3A_10, %exp3A : vector<3200x256xf32>
    %add3A_12 = arith.constant 5.000000e-01 : f32
    %add3A_13 = vector.broadcast %add3A_12 : f32 to vector<3200x256xf32>
    %add3A_14 = arith.addf %add3A_13, %mul3A_11 : vector<3200x256xf32>
    %log3A = math.log %add3A_14 : vector<3200x256xf32>
    %get3A_15 = arith.constant 0 : index
    %get3A_16 = arith.constant 0 : index
    %get3A_17 = vector.load %arg4[%get3A_15, %get3A_16] : memref<256x256xf32, #tpu.memory_space<vmem>>, vector<256x256xf32>
    %dot_general3A_18 = arith.constant dense<0.000000e+00> : vector<3200x256xf32>
    %dot_general3A_19 = tpu.matmul %log3A, %get3A_17, %dot_general3A_18 {dimension_numbers = #tpu.dot_dimension_numbers<[1], [0], [0], [1], [0, 0, 1, 1], [], []>, transpose_lhs_hint = false} : vector<3200x256xf32>, vector<256x256xf32>, vector<3200x256xf32> -> vector<3200x256xf32>
    %get3A_20 = arith.constant 0 : index
    %get3A_21 = arith.constant 0 : index
    %get3A_22 = vector.load %arg5[%get3A_20, %get3A_21] : memref<1x256xf32, #tpu.memory_space<vmem>>, vector<1x256xf32>
    %add3A_23 = vector.broadcast %get3A_22 : vector<1x256xf32> to vector<3200x256xf32>
    %add3A_24 = arith.addf %dot_general3A_19, %add3A_23 : vector<3200x256xf32>
    %exp3A_25 = math.exp %add3A_24 : vector<3200x256xf32>
    %mul3A_26 = arith.constant 5.000000e-01 : f32
    %mul3A_27 = vector.broadcast %mul3A_26 : f32 to vector<3200x256xf32>
    %mul3A_28 = arith.mulf %mul3A_27, %exp3A_25 : vector<3200x256xf32>
    %add3A_29 = arith.constant 5.000000e-01 : f32
    %add3A_30 = vector.broadcast %add3A_29 : f32 to vector<3200x256xf32>
    %add3A_31 = arith.addf %add3A_30, %mul3A_28 : vector<3200x256xf32>
    %log3A_32 = math.log %add3A_31 : vector<3200x256xf32>
    %slice3A = vector.extract_strided_slice %log3A_32 {offsets = [0, 0], sizes = [3200, 64], strides = [1, 1]} : vector<3200x256xf32> to vector<3200x64xf32>
    %slice3A_33 = vector.extract_strided_slice %log3A_32 {offsets = [0, 64], sizes = [3200, 64], strides = [1, 1]} : vector<3200x256xf32> to vector<3200x64xf32>
    %bitcast_convert_type3A = tpu.bitcast %slice3A : vector<3200x64xf32> -> vector<3200x64xi32>
    %bitcast_convert_type3A_34 = tpu.bitcast %slice3A_33 : vector<3200x64xf32> -> vector<3200x64xi32>
    %shift_right_logical3A = arith.constant 16 : i32
    %shift_right_logical3A_35 = vector.broadcast %shift_right_logical3A : i32 to vector<3200x64xi32>
    %shift_right_logical3A_36 = arith.shrui %bitcast_convert_type3A, %shift_right_logical3A_35 : vector<3200x64xi32>
    %and3A = arith.constant -65536 : i32
    %and3A_37 = vector.broadcast %and3A : i32 to vector<3200x64xi32>
    %and3A_38 = arith.andi %bitcast_convert_type3A_34, %and3A_37 : vector<3200x64xi32>
    %or3A = arith.ori %shift_right_logical3A_36, %and3A_38 : vector<3200x64xi32>
    %bitcast_convert_type3A_39 = tpu.bitcast %or3A : vector<3200x64xi32> -> vector<3200x64xf32>
    %swap3A = arith.constant 0 : index
    %swap3A_40 = arith.constant 0 : index
    %swap3A_41 = vector.load %arg6[%swap3A, %swap3A_40] : memref<3200x64xf32, #tpu.memory_space<vmem>>, vector<3200x64xf32>
    tpu.vector_store %arg6[%swap3A, %swap3A_40], %bitcast_convert_type3A_39 {strides = array<i32>} : memref<3200x64xf32, #tpu.memory_space<vmem>>, vector<3200x64xf32>,
    %slice3A_42 = vector.extract_strided_slice %log3A_32 {offsets = [0, 128], sizes = [3200, 64], strides = [1, 1]} : vector<3200x256xf32> to vector<3200x64xf32>
    %slice3A_43 = vector.extract_strided_slice %log3A_32 {offsets = [0, 192], sizes = [3200, 64], strides = [1, 1]} : vector<3200x256xf32> to vector<3200x64xf32>
    %bitcast_convert_type3A_44 = tpu.bitcast %slice3A_42 : vector<3200x64xf32> -> vector<3200x64xi32>
    %bitcast_convert_type3A_45 = tpu.bitcast %slice3A_43 : vector<3200x64xf32> -> vector<3200x64xi32>
    %shift_right_logical3A_46 = arith.constant 16 : i32
    %shift_right_logical3A_47 = vector.broadcast %shift_right_logical3A_46 : i32 to vector<3200x64xi32>
    %shift_right_logical3A_48 = arith.shrui %bitcast_convert_type3A_44, %shift_right_logical3A_47 : vector<3200x64xi32>
    %and3A_49 = arith.constant -65536 : i32
    %and3A_50 = vector.broadcast %and3A_49 : i32 to vector<3200x64xi32>
    %and3A_51 = arith.andi %bitcast_convert_type3A_45, %and3A_50 : vector<3200x64xi32>
    %or3A_52 = arith.ori %shift_right_logical3A_48, %and3A_51 : vector<3200x64xi32>
    %bitcast_convert_type3A_53 = tpu.bitcast %or3A_52 : vector<3200x64xi32> -> vector<3200x64xf32>
    %swap3A_54 = arith.constant 0 : index
    %swap3A_55 = arith.constant 0 : index
    %swap3A_56 = vector.load %arg7[%swap3A_54, %swap3A_55] : memref<3200x64xf32, #tpu.memory_space<vmem>>, vector<3200x64xf32>
    tpu.vector_store %arg7[%swap3A_54, %swap3A_55], %bitcast_convert_type3A_53 {strides = array<i32>} : memref<3200x64xf32, #tpu.memory_space<vmem>>, vector<3200x64xf32>,
    return
  }
  func.func @transform_0(%arg0: i32) -> (i32, i32) {
    %add3A = arith.constant 0 : i32
    %add3A_0 = arith.addi %arg0, %add3A : i32
    %c0_i32 = arith.constant 0 : i32
    %c0_i32_1 = arith.constant 0 : i32
    return %c0_i32, %add3A_0 : i32, i32
  }
  func.func @transform_1(%arg0: i32) -> (i32, i32) {
    %c0_i32 = arith.constant 0 : i32
    %c0_i32_0 = arith.constant 0 : i32
    %c0_i32_1 = arith.constant 0 : i32
    return %c0_i32, %c0_i32_0 : i32, i32
  }
  func.func @transform_2(%arg0: i32) -> (i32, i32) {
    %c0_i32 = arith.constant 0 : i32
    %c0_i32_0 = arith.constant 0 : i32
    %c0_i32_1 = arith.constant 0 : i32
    return %c0_i32, %c0_i32_0 : i32, i32
  }
  func.func @transform_3(%arg0: i32) -> (i32, i32) {
    %c0_i32 = arith.constant 0 : i32
    %c0_i32_0 = arith.constant 0 : i32
    %c0_i32_1 = arith.constant 0 : i32
    return %c0_i32, %c0_i32_0 : i32, i32
  }
  func.func @transform_4(%arg0: i32) -> (i32, i32) {
    %c0_i32 = arith.constant 0 : i32
    %c0_i32_0 = arith.constant 0 : i32
    %c0_i32_1 = arith.constant 0 : i32
    return %c0_i32, %c0_i32_0 : i32, i32
  }
  func.func @transform_5(%arg0: i32) -> (i32, i32) {
    %c0_i32 = arith.constant 0 : i32
    %c0_i32_0 = arith.constant 0 : i32
    return %arg0, %c0_i32 : i32, i32
  }
  func.func @transform_6(%arg0: i32) -> (i32, i32) {
    %c0_i32 = arith.constant 0 : i32
    %c0_i32_0 = arith.constant 0 : i32
    return %arg0, %c0_i32 : i32, i32
  }
}

module attributes {stable_mosaic.version = 14 : i64} {
  func.func @_ew_body(%arg0: i32, %arg1: memref<50x3200xf32, #tpu.memory_space<vmem>>, %arg2: memref<50x256xf32, #tpu.memory_space<vmem>>, %arg3: memref<1x256xf32, #tpu.memory_space<vmem>>, %arg4: memref<256x256xf32, #tpu.memory_space<vmem>>, %arg5: memref<1x256xf32, #tpu.memory_space<vmem>>, %arg6: memref<3200x64xf32, #tpu.memory_space<vmem>>, %arg7: memref<3200x64xf32, #tpu.memory_space<vmem>>) attributes {dimension_semantics = [#tpu.dimension_semantics<arbitrary>], iteration_bounds = array<i64: 34>, scalar_prefetch = 0 : i64, scratch_operands = 0 : i64, tpu.core_type = #tpu.core_type<tc>, window_params = [{transform_indices = @transform_0, window_bounds = array<i64: 50, 3200>}, {pipeline_mode = #tpu.pipeline_mode<synchronous>, transform_indices = @transform_1, window_bounds = array<i64: 50, 256>}, {pipeline_mode = #tpu.pipeline_mode<synchronous>, transform_indices = @transform_2, window_bounds = array<i64: 1, 256>}, {pipeline_mode = #tpu.pipeline_mode<synchronous>, transform_indices = @transform_3, window_bounds = array<i64: 256, 256>}, {pipeline_mode = #tpu.pipeline_mode<synchronous>, transform_indices = @transform_4, window_bounds = array<i64: 1, 256>}, {transform_indices = @transform_5, window_bounds = array<i64: 3200, 64>}, {transform_indices = @transform_6, window_bounds = array<i64: 3200, 64>}]} {
    %get3A = arith.constant 0 : index
    %get3A_0 = arith.constant 0 : index
    %get3A_1 = vector.load %arg1[%get3A, %get3A_0] : memref<50x3200xf32, #tpu.memory_space<vmem>>, vector<50x3200xf32>
    %get3A_2 = arith.constant 0 : index
    %get3A_3 = arith.constant 0 : index
    %get3A_4 = vector.load %arg2[%get3A_2, %get3A_3] : memref<50x256xf32, #tpu.memory_space<vmem>>, vector<50x256xf32>
    %dot_general3A = arith.constant dense<0.000000e+00> : vector<3200x256xf32>
    %dot_general3A_5 = tpu.matmul %get3A_1, %get3A_4, %dot_general3A {dimension_numbers = #tpu.dot_dimension_numbers<[0], [0], [1], [1], [0, 1, 1, 1], [], []>, transpose_lhs_hint = false} : vector<50x3200xf32>, vector<50x256xf32>, vector<3200x256xf32> -> vector<3200x256xf32>
    %get3A_6 = arith.constant 0 : index
    %get3A_7 = arith.constant 0 : index
    %get3A_8 = vector.load %arg3[%get3A_6, %get3A_7] : memref<1x256xf32, #tpu.memory_space<vmem>>, vector<1x256xf32>
    %add3A = vector.broadcast %get3A_8 : vector<1x256xf32> to vector<3200x256xf32>
    %add3A_9 = arith.addf %dot_general3A_5, %add3A : vector<3200x256xf32>
    %exp3A = math.exp %add3A_9 : vector<3200x256xf32>
    %mul3A = arith.constant 5.000000e-01 : f32
    %mul3A_10 = vector.broadcast %mul3A : f32 to vector<3200x256xf32>
    %mul3A_11 = arith.mulf %mul3A_10, %exp3A : vector<3200x256xf32>
    %add3A_12 = arith.constant 5.000000e-01 : f32
    %add3A_13 = vector.broadcast %add3A_12 : f32 to vector<3200x256xf32>
    %add3A_14 = arith.addf %add3A_13, %mul3A_11 : vector<3200x256xf32>
    %log3A = math.log %add3A_14 : vector<3200x256xf32>
    %get3A_15 = arith.constant 0 : index
    %get3A_16 = arith.constant 0 : index
    %get3A_17 = vector.load %arg4[%get3A_15, %get3A_16] : memref<256x256xf32, #tpu.memory_space<vmem>>, vector<256x256xf32>
    %dot_general3A_18 = arith.constant dense<0.000000e+00> : vector<3200x256xf32>
    %dot_general3A_19 = tpu.matmul %log3A, %get3A_17, %dot_general3A_18 {dimension_numbers = #tpu.dot_dimension_numbers<[1], [0], [0], [1], [0, 0, 1, 1], [], []>, transpose_lhs_hint = false} : vector<3200x256xf32>, vector<256x256xf32>, vector<3200x256xf32> -> vector<3200x256xf32>
    %get3A_20 = arith.constant 0 : index
    %get3A_21 = arith.constant 0 : index
    %get3A_22 = vector.load %arg5[%get3A_20, %get3A_21] : memref<1x256xf32, #tpu.memory_space<vmem>>, vector<1x256xf32>
    %add3A_23 = vector.broadcast %get3A_22 : vector<1x256xf32> to vector<3200x256xf32>
    %add3A_24 = arith.addf %dot_general3A_19, %add3A_23 : vector<3200x256xf32>
    %exp3A_25 = math.exp %add3A_24 : vector<3200x256xf32>
    %mul3A_26 = arith.constant 5.000000e-01 : f32
    %mul3A_27 = vector.broadcast %mul3A_26 : f32 to vector<3200x256xf32>
    %mul3A_28 = arith.mulf %mul3A_27, %exp3A_25 : vector<3200x256xf32>
    %add3A_29 = arith.constant 5.000000e-01 : f32
    %add3A_30 = vector.broadcast %add3A_29 : f32 to vector<3200x256xf32>
    %add3A_31 = arith.addf %add3A_30, %mul3A_28 : vector<3200x256xf32>
    %log3A_32 = math.log %add3A_31 : vector<3200x256xf32>
    %slice3A = vector.extract_strided_slice %log3A_32 {offsets = [0, 0], sizes = [3200, 64], strides = [1, 1]} : vector<3200x256xf32> to vector<3200x64xf32>
    %slice3A_33 = vector.extract_strided_slice %log3A_32 {offsets = [0, 64], sizes = [3200, 64], strides = [1, 1]} : vector<3200x256xf32> to vector<3200x64xf32>
    %bitcast_convert_type3A = tpu.bitcast %slice3A : vector<3200x64xf32> -> vector<3200x64xi32>
    %bitcast_convert_type3A_34 = tpu.bitcast %slice3A_33 : vector<3200x64xf32> -> vector<3200x64xi32>
    %shift_right_logical3A = arith.constant 16 : i32
    %shift_right_logical3A_35 = vector.broadcast %shift_right_logical3A : i32 to vector<3200x64xi32>
    %shift_right_logical3A_36 = arith.shrui %bitcast_convert_type3A, %shift_right_logical3A_35 : vector<3200x64xi32>
    %and3A = arith.constant -65536 : i32
    %and3A_37 = vector.broadcast %and3A : i32 to vector<3200x64xi32>
    %and3A_38 = arith.andi %bitcast_convert_type3A_34, %and3A_37 : vector<3200x64xi32>
    %or3A = arith.ori %shift_right_logical3A_36, %and3A_38 : vector<3200x64xi32>
    %bitcast_convert_type3A_39 = tpu.bitcast %or3A : vector<3200x64xi32> -> vector<3200x64xf32>
    %swap3A = arith.constant 0 : index
    %swap3A_40 = arith.constant 0 : index
    %swap3A_41 = vector.load %arg6[%swap3A, %swap3A_40] : memref<3200x64xf32, #tpu.memory_space<vmem>>, vector<3200x64xf32>
    tpu.vector_store %arg6[%swap3A, %swap3A_40], %bitcast_convert_type3A_39 {strides = array<i32>} : memref<3200x64xf32, #tpu.memory_space<vmem>>, vector<3200x64xf32>,
    %slice3A_42 = vector.extract_strided_slice %log3A_32 {offsets = [0, 128], sizes = [3200, 64], strides = [1, 1]} : vector<3200x256xf32> to vector<3200x64xf32>
    %slice3A_43 = vector.extract_strided_slice %log3A_32 {offsets = [0, 192], sizes = [3200, 64], strides = [1, 1]} : vector<3200x256xf32> to vector<3200x64xf32>
    %bitcast_convert_type3A_44 = tpu.bitcast %slice3A_42 : vector<3200x64xf32> -> vector<3200x64xi32>
    %bitcast_convert_type3A_45 = tpu.bitcast %slice3A_43 : vector<3200x64xf32> -> vector<3200x64xi32>
    %shift_right_logical3A_46 = arith.constant 16 : i32
    %shift_right_logical3A_47 = vector.broadcast %shift_right_logical3A_46 : i32 to vector<3200x64xi32>
    %shift_right_logical3A_48 = arith.shrui %bitcast_convert_type3A_44, %shift_right_logical3A_47 : vector<3200x64xi32>
    %and3A_49 = arith.constant -65536 : i32
    %and3A_50 = vector.broadcast %and3A_49 : i32 to vector<3200x64xi32>
    %and3A_51 = arith.andi %bitcast_convert_type3A_45, %and3A_50 : vector<3200x64xi32>
    %or3A_52 = arith.ori %shift_right_logical3A_48, %and3A_51 : vector<3200x64xi32>
    %bitcast_convert_type3A_53 = tpu.bitcast %or3A_52 : vector<3200x64xi32> -> vector<3200x64xf32>
    %swap3A_54 = arith.constant 0 : index
    %swap3A_55 = arith.constant 0 : index
    %swap3A_56 = vector.load %arg7[%swap3A_54, %swap3A_55] : memref<3200x64xf32, #tpu.memory_space<vmem>>, vector<3200x64xf32>
    tpu.vector_store %arg7[%swap3A_54, %swap3A_55], %bitcast_convert_type3A_53 {strides = array<i32>} : memref<3200x64xf32, #tpu.memory_space<vmem>>, vector<3200x64xf32>,
    return
  }
  func.func @transform_0(%arg0: i32) -> (i32, i32) {
    %add3A = arith.constant 16 : i32
    %add3A_0 = arith.addi %arg0, %add3A : i32
    %c0_i32 = arith.constant 0 : i32
    %c0_i32_1 = arith.constant 0 : i32
    return %c0_i32, %add3A_0 : i32, i32
  }
  func.func @transform_1(%arg0: i32) -> (i32, i32) {
    %c0_i32 = arith.constant 0 : i32
    %c0_i32_0 = arith.constant 0 : i32
    %c0_i32_1 = arith.constant 0 : i32
    return %c0_i32, %c0_i32_0 : i32, i32
  }
  func.func @transform_2(%arg0: i32) -> (i32, i32) {
    %c0_i32 = arith.constant 0 : i32
    %c0_i32_0 = arith.constant 0 : i32
    %c0_i32_1 = arith.constant 0 : i32
    return %c0_i32, %c0_i32_0 : i32, i32
  }
  func.func @transform_3(%arg0: i32) -> (i32, i32) {
    %c0_i32 = arith.constant 0 : i32
    %c0_i32_0 = arith.constant 0 : i32
    %c0_i32_1 = arith.constant 0 : i32
    return %c0_i32, %c0_i32_0 : i32, i32
  }
  func.func @transform_4(%arg0: i32) -> (i32, i32) {
    %c0_i32 = arith.constant 0 : i32
    %c0_i32_0 = arith.constant 0 : i32
    %c0_i32_1 = arith.constant 0 : i32
    return %c0_i32, %c0_i32_0 : i32, i32
  }
  func.func @transform_5(%arg0: i32) -> (i32, i32) {
    %c0_i32 = arith.constant 0 : i32
    %c0_i32_0 = arith.constant 0 : i32
    return %arg0, %c0_i32 : i32, i32
  }
  func.func @transform_6(%arg0: i32) -> (i32, i32) {
    %c0_i32 = arith.constant 0 : i32
    %c0_i32_0 = arith.constant 0 : i32
    return %arg0, %c0_i32 : i32, i32
  }
}

module attributes {stable_mosaic.version = 14 : i64} {
  func.func @_xi_body(%arg0: i32, %arg1: memref<1000x256xf32, #tpu.memory_space<vmem>>, %arg2: memref<256x256xf32, #tpu.memory_space<vmem>>, %arg3: memref<1x256xf32, #tpu.memory_space<vmem>>, %arg4: memref<1000x128xf32, #tpu.memory_space<vmem>>, %arg5: memref<1000x128xf32, #tpu.memory_space<vmem>>) attributes {dimension_semantics = [#tpu.dimension_semantics<arbitrary>], iteration_bounds = array<i64: 10>, scalar_prefetch = 0 : i64, scratch_operands = 0 : i64, tpu.core_type = #tpu.core_type<tc>, window_params = [{transform_indices = @transform_0, window_bounds = array<i64: 1000, 256>}, {pipeline_mode = #tpu.pipeline_mode<synchronous>, transform_indices = @transform_1, window_bounds = array<i64: 256, 256>}, {pipeline_mode = #tpu.pipeline_mode<synchronous>, transform_indices = @transform_2, window_bounds = array<i64: 1, 256>}, {transform_indices = @transform_3, window_bounds = array<i64: 1000, 128>}, {transform_indices = @transform_4, window_bounds = array<i64: 1000, 128>}]} {
    %get3A = arith.constant 0 : index
    %get3A_0 = arith.constant 0 : index
    %get3A_1 = vector.load %arg1[%get3A, %get3A_0] : memref<1000x256xf32, #tpu.memory_space<vmem>>, vector<1000x256xf32>
    %get3A_2 = arith.constant 0 : index
    %get3A_3 = arith.constant 0 : index
    %get3A_4 = vector.load %arg2[%get3A_2, %get3A_3] : memref<256x256xf32, #tpu.memory_space<vmem>>, vector<256x256xf32>
    %dot_general3A = arith.constant dense<0.000000e+00> : vector<1000x256xf32>
    %dot_general3A_5 = tpu.matmul %get3A_1, %get3A_4, %dot_general3A {dimension_numbers = #tpu.dot_dimension_numbers<[1], [0], [0], [1], [0, 0, 1, 1], [], []>, transpose_lhs_hint = false} : vector<1000x256xf32>, vector<256x256xf32>, vector<1000x256xf32> -> vector<1000x256xf32>
    %get3A_6 = arith.constant 0 : index
    %get3A_7 = arith.constant 0 : index
    %get3A_8 = vector.load %arg3[%get3A_6, %get3A_7] : memref<1x256xf32, #tpu.memory_space<vmem>>, vector<1x256xf32>
    %add3A = vector.broadcast %get3A_8 : vector<1x256xf32> to vector<1000x256xf32>
    %add3A_9 = arith.addf %dot_general3A_5, %add3A : vector<1000x256xf32>
    %slice3A = vector.extract_strided_slice %add3A_9 {offsets = [0, 0], sizes = [1000, 128], strides = [1, 1]} : vector<1000x256xf32> to vector<1000x128xf32>
    %swap3A = arith.constant 0 : index
    %swap3A_10 = arith.constant 0 : index
    %swap3A_11 = vector.load %arg4[%swap3A, %swap3A_10] : memref<1000x128xf32, #tpu.memory_space<vmem>>, vector<1000x128xf32>
    tpu.vector_store %arg4[%swap3A, %swap3A_10], %slice3A {strides = array<i32>} : memref<1000x128xf32, #tpu.memory_space<vmem>>, vector<1000x128xf32>,
    %slice3A_12 = vector.extract_strided_slice %add3A_9 {offsets = [0, 128], sizes = [1000, 128], strides = [1, 1]} : vector<1000x256xf32> to vector<1000x128xf32>
    %swap3A_13 = arith.constant 0 : index
    %swap3A_14 = arith.constant 0 : index
    %swap3A_15 = vector.load %arg5[%swap3A_13, %swap3A_14] : memref<1000x128xf32, #tpu.memory_space<vmem>>, vector<1000x128xf32>
    tpu.vector_store %arg5[%swap3A_13, %swap3A_14], %slice3A_12 {strides = array<i32>} : memref<1000x128xf32, #tpu.memory_space<vmem>>, vector<1000x128xf32>,
    return
  }
  func.func @transform_0(%arg0: i32) -> (i32, i32) {
    %c0_i32 = arith.constant 0 : i32
    %c0_i32_0 = arith.constant 0 : i32
    return %arg0, %c0_i32 : i32, i32
  }
  func.func @transform_1(%arg0: i32) -> (i32, i32) {
    %c0_i32 = arith.constant 0 : i32
    %c0_i32_0 = arith.constant 0 : i32
    %c0_i32_1 = arith.constant 0 : i32
    return %c0_i32, %c0_i32_0 : i32, i32
  }
  func.func @transform_2(%arg0: i32) -> (i32, i32) {
    %c0_i32 = arith.constant 0 : i32
    %c0_i32_0 = arith.constant 0 : i32
    %c0_i32_1 = arith.constant 0 : i32
    return %c0_i32, %c0_i32_0 : i32, i32
  }
  func.func @transform_3(%arg0: i32) -> (i32, i32) {
    %c0_i32 = arith.constant 0 : i32
    %c0_i32_0 = arith.constant 0 : i32
    return %arg0, %c0_i32 : i32, i32
  }
  func.func @transform_4(%arg0: i32) -> (i32, i32) {
    %c0_i32 = arith.constant 0 : i32
    %c0_i32_0 = arith.constant 0 : i32
    return %arg0, %c0_i32 : i32, i32
  }
}

module attributes {stable_mosaic.version = 14 : i64} {
  func.func @_epi_body(%arg0: i32, %arg1: memref<1000x128xf32, #tpu.memory_space<vmem>>, %arg2: memref<1000x128xf32, #tpu.memory_space<vmem>>, %arg3: memref<1000x128xf32, #tpu.memory_space<vmem>>, %arg4: memref<1000x128xf32, #tpu.memory_space<vmem>>, %arg5: memref<1000x256xf32, #tpu.memory_space<vmem>>, %arg6: memref<256x256xf32, #tpu.memory_space<vmem>>, %arg7: memref<1x256xf32, #tpu.memory_space<vmem>>, %arg8: memref<256x256xf32, #tpu.memory_space<vmem>>, %arg9: memref<1x256xf32, #tpu.memory_space<vmem>>, %arg10: memref<256x256xf32, #tpu.memory_space<vmem>>, %arg11: memref<1x256xf32, #tpu.memory_space<vmem>>, %arg12: memref<256x256xf32, #tpu.memory_space<vmem>>, %arg13: memref<1x256xf32, #tpu.memory_space<vmem>>, %arg14: memref<1000x256xf32, #tpu.memory_space<vmem>>) attributes {dimension_semantics = [#tpu.dimension_semantics<arbitrary>], iteration_bounds = array<i64: 10>, scalar_prefetch = 0 : i64, scratch_operands = 0 : i64, tpu.core_type = #tpu.core_type<tc>, window_params = [{transform_indices = @transform_0, window_bounds = array<i64: 1000, 128>}, {transform_indices = @transform_1, window_bounds = array<i64: 1000, 128>}, {transform_indices = @transform_2, window_bounds = array<i64: 1000, 128>}, {transform_indices = @transform_3, window_bounds = array<i64: 1000, 128>}, {transform_indices = @transform_4, window_bounds = array<i64: 1000, 256>}, {pipeline_mode = #tpu.pipeline_mode<synchronous>, transform_indices = @transform_5, window_bounds = array<i64: 256, 256>}, {pipeline_mode = #tpu.pipeline_mode<synchronous>, transform_indices = @transform_6, window_bounds = array<i64: 1, 256>}, {pipeline_mode = #tpu.pipeline_mode<synchronous>, transform_indices = @transform_7, window_bounds = array<i64: 256, 256>}, {pipeline_mode = #tpu.pipeline_mode<synchronous>, transform_indices = @transform_8, window_bounds = array<i64: 1, 256>}, {pipeline_mode = #tpu.pipeline_mode<synchronous>, transform_indices = @transform_9, window_bounds = array<i64: 256, 256>}, {pipeline_mode = #tpu.pipeline_mode<synchronous>, transform_indices = @transform_10, window_bounds = array<i64: 1, 256>}, {pipeline_mode = #tpu.pipeline_mode<synchronous>, transform_indices = @transform_11, window_bounds = array<i64: 256, 256>}, {pipeline_mode = #tpu.pipeline_mode<synchronous>, transform_indices = @transform_12, window_bounds = array<i64: 1, 256>}, {transform_indices = @transform_13, window_bounds = array<i64: 1000, 256>}]} {
    %get3A = arith.constant 0 : index
    %get3A_0 = arith.constant 0 : index
    %get3A_1 = vector.load %arg1[%get3A, %get3A_0] : memref<1000x128xf32, #tpu.memory_space<vmem>>, vector<1000x128xf32>
    %get3A_2 = arith.constant 0 : index
    %get3A_3 = arith.constant 0 : index
    %get3A_4 = vector.load %arg2[%get3A_2, %get3A_3] : memref<1000x128xf32, #tpu.memory_space<vmem>>, vector<1000x128xf32>
    %add3A = arith.addf %get3A_1, %get3A_4 : vector<1000x128xf32>
    %get3A_5 = arith.constant 0 : index
    %get3A_6 = arith.constant 0 : index
    %get3A_7 = vector.load %arg3[%get3A_5, %get3A_6] : memref<1000x128xf32, #tpu.memory_space<vmem>>, vector<1000x128xf32>
    %get3A_8 = arith.constant 0 : index
    %get3A_9 = arith.constant 0 : index
    %get3A_10 = vector.load %arg4[%get3A_8, %get3A_9] : memref<1000x128xf32, #tpu.memory_space<vmem>>, vector<1000x128xf32>
    %add3A_11 = arith.addf %get3A_7, %get3A_10 : vector<1000x128xf32>
    %concatenate3A = tpu.concatenate %add3A, %add3A_11 in 1 : vector<1000x128xf32>, vector<1000x128xf32> -> vector<1000x256xf32>
    %get3A_12 = arith.constant 0 : index
    %get3A_13 = arith.constant 0 : index
    %get3A_14 = vector.load %arg6[%get3A_12, %get3A_13] : memref<256x256xf32, #tpu.memory_space<vmem>>, vector<256x256xf32>
    %dot_general3A = arith.constant dense<0.000000e+00> : vector<1000x256xf32>
    %dot_general3A_15 = tpu.matmul %concatenate3A, %get3A_14, %dot_general3A {dimension_numbers = #tpu.dot_dimension_numbers<[1], [0], [0], [1], [0, 0, 1, 1], [], []>, transpose_lhs_hint = false} : vector<1000x256xf32>, vector<256x256xf32>, vector<1000x256xf32> -> vector<1000x256xf32>
    %get3A_16 = arith.constant 0 : index
    %get3A_17 = arith.constant 0 : index
    %get3A_18 = vector.load %arg7[%get3A_16, %get3A_17] : memref<1x256xf32, #tpu.memory_space<vmem>>, vector<1x256xf32>
    %add3A_19 = vector.broadcast %get3A_18 : vector<1x256xf32> to vector<1000x256xf32>
    %add3A_20 = arith.addf %dot_general3A_15, %add3A_19 : vector<1000x256xf32>
    %get3A_21 = arith.constant 0 : index
    %get3A_22 = arith.constant 0 : index
    %get3A_23 = vector.load %arg8[%get3A_21, %get3A_22] : memref<256x256xf32, #tpu.memory_space<vmem>>, vector<256x256xf32>
    %dot_general3A_24 = arith.constant dense<0.000000e+00> : vector<1000x256xf32>
    %dot_general3A_25 = tpu.matmul %add3A_20, %get3A_23, %dot_general3A_24 {dimension_numbers = #tpu.dot_dimension_numbers<[1], [0], [0], [1], [0, 0, 1, 1], [], []>, transpose_lhs_hint = false} : vector<1000x256xf32>, vector<256x256xf32>, vector<1000x256xf32> -> vector<1000x256xf32>
    %get3A_26 = arith.constant 0 : index
    %get3A_27 = arith.constant 0 : index
    %get3A_28 = vector.load %arg9[%get3A_26, %get3A_27] : memref<1x256xf32, #tpu.memory_space<vmem>>, vector<1x256xf32>
    %add3A_29 = vector.broadcast %get3A_28 : vector<1x256xf32> to vector<1000x256xf32>
    %add3A_30 = arith.addf %dot_general3A_25, %add3A_29 : vector<1000x256xf32>
    %exp3A = math.exp %add3A_30 : vector<1000x256xf32>
    %mul3A = arith.constant 5.000000e-01 : f32
    %mul3A_31 = vector.broadcast %mul3A : f32 to vector<1000x256xf32>
    %mul3A_32 = arith.mulf %mul3A_31, %exp3A : vector<1000x256xf32>
    %add3A_33 = arith.constant 5.000000e-01 : f32
    %add3A_34 = vector.broadcast %add3A_33 : f32 to vector<1000x256xf32>
    %add3A_35 = arith.addf %add3A_34, %mul3A_32 : vector<1000x256xf32>
    %log3A = math.log %add3A_35 : vector<1000x256xf32>
    %get3A_36 = arith.constant 0 : index
    %get3A_37 = arith.constant 0 : index
    %get3A_38 = vector.load %arg10[%get3A_36, %get3A_37] : memref<256x256xf32, #tpu.memory_space<vmem>>, vector<256x256xf32>
    %dot_general3A_39 = arith.constant dense<0.000000e+00> : vector<1000x256xf32>
    %dot_general3A_40 = tpu.matmul %log3A, %get3A_38, %dot_general3A_39 {dimension_numbers = #tpu.dot_dimension_numbers<[1], [0], [0], [1], [0, 0, 1, 1], [], []>, transpose_lhs_hint = false} : vector<1000x256xf32>, vector<256x256xf32>, vector<1000x256xf32> -> vector<1000x256xf32>
    %get3A_41 = arith.constant 0 : index
    %get3A_42 = arith.constant 0 : index
    %get3A_43 = vector.load %arg11[%get3A_41, %get3A_42] : memref<1x256xf32, #tpu.memory_space<vmem>>, vector<1x256xf32>
    %add3A_44 = vector.broadcast %get3A_43 : vector<1x256xf32> to vector<1000x256xf32>
    %add3A_45 = arith.addf %dot_general3A_40, %add3A_44 : vector<1000x256xf32>
    %exp3A_46 = math.exp %add3A_45 : vector<1000x256xf32>
    %mul3A_47 = arith.constant 5.000000e-01 : f32
    %mul3A_48 = vector.broadcast %mul3A_47 : f32 to vector<1000x256xf32>
    %mul3A_49 = arith.mulf %mul3A_48, %exp3A_46 : vector<1000x256xf32>
    %add3A_50 = arith.constant 5.000000e-01 : f32
    %add3A_51 = vector.broadcast %add3A_50 : f32 to vector<1000x256xf32>
    %add3A_52 = arith.addf %add3A_51, %mul3A_49 : vector<1000x256xf32>
    %log3A_53 = math.log %add3A_52 : vector<1000x256xf32>
    %get3A_54 = arith.constant 0 : index
    %get3A_55 = arith.constant 0 : index
    %get3A_56 = vector.load %arg12[%get3A_54, %get3A_55] : memref<256x256xf32, #tpu.memory_space<vmem>>, vector<256x256xf32>
    %dot_general3A_57 = arith.constant dense<0.000000e+00> : vector<1000x256xf32>
    %dot_general3A_58 = tpu.matmul %log3A_53, %get3A_56, %dot_general3A_57 {dimension_numbers = #tpu.dot_dimension_numbers<[1], [0], [0], [1], [0, 0, 1, 1], [], []>, transpose_lhs_hint = false} : vector<1000x256xf32>, vector<256x256xf32>, vector<1000x256xf32> -> vector<1000x256xf32>
    %get3A_59 = arith.constant 0 : index
    %get3A_60 = arith.constant 0 : index
    %get3A_61 = vector.load %arg13[%get3A_59, %get3A_60] : memref<1x256xf32, #tpu.memory_space<vmem>>, vector<1x256xf32>
    %add3A_62 = vector.broadcast %get3A_61 : vector<1x256xf32> to vector<1000x256xf32>
    %add3A_63 = arith.addf %dot_general3A_58, %add3A_62 : vector<1000x256xf32>
    %get3A_64 = arith.constant 0 : index
    %get3A_65 = arith.constant 0 : index
    %get3A_66 = vector.load %arg5[%get3A_64, %get3A_65] : memref<1000x256xf32, #tpu.memory_space<vmem>>, vector<1000x256xf32>
    %add3A_67 = arith.addf %get3A_66, %add3A_63 : vector<1000x256xf32>
    %swap3A = arith.constant 0 : index
    %swap3A_68 = arith.constant 0 : index
    %swap3A_69 = vector.load %arg14[%swap3A, %swap3A_68] : memref<1000x256xf32, #tpu.memory_space<vmem>>, vector<1000x256xf32>
    tpu.vector_store %arg14[%swap3A, %swap3A_68], %add3A_67 {strides = array<i32>} : memref<1000x256xf32, #tpu.memory_space<vmem>>, vector<1000x256xf32>,
    return
  }
  func.func @transform_0(%arg0: i32) -> (i32, i32) {
    %c0_i32 = arith.constant 0 : i32
    %c0_i32_0 = arith.constant 0 : i32
    return %arg0, %c0_i32 : i32, i32
  }
  func.func @transform_1(%arg0: i32) -> (i32, i32) {
    %c0_i32 = arith.constant 0 : i32
    %c0_i32_0 = arith.constant 0 : i32
    return %arg0, %c0_i32 : i32, i32
  }
  func.func @transform_2(%arg0: i32) -> (i32, i32) {
    %c0_i32 = arith.constant 0 : i32
    %c0_i32_0 = arith.constant 0 : i32
    return %arg0, %c0_i32 : i32, i32
  }
  func.func @transform_3(%arg0: i32) -> (i32, i32) {
    %c0_i32 = arith.constant 0 : i32
    %c0_i32_0 = arith.constant 0 : i32
    return %arg0, %c0_i32 : i32, i32
  }
  func.func @transform_4(%arg0: i32) -> (i32, i32) {
    %c0_i32 = arith.constant 0 : i32
    %c0_i32_0 = arith.constant 0 : i32
    return %arg0, %c0_i32 : i32, i32
  }
  func.func @transform_5(%arg0: i32) -> (i32, i32) {
    %c0_i32 = arith.constant 0 : i32
    %c0_i32_0 = arith.constant 0 : i32
    %c0_i32_1 = arith.constant 0 : i32
    return %c0_i32, %c0_i32_0 : i32, i32
  }
  func.func @transform_6(%arg0: i32) -> (i32, i32) {
    %c0_i32 = arith.constant 0 : i32
    %c0_i32_0 = arith.constant 0 : i32
    %c0_i32_1 = arith.constant 0 : i32
    return %c0_i32, %c0_i32_0 : i32, i32
  }
  func.func @transform_7(%arg0: i32) -> (i32, i32) {
    %c0_i32 = arith.constant 0 : i32
    %c0_i32_0 = arith.constant 0 : i32
    %c0_i32_1 = arith.constant 0 : i32
    return %c0_i32, %c0_i32_0 : i32, i32
  }
  func.func @transform_8(%arg0: i32) -> (i32, i32) {
    %c0_i32 = arith.constant 0 : i32
    %c0_i32_0 = arith.constant 0 : i32
    %c0_i32_1 = arith.constant 0 : i32
    return %c0_i32, %c0_i32_0 : i32, i32
  }
  func.func @transform_9(%arg0: i32) -> (i32, i32) {
    %c0_i32 = arith.constant 0 : i32
    %c0_i32_0 = arith.constant 0 : i32
    %c0_i32_1 = arith.constant 0 : i32
    return %c0_i32, %c0_i32_0 : i32, i32
  }
  func.func @transform_10(%arg0: i32) -> (i32, i32) {
    %c0_i32 = arith.constant 0 : i32
    %c0_i32_0 = arith.constant 0 : i32
    %c0_i32_1 = arith.constant 0 : i32
    return %c0_i32, %c0_i32_0 : i32, i32
  }
  func.func @transform_11(%arg0: i32) -> (i32, i32) {
    %c0_i32 = arith.constant 0 : i32
    %c0_i32_0 = arith.constant 0 : i32
    %c0_i32_1 = arith.constant 0 : i32
    return %c0_i32, %c0_i32_0 : i32, i32
  }
  func.func @transform_12(%arg0: i32) -> (i32, i32) {
    %c0_i32 = arith.constant 0 : i32
    %c0_i32_0 = arith.constant 0 : i32
    %c0_i32_1 = arith.constant 0 : i32
    return %c0_i32, %c0_i32_0 : i32, i32
  }
  func.func @transform_13(%arg0: i32) -> (i32, i32) {
    %c0_i32 = arith.constant 0 : i32
    %c0_i32_0 = arith.constant 0 : i32
    return %arg0, %c0_i32 : i32, i32
  }
}

</mosaic_0001>

<sc_bundles>
// kernel: kernel.11.cloned.1.call-start
scs
__scs_entry_jumppad:
0x0: {  	(pc) =	sbr.rel $0x88, $3  }
0x1: {  	(tag) =	ssettag $0x0;
	lr =	simm.s32 $0x1  }
0x2: {  	[smem:$0x3F90] =	sst lr;
	_ =	strace $0xD0000000  }
0x3: {  	_ = 	snop  }
0x4: {  	_ = 	snop  }
0x5: {  	_ = 	snop  }
0x6: {  	_ = 	snop  }
0x7: {  	_ = 	snop  }
__scs_overlays_trampoline_lowered:
0x8: {  	[smem:$0x3F9F] =	sst s0  }
0x9: {  	[smem:$0x3FA0] =	sst s1  }
0xa: {  	[smem:$0x3FA1] =	sst s2  }
0xb: {  	[smem:$0x3FA2] =	sst s3  }
0xc: {  	[smem:$0x3FA3] =	sst s4  }
0xd: {  	[smem:$0x3FA4] =	sst s5  }
0xe: {  	[smem:$0x3FA5] =	sst s6  }
0xf: {  	[smem:$0x3FA6] =	sst s7  }
0x10: {  	[smem:$0x3FA7] =	sst s8  }
0x11: {  	[smem:$0x3FA8] =	sst s9;
	s0 =	simm.s32 @!p0 $0x0  }
0x12: {  	s1 =	sld [smem:$0x3F8E];
	s0 =	simm.s32 @p0 $0x1  }
0x13: {  	[smem:$0x3FA9] =	sst s0;
	s0 =	simm.s32 @!p1 $0x0  }
0x14: {  	s2 =	sld [smem:$0x3F8D];
	s0 =	simm.s32 @p1 $0x1  }
0x15: {  	[smem:$0x3FAA] =	sst s0;
	s0 =	simm.s32 @!p2 $0x0  }
0x16: {  	s3 =	sld [smem:$0x3FDB];
	s0 =	simm.s32 @p2 $0x1  }
0x17: {  	s4 =	simm.s32 $0x1BF5;
	[smem:$0x3FAC] =	sst s0  }
0x18: {  	s0 =	sld [smem:$0x3F8F];
	_ =	swait.ge [sflag:s4], $0x0  }
0x19: {  	s7 =	sld [smem:$0x3F90]  }
0x1a: {  	s8 =	sadd.s32 $0xFFFFE003, lr  }
0x1b: {  	s9 =	sadd.s32 $0xFFFFFEF7, lr;
	s5 =	simm.s32 $0xFFFFFFFF;
	p2 =	slt.u32 s8, $0xFFFFF086  }
0x1c: {  	p1 =	slt.u32 s9, $0xF7A;
	s5 =	simm.s32 @!p2 $0x0  }
0x1d: {  	s5 =	simm.s32 @p1 $0x1;
	p0 =	seq.s32 s7, s2  }
0x1e: {  	s7 =	smul.u32 @!p0 $0xF7A, s2;
	p2 =	seq.s32 @!p0 s5, $0x0  }
0x1f: {  	s9 =	smul.u32 $0xF7A, s1;
	s8 =	simm.s32 @!p0 $0x1BF5;
	p2 =	por !p2, p0  }
0x20: {  	[sflag:s8] =	ssyncset.s32 @!p0 $0xFFFFF086;
	s6 =	sadd.s32 @!p0 s3, s7;
	s7 =	simm.s32 @!p0 $0x108  }
0x21: {  	s3 =	sadd.s32 s3, s9;
	s6 =	sadd.s32 @!p0 $0x88, s6;
	s7 =	simm.s32 @p2 $0x1082  }
0x22: {  	[simem:s7], [sflag:s8] =	dma.local @!p0 [hbm:s6], $0xF7A  }
0x23: {  	s9 =	sor.u32 $0xD0000000, s2;
	s6 =	simm.s32 $0x108;
	_ =	swait.ge @!p0 [sflag:s8], $0x0  }
0x24: {  	s3 =	sadd.s32 $0x88, s3;
	s6 =	simm.s32 @!p1 $0x1082;
	[sflag:s4] =	ssyncset.s32 $0xFFFFF086  }
0x25: {  	[simem:s6], [sflag:s4] =	dma.local [hbm:s3], $0xF7A  }
0x26: {  	[smem:$0x3F90] =	sst s1;
	(tag) =	ssettag s2;
	_ =	strace s9  }
0x27: {  	s1 =	sld [smem:$0x3FA0]  }
0x28: {  	s2 =	sld [smem:$0x3FA1]  }
0x29: {  	s4 =	sld [smem:$0x3FA3]  }
0x2a: {  	p0 =	seq.s32 s5, $0x0;
	s5 =	sld [smem:$0x3FA4]  }
0x2b: {  	s6 =	sld [smem:$0x3FA5]  }
0x2c: {  	s7 =	sld [smem:$0x3FA6]  }
0x2d: {  	s3 =	simm.s32 $0x108;
	s8 =	sld [smem:$0x3FA7]  }
0x2e: {  	s3 =	simm.s32 @!p0 $0x1082;
	s9 =	sld [smem:$0x3FA8]  }
0x2f: {  	lr =	sadd.s32 s0, s3;
	s0 =	sld [smem:$0x3F9F]  }
0x30: {  	s3 =	sld [smem:$0x3FA2]  }
0x31: {  	[smem:$0x3FAB] =	sst s10  }
0x32: {  	s10 =	sld [smem:$0x3FA9];
	_ =	sdelay $0x3  }
0x33: {  	p0 =	seq.s32 s10, $0x1;
	s10 =	sld [smem:$0x3FAB];
	_ =	sdelay $0x3  }
0x34: {  	[smem:$0x3FAB] =	sst s10  }
0x35: {  	s10 =	sld [smem:$0x3FAA];
	_ =	sdelay $0x3  }
0x36: {  	p1 =	seq.s32 s10, $0x1;
	s10 =	sld [smem:$0x3FAB];
	_ =	sdelay $0x3  }
0x37: {  	[smem:$0x3FAB] =	sst s10  }
0x38: {  	s10 =	sld [smem:$0x3FAC]  }
0x39: {  	_ = 	snop;
	(pc) =	sbr.ind lr, $3  }
0x3a: {  	_ = 	snop  }
0x3b: {  	_ = 	snop  }
0x3c: {  	p2 =	seq.s32 s10, $0x1;
	s10 =	sld [smem:$0x3FAB]  }
0x3d: {  	_ =	shalt  }
0x3e: {  	_ =	shalt  }
0x3f: {  	_ =	shalt  }
0x40: {  	_ =	shalt  }
0x41: {  	_ =	shalt  }
0x42: {  	_ =	shalt  }
0x43: {  	_ =	shalt  }
0x44: {  	_ =	shalt  }
0x45: {  	_ =	shalt  }
0x46: {  	_ =	shalt  }
0x47: {  	_ =	shalt  }
0x48: {  	_ =	shalt  }
0x49: {  	_ =	shalt  }
0x4a: {  	_ =	shalt  }
0x4b: {  	_ =	shalt  }
0x4c: {  	_ =	shalt  }
0x4d: {  	_ =	shalt  }
0x4e: {  	_ =	shalt  }
0x4f: {  	_ =	shalt  }
0x50: {  	_ =	shalt  }
0x51: {  	_ =	shalt  }
0x52: {  	_ =	shalt  }
0x53: {  	_ =	shalt  }
0x54: {  	_ =	shalt  }
0x55: {  	_ =	shalt  }
0x56: {  	_ =	shalt  }
0x57: {  	_ =	shalt  }
0x58: {  	_ =	shalt  }
0x59: {  	_ =	shalt  }
0x5a: {  	_ =	shalt  }
0x5b: {  	_ =	shalt  }
0x5c: {  	_ =	shalt  }
0x5d: {  	_ =	shalt  }
0x5e: {  	_ =	shalt  }
0x5f: {  	_ =	shalt  }
0x60: {  	_ =	shalt  }
0x61: {  	_ =	shalt  }
0x62: {  	_ =	shalt  }
0x63: {  	_ =	shalt  }
0x64: {  	_ =	shalt  }
0x65: {  	_ =	shalt  }
0x66: {  	_ =	shalt  }
0x67: {  	_ =	shalt  }
0x68: {  	_ =	shalt  }
0x69: {  	_ =	shalt  }
0x6a: {  	_ =	shalt  }
0x6b: {  	_ =	shalt  }
0x6c: {  	_ =	shalt  }
0x6d: {  	_ =	shalt  }
0x6e: {  	_ =	shalt  }
0x6f: {  	_ =	shalt  }
0x70: {  	_ =	shalt  }
0x71: {  	_ =	shalt  }
0x72: {  	_ =	shalt  }
0x73: {  	_ =	shalt  }
0x74: {  	_ =	shalt  }
0x75: {  	_ =	shalt  }
0x76: {  	_ =	shalt  }
0x77: {  	_ =	shalt  }
0x78: {  	_ =	shalt  }
0x79: {  	_ =	shalt  }
0x7a: {  	_ =	shalt  }
0x7b: {  	_ =	shalt  }
0x7c: {  	_ =	shalt  }
0x7d: {  	_ =	shalt  }
0x7e: {  	_ =	shalt  }
0x7f: {  	_ =	shalt  }
0x80: {  	_ =	shalt  }
0x81: {  	_ =	shalt  }
0x82: {  	_ =	shalt  }
0x83: {  	_ =	shalt  }
0x84: {  	_ =	shalt  }
0x85: {  	_ =	shalt  }
0x86: {  	_ =	shalt  }
0x87: {  	_ =	shalt  }
.Lfunc_end0:
.L_simem_size_0:
called_computation.1_lowered:
.L_overlay_start_0:
0x88: {  	s2 =	sld [smem:$0x3FD9]  }
0x89: {  	s3 =	sld [smem:$0x3FFE];
	_ =	sdelay $0x1  }
0x8a: {  	s1 =	srdreg.scid  }
0x8b: {  	s0 =	sand.u32 $0x1, s1  }
0x8c: {  	s17 =	sshll.u32 s0, $0xA;
	s2 =	sadd.s32 s3, s2  }
0x8d: {  	s2 =	sadd.s32 s2, s17  }
0x8e: {  	[smem:$0x3FB7] =	sst s2  }
0x8f: {  	_ = 	snop  }
0x90: {  	s2 =	sld [smem:$0x3FD0];
	(tm) =	ssettm $0x1  }
0x91: {  	s18 =	sld [smem:$0x3FFB];
	_ =	sdelay $0x3  }
0x92: {  	_ =	strace s18  }
0x93: {  	s3 =	sld [smem:$0x3FFC];
	_ =	sdelay $0x3  }
0x94: {  	_ =	strace s3  }
0x95: {  	s3 =	sld [smem:$0x3FFD];
	_ =	sdelay $0x3  }
0x96: {  	_ =	strace s3  }
0x97: {  	_ =	strace $0x8FFFFFFF  }
0x98: {  	s19 =	sld [smem:$0x3FDB];
	_ =	sdelay $0x1  }
0x99: {  	s4 =	simm.s32 $_scs_section_size  }
0x9a: {  	s5 =	simm.s32 $_size__tile_overlayer_lowered;
	s6 =	simm.s32 $_tile_overlayer_lowered  }
0x9b: {  	s22 =	simm.s32 $0x1BFF;
	s21 =	sshll.u32 s6, $0x1;
	s3 =	sadd.s32 s4, s19  }
0x9c: {  	s7 =	simm.s32 $0x0;
	s20 =	sshll.u32 s5, $0x1;
	s5 =	sadd.s32 s21, s3  }
0x9d: {  	[timem:s7], [sflag:s22] =	dma.local [hbm:s5], s20  }
0x9e: {  	_ =	swait.ge [sflag:s22], s20  }
0x9f: {  	s4 =	ssub.s32 $0x0, s20;
	[sflag:s22] =	ssyncset.done $0x0  }
0xa0: {  	[sflag:s22] =	ssyncadd.s32 s4;
	_ =	sdelay $0x1  }
0xa1: {  	s23 =	simm.s32 $0x1B8B  }
0xa2: {  	_ =	swait.ge [sflag:s23], $0x1  }
0xa3: {  	[sflag:s23] =	ssyncset.done $0x0  }
0xa4: {  	s25 =	simm.s32 $0x1B8E;
	s24 =	sld [smem:$0x3FFE];
	[sflag:s23] =	ssyncadd.s32 $0xFFFFFFFF  }
0xa5: {  	s26 =	simm.s32 $execute0_lowered;
	[smem:$0x3FD2] =	sst s25  }
0xa6: {  	s5 =	sshll.u32 s26, $0x1;
	_ =	strace $0x80000046;
	[dreg:$0x1] =	wrdreg $0xFFFFFFFF  }
0xa7: {  	s28 =	simm.s32 $_size_execute0_lowered;
	s3 =	sadd.s32 s3, s5;
	[dreg:$0x0] =	wrdreg $0x0  }
0xa8: {  	s5 =	sshll.u32 s28, $0x1;
	[dreg:$0x2] =	wrdreg s3  }
0xa9: {  	[dreg:$0x3] =	wrdreg s5  }
0xaa: {  	[dreg:$0x4] =	wrdreg $0xC0  }
0xab: {  	_ =	task [dreg:s7], $0x5FFFF  }
0xac: {  	[dreg:$0x1] =	wrdreg $0xFFFFFFFF  }
0xad: {  	[dreg:$0x0] =	wrdreg $0x60  }
0xae: {  	[dreg:$0x2] =	wrdreg s2  }
0xaf: {  	[dreg:$0x3] =	wrdreg s24  }
0xb0: {  	[dreg:$0x4] =	wrdreg $0xA2000  }
0xb1: {  	[dreg:$0x5] =	wrdreg $0xA  }
0xb2: {  	_ =	task.clear_ibuf [dreg:s7], $0x6FFFF;
	_ =	strace $0x90000046  }
0xb3: {  	s29 =	simm.s32 $0xA;
	_ =	strace $0x80000048  }
0xb4: {  	_ =	swait.ge [sflag:s29], $0x1  }
0xb5: {  	[sflag:s29] =	ssyncadd.s32 $0xFFFFFFFF  }
0xb6: {  	_ =	strace $0x90000048  }
0xb7: {  	_ =	sfence  }
0xb8: {  	s30 =	sld [smem:$0x0];
	_ =	sdelay $0x2  }
0xb9: {  	s31 =	sshll.u32 s1, $0xD;
	s1 =	sshrl.u32 s1, $0x2  }
0xba: {  	s3 =	sand.u32 $0x4000, s31;
	s1 =	sadd.s32 s1, s30  }
0xbb: {  	s0 =	sor.u32 s3, s0;
	s1 =	sshll.u32 s1, $0x11  }
0xbc: {  	s0 =	sor.u32 s1, s0  }
0xbd: {  	s0 =	sadd.s32 $0x8F2B, s0  }
0xbe: {  	[sflag:s0] =	ssyncadd.remote.s32 $0x1  }
0xbf: {  	_ =	sfence.sel $0xFFFF  }
0xc0: {  	[dreg:$0x0] =	wrdreg $0xFFFFFFFF;
	(pc) =	sbr.abs _section_cstart, $3  }
0xc1: {  	[dreg:$0x1] =	wrdreg $0xFFFFFFFF  }
0xc2: {  	_ =	task.clear_ibuf [dreg:s7], $0x2FFFF;
	_ =	strace $0x9FFFFFFF  }
0xc3: {  	(tm) =	ssettm $0x7FFFFFFF  }
tec
execute0_lowered:
.L_overlay_start_1:
0x0: {  	(tag) =	ssettag $0x1  }
0x1: {  	s1 =	rddreg [dreg:$0x0]  }
0x2: {  	s0 =	rddreg [dreg:$0x1]  }
0x3: {  	s2 =	rddreg [dreg:$0x2];
	s3 =	simm.s32 $0x0;
	s12 =	stileid.u32  }
0x4: {  	s22 =	srdreg.scid;
	s29 =	simm.s32 $0x100;
	s30 =	simm.s32 $0x5  }
0x5: {  	s31 =	simm.s32 $0x80;
	[smem:$0x7FF] =	sst s3;
	s5 =	sadd.s32 $0xD800, s0  }
0x6: {  	s6 =	sadd.s32 $0x8800, s0;
	s7 =	sadd.s32 $0x3800, s0;
	s4 =	smul.u32 $0x280, s12  }
0x7: {  	s8 =	sadd.s32 $0x34A00, s0;
	s9 =	sadd.s32 $0x1DDA00, s0;
	s10 =	smul.u32 $0x50000, s12  }
0x8: {  	s3 =	sand.u32 $0x1, s22;
	s13 =	sadd.s32 $0x386A00, s0;
	s25 =	sadd.s32 $0x3ADC00, s0  }
0x9: {  	s26 =	smul.u32 $0xA, s12;
	s22 =	sor.u32 $0x10, s12;
	p1 =	seq.s32 s12, $0xF  }
0xa: {  	s28 =	sor.u32 $0x30, s12;
	_ =	strace $0x80000047;
	[dreg:$0x5] =	wrdreg s25  }
0xb: {  	s23 =	ssub.s32 $0x2, s3;
	p0 =	sne.s32 s3, $0x0;
	[dreg:$0x4] =	wrdreg s13  }
0xc: {  	s11 =	sshrl.u32 s23, $0x1;
	s10 =	sshrl.u32 s10, $0x2;
	s17 =	sor.u32 $0x50, s4  }
0xd: {  	s18 =	sadd.s32 $0x140, s4;
	s20 =	sadd.s32 $0x190, s4;
	s21 =	sadd.s32 $0x1E0, s4  }
0xe: {  	s3 =	sor.u32 $0x1900, s26;
	s0 =	ssub.s32 s23, s11;
	s10 =	sadd.s32 s10, s2  }
0xf: {  	s24 =	sshll.u32 s17, $0x7;
	s11 =	sadd.s32 $0xF0, s4;
	s19 =	sshll.u32 s20, $0x7  }
0x10: {  	s23 =	sshll.u32 s21, $0x7;
	[dreg:$0x6] =	wrdreg s10;
	s10 =	sadd.s32 s24, s2  }
0x11: {  	s24 =	smul.u32 $0x50, s22;
	s19 =	sadd.s32 s19, s2;
	[dreg:$0x7] =	wrdreg s10  }
0x12: {  	s23 =	sadd.s32 s23, s2;
	s0 =	smax.u32 s0, $0x1;
	[dreg:$0x8] =	wrdreg s19  }
0x13: {  	s10 =	sadd.s32 $0xA0, s4;
	[dreg:$0x9] =	wrdreg s23;
	s4 =	sadd.s32 $0x230, s4  }
0x14: {  	[smem:$0x7FD] =	sst s0;
	s26 =	sshll.u32 s4, $0x7;
	s4 =	sshll.u32 s4, $0x4  }
0x15: {  	s24 =	sshrl.u32 s24, $0x3;
	s19 =	sadd.s32 s26, s2;
	[dreg:$0x11] =	wrdreg s4  }
0x16: {  	s23 =	sadd.s32 $0x1900, s24;
	s24 =	sadd.s32 s7, s3;
	[dreg:$0xa] =	wrdreg s19  }
0x17: {  	s16 =	sshll.u32 s18, $0x7;
	s3 =	sadd.s32 s6, s3;
	[dreg:$0xb] =	wrdreg s24  }
0x18: {  	s17 =	sshll.u32 s17, $0x4;
	[dreg:$0xc] =	wrdreg s3;
	s26 =	sadd.s32 s7, s23  }
0x19: {  	s14 =	sshll.u32 s10, $0x7;
	s19 =	sadd.s32 s6, s23;
	[dreg:$0xd] =	wrdreg s26  }
0x1a: {  	s10 =	sshll.u32 s10, $0x4;
	s24 =	sshll.u32 s20, $0x4;
	[dreg:$0xe] =	wrdreg s19  }
0x1b: {  	s3 =	smul.u32 $0x500, s22;
	s20 =	sadd.s32 s13, s17;
	[dreg:$0xf] =	wrdreg s24  }
0x1c: {  	s23 =	smul.u32 $0x500, s12;
	s22 =	sadd.s32 s13, s10;
	[dreg:$0x19] =	wrdreg s20  }
0x1d: {  	s18 =	sshll.u32 s18, $0x4;
	s26 =	sshll.u32 s21, $0x4;
	[dreg:$0x1b] =	wrdreg s22  }
0x1e: {  	s15 =	sshll.u32 s11, $0x7;
	[dreg:$0x10] =	wrdreg s26;
	s21 =	sadd.s32 s9, s23  }
0x1f: {  	s16 =	sadd.s32 s16, s2;
	s23 =	sadd.s32 s8, s23;
	[dreg:$0x12] =	wrdreg s21  }
0x20: {  	s19 =	smul.u32 $0x2800, s12;
	s24 =	sadd.s32 s9, s3;
	[dreg:$0x13] =	wrdreg s23  }
0x21: {  	s11 =	sshll.u32 s11, $0x4;
	s3 =	sadd.s32 s8, s3;
	[dreg:$0x14] =	wrdreg s24  }
0x22: {  	s15 =	sadd.s32 s15, s2;
	[dreg:$0x15] =	wrdreg s3;
	s26 =	sadd.s32 s25, s19  }
0x23: {  	s0 =	simm.s32 $0x50;
	s4 =	sadd.s32 s13, s19;
	[dreg:$0x16] =	wrdreg s26  }
0x24: {  	s14 =	sadd.s32 s14, s2;
	s19 =	sadd.s32 s25, s17;
	[dreg:$0x17] =	wrdreg s4  }
0x25: {  	s20 =	simm.s32 $0x2;
	s21 =	sadd.s32 s25, s10;
	[dreg:$0x18] =	wrdreg s19  }
0x26: {  	s22 =	simm.s32 $0x4;
	s23 =	sadd.s32 s25, s11;
	[dreg:$0x1a] =	wrdreg s21  }
.Ltmp0:
0x27: {  	s24 =	sadd.s32 s13, s11;
	[dreg:$0x1c] =	wrdreg s23;
	(pc) =	sbr.rel .LBB2_1-.Ltmp0, $4  }
0x28: {  	s25 =	sadd.s32 s25, s18;
	s10 =	simm.s32 $0x5180;
	[dreg:$0x1d] =	wrdreg s24  }
0x29: {  	s11 =	simm.s32 $0x5200;
	s3 =	simm.s32 $0x1;
	[dreg:$0x1e] =	wrdreg s25  }
0x2a: {  	s26 =	sadd.s32 s13, s18;
	s24 =	simm.s32 $0x2900;
	s21 =	simm.s32 $0x3  }
0x2b: {  	v0 =	vimm.f32 $0.0e+00;
	s23 =	simm.s32 $0x0;
	[dreg:$0x1f] =	wrdreg s26;
	s26 =	sor.u32 $0x20, s12  }
.LBB2_20:
0x2c: {  	s12 =	rddreg [dreg:$0xf]  }
0x2d: {  	s13 =	rddreg [dreg:$0x8]  }
0x2e: {  	s12 =	sadd.s32 s17, s12;
	s13 =	sshrl.u32 s13, $0x3  }
0x2f: {  	[hbm:s12], [sflag:s4] =	dma.local [spmem:s13], $0x500  }
0x30: {  	_ =	swait.ge [sflag:s30], $0x500  }
0x31: {  	s13 =	rddreg [dreg:$0x10]  }
0x32: {  	[sflag:s30] =	ssyncset.done $0x0;
	s18 =	rddreg [dreg:$0x9]  }
0x33: {  	s12 =	sadd.s32 s17, s13;
	[sflag:s30] =	ssyncadd.s32 $0xFFFFFB00;
	s13 =	sshrl.u32 s18, $0x3  }
0x34: {  	[hbm:s12], [sflag:s4] =	dma.local [spmem:s13], $0x500  }
0x35: {  	_ =	swait.ge [sflag:s30], $0x500  }
0x36: {  	s19 =	rddreg [dreg:$0x11]  }
0x37: {  	[sflag:s30] =	ssyncset.done $0x0;
	s25 =	rddreg [dreg:$0xa]  }
0x38: {  	s12 =	sadd.s32 s17, s19;
	[sflag:s30] =	ssyncadd.s32 $0xFFFFFB00;
	s13 =	sshrl.u32 s25, $0x3  }
0x39: {  	[hbm:s12], [sflag:s4] =	dma.local [spmem:s13], $0x500  }
0x3a: {  	_ =	swait.ge [sflag:s30], $0x500  }
0x3b: {  	[sflag:s30] =	ssyncset.done $0x0  }
0x3c: {  	[sflag:s30] =	ssyncadd.s32 $0xFFFFFB00  }
.LBB2_21:
0x3d: {  	s4 =	sld [smem:$0x7FD];
	_ =	sdelay $0x1  }
0x3e: {  	s23 =	sadd.s32 $0x1, s23  }
0x3f: {  	p2 =	sne.s32 s23, s4  }
.Ltmp1:
0x40: {  	_ = 	snop;
	(pc) =	sbr.rel @!p2 .LBB2_22-.Ltmp1, $1  }
0x41: {  	_ =	sdelay $0x3  }
.LBB2_1:
0x42: {  	s4 =	simm.s32 $0x0;
	s17 =	simm.s32 $0x200  }
.LBB2_2:
0x43: {  	p2 =	sne.s32 s17, $0x9E00;
	[tilespmem:s4+$0x170] =	vst v0  }
0x44: {  	[tilespmem:s4+$0x100] =	vst v0  }
0x45: {  	[tilespmem:s4+$0x110] =	vst v0  }
.Ltmp2:
0x46: {  	[tilespmem:s4+$0x120] =	vst v0;
	(pc) =	sbr.rel @p2 .LBB2_2-.Ltmp2, $4  }
0x47: {  	[tilespmem:s4+$0x130] =	vst v0  }
0x48: {  	[tilespmem:s4+$0x140] =	vst v0  }
0x49: {  	[tilespmem:s4+$0x150] =	vst v0  }
0x4a: {  	[tilespmem:s4+$0x160] =	vst v0;
	s4 =	sshra.s32 s17, $0x2;
	s17 =	sadd.s32 $0x200, s17  }
0x4b: {  	[tilespmem:s4+$0x170] =	vst v0  }
0x4c: {  	[tilespmem:s4+$0x100] =	vst v0  }
0x4d: {  	[tilespmem:s4+$0x110] =	vst v0  }
0x4e: {  	[tilespmem:s4+$0x120] =	vst v0  }
0x4f: {  	[tilespmem:s4+$0x130] =	vst v0  }
0x50: {  	[tilespmem:s4+$0x140] =	vst v0  }
0x51: {  	[tilespmem:s4+$0x150] =	vst v0  }
0x52: {  	[tilespmem:s4+$0x160] =	vst v0;
	s25 =	rddreg [dreg:$0x6]  }
0x53: {  	[spmem:s25] =	stream.linear.scatter [tilespmem:s29], [sflag:$0x5], $0x2800, $0x38;
	[tilespmem:$0x1E200] =	vst v63  }
0x54: {  	_ =	swait.ge [sflag:s30], $0x2800  }
0x55: {  	[sflag:s30] =	ssyncset.done $0x0  }
0x56: {  	s12 =	rddreg [dreg:$0x7];
	[sflag:s30] =	ssyncadd.s32 $0xFFFFD800  }
0x57: {  	[spmem:s12] =	stream.linear.scatter [tilespmem:s29], [sflag:$0x5], $0x2800, $0x38;
	[tilespmem:$0x1E200] =	vst v63  }
0x58: {  	_ =	swait.ge [sflag:s30], $0x2800  }
0x59: {  	[sflag:s30] =	ssyncset.done $0x0  }
0x5a: {  	[sflag:s30] =	ssyncadd.s32 $0xFFFFD800  }
0x5b: {  	[spmem:s14] =	stream.linear.scatter [tilespmem:s29], [sflag:$0x5], $0x2800, $0x38;
	[tilespmem:$0x1E200] =	vst v63  }
0x5c: {  	_ =	swait.ge [sflag:s30], $0x2800  }
0x5d: {  	[sflag:s30] =	ssyncset.done $0x0  }
0x5e: {  	[sflag:s30] =	ssyncadd.s32 $0xFFFFD800  }
0x5f: {  	[spmem:s15] =	stream.linear.scatter [tilespmem:s29], [sflag:$0x5], $0x2800, $0x38;
	[tilespmem:$0x1E200] =	vst v63  }
0x60: {  	_ =	swait.ge [sflag:s30], $0x2800  }
0x61: {  	[sflag:s30] =	ssyncset.done $0x0  }
0x62: {  	[sflag:s30] =	ssyncadd.s32 $0xFFFFD800  }
0x63: {  	[spmem:s16] =	stream.linear.scatter [tilespmem:s29], [sflag:$0x5], $0x2800, $0x38;
	[tilespmem:$0x1E200] =	vst v63  }
0x64: {  	_ =	swait.ge [sflag:s30], $0x2800  }
0x65: {  	[sflag:s30] =	ssyncset.done $0x0  }
0x66: {  	s13 =	rddreg [dreg:$0x8];
	[sflag:s30] =	ssyncadd.s32 $0xFFFFD800  }
0x67: {  	[spmem:s13] =	stream.linear.scatter [tilespmem:s29], [sflag:$0x5], $0x2800, $0x38;
	[tilespmem:$0x1E200] =	vst v63  }
0x68: {  	_ =	swait.ge [sflag:s30], $0x2800  }
0x69: {  	[sflag:s30] =	ssyncset.done $0x0  }
0x6a: {  	s17 =	rddreg [dreg:$0x9];
	[sflag:s30] =	ssyncadd.s32 $0xFFFFD800  }
0x6b: {  	[spmem:s17] =	stream.linear.scatter [tilespmem:s29], [sflag:$0x5], $0x2800, $0x38;
	[tilespmem:$0x1E200] =	vst v63  }
0x6c: {  	_ =	swait.ge [sflag:s30], $0x2800  }
0x6d: {  	[sflag:s30] =	ssyncset.done $0x0  }
0x6e: {  	s18 =	rddreg [dreg:$0xa];
	[sflag:s30] =	ssyncadd.s32 $0xFFFFD800  }
0x6f: {  	[spmem:s18] =	stream.linear.scatter [tilespmem:s29], [sflag:$0x5], $0x2800, $0x38;
	[tilespmem:$0x1E200] =	vst v63  }
0x70: {  	_ =	swait.ge [sflag:s30], $0x2800  }
0x71: {  	[sflag:s30] =	ssyncset.done $0x0  }
0x72: {  	[sflag:s30] =	ssyncadd.s32 $0xFFFFD800  }
0x73: {  	[bflag:$0x0] =	sbarrier.arrive $0xFFFF  }
0x74: {  	s19 =	simm.s32 $0x0;
	s12 =	rddreg [dreg:$0xb]  }
0x75: {  	[tilespmem:s19], [sflag:$0x5] =	stream.linear.gather [hbm4b:s12+s19], $0x50, $0x38;
	[tilespmem:$0x1E200] =	vst v63  }
0x76: {  	_ =	swait.ge [sflag:s30], $0x50  }
0x77: {  	[sflag:s30] =	ssyncset.done $0x0  }
.Ltmp3:
0x78: {  	s25 =	rddreg [dreg:$0xc];
	[sflag:s30] =	ssyncadd.s32 $0xFFFFFFB0;
	(pc) =	sbr.rel @p0 .LBB2_12-.Ltmp3, $4  }
0x79: {  	[tilespmem:s31], [sflag:$0x5] =	stream.linear.gather [hbm4b:s25+s19], $0x50, $0x38;
	[tilespmem:$0x1E200] =	vst v63  }
0x7a: {  	_ =	swait.ge [sflag:s30], $0x50  }
0x7b: {  	[sflag:s30] =	ssyncset.done $0x0  }
0x7c: {  	s4 =	simm.s32 $0x0;
	[sflag:s30] =	ssyncadd.s32 $0xFFFFFFB0  }
0x7d: {  	[tilespmem:s29], [sflag:$0x1] =	stream.indirect.gather [hbm4b:s1+s0], $0x80, s4, s0, $0xb8;
	[tilespmem:$0x1E200] =	vst v63  }
0x7e: {  	s12 =	rddreg [dreg:$0x13]  }
0x7f: {  	[tilespmem:s24], [sflag:$0x2] =	stream.linear.gather [hbm4b:s12+s4], $0x2800, $0x38;
	[tilespmem:$0x1E200] =	vst v63  }
0x80: {  	s17 =	rddreg [dreg:$0xd];
	s13 =	simm.s32 $0x5100  }
0x81: {  	[tilespmem:s13], [sflag:$0x5] =	stream.linear.gather [hbm4b:s17+s4], $0x50, $0x38;
	[tilespmem:$0x1E200] =	vst v63  }
0x82: {  	_ =	swait.ge [sflag:s30], $0x50  }
0x83: {  	[sflag:s30] =	ssyncset.done $0x0  }
0x84: {  	s18 =	rddreg [dreg:$0xe];
	[sflag:s30] =	ssyncadd.s32 $0xFFFFFFB0  }
0x85: {  	[tilespmem:s10], [sflag:$0x5] =	stream.linear.gather [hbm4b:s18+s4], $0x50, $0x38;
	[tilespmem:$0x1E200] =	vst v63  }
0x86: {  	_ =	swait.ge [sflag:s30], $0x50  }
0x87: {  	[sflag:s30] =	ssyncset.done $0x0  }
0x88: {  	[sflag:s30] =	ssyncadd.s32 $0xFFFFFFB0  }
0x89: {  	[tilespmem:s11], [sflag:$0x3] =	stream.indirect.gather [hbm4b:s1+s0], $0x80, s13, s0, $0xb8;
	[tilespmem:$0x1E200] =	vst v63  }
0x8a: {  	s25 =	simm.s32 $0x7A00;
	s19 =	rddreg [dreg:$0x15]  }
0x8b: {  	[tilespmem:s25], [sflag:$0x4] =	stream.linear.gather [hbm4b:s19+s4], $0x2800, $0x38;
	[tilespmem:$0x1E200] =	vst v63  }
.LBB2_5:
0x8c: {  	_ =	swait.ge [sflag:s3], $0x2800  }
0x8d: {  	[sflag:s3] =	ssyncset.done $0x0  }
0x8e: {  	[sflag:s3] =	ssyncadd.s32 $0xFFFFD800  }
0x8f: {  	_ =	swait.ge [sflag:s20], $0x2800  }
0x90: {  	[sflag:s20] =	ssyncset.done $0x0  }
0x91: {  	s25 =	simm.s32 $0x0;
	[sflag:s20] =	ssyncadd.s32 $0xFFFFD800  }
0x92: {  	v5 =	vld [tilespmem:s25+$0x2900]  }
0x93: {  	v3 =	vld [tilespmem:s25+$0x2910]  }
0x94: {  	v2 =	vld [tilespmem:s25+$0x2920]  }
0x95: {  	v1 =	vld [tilespmem:s25+$0x2930]  }
0x96: {  	v9 =	vld [tilespmem:s25+$0x100]  }
0x97: {  	v8 =	vld [tilespmem:s25+$0x140]  }
0x98: {  	v7 =	vld [tilespmem:s25+$0x110]  }
0x99: {  	v6 =	vld [tilespmem:s25+$0x150]  }
0x9a: {  	v4 =	vld [tilespmem:s25+$0x120];
	v11 =	vshll.u32 v5, $0x10  }
0x9b: {  	s17 =	simm.s32 $0x200;
	v10 =	vand.u32 $0xFFFF0000, v5;
	v5 =	vld [tilespmem:s25+$0x160];
	v9 =	vmul.f32 v11, v9  }
.LBB2_6:
0x9c: {  	p2 =	sne.s32 s17, $0x9E00;
	v8 =	vmul.f32 v10, v8;
	v10 =	vshll.u32 v3, $0x10;
	v11 =	vld [tilespmem:s25+$0x130]  }
0x9d: {  	s18 =	sshra.s32 s17, $0x2;
	v3 =	vand.u32 $0xFFFF0000, v3;
	[tilespmem:s25+$0x100] =	vst v9;
	v7 =	vmul.f32 v10, v7;
	v9 =	vld [tilespmem:s25+$0x170]  }
0x9e: {  	v10 =	vld [tilespmem:s18+$0x2900];
	[tilespmem:s25+$0x140] =	vst v8;
	v6 =	vmul.f32 v3, v6;
	v8 =	vshll.u32 v2, $0x10  }
0x9f: {  	v3 =	vld [tilespmem:s18+$0x2910];
	[tilespmem:s25+$0x110] =	vst v7;
	v7 =	vand.u32 $0xFFFF0000, v2;
	v4 =	vmul.f32 v8, v4  }
0xa0: {  	v2 =	vld [tilespmem:s18+$0x2920];
	[tilespmem:s25+$0x150] =	vst v6;
	v5 =	vmul.f32 v7, v5;
	v6 =	vshll.u32 v1, $0x10  }
0xa1: {  	[tilespmem:s25+$0x120] =	vst v4;
	v4 =	vand.u32 $0xFFFF0000, v1;
	v1 =	vld [tilespmem:s18+$0x2930];
	v6 =	vmul.f32 v6, v11  }
0xa2: {  	v11 =	vld [tilespmem:s18+$0x100];
	[tilespmem:s25+$0x160] =	vst v5;
	v4 =	vmul.f32 v4, v9  }
.Ltmp4:
0xa3: {  	v8 =	vld [tilespmem:s18+$0x140];
	[tilespmem:s25+$0x130] =	vst v6;
	(pc) =	sbr.rel @p2 .LBB2_6-.Ltmp4, $4  }
0xa4: {  	v7 =	vld [tilespmem:s18+$0x110];
	[tilespmem:s25+$0x170] =	vst v4;
	s25 =	smov.u32 s18  }
0xa5: {  	v6 =	vld [tilespmem:s25+$0x150]  }
0xa6: {  	v5 =	vshll.u32 v10, $0x10;
	v4 =	vld [tilespmem:s25+$0x120]  }
0xa7: {  	s17 =	sadd.s32 $0x200, s17;
	v10 =	vand.u32 $0xFFFF0000, v10;
	v9 =	vmul.f32 v5, v11;
	v5 =	vld [tilespmem:s25+$0x160]  }
0xa8: {  	v11 =	vld [tilespmem:s25+$0x130];
	v8 =	vmul.f32 v10, v8;
	v61 =	vshll.u32 v3, $0x10  }
0xa9: {  	v3 =	vand.u32 $0xFFFF0000, v3;
	v62 =	vld [tilespmem:s25+$0x170];
	[tilespmem:s25+$0x100] =	vst v9;
	v7 =	vmul.f32 v61, v7  }
0xaa: {  	v63 =	vshll.u32 v2, $0x10;
	[tilespmem:s25+$0x140] =	vst v8;
	v3 =	vmul.f32 v3, v6  }
0xab: {  	v2 =	vand.u32 $0xFFFF0000, v2;
	[tilespmem:s25+$0x110] =	vst v7;
	v4 =	vmul.f32 v63, v4  }
0xac: {  	[tilespmem:s25+$0x150] =	vst v3;
	v2 =	vmul.f32 v2, v5;
	v3 =	vshll.u32 v1, $0x10  }
0xad: {  	v1 =	vand.u32 $0xFFFF0000, v1;
	[tilespmem:s25+$0x120] =	vst v4;
	v3 =	vmul.f32 v3, v11  }
0xae: {  	v1 =	vmul.f32 v1, v62;
	[tilespmem:s25+$0x160] =	vst v2  }
0xaf: {  	p2 =	seq.s32 s4, $0x2A;
	[tilespmem:s25+$0x130] =	vst v3  }
.Ltmp5:
0xb0: {  	[tilespmem:s25+$0x170] =	vst v1;
	(pc) =	sbr.rel @p2 .LBB2_11-.Ltmp5, $4  }
0xb1: {  	[spmem:s2] =	stream.indirect.scatter.add.f32 [tilespmem:s29], [sflag:$0x5], $0x80, s31, s0, $0xb8;
	[tilespmem:$0x1E200] =	vst v63  }
0xb2: {  	_ =	swait.ge [sflag:s30], $0x2800  }
0xb3: {  	[sflag:s30] =	ssyncset.done $0x0  }
0xb4: {  	[sflag:s30] =	ssyncadd.s32 $0xFFFFD800  }
0xb5: {  	s25 =	sshll.u32 s4, $0x5  }
0xb6: {  	s17 =	sadd.s32 s26, s25  }
0xb7: {  	s18 =	smul.u32 $0x50, s17;
	_ =	sdelay $0x1  }
0xb8: {  	s18 =	sshrl.u32 s18, $0x3  }
0xb9: {  	s18 =	sadd.s32 $0x1900, s18  }
0xba: {  	s12 =	simm.s32 $0x0;
	s19 =	sadd.s32 s7, s18  }
0xbb: {  	[tilespmem:s12], [sflag:$0x5] =	stream.linear.gather [hbm4b:s19+s12], $0x50, $0x38;
	[tilespmem:$0x1E200] =	vst v63  }
0xbc: {  	_ =	swait.ge [sflag:s30], $0x50  }
0xbd: {  	[sflag:s30] =	ssyncset.done $0x0  }
0xbe: {  	s18 =	sadd.s32 s6, s18;
	[sflag:s30] =	ssyncadd.s32 $0xFFFFFFB0  }
0xbf: {  	[tilespmem:s31], [sflag:$0x5] =	stream.linear.gather [hbm4b:s18+s12], $0x50, $0x38;
	[tilespmem:$0x1E200] =	vst v63  }
0xc0: {  	_ =	swait.ge [sflag:s30], $0x50  }
0xc1: {  	[sflag:s30] =	ssyncset.done $0x0  }
0xc2: {  	s17 =	smul.u32 $0x500, s17;
	[sflag:s30] =	ssyncadd.s32 $0xFFFFFFB0  }
0xc3: {  	[tilespmem:s29], [sflag:$0x1] =	stream.indirect.gather [hbm4b:s1+s0], $0x80, s12, s0, $0xb8;
	[tilespmem:$0x1E200] =	vst v63  }
0xc4: {  	s17 =	sadd.s32 s8, s17  }
0xc5: {  	[tilespmem:s24], [sflag:$0x2] =	stream.linear.gather [hbm4b:s17+s12], $0x2800, $0x38;
	[tilespmem:$0x1E200] =	vst v63  }
0xc6: {  	_ =	swait.ge [sflag:s21], $0x2800  }
0xc7: {  	[sflag:s21] =	ssyncset.done $0x0  }
0xc8: {  	[sflag:s21] =	ssyncadd.s32 $0xFFFFD800  }
0xc9: {  	_ =	swait.ge [sflag:s22], $0x2800  }
0xca: {  	[sflag:s22] =	ssyncset.done $0x0  }
0xcb: {  	s17 =	simm.s32 $0x0;
	[sflag:s22] =	ssyncadd.s32 $0xFFFFD800  }
0xcc: {  	v5 =	vld [tilespmem:s17+$0x7A00]  }
0xcd: {  	v3 =	vld [tilespmem:s17+$0x7A10]  }
0xce: {  	v2 =	vld [tilespmem:s17+$0x7A20]  }
0xcf: {  	v1 =	vld [tilespmem:s17+$0x7A30]  }
0xd0: {  	v9 =	vld [tilespmem:s17+$0x5200]  }
0xd1: {  	v8 =	vld [tilespmem:s17+$0x5240]  }
0xd2: {  	v7 =	vld [tilespmem:s17+$0x5210]  }
0xd3: {  	v6 =	vld [tilespmem:s17+$0x5250]  }
0xd4: {  	v4 =	vld [tilespmem:s17+$0x5220];
	v11 =	vshll.u32 v5, $0x10  }
0xd5: {  	s18 =	simm.s32 $0x200;
	v10 =	vand.u32 $0xFFFF0000, v5;
	v5 =	vld [tilespmem:s17+$0x5260];
	v9 =	vmul.f32 v11, v9  }
.LBB2_9:
0xd6: {  	p2 =	sne.s32 s18, $0x9E00;
	v8 =	vmul.f32 v10, v8;
	v10 =	vshll.u32 v3, $0x10;
	v11 =	vld [tilespmem:s17+$0x5230]  }
0xd7: {  	s12 =	sshra.s32 s18, $0x2;
	v3 =	vand.u32 $0xFFFF0000, v3;
	[tilespmem:s17+$0x5200] =	vst v9;
	v7 =	vmul.f32 v10, v7;
	v9 =	vld [tilespmem:s17+$0x5270]  }
0xd8: {  	v10 =	vld [tilespmem:s12+$0x7A00];
	[tilespmem:s17+$0x5240] =	vst v8;
	v6 =	vmul.f32 v3, v6;
	v8 =	vshll.u32 v2, $0x10  }
0xd9: {  	v3 =	vld [tilespmem:s12+$0x7A10];
	[tilespmem:s17+$0x5210] =	vst v7;
	v7 =	vand.u32 $0xFFFF0000, v2;
	v4 =	vmul.f32 v8, v4  }
0xda: {  	v2 =	vld [tilespmem:s12+$0x7A20];
	[tilespmem:s17+$0x5250] =	vst v6;
	v5 =	vmul.f32 v7, v5;
	v6 =	vshll.u32 v1, $0x10  }
0xdb: {  	[tilespmem:s17+$0x5220] =	vst v4;
	v4 =	vand.u32 $0xFFFF0000, v1;
	v1 =	vld [tilespmem:s12+$0x7A30];
	v6 =	vmul.f32 v6, v11  }
0xdc: {  	v11 =	vld [tilespmem:s12+$0x5200];
	[tilespmem:s17+$0x5260] =	vst v5;
	v4 =	vmul.f32 v4, v9  }
.Ltmp6:
0xdd: {  	v8 =	vld [tilespmem:s12+$0x5240];
	[tilespmem:s17+$0x5230] =	vst v6;
	(pc) =	sbr.rel @p2 .LBB2_9-.Ltmp6, $4  }
0xde: {  	v7 =	vld [tilespmem:s12+$0x5210];
	[tilespmem:s17+$0x5270] =	vst v4;
	s17 =	smov.u32 s12  }
0xdf: {  	v6 =	vld [tilespmem:s17+$0x5250]  }
0xe0: {  	v5 =	vshll.u32 v10, $0x10;
	v4 =	vld [tilespmem:s17+$0x5220]  }
0xe1: {  	s18 =	sadd.s32 $0x200, s18;
	v10 =	vand.u32 $0xFFFF0000, v10;
	v9 =	vmul.f32 v5, v11;
	v5 =	vld [tilespmem:s17+$0x5260]  }
0xe2: {  	v11 =	vld [tilespmem:s17+$0x5230];
	v8 =	vmul.f32 v10, v8;
	v61 =	vshll.u32 v3, $0x10  }
0xe3: {  	v3 =	vand.u32 $0xFFFF0000, v3;
	v62 =	vld [tilespmem:s17+$0x5270];
	[tilespmem:s17+$0x5200] =	vst v9;
	v7 =	vmul.f32 v61, v7  }
0xe4: {  	v63 =	vshll.u32 v2, $0x10;
	[tilespmem:s17+$0x5240] =	vst v8;
	v3 =	vmul.f32 v3, v6  }
0xe5: {  	v2 =	vand.u32 $0xFFFF0000, v2;
	[tilespmem:s17+$0x5210] =	vst v7;
	v4 =	vmul.f32 v63, v4  }
0xe6: {  	[tilespmem:s17+$0x5250] =	vst v3;
	v2 =	vmul.f32 v2, v5;
	v3 =	vshll.u32 v1, $0x10  }
0xe7: {  	v1 =	vand.u32 $0xFFFF0000, v1;
	[tilespmem:s17+$0x5220] =	vst v4;
	v3 =	vmul.f32 v3, v11  }
0xe8: {  	p2 =	sgt.u32 s4, $0x28;
	v1 =	vmul.f32 v1, v62;
	[tilespmem:s17+$0x5260] =	vst v2  }
0xe9: {  	s12 =	sadd.s32 @!p2 s28, s25;
	[tilespmem:s17+$0x5230] =	vst v3  }
0xea: {  	[tilespmem:s17+$0x5270] =	vst v1;
	s17 =	smul.u32 @!p2 $0x50, s12  }
0xeb: {  	[spmem:s2] =	stream.indirect.scatter.add.f32 [tilespmem:s11], [sflag:$0x5], $0x80, s10, s0, $0xb8;
	[tilespmem:$0x1E200] =	vst v63  }
0xec: {  	_ =	swait.ge [sflag:s30], $0x2800;
	s17 =	sshrl.u32 @!p2 s17, $0x3  }
0xed: {  	s19 =	simm.s32 @!p2 $0x0;
	[sflag:s30] =	ssyncset.done $0x0;
	s17 =	sadd.s32 @!p2 $0x1900, s17  }
0xee: {  	s25 =	simm.s32 @!p2 $0x5100;
	[sflag:s30] =	ssyncadd.s32 $0xFFFFD800;
	s18 =	sadd.s32 @!p2 s7, s17  }
0xef: {  	[tilespmem:s25], [sflag:$0x5] =	stream.linear.gather @!p2 [hbm4b:s18+s19], $0x50, $0x38;
	[tilespmem:$0x1E200] =	vst v63  }
0xf0: {  	s18 =	simm.s32 @!p2 $0x5  }
0xf1: {  	_ =	swait.ge @!p2 [sflag:s18], $0x50  }
0xf2: {  	[sflag:s18] =	ssyncset.done @!p2 $0x0  }
0xf3: {  	s13 =	simm.s32 @!p2 $0x5180;
	s17 =	sadd.s32 @!p2 s6, s17;
	[sflag:s18] =	ssyncadd.s32 @!p2 $0xFFFFFFB0  }
0xf4: {  	[tilespmem:s13], [sflag:$0x5] =	stream.linear.gather @!p2 [hbm4b:s17+s19], $0x50, $0x38;
	[tilespmem:$0x1E200] =	vst v63  }
0xf5: {  	_ =	swait.ge @!p2 [sflag:s18], $0x50  }
0xf6: {  	s12 =	smul.u32 @!p2 $0x500, s12;
	[sflag:s18] =	ssyncset.done @!p2 $0x0  }
0xf7: {  	s13 =	simm.s32 @!p2 $0x50;
	s17 =	simm.s32 @!p2 $0x5200;
	[sflag:s18] =	ssyncadd.s32 @!p2 $0xFFFFFFB0  }
0xf8: {  	[tilespmem:s17], [sflag:$0x3] =	stream.indirect.gather @!p2 [hbm4b:s1+s13], $0x80, s25, s13, $0xb8;
	[tilespmem:$0x1E200] =	vst v63  }
0xf9: {  	s4 =	sadd.s32 $0x1, s4;
	s12 =	sadd.s32 @!p2 s8, s12;
	s13 =	simm.s32 @!p2 $0x7A00  }
0xfa: {  	[tilespmem:s13], [sflag:$0x4] =	stream.linear.gather @!p2 [hbm4b:s12+s19], $0x2800, $0x38;
	[tilespmem:$0x1E200] =	vst v63  }
0xfb: {  	p2 =	sne.s32 s4, $0x2B  }
.Ltmp7:
0xfc: {  	_ = 	snop;
	(pc) =	sbr.rel @p2 .LBB2_5-.Ltmp7, $1  }
0xfd: {  	_ =	sdelay $0x3  }
.LBB2_11:
0xfe: {  	s4 =	stileid.u32;
	[bflag:$0x0] =	sbarrier.arrive $0xFFFF  }
0xff: {  	s4 =	sshll.u32 s4, $0x6;
	s12 =	rddreg [dreg:$0x6]  }
0x100: {  	s13 =	rddreg [dreg:$0x17];
	s4 =	sor.u32 $0x1C05, s4;
	s12 =	sshrl.u32 s12, $0x3  }
0x101: {  	[hbm:s13], [sflag:s4] =	dma.local [spmem:s12], $0x500  }
0x102: {  	_ =	swait.ge [sflag:s30], $0x500  }
0x103: {  	[sflag:s30] =	ssyncset.done $0x0;
	s17 =	rddreg [dreg:$0x7]  }
0x104: {  	s18 =	rddreg [dreg:$0x19];
	[sflag:s30] =	ssyncadd.s32 $0xFFFFFB00;
	s12 =	sshrl.u32 s17, $0x3  }
0x105: {  	[hbm:s18], [sflag:s4] =	dma.local [spmem:s12], $0x500  }
0x106: {  	_ =	swait.ge [sflag:s30], $0x500  }
0x107: {  	[sflag:s30] =	ssyncset.done $0x0  }
0x108: {  	s19 =	sshrl.u32 s14, $0x3;
	s25 =	rddreg [dreg:$0x1b];
	[sflag:s30] =	ssyncadd.s32 $0xFFFFFB00  }
0x109: {  	[hbm:s25], [sflag:s4] =	dma.local [spmem:s19], $0x500  }
0x10a: {  	_ =	swait.ge [sflag:s30], $0x500  }
0x10b: {  	[sflag:s30] =	ssyncset.done $0x0  }
0x10c: {  	s17 =	sshrl.u32 s15, $0x3;
	s18 =	rddreg [dreg:$0x1d];
	[sflag:s30] =	ssyncadd.s32 $0xFFFFFB00  }
0x10d: {  	[hbm:s18], [sflag:s4] =	dma.local [spmem:s17], $0x500  }
0x10e: {  	_ =	swait.ge [sflag:s30], $0x500  }
0x10f: {  	[sflag:s30] =	ssyncset.done $0x0  }
0x110: {  	s19 =	sshrl.u32 s16, $0x3;
	s25 =	rddreg [dreg:$0x1f];
	[sflag:s30] =	ssyncadd.s32 $0xFFFFFB00  }
0x111: {  	[hbm:s25], [sflag:s4] =	dma.local [spmem:s19], $0x500  }
.Ltmp8:
0x112: {  	_ = 	snop;
	(pc) =	sbr.rel @p1 .LBB2_21-.Ltmp8, $4  }
.Ltmp9:
0x113: {  	_ = 	snop;
	(pc) =	sbr.rel @!p1 .LBB2_20-.Ltmp9, $4  }
0x114: {  	_ =	swait.ge [sflag:s30], $0x500  }
0x115: {  	[sflag:s30] =	ssyncset.done $0x0  }
0x116: {  	s17 =	rddreg [dreg:$0x4];
	[sflag:s30] =	ssyncadd.s32 $0xFFFFFB00  }
0x117: {  	_ = 	snop  }
.LBB2_12:
0x118: {  	[tilespmem:s29], [sflag:$0x1] =	stream.indirect.gather [hbm4b:s5+s0], $0x80, s4, s0, $0xb8;
	[tilespmem:$0x1E200] =	vst v63  }
0x119: {  	s12 =	rddreg [dreg:$0x12]  }
0x11a: {  	[tilespmem:s24], [sflag:$0x2] =	stream.linear.gather [hbm4b:s12+s4], $0x2800, $0x38;
	[tilespmem:$0x1E200] =	vst v63  }
0x11b: {  	s17 =	rddreg [dreg:$0xd];
	s13 =	simm.s32 $0x5100  }
0x11c: {  	[tilespmem:s13], [sflag:$0x5] =	stream.linear.gather [hbm4b:s17+s4], $0x50, $0x38;
	[tilespmem:$0x1E200] =	vst v63  }
0x11d: {  	_ =	swait.ge [sflag:s30], $0x50  }
0x11e: {  	[sflag:s30] =	ssyncset.done $0x0  }
0x11f: {  	s18 =	rddreg [dreg:$0xe];
	[sflag:s30] =	ssyncadd.s32 $0xFFFFFFB0  }
0x120: {  	[tilespmem:s10], [sflag:$0x5] =	stream.linear.gather [hbm4b:s18+s4], $0x50, $0x38;
	[tilespmem:$0x1E200] =	vst v63  }
0x121: {  	_ =	swait.ge [sflag:s30], $0x50  }
0x122: {  	[sflag:s30] =	ssyncset.done $0x0  }
0x123: {  	[sflag:s30] =	ssyncadd.s32 $0xFFFFFFB0  }
0x124: {  	[tilespmem:s11], [sflag:$0x3] =	stream.indirect.gather [hbm4b:s5+s0], $0x80, s13, s0, $0xb8;
	[tilespmem:$0x1E200] =	vst v63  }
0x125: {  	s25 =	simm.s32 $0x7A00;
	s19 =	rddreg [dreg:$0x14]  }
0x126: {  	[tilespmem:s25], [sflag:$0x4] =	stream.linear.gather [hbm4b:s19+s4], $0x2800, $0x38;
	[tilespmem:$0x1E200] =	vst v63  }
.LBB2_13:
0x127: {  	_ =	swait.ge [sflag:s3], $0x2800  }
0x128: {  	[sflag:s3] =	ssyncset.done $0x0  }
0x129: {  	[sflag:s3] =	ssyncadd.s32 $0xFFFFD800  }
0x12a: {  	_ =	swait.ge [sflag:s20], $0x2800  }
0x12b: {  	[sflag:s20] =	ssyncset.done $0x0  }
0x12c: {  	s17 =	simm.s32 $0x0;
	[sflag:s20] =	ssyncadd.s32 $0xFFFFD800  }
0x12d: {  	v5 =	vld [tilespmem:s17+$0x2900]  }
0x12e: {  	v3 =	vld [tilespmem:s17+$0x2910]  }
0x12f: {  	v2 =	vld [tilespmem:s17+$0x2920]  }
0x130: {  	v1 =	vld [tilespmem:s17+$0x2930]  }
0x131: {  	v9 =	vld [tilespmem:s17+$0x100]  }
0x132: {  	v8 =	vld [tilespmem:s17+$0x140]  }
0x133: {  	v7 =	vld [tilespmem:s17+$0x110]  }
0x134: {  	v6 =	vld [tilespmem:s17+$0x150]  }
0x135: {  	v4 =	vld [tilespmem:s17+$0x120];
	v11 =	vshll.u32 v5, $0x10  }
0x136: {  	s18 =	simm.s32 $0x200;
	v10 =	vand.u32 $0xFFFF0000, v5;
	v5 =	vld [tilespmem:s17+$0x160];
	v9 =	vmul.f32 v11, v9  }
.LBB2_14:
0x137: {  	p2 =	sne.s32 s18, $0x9E00;
	v8 =	vmul.f32 v10, v8;
	v10 =	vshll.u32 v3, $0x10;
	v11 =	vld [tilespmem:s17+$0x130]  }
0x138: {  	s12 =	sshra.s32 s18, $0x2;
	v3 =	vand.u32 $0xFFFF0000, v3;
	[tilespmem:s17+$0x100] =	vst v9;
	v7 =	vmul.f32 v10, v7;
	v9 =	vld [tilespmem:s17+$0x170]  }
0x139: {  	v10 =	vld [tilespmem:s12+$0x2900];
	[tilespmem:s17+$0x140] =	vst v8;
	v6 =	vmul.f32 v3, v6;
	v8 =	vshll.u32 v2, $0x10  }
0x13a: {  	v3 =	vld [tilespmem:s12+$0x2910];
	[tilespmem:s17+$0x110] =	vst v7;
	v7 =	vand.u32 $0xFFFF0000, v2;
	v4 =	vmul.f32 v8, v4  }
0x13b: {  	v2 =	vld [tilespmem:s12+$0x2920];
	[tilespmem:s17+$0x150] =	vst v6;
	v5 =	vmul.f32 v7, v5;
	v6 =	vshll.u32 v1, $0x10  }
0x13c: {  	[tilespmem:s17+$0x120] =	vst v4;
	v4 =	vand.u32 $0xFFFF0000, v1;
	v1 =	vld [tilespmem:s12+$0x2930];
	v6 =	vmul.f32 v6, v11  }
0x13d: {  	v11 =	vld [tilespmem:s12+$0x100];
	[tilespmem:s17+$0x160] =	vst v5;
	v4 =	vmul.f32 v4, v9  }
.Ltmp10:
0x13e: {  	v8 =	vld [tilespmem:s12+$0x140];
	[tilespmem:s17+$0x130] =	vst v6;
	(pc) =	sbr.rel @p2 .LBB2_14-.Ltmp10, $4  }
0x13f: {  	v7 =	vld [tilespmem:s12+$0x110];
	[tilespmem:s17+$0x170] =	vst v4;
	s17 =	smov.u32 s12  }
0x140: {  	v6 =	vld [tilespmem:s17+$0x150]  }
0x141: {  	v5 =	vshll.u32 v10, $0x10;
	v4 =	vld [tilespmem:s17+$0x120]  }
0x142: {  	s18 =	sadd.s32 $0x200, s18;
	v10 =	vand.u32 $0xFFFF0000, v10;
	v9 =	vmul.f32 v5, v11;
	v5 =	vld [tilespmem:s17+$0x160]  }
0x143: {  	v11 =	vld [tilespmem:s17+$0x130];
	v8 =	vmul.f32 v10, v8;
	v61 =	vshll.u32 v3, $0x10  }
0x144: {  	v3 =	vand.u32 $0xFFFF0000, v3;
	v62 =	vld [tilespmem:s17+$0x170];
	[tilespmem:s17+$0x100] =	vst v9;
	v7 =	vmul.f32 v61, v7  }
0x145: {  	v63 =	vshll.u32 v2, $0x10;
	[tilespmem:s17+$0x140] =	vst v8;
	v3 =	vmul.f32 v3, v6  }
0x146: {  	v2 =	vand.u32 $0xFFFF0000, v2;
	[tilespmem:s17+$0x110] =	vst v7;
	v4 =	vmul.f32 v63, v4  }
0x147: {  	[tilespmem:s17+$0x150] =	vst v3;
	v2 =	vmul.f32 v2, v5;
	v3 =	vshll.u32 v1, $0x10  }
0x148: {  	v1 =	vand.u32 $0xFFFF0000, v1;
	[tilespmem:s17+$0x120] =	vst v4;
	v3 =	vmul.f32 v3, v11  }
0x149: {  	v1 =	vmul.f32 v1, v62;
	[tilespmem:s17+$0x160] =	vst v2  }
0x14a: {  	p2 =	seq.s32 s4, $0x2A;
	[tilespmem:s17+$0x130] =	vst v3  }
.Ltmp11:
0x14b: {  	[tilespmem:s17+$0x170] =	vst v1;
	(pc) =	sbr.rel @p2 .LBB2_19-.Ltmp11, $4  }
0x14c: {  	[spmem:s2] =	stream.indirect.scatter.add.f32 [tilespmem:s29], [sflag:$0x5], $0x80, s31, s0, $0xb8;
	[tilespmem:$0x1E200] =	vst v63  }
0x14d: {  	_ =	swait.ge [sflag:s30], $0x2800  }
0x14e: {  	[sflag:s30] =	ssyncset.done $0x0  }
0x14f: {  	[sflag:s30] =	ssyncadd.s32 $0xFFFFD800  }
0x150: {  	s25 =	sshll.u32 s4, $0x5  }
0x151: {  	s12 =	sadd.s32 s26, s25  }
0x152: {  	s13 =	smul.u32 $0x50, s12;
	_ =	sdelay $0x1  }
0x153: {  	s13 =	sshrl.u32 s13, $0x3  }
0x154: {  	s13 =	sadd.s32 $0x1900, s13  }
0x155: {  	s18 =	simm.s32 $0x0;
	s17 =	sadd.s32 s7, s13  }
0x156: {  	[tilespmem:s18], [sflag:$0x5] =	stream.linear.gather [hbm4b:s17+s18], $0x50, $0x38;
	[tilespmem:$0x1E200] =	vst v63  }
0x157: {  	_ =	swait.ge [sflag:s30], $0x50  }
0x158: {  	[sflag:s30] =	ssyncset.done $0x0  }
0x159: {  	s13 =	sadd.s32 s6, s13;
	[sflag:s30] =	ssyncadd.s32 $0xFFFFFFB0  }
0x15a: {  	[tilespmem:s31], [sflag:$0x5] =	stream.linear.gather [hbm4b:s13+s18], $0x50, $0x38;
	[tilespmem:$0x1E200] =	vst v63  }
0x15b: {  	_ =	swait.ge [sflag:s30], $0x50  }
0x15c: {  	[sflag:s30] =	ssyncset.done $0x0  }
0x15d: {  	s12 =	smul.u32 $0x500, s12;
	[sflag:s30] =	ssyncadd.s32 $0xFFFFFFB0  }
0x15e: {  	[tilespmem:s29], [sflag:$0x1] =	stream.indirect.gather [hbm4b:s5+s0], $0x80, s18, s0, $0xb8;
	[tilespmem:$0x1E200] =	vst v63  }
0x15f: {  	s12 =	sadd.s32 s9, s12  }
0x160: {  	[tilespmem:s24], [sflag:$0x2] =	stream.linear.gather [hbm4b:s12+s18], $0x2800, $0x38;
	[tilespmem:$0x1E200] =	vst v63  }
0x161: {  	_ =	swait.ge [sflag:s21], $0x2800  }
0x162: {  	[sflag:s21] =	ssyncset.done $0x0  }
0x163: {  	[sflag:s21] =	ssyncadd.s32 $0xFFFFD800  }
0x164: {  	_ =	swait.ge [sflag:s22], $0x2800  }
0x165: {  	[sflag:s22] =	ssyncset.done $0x0  }
0x166: {  	s17 =	simm.s32 $0x0;
	[sflag:s22] =	ssyncadd.s32 $0xFFFFD800  }
0x167: {  	v5 =	vld [tilespmem:s17+$0x7A00]  }
0x168: {  	v3 =	vld [tilespmem:s17+$0x7A10]  }
0x169: {  	v2 =	vld [tilespmem:s17+$0x7A20]  }
0x16a: {  	v1 =	vld [tilespmem:s17+$0x7A30]  }
0x16b: {  	v9 =	vld [tilespmem:s17+$0x5200]  }
0x16c: {  	v8 =	vld [tilespmem:s17+$0x5240]  }
0x16d: {  	v7 =	vld [tilespmem:s17+$0x5210]  }
0x16e: {  	v6 =	vld [tilespmem:s17+$0x5250]  }
0x16f: {  	v4 =	vld [tilespmem:s17+$0x5220];
	v11 =	vshll.u32 v5, $0x10  }
0x170: {  	s18 =	simm.s32 $0x200;
	v10 =	vand.u32 $0xFFFF0000, v5;
	v5 =	vld [tilespmem:s17+$0x5260];
	v9 =	vmul.f32 v11, v9  }
.LBB2_17:
0x171: {  	p2 =	sne.s32 s18, $0x9E00;
	v8 =	vmul.f32 v10, v8;
	v10 =	vshll.u32 v3, $0x10;
	v11 =	vld [tilespmem:s17+$0x5230]  }
0x172: {  	s12 =	sshra.s32 s18, $0x2;
	v3 =	vand.u32 $0xFFFF0000, v3;
	[tilespmem:s17+$0x5200] =	vst v9;
	v7 =	vmul.f32 v10, v7;
	v9 =	vld [tilespmem:s17+$0x5270]  }
0x173: {  	v10 =	vld [tilespmem:s12+$0x7A00];
	[tilespmem:s17+$0x5240] =	vst v8;
	v6 =	vmul.f32 v3, v6;
	v8 =	vshll.u32 v2, $0x10  }
0x174: {  	v3 =	vld [tilespmem:s12+$0x7A10];
	[tilespmem:s17+$0x5210] =	vst v7;
	v7 =	vand.u32 $0xFFFF0000, v2;
	v4 =	vmul.f32 v8, v4  }
0x175: {  	v2 =	vld [tilespmem:s12+$0x7A20];
	[tilespmem:s17+$0x5250] =	vst v6;
	v5 =	vmul.f32 v7, v5;
	v6 =	vshll.u32 v1, $0x10  }
0x176: {  	[tilespmem:s17+$0x5220] =	vst v4;
	v4 =	vand.u32 $0xFFFF0000, v1;
	v1 =	vld [tilespmem:s12+$0x7A30];
	v6 =	vmul.f32 v6, v11  }
0x177: {  	v11 =	vld [tilespmem:s12+$0x5200];
	[tilespmem:s17+$0x5260] =	vst v5;
	v4 =	vmul.f32 v4, v9  }
.Ltmp12:
0x178: {  	v8 =	vld [tilespmem:s12+$0x5240];
	[tilespmem:s17+$0x5230] =	vst v6;
	(pc) =	sbr.rel @p2 .LBB2_17-.Ltmp12, $4  }
0x179: {  	v7 =	vld [tilespmem:s12+$0x5210];
	[tilespmem:s17+$0x5270] =	vst v4;
	s17 =	smov.u32 s12  }
0x17a: {  	v6 =	vld [tilespmem:s17+$0x5250]  }
0x17b: {  	v5 =	vshll.u32 v10, $0x10;
	v4 =	vld [tilespmem:s17+$0x5220]  }
0x17c: {  	s18 =	sadd.s32 $0x200, s18;
	v10 =	vand.u32 $0xFFFF0000, v10;
	v9 =	vmul.f32 v5, v11;
	v5 =	vld [tilespmem:s17+$0x5260]  }
0x17d: {  	v11 =	vld [tilespmem:s17+$0x5230];
	v8 =	vmul.f32 v10, v8;
	v61 =	vshll.u32 v3, $0x10  }
0x17e: {  	v3 =	vand.u32 $0xFFFF0000, v3;
	v62 =	vld [tilespmem:s17+$0x5270];
	[tilespmem:s17+$0x5200] =	vst v9;
	v7 =	vmul.f32 v61, v7  }
0x17f: {  	v63 =	vshll.u32 v2, $0x10;
	[tilespmem:s17+$0x5240] =	vst v8;
	v3 =	vmul.f32 v3, v6  }
0x180: {  	v2 =	vand.u32 $0xFFFF0000, v2;
	[tilespmem:s17+$0x5210] =	vst v7;
	v4 =	vmul.f32 v63, v4  }
0x181: {  	[tilespmem:s17+$0x5250] =	vst v3;
	v2 =	vmul.f32 v2, v5;
	v3 =	vshll.u32 v1, $0x10  }
0x182: {  	v1 =	vand.u32 $0xFFFF0000, v1;
	[tilespmem:s17+$0x5220] =	vst v4;
	v3 =	vmul.f32 v3, v11  }
0x183: {  	p2 =	sgt.u32 s4, $0x28;
	v1 =	vmul.f32 v1, v62;
	[tilespmem:s17+$0x5260] =	vst v2  }
0x184: {  	s12 =	sadd.s32 @!p2 s28, s25;
	[tilespmem:s17+$0x5230] =	vst v3  }
0x185: {  	s13 =	smul.u32 @!p2 $0x50, s12;
	[tilespmem:s17+$0x5270] =	vst v1  }
0x186: {  	[spmem:s2] =	stream.indirect.scatter.add.f32 [tilespmem:s11], [sflag:$0x5], $0x80, s10, s0, $0xb8;
	[tilespmem:$0x1E200] =	vst v63  }
0x187: {  	s13 =	sshrl.u32 @!p2 s13, $0x3;
	_ =	swait.ge [sflag:s30], $0x2800  }
0x188: {  	s18 =	simm.s32 @!p2 $0x0;
	s13 =	sadd.s32 @!p2 $0x1900, s13;
	[sflag:s30] =	ssyncset.done $0x0  }
0x189: {  	s19 =	simm.s32 @!p2 $0x5100;
	s17 =	sadd.s32 @!p2 s7, s13;
	[sflag:s30] =	ssyncadd.s32 $0xFFFFD800  }
0x18a: {  	[tilespmem:s19], [sflag:$0x5] =	stream.linear.gather @!p2 [hbm4b:s17+s18], $0x50, $0x38;
	[tilespmem:$0x1E200] =	vst v63  }
0x18b: {  	s17 =	simm.s32 @!p2 $0x5  }
0x18c: {  	_ =	swait.ge @!p2 [sflag:s17], $0x50  }
0x18d: {  	[sflag:s17] =	ssyncset.done @!p2 $0x0  }
0x18e: {  	s25 =	simm.s32 @!p2 $0x5180;
	s13 =	sadd.s32 @!p2 s6, s13;
	[sflag:s17] =	ssyncadd.s32 @!p2 $0xFFFFFFB0  }
0x18f: {  	[tilespmem:s25], [sflag:$0x5] =	stream.linear.gather @!p2 [hbm4b:s13+s18], $0x50, $0x38;
	[tilespmem:$0x1E200] =	vst v63  }
0x190: {  	_ =	swait.ge @!p2 [sflag:s17], $0x50  }
0x191: {  	s12 =	smul.u32 @!p2 $0x500, s12;
	[sflag:s17] =	ssyncset.done @!p2 $0x0  }
0x192: {  	s13 =	simm.s32 @!p2 $0x50;
	[sflag:s17] =	ssyncadd.s32 @!p2 $0xFFFFFFB0;
	s17 =	simm.s32 @!p2 $0x5200  }
0x193: {  	[tilespmem:s17], [sflag:$0x3] =	stream.indirect.gather @!p2 [hbm4b:s5+s13], $0x80, s19, s13, $0xb8;
	[tilespmem:$0x1E200] =	vst v63  }
0x194: {  	s4 =	sadd.s32 $0x1, s4;
	s12 =	sadd.s32 @!p2 s9, s12;
	s13 =	simm.s32 @!p2 $0x7A00  }
0x195: {  	[tilespmem:s13], [sflag:$0x4] =	stream.linear.gather @!p2 [hbm4b:s12+s18], $0x2800, $0x38;
	[tilespmem:$0x1E200] =	vst v63  }
0x196: {  	p2 =	sne.s32 s4, $0x2B  }
.Ltmp13:
0x197: {  	_ = 	snop;
	(pc) =	sbr.rel @p2 .LBB2_13-.Ltmp13, $1  }
0x198: {  	_ =	sdelay $0x3  }
.LBB2_19:
0x199: {  	s4 =	stileid.u32;
	[bflag:$0x0] =	sbarrier.arrive $0xFFFF  }
0x19a: {  	s4 =	sshll.u32 s4, $0x6;
	s12 =	rddreg [dreg:$0x6]  }
0x19b: {  	s13 =	rddreg [dreg:$0x16];
	s4 =	sor.u32 $0x1C05, s4;
	s12 =	sshrl.u32 s12, $0x3  }
0x19c: {  	[hbm:s13], [sflag:s4] =	dma.local [spmem:s12], $0x500  }
0x19d: {  	_ =	swait.ge [sflag:s30], $0x500  }
0x19e: {  	[sflag:s30] =	ssyncset.done $0x0;
	s17 =	rddreg [dreg:$0x7]  }
0x19f: {  	s18 =	rddreg [dreg:$0x18];
	[sflag:s30] =	ssyncadd.s32 $0xFFFFFB00;
	s12 =	sshrl.u32 s17, $0x3  }
0x1a0: {  	[hbm:s18], [sflag:s4] =	dma.local [spmem:s12], $0x500  }
0x1a1: {  	_ =	swait.ge [sflag:s30], $0x500  }
0x1a2: {  	[sflag:s30] =	ssyncset.done $0x0  }
0x1a3: {  	s19 =	sshrl.u32 s14, $0x3;
	s25 =	rddreg [dreg:$0x1a];
	[sflag:s30] =	ssyncadd.s32 $0xFFFFFB00  }
0x1a4: {  	[hbm:s25], [sflag:s4] =	dma.local [spmem:s19], $0x500  }
0x1a5: {  	_ =	swait.ge [sflag:s30], $0x500  }
0x1a6: {  	[sflag:s30] =	ssyncset.done $0x0  }
0x1a7: {  	s17 =	sshrl.u32 s15, $0x3;
	s18 =	rddreg [dreg:$0x1c];
	[sflag:s30] =	ssyncadd.s32 $0xFFFFFB00  }
0x1a8: {  	[hbm:s18], [sflag:s4] =	dma.local [spmem:s17], $0x500  }
0x1a9: {  	_ =	swait.ge [sflag:s30], $0x500  }
0x1aa: {  	[sflag:s30] =	ssyncset.done $0x0  }
0x1ab: {  	s19 =	sshrl.u32 s16, $0x3;
	s25 =	rddreg [dreg:$0x1e];
	[sflag:s30] =	ssyncadd.s32 $0xFFFFFB00  }
0x1ac: {  	[hbm:s25], [sflag:s4] =	dma.local [spmem:s19], $0x500  }
.Ltmp14:
0x1ad: {  	_ = 	snop;
	(pc) =	sbr.rel @p1 .LBB2_21-.Ltmp14, $4  }
.Ltmp15:
0x1ae: {  	_ = 	snop;
	(pc) =	sbr.rel @!p1 .LBB2_20-.Ltmp15, $4  }
0x1af: {  	_ =	swait.ge [sflag:s30], $0x500  }
0x1b0: {  	[sflag:s30] =	ssyncset.done $0x0  }
0x1b1: {  	s17 =	rddreg [dreg:$0x5];
	[sflag:s30] =	ssyncadd.s32 $0xFFFFFB00  }
0x1b2: {  	_ = 	snop  }
.LBB2_22:
0x1b3: {  	_ =	sfence.sel $0x180000  }
0x1b4: {  	[bflag:$0x0] =	sbarrier.arrive $0xFFFF  }
0x1b5: {  	_ =	strace $0x90000047  }
0x1b6: {  	s0 =	stileid.u32;
	[bflag:$0x2] =	sbarrier.arrive $0xFFFF  }
0x1b7: {  	p0 =	sne.s32 s0, $0x0;
	s0 =	rddreg [dreg:$0x3]  }
0x1b8: {  	s0 =	sadd.s32 @!p0 $0x100000, s0  }
0x1b9: {  	[sflag:s0] =	ssyncadd.tile.s32 @!p0 $0x1;
	_ =	shalt  }
.Lfunc_end2:
_tile_overlayer_lowered:
.L_overlay_start_2:
0x1ba: {  	(tag) =	ssettag $0x2  }
0x1bb: {  	s0 =	rddreg [dreg:$0x0];
	s2 =	stileid.u32  }
0x1bc: {  	s1 =	rddreg [dreg:$0x1];
	p0 =	sne.s32 s2, $0x0  }
0x1bd: {  	s3 =	rddreg [dreg:$0x2];
	[bflag:$0x3] =	sbarrier.arrive $0xFFFF;
	s2 =	simm.s32 @!p0 $0x1C05  }
0x1be: {  	[timem:s3], [sflag:s2] =	dma.local @!p0 [hbm:s0], s1  }
0x1bf: {  	s0 =	simm.s32 @!p0 $0x5  }
0x1c0: {  	_ =	swait.ge @!p0 [sflag:s0], s1  }
0x1c1: {  	s1 =	ssub.s32 @!p0 $0x0, s1;
	[sflag:s0] =	ssyncset.done @!p0 $0x0  }
0x1c2: {  	[sflag:s0] =	ssyncadd.s32 @!p0 s1  }
0x1c3: {  	[bflag:$0x3] =	sbarrier.arrive $0xFFFF  }
0x1c4: {  	_ =	shalt  }

// kernel: kernel.8.cloned.1.call-start
scs
__scs_entry_jumppad:
0x0: {  	(pc) =	sbr.rel $0x88, $3  }
0x1: {  	(tag) =	ssettag $0x0;
	lr =	simm.s32 $0x1  }
0x2: {  	[smem:$0x3F90] =	sst lr;
	_ =	strace $0xD0000000  }
0x3: {  	_ = 	snop  }
0x4: {  	_ = 	snop  }
0x5: {  	_ = 	snop  }
0x6: {  	_ = 	snop  }
0x7: {  	_ = 	snop  }
__scs_overlays_trampoline_lowered:
0x8: {  	[smem:$0x3F9F] =	sst s0  }
0x9: {  	[smem:$0x3FA0] =	sst s1  }
0xa: {  	[smem:$0x3FA1] =	sst s2  }
0xb: {  	[smem:$0x3FA2] =	sst s3  }
0xc: {  	[smem:$0x3FA3] =	sst s4  }
0xd: {  	[smem:$0x3FA4] =	sst s5  }
0xe: {  	[smem:$0x3FA5] =	sst s6  }
0xf: {  	[smem:$0x3FA6] =	sst s7  }
0x10: {  	[smem:$0x3FA7] =	sst s8  }
0x11: {  	[smem:$0x3FA8] =	sst s9;
	s0 =	simm.s32 @!p0 $0x0  }
0x12: {  	s1 =	sld [smem:$0x3F8E];
	s0 =	simm.s32 @p0 $0x1  }
0x13: {  	[smem:$0x3FA9] =	sst s0;
	s0 =	simm.s32 @!p1 $0x0  }
0x14: {  	s2 =	sld [smem:$0x3F8D];
	s0 =	simm.s32 @p1 $0x1  }
0x15: {  	[smem:$0x3FAA] =	sst s0;
	s0 =	simm.s32 @!p2 $0x0  }
0x16: {  	s3 =	sld [smem:$0x3FDB];
	s0 =	simm.s32 @p2 $0x1  }
0x17: {  	s4 =	simm.s32 $0x1BF5;
	[smem:$0x3FAC] =	sst s0  }
0x18: {  	s0 =	sld [smem:$0x3F8F];
	_ =	swait.ge [sflag:s4], $0x0  }
0x19: {  	s7 =	sld [smem:$0x3F90]  }
0x1a: {  	s8 =	sadd.s32 $0xFFFFE003, lr  }
0x1b: {  	s9 =	sadd.s32 $0xFFFFFEF7, lr;
	s5 =	simm.s32 $0xFFFFFFFF;
	p2 =	slt.u32 s8, $0xFFFFF086  }
0x1c: {  	p1 =	slt.u32 s9, $0xF7A;
	s5 =	simm.s32 @!p2 $0x0  }
0x1d: {  	s5 =	simm.s32 @p1 $0x1;
	p0 =	seq.s32 s7, s2  }
0x1e: {  	s7 =	smul.u32 @!p0 $0xF7A, s2;
	p2 =	seq.s32 @!p0 s5, $0x0  }
0x1f: {  	s9 =	smul.u32 $0xF7A, s1;
	s8 =	simm.s32 @!p0 $0x1BF5;
	p2 =	por !p2, p0  }
0x20: {  	[sflag:s8] =	ssyncset.s32 @!p0 $0xFFFFF086;
	s6 =	sadd.s32 @!p0 s3, s7;
	s7 =	simm.s32 @!p0 $0x108  }
0x21: {  	s3 =	sadd.s32 s3, s9;
	s6 =	sadd.s32 @!p0 $0x88, s6;
	s7 =	simm.s32 @p2 $0x1082  }
0x22: {  	[simem:s7], [sflag:s8] =	dma.local @!p0 [hbm:s6], $0xF7A  }
0x23: {  	s9 =	sor.u32 $0xD0000000, s2;
	s6 =	simm.s32 $0x108;
	_ =	swait.ge @!p0 [sflag:s8], $0x0  }
0x24: {  	s3 =	sadd.s32 $0x88, s3;
	s6 =	simm.s32 @!p1 $0x1082;
	[sflag:s4] =	ssyncset.s32 $0xFFFFF086  }
0x25: {  	[simem:s6], [sflag:s4] =	dma.local [hbm:s3], $0xF7A  }
0x26: {  	[smem:$0x3F90] =	sst s1;
	(tag) =	ssettag s2;
	_ =	strace s9  }
0x27: {  	s1 =	sld [smem:$0x3FA0]  }
0x28: {  	s2 =	sld [smem:$0x3FA1]  }
0x29: {  	s4 =	sld [smem:$0x3FA3]  }
0x2a: {  	p0 =	seq.s32 s5, $0x0;
	s5 =	sld [smem:$0x3FA4]  }
0x2b: {  	s6 =	sld [smem:$0x3FA5]  }
0x2c: {  	s7 =	sld [smem:$0x3FA6]  }
0x2d: {  	s3 =	simm.s32 $0x108;
	s8 =	sld [smem:$0x3FA7]  }
0x2e: {  	s3 =	simm.s32 @!p0 $0x1082;
	s9 =	sld [smem:$0x3FA8]  }
0x2f: {  	lr =	sadd.s32 s0, s3;
	s0 =	sld [smem:$0x3F9F]  }
0x30: {  	s3 =	sld [smem:$0x3FA2]  }
0x31: {  	[smem:$0x3FAB] =	sst s10  }
0x32: {  	s10 =	sld [smem:$0x3FA9];
	_ =	sdelay $0x3  }
0x33: {  	p0 =	seq.s32 s10, $0x1;
	s10 =	sld [smem:$0x3FAB];
	_ =	sdelay $0x3  }
0x34: {  	[smem:$0x3FAB] =	sst s10  }
0x35: {  	s10 =	sld [smem:$0x3FAA];
	_ =	sdelay $0x3  }
0x36: {  	p1 =	seq.s32 s10, $0x1;
	s10 =	sld [smem:$0x3FAB];
	_ =	sdelay $0x3  }
0x37: {  	[smem:$0x3FAB] =	sst s10  }
0x38: {  	s10 =	sld [smem:$0x3FAC]  }
0x39: {  	_ = 	snop;
	(pc) =	sbr.ind lr, $3  }
0x3a: {  	_ = 	snop  }
0x3b: {  	_ = 	snop  }
0x3c: {  	p2 =	seq.s32 s10, $0x1;
	s10 =	sld [smem:$0x3FAB]  }
0x3d: {  	_ =	shalt  }
0x3e: {  	_ =	shalt  }
0x3f: {  	_ =	shalt  }
0x40: {  	_ =	shalt  }
0x41: {  	_ =	shalt  }
0x42: {  	_ =	shalt  }
0x43: {  	_ =	shalt  }
0x44: {  	_ =	shalt  }
0x45: {  	_ =	shalt  }
0x46: {  	_ =	shalt  }
0x47: {  	_ =	shalt  }
0x48: {  	_ =	shalt  }
0x49: {  	_ =	shalt  }
0x4a: {  	_ =	shalt  }
0x4b: {  	_ =	shalt  }
0x4c: {  	_ =	shalt  }
0x4d: {  	_ =	shalt  }
0x4e: {  	_ =	shalt  }
0x4f: {  	_ =	shalt  }
0x50: {  	_ =	shalt  }
0x51: {  	_ =	shalt  }
0x52: {  	_ =	shalt  }
0x53: {  	_ =	shalt  }
0x54: {  	_ =	shalt  }
0x55: {  	_ =	shalt  }
0x56: {  	_ =	shalt  }
0x57: {  	_ =	shalt  }
0x58: {  	_ =	shalt  }
0x59: {  	_ =	shalt  }
0x5a: {  	_ =	shalt  }
0x5b: {  	_ =	shalt  }
0x5c: {  	_ =	shalt  }
0x5d: {  	_ =	shalt  }
0x5e: {  	_ =	shalt  }
0x5f: {  	_ =	shalt  }
0x60: {  	_ =	shalt  }
0x61: {  	_ =	shalt  }
0x62: {  	_ =	shalt  }
0x63: {  	_ =	shalt  }
0x64: {  	_ =	shalt  }
0x65: {  	_ =	shalt  }
0x66: {  	_ =	shalt  }
0x67: {  	_ =	shalt  }
0x68: {  	_ =	shalt  }
0x69: {  	_ =	shalt  }
0x6a: {  	_ =	shalt  }
0x6b: {  	_ =	shalt  }
0x6c: {  	_ =	shalt  }
0x6d: {  	_ =	shalt  }
0x6e: {  	_ =	shalt  }
0x6f: {  	_ =	shalt  }
0x70: {  	_ =	shalt  }
0x71: {  	_ =	shalt  }
0x72: {  	_ =	shalt  }
0x73: {  	_ =	shalt  }
0x74: {  	_ =	shalt  }
0x75: {  	_ =	shalt  }
0x76: {  	_ =	shalt  }
0x77: {  	_ =	shalt  }
0x78: {  	_ =	shalt  }
0x79: {  	_ =	shalt  }
0x7a: {  	_ =	shalt  }
0x7b: {  	_ =	shalt  }
0x7c: {  	_ =	shalt  }
0x7d: {  	_ =	shalt  }
0x7e: {  	_ =	shalt  }
0x7f: {  	_ =	shalt  }
0x80: {  	_ =	shalt  }
0x81: {  	_ =	shalt  }
0x82: {  	_ =	shalt  }
0x83: {  	_ =	shalt  }
0x84: {  	_ =	shalt  }
0x85: {  	_ =	shalt  }
0x86: {  	_ =	shalt  }
0x87: {  	_ =	shalt  }
.Lfunc_end0:
.L_simem_size_0:
called_computation_lowered:
.L_overlay_start_0:
0x88: {  	s2 =	sld [smem:$0x3FD9]  }
0x89: {  	s3 =	sld [smem:$0x3FFE];
	_ =	sdelay $0x1  }
0x8a: {  	s1 =	srdreg.scid  }
0x8b: {  	s0 =	sand.u32 $0x1, s1  }
0x8c: {  	s17 =	sshll.u32 s0, $0xA;
	s2 =	sadd.s32 s3, s2  }
0x8d: {  	s2 =	sadd.s32 s2, s17  }
0x8e: {  	[smem:$0x3FB7] =	sst s2  }
0x8f: {  	_ = 	snop  }
0x90: {  	s18 =	sld [smem:$0x3FD0];
	(tm) =	ssettm $0x1  }
0x91: {  	s19 =	sld [smem:$0x3FFB];
	_ =	sdelay $0x3  }
0x92: {  	_ =	strace s19  }
0x93: {  	s2 =	sld [smem:$0x3FFC];
	_ =	sdelay $0x3  }
0x94: {  	_ =	strace s2  }
0x95: {  	s2 =	sld [smem:$0x3FFD];
	_ =	sdelay $0x3  }
0x96: {  	_ =	strace s2  }
0x97: {  	_ =	strace $0x8FFFFFFF  }
0x98: {  	s20 =	sld [smem:$0x3FDB];
	_ =	sdelay $0x1  }
0x99: {  	s4 =	simm.s32 $_scs_section_size  }
0x9a: {  	s5 =	simm.s32 $_size__tile_overlayer_lowered;
	s6 =	simm.s32 $_tile_overlayer_lowered  }
0x9b: {  	s7 =	simm.s32 $0x1BFF;
	s21 =	sshll.u32 s6, $0x1;
	s4 =	sadd.s32 s4, s20  }
0x9c: {  	s22 =	simm.s32 $0x0;
	s5 =	sshll.u32 s5, $0x1;
	s6 =	sadd.s32 s21, s4  }
0x9d: {  	[timem:s22], [sflag:s7] =	dma.local [hbm:s6], s5  }
0x9e: {  	_ =	swait.ge [sflag:s7], s5  }
0x9f: {  	s5 =	ssub.s32 $0x0, s5;
	[sflag:s7] =	ssyncset.done $0x0  }
0xa0: {  	[sflag:s7] =	ssyncadd.s32 s5;
	_ =	sdelay $0x1  }
0xa1: {  	s23 =	simm.s32 $0x1B8B  }
0xa2: {  	_ =	swait.ge [sflag:s23], $0x1  }
0xa3: {  	[sflag:s23] =	ssyncset.done $0x0  }
0xa4: {  	[sflag:s23] =	ssyncadd.s32 $0xFFFFFFFF  }
0xa5: {  	s5 =	sld [smem:$0x0]  }
0xa6: {  	s6 =	sand.u32 $0xFFFFFFFE, s1  }
0xa7: {  	p0 =	sne.s32 s1, s6  }
0xa8: {  	s6 =	sshll.u32 @p0 s6, $0xE  }
0xa9: {  	s6 =	sadd.s32 @p0 $0x11B8D, s6;
	s7 =	sshll.u32 @p0 s5, $0x11  }
0xaa: {  	s6 =	sor.u32 @p0 s7, s6  }
0xab: {  	[sflag:s6] =	ssyncadd.remote.s32 @p0 $0x1;
	_ =	sdelay $0x1  }
0xac: {  	s6 =	simm.s32 @p0 $0x1B8D  }
0xad: {  	_ =	swait.eq @p0 [sflag:s6], $0x1  }
0xae: {  	[sflag:s6] =	ssyncadd.s32 @p0 $0xFFFFFFFF  }
0xaf: {  	s7 =	sshll.u32 @!p0 s1, $0xE  }
0xb0: {  	s7 =	sor.u32 @!p0 $0x4000, s7;
	s6 =	simm.s32 @!p0 $0x1B8D  }
0xb1: {  	s5 =	sshll.u32 @!p0 s5, $0x11;
	s7 =	sadd.s32 @!p0 $0x11B8D, s7;
	_ =	swait.eq @!p0 [sflag:s6], $0x1  }
0xb2: {  	s5 =	sor.u32 @!p0 s5, s7;
	[sflag:s6] =	ssyncadd.s32 @!p0 $0xFFFFFFFF  }
0xb3: {  	s25 =	simm.s32 $0x1B8E;
	s24 =	sld [smem:$0x3FFE];
	[sflag:s5] =	ssyncadd.remote.s32 @!p0 $0x1  }
0xb4: {  	s26 =	simm.s32 $execute0_lowered;
	[smem:$0x3FD2] =	sst s25  }
0xb5: {  	s6 =	sshll.u32 s26, $0x1;
	_ =	strace $0x80000049;
	[dreg:$0x1] =	wrdreg $0xFFFFFFFF  }
0xb6: {  	s28 =	simm.s32 $_size_execute0_lowered;
	s4 =	sadd.s32 s4, s6;
	[dreg:$0x0] =	wrdreg $0x0  }
0xb7: {  	s6 =	sshll.u32 s28, $0x1;
	[dreg:$0x2] =	wrdreg s4  }
0xb8: {  	[dreg:$0x3] =	wrdreg s6  }
0xb9: {  	[dreg:$0x4] =	wrdreg $0xC0  }
0xba: {  	_ =	task [dreg:s22], $0x5FFFF  }
0xbb: {  	[dreg:$0x1] =	wrdreg $0xFFFFFFFF  }
0xbc: {  	[dreg:$0x0] =	wrdreg $0x60  }
0xbd: {  	[dreg:$0x2] =	wrdreg s18  }
0xbe: {  	[dreg:$0x3] =	wrdreg s24  }
0xbf: {  	[dreg:$0x4] =	wrdreg $0xA2000  }
0xc0: {  	[dreg:$0x5] =	wrdreg $0x9  }
0xc1: {  	_ =	task.clear_ibuf [dreg:s22], $0x6FFFF;
	_ =	strace $0x90000049  }
0xc2: {  	s29 =	simm.s32 $0x9;
	_ =	strace $0x8000004B  }
0xc3: {  	_ =	swait.ge [sflag:s29], $0x1  }
0xc4: {  	[sflag:s29] =	ssyncadd.s32 $0xFFFFFFFF  }
0xc5: {  	_ =	strace $0x9000004B  }
0xc6: {  	_ =	sfence  }
0xc7: {  	s30 =	sld [smem:$0x0];
	_ =	sdelay $0x2  }
0xc8: {  	s31 =	sshll.u32 s1, $0xD;
	s1 =	sshrl.u32 s1, $0x2  }
0xc9: {  	s4 =	sand.u32 $0x4000, s31;
	s1 =	sadd.s32 s1, s30  }
0xca: {  	s0 =	sor.u32 s4, s0;
	s1 =	sshll.u32 s1, $0x11  }
0xcb: {  	s0 =	sor.u32 s1, s0  }
0xcc: {  	s0 =	sadd.s32 $0x8F2B, s0  }
0xcd: {  	[sflag:s0] =	ssyncadd.remote.s32 $0x1  }
0xce: {  	_ =	sfence.sel $0xFFFF  }
0xcf: {  	[dreg:$0x0] =	wrdreg $0xFFFFFFFF;
	(pc) =	sbr.abs _section_cstart, $3  }
0xd0: {  	[dreg:$0x1] =	wrdreg $0xFFFFFFFF  }
0xd1: {  	_ =	task.clear_ibuf [dreg:s22], $0x2FFFF;
	_ =	strace $0x9FFFFFFF  }
0xd2: {  	(tm) =	ssettm $0x7FFFFFFF  }
0xd3: {  	_ =	shalt  }
tec
execute0_lowered:
.L_overlay_start_1:
0x0: {  	(tag) =	ssettag $0x1  }
0x1: {  	s1 =	rddreg [dreg:$0x0]  }
0x2: {  	s0 =	rddreg [dreg:$0x1]  }
0x3: {  	s2 =	rddreg [dreg:$0x2];
	s3 =	simm.s32 $0x0;
	s5 =	srdreg.scid  }
0x4: {  	s14 =	stileid.u32;
	s29 =	simm.s32 $0x100;
	s30 =	simm.s32 $0x5  }
0x5: {  	s31 =	simm.s32 $0x80;
	[smem:$0x7FF] =	sst s3;
	s4 =	sadd.s32 $0xD800, s0  }
0x6: {  	s6 =	sadd.s32 $0x8800, s0;
	s7 =	sadd.s32 $0x3800, s0;
	s8 =	sadd.s32 $0x3D4E00, s0  }
0x7: {  	s5 =	sand.u32 $0x1, s5;
	s9 =	sadd.s32 $0x49CE00, s0;
	s11 =	smul.u32 $0x280, s14  }
0x8: {  	s25 =	sadd.s32 $0x564E00, s0;
	s13 =	smul.u32 $0x50000, s14;
	s26 =	sadd.s32 $0x58C000, s0  }
0x9: {  	_ =	strace $0x8000004A;
	s10 =	ssub.s32 $0x2, s5;
	[dreg:$0x5] =	wrdreg s26  }
0xa: {  	p0 =	sne.s32 s5, $0x0;
	[dreg:$0x4] =	wrdreg s25;
	s12 =	sshrl.u32 s10, $0x1  }
0xb: {  	s19 =	sshrl.u32 s13, $0x2;
	s17 =	sadd.s32 $0xA0, s11;
	s18 =	sadd.s32 $0x140, s11  }
0xc: {  	s5 =	sadd.s32 $0x1E0, s11;
	s0 =	ssub.s32 s10, s12;
	s10 =	sor.u32 $0x50, s11  }
0xd: {  	s12 =	sadd.s32 s19, s2;
	s22 =	sshll.u32 s17, $0x7;
	s19 =	sadd.s32 $0x190, s11  }
0xe: {  	s20 =	sshll.u32 s10, $0x7;
	[dreg:$0x6] =	wrdreg s12;
	s12 =	sadd.s32 s22, s2  }
0xf: {  	s22 =	sshll.u32 s5, $0x7;
	s5 =	sshll.u32 s5, $0x4;
	[dreg:$0x8] =	wrdreg s12  }
0x10: {  	s0 =	smax.u32 s0, $0x1;
	s21 =	sadd.s32 s20, s2;
	[dreg:$0x12] =	wrdreg s5  }
0x11: {  	s12 =	sadd.s32 $0xF0, s11;
	s20 =	sshll.u32 s19, $0x7;
	[smem:$0x7FD] =	sst s0  }
0x12: {  	[dreg:$0x7] =	wrdreg s21;
	s15 =	sshll.u32 s12, $0x7;
	s24 =	sadd.s32 s20, s2  }
0x13: {  	s20 =	smul.u32 $0xA, s14;
	s23 =	sadd.s32 s15, s2;
	[dreg:$0xa] =	wrdreg s24  }
0x14: {  	s11 =	sadd.s32 $0x230, s11;
	s15 =	sadd.s32 s22, s2;
	[dreg:$0x9] =	wrdreg s23  }
0x15: {  	s21 =	sor.u32 $0x10, s14;
	[dreg:$0xb] =	wrdreg s15;
	s15 =	sadd.s32 s6, s20  }
0x16: {  	s23 =	sshll.u32 s11, $0x7;
	s11 =	sshll.u32 s11, $0x4;
	[dreg:$0xe] =	wrdreg s15  }
0x17: {  	s24 =	smul.u32 $0xA, s21;
	s22 =	sadd.s32 s23, s2;
	[dreg:$0x13] =	wrdreg s11  }
0x18: {  	p1 =	seq.s32 s14, $0xF;
	s23 =	sadd.s32 s7, s20;
	[dreg:$0xc] =	wrdreg s22  }
0x19: {  	s28 =	sor.u32 $0x30, s14;
	s20 =	sadd.s32 s7, s24;
	[dreg:$0xd] =	wrdreg s23  }
0x1a: {  	s17 =	sshll.u32 s17, $0x4;
	[dreg:$0xf] =	wrdreg s20;
	s22 =	sadd.s32 s6, s24  }
0x1b: {  	s15 =	smul.u32 $0x2800, s14;
	s24 =	sshll.u32 s19, $0x4;
	[dreg:$0x10] =	wrdreg s22  }
0x1c: {  	s20 =	smul.u32 $0x500, s21;
	s21 =	sadd.s32 s25, s17;
	[dreg:$0x11] =	wrdreg s24  }
0x1d: {  	s10 =	sshll.u32 s10, $0x4;
	s13 =	sadd.s32 s26, s15;
	[dreg:$0x1d] =	wrdreg s21  }
0x1e: {  	s23 =	smul.u32 $0x500, s14;
	s5 =	sadd.s32 s25, s15;
	[dreg:$0x18] =	wrdreg s13  }
0x1f: {  	s16 =	sshll.u32 s18, $0x7;
	s15 =	sadd.s32 s26, s10;
	[dreg:$0x19] =	wrdreg s5  }
0x20: {  	s18 =	sshll.u32 s18, $0x4;
	s19 =	sadd.s32 s9, s23;
	[dreg:$0x1a] =	wrdreg s15  }
0x21: {  	s16 =	sadd.s32 s16, s2;
	s22 =	sadd.s32 s8, s23;
	[dreg:$0x14] =	wrdreg s19  }
0x22: {  	s0 =	simm.s32 $0x50;
	s23 =	sadd.s32 s9, s20;
	[dreg:$0x15] =	wrdreg s22  }
0x23: {  	s12 =	sshll.u32 s12, $0x4;
	s24 =	sadd.s32 s8, s20;
	[dreg:$0x16] =	wrdreg s23  }
0x24: {  	s11 =	simm.s32 $0x7A00;
	s20 =	sadd.s32 s26, s17;
	[dreg:$0x17] =	wrdreg s24  }
0x25: {  	s21 =	simm.s32 $0x2;
	s19 =	sadd.s32 s25, s10;
	[dreg:$0x1c] =	wrdreg s20  }
0x26: {  	s5 =	simm.s32 $0x5180;
	s22 =	sadd.s32 s26, s12;
	[dreg:$0x1b] =	wrdreg s19  }
.Ltmp0:
0x27: {  	s23 =	sadd.s32 s25, s12;
	[dreg:$0x1e] =	wrdreg s22;
	(pc) =	sbr.rel .LBB2_1-.Ltmp0, $4  }
0x28: {  	s24 =	sadd.s32 s26, s18;
	s26 =	sadd.s32 s25, s18;
	[dreg:$0x1f] =	wrdreg s23  }
0x29: {  	s10 =	simm.s32 $0x5200;
	s20 =	simm.s32 $0x1;
	[smem:$0x7FB] =	sst s24  }
0x2a: {  	s25 =	simm.s32 $0x0;
	[smem:$0x7FC] =	sst s26;
	s26 =	sor.u32 $0x20, s14  }
0x2b: {  	v0 =	vimm.f32 $0.0e+00;
	s24 =	simm.s32 $0x5100;
	s22 =	simm.s32 $0x3;
	s23 =	simm.s32 $0x4  }
.LBB2_20:
0x2c: {  	s13 =	rddreg [dreg:$0x11]  }
0x2d: {  	s14 =	rddreg [dreg:$0xa]  }
0x2e: {  	s13 =	sadd.s32 s12, s13;
	s14 =	sshrl.u32 s14, $0x3  }
0x2f: {  	[hbm:s13], [sflag:s17] =	dma.local [spmem:s14], $0x500  }
0x30: {  	_ =	swait.ge [sflag:s30], $0x500  }
0x31: {  	s18 =	rddreg [dreg:$0x12]  }
0x32: {  	[sflag:s30] =	ssyncset.done $0x0;
	s19 =	rddreg [dreg:$0xb]  }
0x33: {  	s13 =	sadd.s32 s12, s18;
	[sflag:s30] =	ssyncadd.s32 $0xFFFFFB00;
	s14 =	sshrl.u32 s19, $0x3  }
0x34: {  	[hbm:s13], [sflag:s17] =	dma.local [spmem:s14], $0x500  }
0x35: {  	_ =	swait.ge [sflag:s30], $0x500  }
0x36: {  	s15 =	rddreg [dreg:$0x13]  }
0x37: {  	[sflag:s30] =	ssyncset.done $0x0;
	s19 =	rddreg [dreg:$0xc]  }
0x38: {  	s18 =	sadd.s32 s12, s15;
	[sflag:s30] =	ssyncadd.s32 $0xFFFFFB00;
	s13 =	sshrl.u32 s19, $0x3  }
0x39: {  	[hbm:s18], [sflag:s17] =	dma.local [spmem:s13], $0x500  }
0x3a: {  	_ =	swait.ge [sflag:s30], $0x500  }
0x3b: {  	[sflag:s30] =	ssyncset.done $0x0  }
0x3c: {  	[sflag:s30] =	ssyncadd.s32 $0xFFFFFB00  }
.LBB2_21:
0x3d: {  	s12 =	sld [smem:$0x7FD];
	_ =	sdelay $0x1  }
0x3e: {  	s25 =	sadd.s32 $0x1, s25  }
0x3f: {  	p2 =	sne.s32 s25, s12  }
.Ltmp1:
0x40: {  	_ = 	snop;
	(pc) =	sbr.rel @!p2 .LBB2_22-.Ltmp1, $1  }
0x41: {  	_ =	sdelay $0x3  }
.LBB2_1:
0x42: {  	s12 =	simm.s32 $0x0;
	s17 =	simm.s32 $0x200  }
.LBB2_2:
0x43: {  	p2 =	sne.s32 s17, $0x9E00;
	[tilespmem:s12+$0x170] =	vst v0  }
0x44: {  	[tilespmem:s12+$0x100] =	vst v0  }
0x45: {  	[tilespmem:s12+$0x110] =	vst v0  }
.Ltmp2:
0x46: {  	[tilespmem:s12+$0x120] =	vst v0;
	(pc) =	sbr.rel @p2 .LBB2_2-.Ltmp2, $4  }
0x47: {  	[tilespmem:s12+$0x130] =	vst v0  }
0x48: {  	[tilespmem:s12+$0x140] =	vst v0  }
0x49: {  	[tilespmem:s12+$0x150] =	vst v0  }
0x4a: {  	[tilespmem:s12+$0x160] =	vst v0;
	s12 =	sshra.s32 s17, $0x2;
	s17 =	sadd.s32 $0x200, s17  }
0x4b: {  	[tilespmem:s12+$0x170] =	vst v0  }
0x4c: {  	[tilespmem:s12+$0x100] =	vst v0  }
0x4d: {  	[tilespmem:s12+$0x110] =	vst v0  }
0x4e: {  	[tilespmem:s12+$0x120] =	vst v0  }
0x4f: {  	[tilespmem:s12+$0x130] =	vst v0  }
0x50: {  	[tilespmem:s12+$0x140] =	vst v0  }
0x51: {  	[tilespmem:s12+$0x150] =	vst v0  }
0x52: {  	[tilespmem:s12+$0x160] =	vst v0;
	s17 =	rddreg [dreg:$0x6]  }
0x53: {  	[spmem:s17] =	stream.linear.scatter [tilespmem:s29], [sflag:$0x5], $0x2800, $0x38;
	[tilespmem:$0x1E200] =	vst v63  }
0x54: {  	_ =	swait.ge [sflag:s30], $0x2800  }
0x55: {  	[sflag:s30] =	ssyncset.done $0x0  }
0x56: {  	s18 =	rddreg [dreg:$0x7];
	[sflag:s30] =	ssyncadd.s32 $0xFFFFD800  }
0x57: {  	[spmem:s18] =	stream.linear.scatter [tilespmem:s29], [sflag:$0x5], $0x2800, $0x38;
	[tilespmem:$0x1E200] =	vst v63  }
0x58: {  	_ =	swait.ge [sflag:s30], $0x2800  }
0x59: {  	[sflag:s30] =	ssyncset.done $0x0  }
0x5a: {  	s19 =	rddreg [dreg:$0x8];
	[sflag:s30] =	ssyncadd.s32 $0xFFFFD800  }
0x5b: {  	[spmem:s19] =	stream.linear.scatter [tilespmem:s29], [sflag:$0x5], $0x2800, $0x38;
	[tilespmem:$0x1E200] =	vst v63  }
0x5c: {  	_ =	swait.ge [sflag:s30], $0x2800  }
0x5d: {  	[sflag:s30] =	ssyncset.done $0x0  }
0x5e: {  	s13 =	rddreg [dreg:$0x9];
	[sflag:s30] =	ssyncadd.s32 $0xFFFFD800  }
0x5f: {  	[spmem:s13] =	stream.linear.scatter [tilespmem:s29], [sflag:$0x5], $0x2800, $0x38;
	[tilespmem:$0x1E200] =	vst v63  }
0x60: {  	_ =	swait.ge [sflag:s30], $0x2800  }
0x61: {  	[sflag:s30] =	ssyncset.done $0x0  }
0x62: {  	[sflag:s30] =	ssyncadd.s32 $0xFFFFD800  }
0x63: {  	[spmem:s16] =	stream.linear.scatter [tilespmem:s29], [sflag:$0x5], $0x2800, $0x38;
	[tilespmem:$0x1E200] =	vst v63  }
0x64: {  	_ =	swait.ge [sflag:s30], $0x2800  }
0x65: {  	[sflag:s30] =	ssyncset.done $0x0  }
0x66: {  	s14 =	rddreg [dreg:$0xa];
	[sflag:s30] =	ssyncadd.s32 $0xFFFFD800  }
0x67: {  	[spmem:s14] =	stream.linear.scatter [tilespmem:s29], [sflag:$0x5], $0x2800, $0x38;
	[tilespmem:$0x1E200] =	vst v63  }
0x68: {  	_ =	swait.ge [sflag:s30], $0x2800  }
0x69: {  	[sflag:s30] =	ssyncset.done $0x0  }
0x6a: {  	s15 =	rddreg [dreg:$0xb];
	[sflag:s30] =	ssyncadd.s32 $0xFFFFD800  }
0x6b: {  	[spmem:s15] =	stream.linear.scatter [tilespmem:s29], [sflag:$0x5], $0x2800, $0x38;
	[tilespmem:$0x1E200] =	vst v63  }
0x6c: {  	_ =	swait.ge [sflag:s30], $0x2800  }
0x6d: {  	[sflag:s30] =	ssyncset.done $0x0  }
0x6e: {  	s17 =	rddreg [dreg:$0xc];
	[sflag:s30] =	ssyncadd.s32 $0xFFFFD800  }
0x6f: {  	[spmem:s17] =	stream.linear.scatter [tilespmem:s29], [sflag:$0x5], $0x2800, $0x38;
	[tilespmem:$0x1E200] =	vst v63  }
0x70: {  	_ =	swait.ge [sflag:s30], $0x2800  }
0x71: {  	[sflag:s30] =	ssyncset.done $0x0  }
0x72: {  	[sflag:s30] =	ssyncadd.s32 $0xFFFFD800  }
0x73: {  	[bflag:$0x0] =	sbarrier.arrive $0xFFFF  }
0x74: {  	s18 =	rddreg [dreg:$0xd]  }
0x75: {  	[tilespmem:s3], [sflag:$0x5] =	stream.linear.gather [hbm4b:s18+s3], $0x50, $0x38;
	[tilespmem:$0x1E200] =	vst v63  }
0x76: {  	_ =	swait.ge [sflag:s30], $0x50  }
0x77: {  	[sflag:s30] =	ssyncset.done $0x0  }
.Ltmp3:
0x78: {  	s19 =	rddreg [dreg:$0xe];
	[sflag:s30] =	ssyncadd.s32 $0xFFFFFFB0;
	(pc) =	sbr.rel @p0 .LBB2_12-.Ltmp3, $4  }
0x79: {  	[tilespmem:s31], [sflag:$0x5] =	stream.linear.gather [hbm4b:s19+s3], $0x50, $0x38;
	[tilespmem:$0x1E200] =	vst v63  }
0x7a: {  	_ =	swait.ge [sflag:s30], $0x50  }
0x7b: {  	[sflag:s30] =	ssyncset.done $0x0  }
0x7c: {  	s17 =	simm.s32 $0x0;
	[sflag:s30] =	ssyncadd.s32 $0xFFFFFFB0  }
0x7d: {  	[tilespmem:s29], [sflag:$0x1] =	stream.indirect.gather [hbm4b:s1+s0], $0x80, s17, s0, $0xb8;
	[tilespmem:$0x1E200] =	vst v63  }
0x7e: {  	s12 =	rddreg [dreg:$0x15];
	s13 =	simm.s32 $0x2900  }
0x7f: {  	[tilespmem:s13], [sflag:$0x2] =	stream.linear.gather [hbm4b:s12+s17], $0x2800, $0x38;
	[tilespmem:$0x1E200] =	vst v63  }
0x80: {  	s15 =	rddreg [dreg:$0xf]  }
0x81: {  	[tilespmem:s24], [sflag:$0x5] =	stream.linear.gather [hbm4b:s15+s17], $0x50, $0x38;
	[tilespmem:$0x1E200] =	vst v63  }
0x82: {  	_ =	swait.ge [sflag:s30], $0x50  }
0x83: {  	[sflag:s30] =	ssyncset.done $0x0  }
0x84: {  	s18 =	rddreg [dreg:$0x10];
	[sflag:s30] =	ssyncadd.s32 $0xFFFFFFB0  }
0x85: {  	[tilespmem:s5], [sflag:$0x5] =	stream.linear.gather [hbm4b:s18+s17], $0x50, $0x38;
	[tilespmem:$0x1E200] =	vst v63  }
0x86: {  	_ =	swait.ge [sflag:s30], $0x50  }
0x87: {  	[sflag:s30] =	ssyncset.done $0x0  }
0x88: {  	[sflag:s30] =	ssyncadd.s32 $0xFFFFFFB0  }
0x89: {  	[tilespmem:s10], [sflag:$0x3] =	stream.indirect.gather [hbm4b:s1+s0], $0x80, s24, s0, $0xb8;
	[tilespmem:$0x1E200] =	vst v63  }
0x8a: {  	s19 =	rddreg [dreg:$0x17]  }
0x8b: {  	[tilespmem:s11], [sflag:$0x4] =	stream.linear.gather [hbm4b:s19+s17], $0x2800, $0x38;
	[tilespmem:$0x1E200] =	vst v63  }
.LBB2_5:
0x8c: {  	_ =	swait.ge [sflag:s20], $0x2800  }
0x8d: {  	[sflag:s20] =	ssyncset.done $0x0  }
0x8e: {  	[sflag:s20] =	ssyncadd.s32 $0xFFFFD800  }
0x8f: {  	_ =	swait.ge [sflag:s21], $0x2800  }
0x90: {  	[sflag:s21] =	ssyncset.done $0x0  }
0x91: {  	s18 =	simm.s32 $0x0;
	[sflag:s21] =	ssyncadd.s32 $0xFFFFD800  }
0x92: {  	v5 =	vld [tilespmem:s18+$0x2900]  }
0x93: {  	v3 =	vld [tilespmem:s18+$0x2910]  }
0x94: {  	v2 =	vld [tilespmem:s18+$0x2920]  }
0x95: {  	v1 =	vld [tilespmem:s18+$0x2930]  }
0x96: {  	v9 =	vld [tilespmem:s18+$0x100]  }
0x97: {  	v8 =	vld [tilespmem:s18+$0x140]  }
0x98: {  	v7 =	vld [tilespmem:s18+$0x110]  }
0x99: {  	v6 =	vld [tilespmem:s18+$0x150]  }
0x9a: {  	v4 =	vld [tilespmem:s18+$0x120];
	v11 =	vshll.u32 v5, $0x10  }
0x9b: {  	s19 =	simm.s32 $0x200;
	v10 =	vand.u32 $0xFFFF0000, v5;
	v5 =	vld [tilespmem:s18+$0x160];
	v9 =	vmul.f32 v11, v9  }
.LBB2_6:
0x9c: {  	p2 =	sne.s32 s19, $0x9E00;
	v8 =	vmul.f32 v10, v8;
	v10 =	vshll.u32 v3, $0x10;
	v11 =	vld [tilespmem:s18+$0x130]  }
0x9d: {  	s12 =	sshra.s32 s19, $0x2;
	v3 =	vand.u32 $0xFFFF0000, v3;
	[tilespmem:s18+$0x100] =	vst v9;
	v7 =	vmul.f32 v10, v7;
	v9 =	vld [tilespmem:s18+$0x170]  }
0x9e: {  	v10 =	vld [tilespmem:s12+$0x2900];
	[tilespmem:s18+$0x140] =	vst v8;
	v6 =	vmul.f32 v3, v6;
	v8 =	vshll.u32 v2, $0x10  }
0x9f: {  	v3 =	vld [tilespmem:s12+$0x2910];
	[tilespmem:s18+$0x110] =	vst v7;
	v7 =	vand.u32 $0xFFFF0000, v2;
	v4 =	vmul.f32 v8, v4  }
0xa0: {  	v2 =	vld [tilespmem:s12+$0x2920];
	[tilespmem:s18+$0x150] =	vst v6;
	v5 =	vmul.f32 v7, v5;
	v6 =	vshll.u32 v1, $0x10  }
0xa1: {  	[tilespmem:s18+$0x120] =	vst v4;
	v4 =	vand.u32 $0xFFFF0000, v1;
	v1 =	vld [tilespmem:s12+$0x2930];
	v6 =	vmul.f32 v6, v11  }
0xa2: {  	v11 =	vld [tilespmem:s12+$0x100];
	[tilespmem:s18+$0x160] =	vst v5;
	v4 =	vmul.f32 v4, v9  }
.Ltmp4:
0xa3: {  	v8 =	vld [tilespmem:s12+$0x140];
	[tilespmem:s18+$0x130] =	vst v6;
	(pc) =	sbr.rel @p2 .LBB2_6-.Ltmp4, $4  }
0xa4: {  	v7 =	vld [tilespmem:s12+$0x110];
	[tilespmem:s18+$0x170] =	vst v4;
	s18 =	smov.u32 s12  }
0xa5: {  	v6 =	vld [tilespmem:s18+$0x150]  }
0xa6: {  	v5 =	vshll.u32 v10, $0x10;
	v4 =	vld [tilespmem:s18+$0x120]  }
0xa7: {  	s19 =	sadd.s32 $0x200, s19;
	v10 =	vand.u32 $0xFFFF0000, v10;
	v9 =	vmul.f32 v5, v11;
	v5 =	vld [tilespmem:s18+$0x160]  }
0xa8: {  	v11 =	vld [tilespmem:s18+$0x130];
	v8 =	vmul.f32 v10, v8;
	v10 =	vshll.u32 v3, $0x10  }
0xa9: {  	v3 =	vand.u32 $0xFFFF0000, v3;
	[tilespmem:s18+$0x100] =	vst v9;
	v7 =	vmul.f32 v10, v7;
	v9 =	vld [tilespmem:s18+$0x170]  }
0xaa: {  	[tilespmem:s18+$0x140] =	vst v8;
	v3 =	vmul.f32 v3, v6;
	v6 =	vshll.u32 v2, $0x10  }
0xab: {  	v2 =	vand.u32 $0xFFFF0000, v2;
	[tilespmem:s18+$0x110] =	vst v7;
	v4 =	vmul.f32 v6, v4  }
0xac: {  	[tilespmem:s18+$0x150] =	vst v3;
	v2 =	vmul.f32 v2, v5;
	v3 =	vshll.u32 v1, $0x10  }
0xad: {  	v1 =	vand.u32 $0xFFFF0000, v1;
	[tilespmem:s18+$0x120] =	vst v4;
	v3 =	vmul.f32 v3, v11  }
0xae: {  	[tilespmem:s18+$0x160] =	vst v2;
	v1 =	vmul.f32 v1, v9  }
0xaf: {  	[tilespmem:s18+$0x130] =	vst v3  }
0xb0: {  	p2 =	seq.s32 s17, $0x13;
	[tilespmem:s18+$0x170] =	vst v1;
	s18 =	sshll.u32 s17, $0x5  }
0xb1: {  	[spmem:s2] =	stream.indirect.scatter.add.f32 [tilespmem:s29], [sflag:$0x5], $0x80, s31, s0, $0xb8;
	[tilespmem:$0x1E200] =	vst v63  }
0xb2: {  	s12 =	sadd.s32 @!p2 s26, s18  }
0xb3: {  	_ =	swait.ge [sflag:s30], $0x2800;
	s19 =	smul.u32 @!p2 $0xA, s12  }
0xb4: {  	[sflag:s30] =	ssyncset.done $0x0  }
0xb5: {  	s14 =	simm.s32 @!p2 $0x0;
	[sflag:s30] =	ssyncadd.s32 $0xFFFFD800;
	s13 =	sadd.s32 @!p2 s7, s19  }
0xb6: {  	[tilespmem:s14], [sflag:$0x5] =	stream.linear.gather @!p2 [hbm4b:s13+s14], $0x50, $0x38;
	[tilespmem:$0x1E200] =	vst v63  }
0xb7: {  	s13 =	simm.s32 @!p2 $0x5  }
0xb8: {  	_ =	swait.ge @!p2 [sflag:s13], $0x50  }
0xb9: {  	[sflag:s13] =	ssyncset.done @!p2 $0x0  }
0xba: {  	s15 =	simm.s32 @!p2 $0x80;
	s19 =	sadd.s32 @!p2 s6, s19;
	[sflag:s13] =	ssyncadd.s32 @!p2 $0xFFFFFFB0  }
0xbb: {  	[tilespmem:s15], [sflag:$0x5] =	stream.linear.gather @!p2 [hbm4b:s19+s14], $0x50, $0x38;
	[tilespmem:$0x1E200] =	vst v63  }
0xbc: {  	_ =	swait.ge @!p2 [sflag:s13], $0x50  }
0xbd: {  	s12 =	smul.u32 @!p2 $0x500, s12;
	[sflag:s13] =	ssyncset.done @!p2 $0x0  }
0xbe: {  	s15 =	simm.s32 @!p2 $0x100;
	[sflag:s13] =	ssyncadd.s32 @!p2 $0xFFFFFFB0;
	s13 =	simm.s32 @!p2 $0x50  }
0xbf: {  	[tilespmem:s15], [sflag:$0x1] =	stream.indirect.gather @!p2 [hbm4b:s1+s13], $0x80, s14, s13, $0xb8;
	[tilespmem:$0x1E200] =	vst v63  }
0xc0: {  	s12 =	sadd.s32 @!p2 s8, s12;
	s13 =	simm.s32 @!p2 $0x2900  }
0xc1: {  	[tilespmem:s13], [sflag:$0x2] =	stream.linear.gather @!p2 [hbm4b:s12+s14], $0x2800, $0x38;
	[tilespmem:$0x1E200] =	vst v63  }
0xc2: {  	_ =	swait.ge [sflag:s22], $0x2800  }
0xc3: {  	[sflag:s22] =	ssyncset.done $0x0  }
0xc4: {  	[sflag:s22] =	ssyncadd.s32 $0xFFFFD800  }
0xc5: {  	_ =	swait.ge [sflag:s23], $0x2800  }
0xc6: {  	[sflag:s23] =	ssyncset.done $0x0  }
0xc7: {  	s19 =	simm.s32 $0x0;
	[sflag:s23] =	ssyncadd.s32 $0xFFFFD800  }
0xc8: {  	v5 =	vld [tilespmem:s19+$0x7A00]  }
0xc9: {  	v3 =	vld [tilespmem:s19+$0x7A10]  }
0xca: {  	v2 =	vld [tilespmem:s19+$0x7A20]  }
0xcb: {  	v1 =	vld [tilespmem:s19+$0x7A30]  }
0xcc: {  	v9 =	vld [tilespmem:s19+$0x5200]  }
0xcd: {  	v8 =	vld [tilespmem:s19+$0x5240]  }
0xce: {  	v7 =	vld [tilespmem:s19+$0x5210]  }
0xcf: {  	v6 =	vld [tilespmem:s19+$0x5250]  }
0xd0: {  	v4 =	vld [tilespmem:s19+$0x5220];
	v11 =	vshll.u32 v5, $0x10  }
0xd1: {  	s12 =	simm.s32 $0x200;
	v10 =	vand.u32 $0xFFFF0000, v5;
	v5 =	vld [tilespmem:s19+$0x5260];
	v9 =	vmul.f32 v11, v9  }
.LBB2_8:
0xd2: {  	p3 =	sne.s32 s12, $0x9E00;
	v8 =	vmul.f32 v10, v8;
	v10 =	vshll.u32 v3, $0x10;
	v11 =	vld [tilespmem:s19+$0x5230]  }
0xd3: {  	s13 =	sshra.s32 s12, $0x2;
	v3 =	vand.u32 $0xFFFF0000, v3;
	[tilespmem:s19+$0x5200] =	vst v9;
	v7 =	vmul.f32 v10, v7;
	v9 =	vld [tilespmem:s19+$0x5270]  }
0xd4: {  	v10 =	vld [tilespmem:s13+$0x7A00];
	[tilespmem:s19+$0x5240] =	vst v8;
	v6 =	vmul.f32 v3, v6;
	v8 =	vshll.u32 v2, $0x10  }
0xd5: {  	v3 =	vld [tilespmem:s13+$0x7A10];
	[tilespmem:s19+$0x5210] =	vst v7;
	v7 =	vand.u32 $0xFFFF0000, v2;
	v4 =	vmul.f32 v8, v4  }
0xd6: {  	v2 =	vld [tilespmem:s13+$0x7A20];
	[tilespmem:s19+$0x5250] =	vst v6;
	v5 =	vmul.f32 v7, v5;
	v6 =	vshll.u32 v1, $0x10  }
0xd7: {  	[tilespmem:s19+$0x5220] =	vst v4;
	v4 =	vand.u32 $0xFFFF0000, v1;
	v1 =	vld [tilespmem:s13+$0x7A30];
	v6 =	vmul.f32 v6, v11  }
0xd8: {  	v11 =	vld [tilespmem:s13+$0x5200];
	[tilespmem:s19+$0x5260] =	vst v5;
	v4 =	vmul.f32 v4, v9  }
.Ltmp5:
0xd9: {  	v8 =	vld [tilespmem:s13+$0x5240];
	[tilespmem:s19+$0x5230] =	vst v6;
	(pc) =	sbr.rel @p3 .LBB2_8-.Ltmp5, $4  }
0xda: {  	v7 =	vld [tilespmem:s13+$0x5210];
	[tilespmem:s19+$0x5270] =	vst v4;
	s19 =	smov.u32 s13  }
0xdb: {  	v6 =	vld [tilespmem:s19+$0x5250]  }
0xdc: {  	v5 =	vshll.u32 v10, $0x10;
	v4 =	vld [tilespmem:s19+$0x5220]  }
0xdd: {  	s12 =	sadd.s32 $0x200, s12;
	v10 =	vand.u32 $0xFFFF0000, v10;
	v9 =	vmul.f32 v5, v11;
	v5 =	vld [tilespmem:s19+$0x5260]  }
0xde: {  	v11 =	vld [tilespmem:s19+$0x5230];
	v8 =	vmul.f32 v10, v8;
	v61 =	vshll.u32 v3, $0x10  }
0xdf: {  	v3 =	vand.u32 $0xFFFF0000, v3;
	v62 =	vld [tilespmem:s19+$0x5270];
	[tilespmem:s19+$0x5200] =	vst v9;
	v7 =	vmul.f32 v61, v7  }
0xe0: {  	v63 =	vshll.u32 v2, $0x10;
	[tilespmem:s19+$0x5240] =	vst v8;
	v3 =	vmul.f32 v3, v6  }
0xe1: {  	v2 =	vand.u32 $0xFFFF0000, v2;
	[tilespmem:s19+$0x5210] =	vst v7;
	v4 =	vmul.f32 v63, v4  }
0xe2: {  	[tilespmem:s19+$0x5250] =	vst v3;
	v2 =	vmul.f32 v2, v5;
	v3 =	vshll.u32 v1, $0x10  }
0xe3: {  	v1 =	vand.u32 $0xFFFF0000, v1;
	[tilespmem:s19+$0x5220] =	vst v4;
	v3 =	vmul.f32 v3, v11  }
0xe4: {  	v1 =	vmul.f32 v1, v62;
	[tilespmem:s19+$0x5260] =	vst v2  }
0xe5: {  	[tilespmem:s19+$0x5230] =	vst v3  }
.Ltmp6:
0xe6: {  	[tilespmem:s19+$0x5270] =	vst v1;
	(pc) =	sbr.rel @p2 .LBB2_11-.Ltmp6, $4  }
0xe7: {  	[spmem:s2] =	stream.indirect.scatter.add.f32 [tilespmem:s10], [sflag:$0x5], $0x80, s5, s0, $0xb8;
	[tilespmem:$0x1E200] =	vst v63  }
0xe8: {  	_ =	swait.ge [sflag:s30], $0x2800  }
0xe9: {  	[sflag:s30] =	ssyncset.done $0x0  }
0xea: {  	[sflag:s30] =	ssyncadd.s32 $0xFFFFD800  }
0xeb: {  	s12 =	sadd.s32 s28, s18  }
0xec: {  	s13 =	smul.u32 $0xA, s12;
	_ =	sdelay $0x1  }
0xed: {  	s14 =	sadd.s32 s7, s13  }
0xee: {  	[tilespmem:s24], [sflag:$0x5] =	stream.linear.gather [hbm4b:s14+s3], $0x50, $0x38;
	[tilespmem:$0x1E200] =	vst v63  }
0xef: {  	_ =	swait.ge [sflag:s30], $0x50  }
0xf0: {  	[sflag:s30] =	ssyncset.done $0x0  }
0xf1: {  	s13 =	sadd.s32 s6, s13;
	[sflag:s30] =	ssyncadd.s32 $0xFFFFFFB0  }
0xf2: {  	[tilespmem:s5], [sflag:$0x5] =	stream.linear.gather [hbm4b:s13+s3], $0x50, $0x38;
	[tilespmem:$0x1E200] =	vst v63  }
0xf3: {  	_ =	swait.ge [sflag:s30], $0x50  }
.Ltmp7:
0xf4: {  	[sflag:s30] =	ssyncset.done $0x0;
	(pc) =	sbr.rel .LBB2_5-.Ltmp7, $4  }
0xf5: {  	s12 =	smul.u32 $0x500, s12;
	[sflag:s30] =	ssyncadd.s32 $0xFFFFFFB0  }
0xf6: {  	[tilespmem:s10], [sflag:$0x3] =	stream.indirect.gather [hbm4b:s1+s0], $0x80, s24, s0, $0xb8;
	[tilespmem:$0x1E200] =	vst v63  }
0xf7: {  	s17 =	sadd.s32 $0x1, s17;
	s12 =	sadd.s32 s8, s12  }
0xf8: {  	[tilespmem:s11], [sflag:$0x4] =	stream.linear.gather [hbm4b:s12+s3], $0x2800, $0x38;
	[tilespmem:$0x1E200] =	vst v63  }
.LBB2_12:
0xf9: {  	[tilespmem:s29], [sflag:$0x1] =	stream.indirect.gather [hbm4b:s4+s0], $0x80, s17, s0, $0xb8;
	[tilespmem:$0x1E200] =	vst v63  }
0xfa: {  	s12 =	rddreg [dreg:$0x14];
	s13 =	simm.s32 $0x2900  }
0xfb: {  	[tilespmem:s13], [sflag:$0x2] =	stream.linear.gather [hbm4b:s12+s17], $0x2800, $0x38;
	[tilespmem:$0x1E200] =	vst v63  }
0xfc: {  	s15 =	rddreg [dreg:$0xf]  }
0xfd: {  	[tilespmem:s24], [sflag:$0x5] =	stream.linear.gather [hbm4b:s15+s17], $0x50, $0x38;
	[tilespmem:$0x1E200] =	vst v63  }
0xfe: {  	_ =	swait.ge [sflag:s30], $0x50  }
0xff: {  	[sflag:s30] =	ssyncset.done $0x0  }
0x100: {  	s18 =	rddreg [dreg:$0x10];
	[sflag:s30] =	ssyncadd.s32 $0xFFFFFFB0  }
0x101: {  	[tilespmem:s5], [sflag:$0x5] =	stream.linear.gather [hbm4b:s18+s17], $0x50, $0x38;
	[tilespmem:$0x1E200] =	vst v63  }
0x102: {  	_ =	swait.ge [sflag:s30], $0x50  }
0x103: {  	[sflag:s30] =	ssyncset.done $0x0  }
0x104: {  	[sflag:s30] =	ssyncadd.s32 $0xFFFFFFB0  }
0x105: {  	[tilespmem:s10], [sflag:$0x3] =	stream.indirect.gather [hbm4b:s4+s0], $0x80, s24, s0, $0xb8;
	[tilespmem:$0x1E200] =	vst v63  }
0x106: {  	s19 =	rddreg [dreg:$0x16]  }
0x107: {  	[tilespmem:s11], [sflag:$0x4] =	stream.linear.gather [hbm4b:s19+s17], $0x2800, $0x38;
	[tilespmem:$0x1E200] =	vst v63  }
.LBB2_13:
0x108: {  	_ =	swait.ge [sflag:s20], $0x2800  }
0x109: {  	[sflag:s20] =	ssyncset.done $0x0  }
0x10a: {  	[sflag:s20] =	ssyncadd.s32 $0xFFFFD800  }
0x10b: {  	_ =	swait.ge [sflag:s21], $0x2800  }
0x10c: {  	[sflag:s21] =	ssyncset.done $0x0  }
0x10d: {  	s18 =	simm.s32 $0x0;
	[sflag:s21] =	ssyncadd.s32 $0xFFFFD800  }
0x10e: {  	v5 =	vld [tilespmem:s18+$0x2900]  }
0x10f: {  	v3 =	vld [tilespmem:s18+$0x2910]  }
0x110: {  	v2 =	vld [tilespmem:s18+$0x2920]  }
0x111: {  	v1 =	vld [tilespmem:s18+$0x2930]  }
0x112: {  	v9 =	vld [tilespmem:s18+$0x100]  }
0x113: {  	v8 =	vld [tilespmem:s18+$0x140]  }
0x114: {  	v7 =	vld [tilespmem:s18+$0x110]  }
0x115: {  	v6 =	vld [tilespmem:s18+$0x150]  }
0x116: {  	v4 =	vld [tilespmem:s18+$0x120];
	v11 =	vshll.u32 v5, $0x10  }
0x117: {  	s12 =	simm.s32 $0x200;
	v10 =	vand.u32 $0xFFFF0000, v5;
	v5 =	vld [tilespmem:s18+$0x160];
	v9 =	vmul.f32 v11, v9  }
.LBB2_14:
0x118: {  	p2 =	sne.s32 s12, $0x9E00;
	v8 =	vmul.f32 v10, v8;
	v10 =	vshll.u32 v3, $0x10;
	v11 =	vld [tilespmem:s18+$0x130]  }
0x119: {  	s13 =	sshra.s32 s12, $0x2;
	v3 =	vand.u32 $0xFFFF0000, v3;
	[tilespmem:s18+$0x100] =	vst v9;
	v7 =	vmul.f32 v10, v7;
	v9 =	vld [tilespmem:s18+$0x170]  }
0x11a: {  	v10 =	vld [tilespmem:s13+$0x2900];
	[tilespmem:s18+$0x140] =	vst v8;
	v6 =	vmul.f32 v3, v6;
	v8 =	vshll.u32 v2, $0x10  }
0x11b: {  	v3 =	vld [tilespmem:s13+$0x2910];
	[tilespmem:s18+$0x110] =	vst v7;
	v7 =	vand.u32 $0xFFFF0000, v2;
	v4 =	vmul.f32 v8, v4  }
0x11c: {  	v2 =	vld [tilespmem:s13+$0x2920];
	[tilespmem:s18+$0x150] =	vst v6;
	v5 =	vmul.f32 v7, v5;
	v6 =	vshll.u32 v1, $0x10  }
0x11d: {  	[tilespmem:s18+$0x120] =	vst v4;
	v4 =	vand.u32 $0xFFFF0000, v1;
	v1 =	vld [tilespmem:s13+$0x2930];
	v6 =	vmul.f32 v6, v11  }
0x11e: {  	v11 =	vld [tilespmem:s13+$0x100];
	[tilespmem:s18+$0x160] =	vst v5;
	v4 =	vmul.f32 v4, v9  }
.Ltmp8:
0x11f: {  	v8 =	vld [tilespmem:s13+$0x140];
	[tilespmem:s18+$0x130] =	vst v6;
	(pc) =	sbr.rel @p2 .LBB2_14-.Ltmp8, $4  }
0x120: {  	v7 =	vld [tilespmem:s13+$0x110];
	[tilespmem:s18+$0x170] =	vst v4;
	s18 =	smov.u32 s13  }
0x121: {  	v6 =	vld [tilespmem:s18+$0x150]  }
0x122: {  	v5 =	vshll.u32 v10, $0x10;
	v4 =	vld [tilespmem:s18+$0x120]  }
0x123: {  	s12 =	sadd.s32 $0x200, s12;
	v10 =	vand.u32 $0xFFFF0000, v10;
	v9 =	vmul.f32 v5, v11;
	v5 =	vld [tilespmem:s18+$0x160]  }
0x124: {  	v11 =	vld [tilespmem:s18+$0x130];
	v8 =	vmul.f32 v10, v8;
	v10 =	vshll.u32 v3, $0x10  }
0x125: {  	v3 =	vand.u32 $0xFFFF0000, v3;
	[tilespmem:s18+$0x100] =	vst v9;
	v7 =	vmul.f32 v10, v7;
	v9 =	vld [tilespmem:s18+$0x170]  }
0x126: {  	[tilespmem:s18+$0x140] =	vst v8;
	v3 =	vmul.f32 v3, v6;
	v6 =	vshll.u32 v2, $0x10  }
0x127: {  	v2 =	vand.u32 $0xFFFF0000, v2;
	[tilespmem:s18+$0x110] =	vst v7;
	v4 =	vmul.f32 v6, v4  }
0x128: {  	[tilespmem:s18+$0x150] =	vst v3;
	v2 =	vmul.f32 v2, v5;
	v3 =	vshll.u32 v1, $0x10  }
0x129: {  	v1 =	vand.u32 $0xFFFF0000, v1;
	[tilespmem:s18+$0x120] =	vst v4;
	v3 =	vmul.f32 v3, v11  }
0x12a: {  	[tilespmem:s18+$0x160] =	vst v2;
	v1 =	vmul.f32 v1, v9  }
0x12b: {  	[tilespmem:s18+$0x130] =	vst v3  }
0x12c: {  	p2 =	seq.s32 s17, $0x13;
	[tilespmem:s18+$0x170] =	vst v1;
	s18 =	sshll.u32 s17, $0x5  }
0x12d: {  	[spmem:s2] =	stream.indirect.scatter.add.f32 [tilespmem:s29], [sflag:$0x5], $0x80, s31, s0, $0xb8;
	[tilespmem:$0x1E200] =	vst v63  }
0x12e: {  	s12 =	sadd.s32 @!p2 s26, s18  }
0x12f: {  	_ =	swait.ge [sflag:s30], $0x2800;
	s13 =	smul.u32 @!p2 $0xA, s12  }
0x130: {  	[sflag:s30] =	ssyncset.done $0x0  }
0x131: {  	s15 =	simm.s32 @!p2 $0x0;
	[sflag:s30] =	ssyncadd.s32 $0xFFFFD800;
	s14 =	sadd.s32 @!p2 s7, s13  }
0x132: {  	[tilespmem:s15], [sflag:$0x5] =	stream.linear.gather @!p2 [hbm4b:s14+s15], $0x50, $0x38;
	[tilespmem:$0x1E200] =	vst v63  }
0x133: {  	s14 =	simm.s32 @!p2 $0x5  }
0x134: {  	_ =	swait.ge @!p2 [sflag:s14], $0x50  }
0x135: {  	[sflag:s14] =	ssyncset.done @!p2 $0x0  }
0x136: {  	s19 =	simm.s32 @!p2 $0x80;
	s13 =	sadd.s32 @!p2 s6, s13;
	[sflag:s14] =	ssyncadd.s32 @!p2 $0xFFFFFFB0  }
0x137: {  	[tilespmem:s19], [sflag:$0x5] =	stream.linear.gather @!p2 [hbm4b:s13+s15], $0x50, $0x38;
	[tilespmem:$0x1E200] =	vst v63  }
0x138: {  	_ =	swait.ge @!p2 [sflag:s14], $0x50  }
0x139: {  	s12 =	smul.u32 @!p2 $0x500, s12;
	[sflag:s14] =	ssyncset.done @!p2 $0x0  }
0x13a: {  	s13 =	simm.s32 @!p2 $0x50;
	[sflag:s14] =	ssyncadd.s32 @!p2 $0xFFFFFFB0;
	s14 =	simm.s32 @!p2 $0x100  }
0x13b: {  	[tilespmem:s14], [sflag:$0x1] =	stream.indirect.gather @!p2 [hbm4b:s4+s13], $0x80, s15, s13, $0xb8;
	[tilespmem:$0x1E200] =	vst v63  }
0x13c: {  	s12 =	sadd.s32 @!p2 s9, s12;
	s13 =	simm.s32 @!p2 $0x2900  }
0x13d: {  	[tilespmem:s13], [sflag:$0x2] =	stream.linear.gather @!p2 [hbm4b:s12+s15], $0x2800, $0x38;
	[tilespmem:$0x1E200] =	vst v63  }
0x13e: {  	_ =	swait.ge [sflag:s22], $0x2800  }
0x13f: {  	[sflag:s22] =	ssyncset.done $0x0  }
0x140: {  	[sflag:s22] =	ssyncadd.s32 $0xFFFFD800  }
0x141: {  	_ =	swait.ge [sflag:s23], $0x2800  }
0x142: {  	[sflag:s23] =	ssyncset.done $0x0  }
0x143: {  	s19 =	simm.s32 $0x0;
	[sflag:s23] =	ssyncadd.s32 $0xFFFFD800  }
0x144: {  	v5 =	vld [tilespmem:s19+$0x7A00]  }
0x145: {  	v3 =	vld [tilespmem:s19+$0x7A10]  }
0x146: {  	v2 =	vld [tilespmem:s19+$0x7A20]  }
0x147: {  	v1 =	vld [tilespmem:s19+$0x7A30]  }
0x148: {  	v9 =	vld [tilespmem:s19+$0x5200]  }
0x149: {  	v8 =	vld [tilespmem:s19+$0x5240]  }
0x14a: {  	v7 =	vld [tilespmem:s19+$0x5210]  }
0x14b: {  	v6 =	vld [tilespmem:s19+$0x5250]  }
0x14c: {  	v4 =	vld [tilespmem:s19+$0x5220];
	v11 =	vshll.u32 v5, $0x10  }
0x14d: {  	s12 =	simm.s32 $0x200;
	v10 =	vand.u32 $0xFFFF0000, v5;
	v5 =	vld [tilespmem:s19+$0x5260];
	v9 =	vmul.f32 v11, v9  }
.LBB2_16:
0x14e: {  	p3 =	sne.s32 s12, $0x9E00;
	v8 =	vmul.f32 v10, v8;
	v10 =	vshll.u32 v3, $0x10;
	v11 =	vld [tilespmem:s19+$0x5230]  }
0x14f: {  	s13 =	sshra.s32 s12, $0x2;
	v3 =	vand.u32 $0xFFFF0000, v3;
	[tilespmem:s19+$0x5200] =	vst v9;
	v7 =	vmul.f32 v10, v7;
	v9 =	vld [tilespmem:s19+$0x5270]  }
0x150: {  	v10 =	vld [tilespmem:s13+$0x7A00];
	[tilespmem:s19+$0x5240] =	vst v8;
	v6 =	vmul.f32 v3, v6;
	v8 =	vshll.u32 v2, $0x10  }
0x151: {  	v3 =	vld [tilespmem:s13+$0x7A10];
	[tilespmem:s19+$0x5210] =	vst v7;
	v7 =	vand.u32 $0xFFFF0000, v2;
	v4 =	vmul.f32 v8, v4  }
0x152: {  	v2 =	vld [tilespmem:s13+$0x7A20];
	[tilespmem:s19+$0x5250] =	vst v6;
	v5 =	vmul.f32 v7, v5;
	v6 =	vshll.u32 v1, $0x10  }
0x153: {  	[tilespmem:s19+$0x5220] =	vst v4;
	v4 =	vand.u32 $0xFFFF0000, v1;
	v1 =	vld [tilespmem:s13+$0x7A30];
	v6 =	vmul.f32 v6, v11  }
0x154: {  	v11 =	vld [tilespmem:s13+$0x5200];
	[tilespmem:s19+$0x5260] =	vst v5;
	v4 =	vmul.f32 v4, v9  }
.Ltmp9:
0x155: {  	v8 =	vld [tilespmem:s13+$0x5240];
	[tilespmem:s19+$0x5230] =	vst v6;
	(pc) =	sbr.rel @p3 .LBB2_16-.Ltmp9, $4  }
0x156: {  	v7 =	vld [tilespmem:s13+$0x5210];
	[tilespmem:s19+$0x5270] =	vst v4;
	s19 =	smov.u32 s13  }
0x157: {  	v6 =	vld [tilespmem:s19+$0x5250]  }
0x158: {  	v5 =	vshll.u32 v10, $0x10;
	v4 =	vld [tilespmem:s19+$0x5220]  }
0x159: {  	s12 =	sadd.s32 $0x200, s12;
	v10 =	vand.u32 $0xFFFF0000, v10;
	v9 =	vmul.f32 v5, v11;
	v5 =	vld [tilespmem:s19+$0x5260]  }
0x15a: {  	v11 =	vld [tilespmem:s19+$0x5230];
	v8 =	vmul.f32 v10, v8;
	v61 =	vshll.u32 v3, $0x10  }
0x15b: {  	v3 =	vand.u32 $0xFFFF0000, v3;
	v62 =	vld [tilespmem:s19+$0x5270];
	[tilespmem:s19+$0x5200] =	vst v9;
	v7 =	vmul.f32 v61, v7  }
0x15c: {  	v63 =	vshll.u32 v2, $0x10;
	[tilespmem:s19+$0x5240] =	vst v8;
	v3 =	vmul.f32 v3, v6  }
0x15d: {  	v2 =	vand.u32 $0xFFFF0000, v2;
	[tilespmem:s19+$0x5210] =	vst v7;
	v4 =	vmul.f32 v63, v4  }
0x15e: {  	[tilespmem:s19+$0x5250] =	vst v3;
	v2 =	vmul.f32 v2, v5;
	v3 =	vshll.u32 v1, $0x10  }
0x15f: {  	v1 =	vand.u32 $0xFFFF0000, v1;
	[tilespmem:s19+$0x5220] =	vst v4;
	v3 =	vmul.f32 v3, v11  }
0x160: {  	v1 =	vmul.f32 v1, v62;
	[tilespmem:s19+$0x5260] =	vst v2  }
0x161: {  	[tilespmem:s19+$0x5230] =	vst v3  }
.Ltmp10:
0x162: {  	[tilespmem:s19+$0x5270] =	vst v1;
	(pc) =	sbr.rel @p2 .LBB2_19-.Ltmp10, $4  }
0x163: {  	[spmem:s2] =	stream.indirect.scatter.add.f32 [tilespmem:s10], [sflag:$0x5], $0x80, s5, s0, $0xb8;
	[tilespmem:$0x1E200] =	vst v63  }
0x164: {  	_ =	swait.ge [sflag:s30], $0x2800  }
0x165: {  	[sflag:s30] =	ssyncset.done $0x0  }
0x166: {  	[sflag:s30] =	ssyncadd.s32 $0xFFFFD800  }
0x167: {  	s12 =	sadd.s32 s28, s18  }
0x168: {  	s13 =	smul.u32 $0xA, s12;
	_ =	sdelay $0x1  }
0x169: {  	s14 =	sadd.s32 s7, s13  }
0x16a: {  	[tilespmem:s24], [sflag:$0x5] =	stream.linear.gather [hbm4b:s14+s3], $0x50, $0x38;
	[tilespmem:$0x1E200] =	vst v63  }
0x16b: {  	_ =	swait.ge [sflag:s30], $0x50  }
0x16c: {  	[sflag:s30] =	ssyncset.done $0x0  }
0x16d: {  	s13 =	sadd.s32 s6, s13;
	[sflag:s30] =	ssyncadd.s32 $0xFFFFFFB0  }
0x16e: {  	[tilespmem:s5], [sflag:$0x5] =	stream.linear.gather [hbm4b:s13+s3], $0x50, $0x38;
	[tilespmem:$0x1E200] =	vst v63  }
0x16f: {  	_ =	swait.ge [sflag:s30], $0x50  }
.Ltmp11:
0x170: {  	[sflag:s30] =	ssyncset.done $0x0;
	(pc) =	sbr.rel .LBB2_13-.Ltmp11, $4  }
0x171: {  	s12 =	smul.u32 $0x500, s12;
	[sflag:s30] =	ssyncadd.s32 $0xFFFFFFB0  }
0x172: {  	[tilespmem:s10], [sflag:$0x3] =	stream.indirect.gather [hbm4b:s4+s0], $0x80, s24, s0, $0xb8;
	[tilespmem:$0x1E200] =	vst v63  }
0x173: {  	s17 =	sadd.s32 $0x1, s17;
	s12 =	sadd.s32 s9, s12  }
0x174: {  	[tilespmem:s11], [sflag:$0x4] =	stream.linear.gather [hbm4b:s12+s3], $0x2800, $0x38;
	[tilespmem:$0x1E200] =	vst v63  }
.LBB2_11:
0x175: {  	s12 =	stileid.u32;
	[bflag:$0x0] =	sbarrier.arrive $0xFFFF  }
0x176: {  	s12 =	sshll.u32 s12, $0x6;
	s13 =	rddreg [dreg:$0x6]  }
0x177: {  	s17 =	sor.u32 $0x1C05, s12;
	s12 =	sshrl.u32 s13, $0x3;
	s13 =	rddreg [dreg:$0x19]  }
0x178: {  	[hbm:s13], [sflag:s17] =	dma.local [spmem:s12], $0x500  }
0x179: {  	_ =	swait.ge [sflag:s30], $0x500  }
0x17a: {  	[sflag:s30] =	ssyncset.done $0x0;
	s14 =	rddreg [dreg:$0x7]  }
0x17b: {  	s15 =	rddreg [dreg:$0x1b];
	[sflag:s30] =	ssyncadd.s32 $0xFFFFFB00;
	s12 =	sshrl.u32 s14, $0x3  }
0x17c: {  	[hbm:s15], [sflag:s17] =	dma.local [spmem:s12], $0x500  }
0x17d: {  	_ =	swait.ge [sflag:s30], $0x500  }
0x17e: {  	[sflag:s30] =	ssyncset.done $0x0;
	s18 =	rddreg [dreg:$0x8]  }
0x17f: {  	s19 =	rddreg [dreg:$0x1d];
	[sflag:s30] =	ssyncadd.s32 $0xFFFFFB00;
	s12 =	sshrl.u32 s18, $0x3  }
0x180: {  	[hbm:s19], [sflag:s17] =	dma.local [spmem:s12], $0x500  }
0x181: {  	_ =	swait.ge [sflag:s30], $0x500  }
0x182: {  	[sflag:s30] =	ssyncset.done $0x0;
	s14 =	rddreg [dreg:$0x9]  }
0x183: {  	s15 =	rddreg [dreg:$0x1f];
	[sflag:s30] =	ssyncadd.s32 $0xFFFFFB00;
	s12 =	sshrl.u32 s14, $0x3  }
0x184: {  	[hbm:s15], [sflag:s17] =	dma.local [spmem:s12], $0x500  }
0x185: {  	_ =	swait.ge [sflag:s30], $0x500  }
0x186: {  	s19 =	sld [smem:$0x7FC]  }
0x187: {  	[sflag:s30] =	ssyncset.done $0x0  }
0x188: {  	s18 =	sshrl.u32 s16, $0x3;
	[sflag:s30] =	ssyncadd.s32 $0xFFFFFB00  }
0x189: {  	[hbm:s19], [sflag:s17] =	dma.local [spmem:s18], $0x500  }
.Ltmp12:
0x18a: {  	_ = 	snop;
	(pc) =	sbr.rel @p1 .LBB2_21-.Ltmp12, $4  }
.Ltmp13:
0x18b: {  	_ = 	snop;
	(pc) =	sbr.rel @!p1 .LBB2_20-.Ltmp13, $4  }
0x18c: {  	_ =	swait.ge [sflag:s30], $0x500  }
0x18d: {  	[sflag:s30] =	ssyncset.done $0x0  }
0x18e: {  	s12 =	rddreg [dreg:$0x4];
	[sflag:s30] =	ssyncadd.s32 $0xFFFFFB00  }
0x18f: {  	_ = 	snop  }
.LBB2_19:
0x190: {  	s12 =	stileid.u32;
	[bflag:$0x0] =	sbarrier.arrive $0xFFFF  }
0x191: {  	s12 =	sshll.u32 s12, $0x6;
	s13 =	rddreg [dreg:$0x6]  }
0x192: {  	s17 =	sor.u32 $0x1C05, s12;
	s12 =	sshrl.u32 s13, $0x3;
	s13 =	rddreg [dreg:$0x18]  }
0x193: {  	[hbm:s13], [sflag:s17] =	dma.local [spmem:s12], $0x500  }
0x194: {  	_ =	swait.ge [sflag:s30], $0x500  }
0x195: {  	[sflag:s30] =	ssyncset.done $0x0;
	s14 =	rddreg [dreg:$0x7]  }
0x196: {  	s15 =	rddreg [dreg:$0x1a];
	[sflag:s30] =	ssyncadd.s32 $0xFFFFFB00;
	s12 =	sshrl.u32 s14, $0x3  }
0x197: {  	[hbm:s15], [sflag:s17] =	dma.local [spmem:s12], $0x500  }
0x198: {  	_ =	swait.ge [sflag:s30], $0x500  }
0x199: {  	[sflag:s30] =	ssyncset.done $0x0;
	s18 =	rddreg [dreg:$0x8]  }
0x19a: {  	s19 =	rddreg [dreg:$0x1c];
	[sflag:s30] =	ssyncadd.s32 $0xFFFFFB00;
	s12 =	sshrl.u32 s18, $0x3  }
0x19b: {  	[hbm:s19], [sflag:s17] =	dma.local [spmem:s12], $0x500  }
0x19c: {  	_ =	swait.ge [sflag:s30], $0x500  }
0x19d: {  	[sflag:s30] =	ssyncset.done $0x0;
	s14 =	rddreg [dreg:$0x9]  }
0x19e: {  	s15 =	rddreg [dreg:$0x1e];
	[sflag:s30] =	ssyncadd.s32 $0xFFFFFB00;
	s12 =	sshrl.u32 s14, $0x3  }
0x19f: {  	[hbm:s15], [sflag:s17] =	dma.local [spmem:s12], $0x500  }
0x1a0: {  	_ =	swait.ge [sflag:s30], $0x500  }
0x1a1: {  	s19 =	sld [smem:$0x7FB]  }
0x1a2: {  	[sflag:s30] =	ssyncset.done $0x0  }
0x1a3: {  	s18 =	sshrl.u32 s16, $0x3;
	[sflag:s30] =	ssyncadd.s32 $0xFFFFFB00  }
0x1a4: {  	[hbm:s19], [sflag:s17] =	dma.local [spmem:s18], $0x500  }
.Ltmp14:
0x1a5: {  	_ = 	snop;
	(pc) =	sbr.rel @p1 .LBB2_21-.Ltmp14, $4  }
.Ltmp15:
0x1a6: {  	_ = 	snop;
	(pc) =	sbr.rel @!p1 .LBB2_20-.Ltmp15, $4  }
0x1a7: {  	_ =	swait.ge [sflag:s30], $0x500  }
0x1a8: {  	[sflag:s30] =	ssyncset.done $0x0  }
0x1a9: {  	s12 =	rddreg [dreg:$0x5];
	[sflag:s30] =	ssyncadd.s32 $0xFFFFFB00  }
0x1aa: {  	_ = 	snop  }
.LBB2_22:
0x1ab: {  	_ =	sfence.sel $0x180000  }
0x1ac: {  	[bflag:$0x0] =	sbarrier.arrive $0xFFFF  }
0x1ad: {  	_ =	strace $0x9000004A  }
0x1ae: {  	s0 =	stileid.u32;
	[bflag:$0x2] =	sbarrier.arrive $0xFFFF  }
0x1af: {  	p0 =	sne.s32 s0, $0x0;
	s0 =	rddreg [dreg:$0x3]  }
0x1b0: {  	s0 =	sadd.s32 @!p0 $0x100000, s0  }
0x1b1: {  	[sflag:s0] =	ssyncadd.tile.s32 @!p0 $0x1;
	_ =	shalt  }
.Lfunc_end2:
_tile_overlayer_lowered:
.L_overlay_start_2:
0x1b2: {  	(tag) =	ssettag $0x2  }
0x1b3: {  	s0 =	rddreg [dreg:$0x0];
	s2 =	stileid.u32  }
0x1b4: {  	s1 =	rddreg [dreg:$0x1];
	p0 =	sne.s32 s2, $0x0  }
0x1b5: {  	s3 =	rddreg [dreg:$0x2];
	[bflag:$0x3] =	sbarrier.arrive $0xFFFF;
	s2 =	simm.s32 @!p0 $0x1C05  }
0x1b6: {  	[timem:s3], [sflag:s2] =	dma.local @!p0 [hbm:s0], s1  }
0x1b7: {  	s0 =	simm.s32 @!p0 $0x5  }
0x1b8: {  	_ =	swait.ge @!p0 [sflag:s0], s1  }
0x1b9: {  	s1 =	ssub.s32 @!p0 $0x0, s1;
	[sflag:s0] =	ssyncset.done @!p0 $0x0  }
0x1ba: {  	[sflag:s0] =	ssyncadd.s32 @!p0 s1  }
0x1bb: {  	[bflag:$0x3] =	sbarrier.arrive $0xFFFF  }
0x1bc: {  	_ =	shalt  }

</sc_bundles>
